<compile_context>
chip_gen: v7x
topology: tpu7x:2x2x1
jax: 0.10.2.dev20260603
libtpu: 0.0.44.dev20260713+nightly
codegen_flags: <defaults>
</compile_context>

<pallas_src>
import functools

import jax
import jax.numpy as jnp
from jax import lax
from jax.experimental import pallas as pl
from jax.experimental.pallas import tpu as pltpu
from jax.experimental.pallas import tpu_sc as plsc

C = 50
N = 16384
B = C * N
D = 32
NW = 32
PER_W = B // NW
GSZ = 512
GROUPS_W = PER_W // GSZ
NTR = D // 8


def _sc_gather(idx_flat, table):
    mesh = plsc.VectorSubcoreMesh(core_axis_name="c", subcore_axis_name="s")

    @functools.partial(
        pl.kernel,
        mesh=mesh,
        out_type=jax.ShapeDtypeStruct((C, NTR, N // 128, 8, 128),
                                      jnp.float32),
        compiler_params=pltpu.CompilerParams(
            use_tc_tiling_on_sc=False, needs_layout_passes=False),
        scratch_types=[
            pltpu.VMEM((PER_W,), jnp.int32),
            *[pltpu.VMEM((GSZ, D), jnp.float32) for _ in range(2)],
            *[pltpu.VMEM((NTR, 4, 8, 133), jnp.float32) for _ in range(2)],
            *[pltpu.SemaphoreType.DMA for _ in range(2)],
            *[pltpu.SemaphoreType.DMA for _ in range(2)],
        ],
    )
    def k(idx_hbm, table_hbm, out_hbm, idx_v, *bufs_sems):
        rows = bufs_sems[0:2]
        rowsT = bufs_sems[2:4]
        gsem = bufs_sems[4:6]
        ssem = bufs_sems[6:8]

        wid = lax.axis_index("s") * 2 + lax.axis_index("c")
        base = wid * GROUPS_W

        iota = lax.iota(jnp.int32, 16)
        dd_vec = iota & 7
        tr_vecs = [(iota >> 3) + 2 * h for h in range(2)]
        s_vecs = [jnp.full((16,), s, jnp.int32) for s in range(4)]

        pltpu.sync_copy(idx_hbm.at[pl.ds(base * GSZ, PER_W)], idx_v)

        def gather_start(g, p):
            pltpu.async_copy(
                table_hbm.at[idx_v.at[pl.ds((g - base) * GSZ, GSZ)]], rows[p],
                gsem[p])

        def transpose(p):
            def tbody(m, carry):
                for s in range(4):
                    for u in range(4):
                        i = m * 4 + u
                        iv = jnp.full((16,), i, jnp.int32)
                        row = s * 128 + i
                        for h in range(2):
                            val = rows[p][row, pl.ds(h * 16, 16)]
                            plsc.store_scatter(
                                rowsT[p], [tr_vecs[h], s_vecs[s], dd_vec, iv],
                                val)
                return carry

            lax.fori_loop(0, 32, tbody, 0)

        def store_start(g, p):
            t = g * 4
            col = t >> 7
            tc = t & 127
            for tr in range(NTR):
                pltpu.async_copy(
                    rowsT[p].at[tr, :, :, pl.ds(0, 128)],
                    out_hbm.at[col, tr, pl.ds(tc, 4)], ssem[p])

        def drain_gather(p):
            pltpu.make_async_copy(
                table_hbm.at[pl.ds(0, GSZ)], rows[p], gsem[p]).wait()

        def drain_store(p):
            for tr in range(NTR):
                pltpu.make_async_copy(
                    rowsT[p].at[tr, :, :, pl.ds(0, 128)],
                    out_hbm.at[0, 0, pl.ds(0, 4)], ssem[p]).wait()

        def process(g, p, first):
            drain_gather(p)
            if not first:
                drain_store(p)
            transpose(p)
            store_start(g, p)

        gather_start(base, 0)
        gather_start(base + 1, 1)

        for p in range(2):
            process(base + p, p, True)
            gather_start(base + p + 2, p)

        def body(gg, carry):
            g = base + gg * 2
            for p in range(2):
                process(g + p, p, False)
                gather_start(g + p + 2, p)
            return carry

        lax.fori_loop(1, GROUPS_W // 2 - 1, body, 0)

        for p in range(2):
            process(base + GROUPS_W - 2 + p, p, False)
        for p in range(2):
            drain_store(p)

    return k(idx_flat, table)


def kernel(x, table):
    idx = x.T.reshape(-1).astype(jnp.int32)
    out5 = _sc_gather(idx, table)
    out = jnp.transpose(out5, (2, 4, 0, 1, 3))
    return out.reshape(N, C, D)

# --- scband reference (transcript-rebuilt; emitter-appended) ---
"""Pipeline reference for scband-mouse-embedding-65618510348567 (READ-ONLY COPY).

The authoritative reference and input builder live on the scoring server;
editing this copy changes nothing except your own understanding.
"""

import jax, jax.numpy as jnp
import numpy as np


def setup_inputs(seed: int = 0) -> dict:
    key = jax.random.key(seed)
    k_idx, k_tab = jax.random.split(key)
    x = jax.random.randint(k_idx, (16384, 50), 0, 1000000, dtype=jnp.int64)
    table = jax.random.normal(k_tab, (1000000, 32), dtype=jnp.float32)
    return {"x": x, "table": table}


def reference(x, table):
    # nn.Embedding forward: gather rows of the embedding table by index
    return jnp.take(table, x, axis=0)

if __name__ == "__main__":
    import jax
    _d = setup_inputs()
    print(jax.jit(kernel)(*tuple(_d.values())))

</pallas_src>

<mosaic_0001>
#map = affine_map<(d0, d1) -> (0)>
#map1 = affine_map<(d0, d1) -> (0, 0)>
#map2 = affine_map<(d0, d1) -> (0, 0, 0, 0, 0)>
module attributes {stable_mosaic.version = 14 : i64} {
  func.func @k(%arg0: i32, %arg1: i32, %arg2: memref<819200xi32, #tpu.memory_space<hbm>>, %arg3: memref<1000000x32xf32, #tpu.memory_space<hbm>>, %arg4: memref<50x4x128x8x128xf32, #tpu.memory_space<hbm>>, %arg5: memref<25600xi32, #tpu.memory_space<vmem>>, %arg6: memref<512x32xf32, #tpu.memory_space<vmem>>, %arg7: memref<512x32xf32, #tpu.memory_space<vmem>>, %arg8: memref<4x4x8x133xf32, #tpu.memory_space<vmem>>, %arg9: memref<4x4x8x133xf32, #tpu.memory_space<vmem>>, %arg10: memref<!tpu.dma_semaphore, #tpu.memory_space<semaphore_mem>>, %arg11: memref<!tpu.dma_semaphore, #tpu.memory_space<semaphore_mem>>, %arg12: memref<!tpu.dma_semaphore, #tpu.memory_space<semaphore_mem>>, %arg13: memref<!tpu.dma_semaphore, #tpu.memory_space<semaphore_mem>>) attributes {dimension_semantics = [#tpu.dimension_semantics<core_parallel>, #tpu.dimension_semantics<subcore_parallel>], iteration_bounds = array<i64: 2, 16>, scalar_prefetch = 0 : i64, scratch_operands = 9 : i64, tpu.core_type = #tpu.core_type<sc_vector_subcore>, window_params = [{transform_indices = #map}, {transform_indices = #map1}, {transform_indices = #map2}]} {
    %mul3A = arith.constant 2 : i32
    %mul3A_0 = arith.muli %arg1, %mul3A : i32
    %add3A = arith.addi %mul3A_0, %arg0 : i32
    %mul3A_1 = arith.constant 50 : i32
    %mul3A_2 = arith.muli %add3A, %mul3A_1 : i32
    %iota3A = tpu.iota {dimensions = array<i32: 0>} : vector<16xi32>
    %and3A = arith.constant 7 : i32
    %and3A_3 = vector.broadcast %and3A : i32 to vector<16xi32>
    %and3A_4 = arith.andi %iota3A, %and3A_3 : vector<16xi32>
    %shift_right_arithmetic3A = arith.constant 3 : i32
    %shift_right_arithmetic3A_5 = vector.broadcast %shift_right_arithmetic3A : i32 to vector<16xi32>
    %shift_right_arithmetic3A_6 = arith.shrsi %iota3A, %shift_right_arithmetic3A_5 : vector<16xi32>
    %add3A_7 = arith.constant 0 : i32
    %add3A_8 = vector.broadcast %add3A_7 : i32 to vector<16xi32>
    %add3A_9 = arith.addi %shift_right_arithmetic3A_6, %add3A_8 : vector<16xi32>
    %shift_right_arithmetic3A_10 = arith.constant 3 : i32
    %shift_right_arithmetic3A_11 = vector.broadcast %shift_right_arithmetic3A_10 : i32 to vector<16xi32>
    %shift_right_arithmetic3A_12 = arith.shrsi %iota3A, %shift_right_arithmetic3A_11 : vector<16xi32>
    %add3A_13 = arith.constant 2 : i32
    %add3A_14 = vector.broadcast %add3A_13 : i32 to vector<16xi32>
    %add3A_15 = arith.addi %shift_right_arithmetic3A_12, %add3A_14 : vector<16xi32>
    %broadcast_in_dim3A = arith.constant 0 : i32
    %broadcast_in_dim3A_16 = vector.broadcast %broadcast_in_dim3A : i32 to vector<16xi32>
    %broadcast_in_dim3A_17 = arith.constant 1 : i32
    %broadcast_in_dim3A_18 = vector.broadcast %broadcast_in_dim3A_17 : i32 to vector<16xi32>
    %broadcast_in_dim3A_19 = arith.constant 2 : i32
    %broadcast_in_dim3A_20 = vector.broadcast %broadcast_in_dim3A_19 : i32 to vector<16xi32>
    %broadcast_in_dim3A_21 = arith.constant 3 : i32
    %broadcast_in_dim3A_22 = vector.broadcast %broadcast_in_dim3A_21 : i32 to vector<16xi32>
    %mul3A_23 = arith.constant 512 : i32
    %mul3A_24 = arith.muli %mul3A_2, %mul3A_23 : i32
    "tpu.region"() ({
      %run_scoped3A = tpu.sem_alloc : memref<!tpu.dma_semaphore, #tpu.memory_space<semaphore_mem>>
      %dma_start3A_841 = tpu.memref_slice %arg2[%mul3A_24] : memref<819200xi32, #tpu.memory_space<hbm>> -> memref<25600xi32, #tpu.memory_space<hbm>>
      %dma_start3A_842 = tpu.memref_slice %arg2[%mul3A_24] : memref<819200xi32, #tpu.memory_space<hbm>> -> memref<25600xi32, #tpu.memory_space<hbm>>
      tpu.enqueue_dma source(%dma_start3A_842 : memref<25600xi32, #tpu.memory_space<hbm>>) target(%arg5 : memref<25600xi32, #tpu.memory_space<vmem>>) target_semaphore(%run_scoped3A : memref<!tpu.dma_semaphore, #tpu.memory_space<semaphore_mem>>)
      %dma_wait3A_843 = tpu.memref_slice %arg2[%mul3A_24] : memref<819200xi32, #tpu.memory_space<hbm>> -> memref<25600xi32, #tpu.memory_space<hbm>>
      %dma_wait3A_844 = tpu.memref_slice %arg2[%mul3A_24] : memref<819200xi32, #tpu.memory_space<hbm>> -> memref<25600xi32, #tpu.memory_space<hbm>>
      tpu.wait_dma2 semaphore(%run_scoped3A : memref<!tpu.dma_semaphore, #tpu.memory_space<semaphore_mem>>) src(%dma_wait3A_844 : memref<25600xi32, #tpu.memory_space<hbm>>) dst(%arg5 : memref<25600xi32, #tpu.memory_space<vmem>>)
      tpu.yield
    }) : () -> ()
    %sub3A = arith.subi %mul3A_2, %mul3A_2 : i32
    %mul3A_25 = arith.constant 512 : i32
    %mul3A_26 = arith.muli %sub3A, %mul3A_25 : i32
    %dma_start3A = tpu.memref_slice %arg5[%mul3A_26] : memref<25600xi32, #tpu.memory_space<vmem>> -> memref<512xi32, #tpu.memory_space<vmem>>
    %dma_start3A_27 = arith.constant 0 : i32
    %dma_start3A_28 = arith.constant 0 : i32
    %dma_start3A_29 = tpu.memref_slice %arg3[%dma_start3A_27, %dma_start3A_28] : memref<1000000x32xf32, #tpu.memory_space<hbm>> -> memref<1000000x32xf32, #tpu.memory_space<hbm>>
    tpu.enqueue_indirect_dma source(%dma_start3A_29 : memref<1000000x32xf32, #tpu.memory_space<hbm>>) target(%arg6 : memref<512x32xf32, #tpu.memory_space<vmem>>) offsets(%dma_start3A : memref<512xi32, #tpu.memory_space<vmem>>) semaphore(%arg10 : memref<!tpu.dma_semaphore, #tpu.memory_space<semaphore_mem>>)
    %add3A_30 = arith.constant 1 : i32
    %add3A_31 = arith.addi %mul3A_2, %add3A_30 : i32
    %sub3A_32 = arith.subi %add3A_31, %mul3A_2 : i32
    %mul3A_33 = arith.constant 512 : i32
    %mul3A_34 = arith.muli %sub3A_32, %mul3A_33 : i32
    %dma_start3A_35 = tpu.memref_slice %arg5[%mul3A_34] : memref<25600xi32, #tpu.memory_space<vmem>> -> memref<512xi32, #tpu.memory_space<vmem>>
    %dma_start3A_36 = arith.constant 0 : i32
    %dma_start3A_37 = arith.constant 0 : i32
    %dma_start3A_38 = tpu.memref_slice %arg3[%dma_start3A_36, %dma_start3A_37] : memref<1000000x32xf32, #tpu.memory_space<hbm>> -> memref<1000000x32xf32, #tpu.memory_space<hbm>>
    tpu.enqueue_indirect_dma source(%dma_start3A_38 : memref<1000000x32xf32, #tpu.memory_space<hbm>>) target(%arg7 : memref<512x32xf32, #tpu.memory_space<vmem>>) offsets(%dma_start3A_35 : memref<512xi32, #tpu.memory_space<vmem>>) semaphore(%arg11 : memref<!tpu.dma_semaphore, #tpu.memory_space<semaphore_mem>>)
    %add3A_39 = arith.constant 0 : i32
    %add3A_40 = arith.addi %mul3A_2, %add3A_39 : i32
    %dma_wait3A = arith.constant 0 : i32
    %dma_wait3A_41 = arith.constant 0 : i32
    %dma_wait3A_42 = tpu.memref_slice %arg3[%dma_wait3A, %dma_wait3A_41] : memref<1000000x32xf32, #tpu.memory_space<hbm>> -> memref<512x32xf32, #tpu.memory_space<hbm>>
    %dma_wait3A_43 = arith.constant 0 : i32
    %dma_wait3A_44 = arith.constant 0 : i32
    %dma_wait3A_45 = tpu.memref_slice %arg3[%dma_wait3A_43, %dma_wait3A_44] : memref<1000000x32xf32, #tpu.memory_space<hbm>> -> memref<512x32xf32, #tpu.memory_space<hbm>>
    tpu.wait_dma2 semaphore(%arg10 : memref<!tpu.dma_semaphore, #tpu.memory_space<semaphore_mem>>) src(%dma_wait3A_45 : memref<512x32xf32, #tpu.memory_space<hbm>>) dst(%arg6 : memref<512x32xf32, #tpu.memory_space<vmem>>)
    %scan3A = arith.constant 0 : i32
    %scan3A_46 = arith.constant 0 : i32
    %scan3A_47 = arith.constant 32 : i32
    %scan3A_48 = arith.addi %scan3A_46, %scan3A_47 : i32
    %scan3A_49 = arith.constant 1 : i32
    scf.for %scan3A_841 = %scan3A_46 to %scan3A_48 step %scan3A_49  : i32 {
      %mul3A_842 = arith.constant 4 : i32
      %mul3A_843 = arith.muli %scan3A_841, %mul3A_842 : i32
      %add3A_844 = arith.constant 0 : i32
      %add3A_845 = arith.addi %mul3A_843, %add3A_844 : i32
      %broadcast_in_dim3A_846 = vector.broadcast %add3A_845 : i32 to vector<16xi32>
      %add3A_847 = arith.constant 0 : i32
      %add3A_848 = arith.addi %add3A_847, %add3A_845 : i32
      %get3A = arith.index_cast %add3A_848 : i32 to index
      %get3A_849 = arith.constant 0 : index
      %get3A_850 = tpu.vector_load %arg6[%get3A, %get3A_849] {strides = array<i32>} : memref<512x32xf32, #tpu.memory_space<vmem>>, vector<16xf32>,
      tpu.vector_store_idx %arg8[%add3A_9, %broadcast_in_dim3A_16, %and3A_4, %broadcast_in_dim3A_846], %get3A_850 : memref<4x4x8x133xf32, #tpu.memory_space<vmem>>[vector<16xi32>, vector<16xi32>, vector<16xi32>, vector<16xi32>], vector<16xf32>,
      %get3A_851 = arith.index_cast %add3A_848 : i32 to index
      %get3A_852 = arith.constant 16 : index
      %get3A_853 = tpu.vector_load %arg6[%get3A_851, %get3A_852] {strides = array<i32>} : memref<512x32xf32, #tpu.memory_space<vmem>>, vector<16xf32>,
      tpu.vector_store_idx %arg8[%add3A_15, %broadcast_in_dim3A_16, %and3A_4, %broadcast_in_dim3A_846], %get3A_853 : memref<4x4x8x133xf32, #tpu.memory_space<vmem>>[vector<16xi32>, vector<16xi32>, vector<16xi32>, vector<16xi32>], vector<16xf32>,
      %mul3A_854 = arith.constant 4 : i32
      %mul3A_855 = arith.muli %scan3A_841, %mul3A_854 : i32
      %add3A_856 = arith.constant 1 : i32
      %add3A_857 = arith.addi %mul3A_855, %add3A_856 : i32
      %broadcast_in_dim3A_858 = vector.broadcast %add3A_857 : i32 to vector<16xi32>
      %add3A_859 = arith.constant 0 : i32
      %add3A_860 = arith.addi %add3A_859, %add3A_857 : i32
      %get3A_861 = arith.index_cast %add3A_860 : i32 to index
      %get3A_862 = arith.constant 0 : index
      %get3A_863 = tpu.vector_load %arg6[%get3A_861, %get3A_862] {strides = array<i32>} : memref<512x32xf32, #tpu.memory_space<vmem>>, vector<16xf32>,
      tpu.vector_store_idx %arg8[%add3A_9, %broadcast_in_dim3A_16, %and3A_4, %broadcast_in_dim3A_858], %get3A_863 : memref<4x4x8x133xf32, #tpu.memory_space<vmem>>[vector<16xi32>, vector<16xi32>, vector<16xi32>, vector<16xi32>], vector<16xf32>,
      %get3A_864 = arith.index_cast %add3A_860 : i32 to index
      %get3A_865 = arith.constant 16 : index
      %get3A_866 = tpu.vector_load %arg6[%get3A_864, %get3A_865] {strides = array<i32>} : memref<512x32xf32, #tpu.memory_space<vmem>>, vector<16xf32>,
      tpu.vector_store_idx %arg8[%add3A_15, %broadcast_in_dim3A_16, %and3A_4, %broadcast_in_dim3A_858], %get3A_866 : memref<4x4x8x133xf32, #tpu.memory_space<vmem>>[vector<16xi32>, vector<16xi32>, vector<16xi32>, vector<16xi32>], vector<16xf32>,
      %mul3A_867 = arith.constant 4 : i32
      %mul3A_868 = arith.muli %scan3A_841, %mul3A_867 : i32
      %add3A_869 = arith.constant 2 : i32
      %add3A_870 = arith.addi %mul3A_868, %add3A_869 : i32
      %broadcast_in_dim3A_871 = vector.broadcast %add3A_870 : i32 to vector<16xi32>
      %add3A_872 = arith.constant 0 : i32
      %add3A_873 = arith.addi %add3A_872, %add3A_870 : i32
      %get3A_874 = arith.index_cast %add3A_873 : i32 to index
      %get3A_875 = arith.constant 0 : index
      %get3A_876 = tpu.vector_load %arg6[%get3A_874, %get3A_875] {strides = array<i32>} : memref<512x32xf32, #tpu.memory_space<vmem>>, vector<16xf32>,
      tpu.vector_store_idx %arg8[%add3A_9, %broadcast_in_dim3A_16, %and3A_4, %broadcast_in_dim3A_871], %get3A_876 : memref<4x4x8x133xf32, #tpu.memory_space<vmem>>[vector<16xi32>, vector<16xi32>, vector<16xi32>, vector<16xi32>], vector<16xf32>,
      %get3A_877 = arith.index_cast %add3A_873 : i32 to index
      %get3A_878 = arith.constant 16 : index
      %get3A_879 = tpu.vector_load %arg6[%get3A_877, %get3A_878] {strides = array<i32>} : memref<512x32xf32, #tpu.memory_space<vmem>>, vector<16xf32>,
      tpu.vector_store_idx %arg8[%add3A_15, %broadcast_in_dim3A_16, %and3A_4, %broadcast_in_dim3A_871], %get3A_879 : memref<4x4x8x133xf32, #tpu.memory_space<vmem>>[vector<16xi32>, vector<16xi32>, vector<16xi32>, vector<16xi32>], vector<16xf32>,
      %mul3A_880 = arith.constant 4 : i32
      %mul3A_881 = arith.muli %scan3A_841, %mul3A_880 : i32
      %add3A_882 = arith.constant 3 : i32
      %add3A_883 = arith.addi %mul3A_881, %add3A_882 : i32
      %broadcast_in_dim3A_884 = vector.broadcast %add3A_883 : i32 to vector<16xi32>
      %add3A_885 = arith.constant 0 : i32
      %add3A_886 = arith.addi %add3A_885, %add3A_883 : i32
      %get3A_887 = arith.index_cast %add3A_886 : i32 to index
      %get3A_888 = arith.constant 0 : index
      %get3A_889 = tpu.vector_load %arg6[%get3A_887, %get3A_888] {strides = array<i32>} : memref<512x32xf32, #tpu.memory_space<vmem>>, vector<16xf32>,
      tpu.vector_store_idx %arg8[%add3A_9, %broadcast_in_dim3A_16, %and3A_4, %broadcast_in_dim3A_884], %get3A_889 : memref<4x4x8x133xf32, #tpu.memory_space<vmem>>[vector<16xi32>, vector<16xi32>, vector<16xi32>, vector<16xi32>], vector<16xf32>,
      %get3A_890 = arith.index_cast %add3A_886 : i32 to index
      %get3A_891 = arith.constant 16 : index
      %get3A_892 = tpu.vector_load %arg6[%get3A_890, %get3A_891] {strides = array<i32>} : memref<512x32xf32, #tpu.memory_space<vmem>>, vector<16xf32>,
      tpu.vector_store_idx %arg8[%add3A_15, %broadcast_in_dim3A_16, %and3A_4, %broadcast_in_dim3A_884], %get3A_892 : memref<4x4x8x133xf32, #tpu.memory_space<vmem>>[vector<16xi32>, vector<16xi32>, vector<16xi32>, vector<16xi32>], vector<16xf32>,
      %mul3A_893 = arith.constant 4 : i32
      %mul3A_894 = arith.muli %scan3A_841, %mul3A_893 : i32
      %add3A_895 = arith.constant 0 : i32
      %add3A_896 = arith.addi %mul3A_894, %add3A_895 : i32
      %broadcast_in_dim3A_897 = vector.broadcast %add3A_896 : i32 to vector<16xi32>
      %add3A_898 = arith.constant 128 : i32
      %add3A_899 = arith.addi %add3A_898, %add3A_896 : i32
      %get3A_900 = arith.index_cast %add3A_899 : i32 to index
      %get3A_901 = arith.constant 0 : index
      %get3A_902 = tpu.vector_load %arg6[%get3A_900, %get3A_901] {strides = array<i32>} : memref<512x32xf32, #tpu.memory_space<vmem>>, vector<16xf32>,
      tpu.vector_store_idx %arg8[%add3A_9, %broadcast_in_dim3A_18, %and3A_4, %broadcast_in_dim3A_897], %get3A_902 : memref<4x4x8x133xf32, #tpu.memory_space<vmem>>[vector<16xi32>, vector<16xi32>, vector<16xi32>, vector<16xi32>], vector<16xf32>,
      %get3A_903 = arith.index_cast %add3A_899 : i32 to index
      %get3A_904 = arith.constant 16 : index
      %get3A_905 = tpu.vector_load %arg6[%get3A_903, %get3A_904] {strides = array<i32>} : memref<512x32xf32, #tpu.memory_space<vmem>>, vector<16xf32>,
      tpu.vector_store_idx %arg8[%add3A_15, %broadcast_in_dim3A_18, %and3A_4, %broadcast_in_dim3A_897], %get3A_905 : memref<4x4x8x133xf32, #tpu.memory_space<vmem>>[vector<16xi32>, vector<16xi32>, vector<16xi32>, vector<16xi32>], vector<16xf32>,
      %mul3A_906 = arith.constant 4 : i32
      %mul3A_907 = arith.muli %scan3A_841, %mul3A_906 : i32
      %add3A_908 = arith.constant 1 : i32
      %add3A_909 = arith.addi %mul3A_907, %add3A_908 : i32
      %broadcast_in_dim3A_910 = vector.broadcast %add3A_909 : i32 to vector<16xi32>
      %add3A_911 = arith.constant 128 : i32
      %add3A_912 = arith.addi %add3A_911, %add3A_909 : i32
      %get3A_913 = arith.index_cast %add3A_912 : i32 to index
      %get3A_914 = arith.constant 0 : index
      %get3A_915 = tpu.vector_load %arg6[%get3A_913, %get3A_914] {strides = array<i32>} : memref<512x32xf32, #tpu.memory_space<vmem>>, vector<16xf32>,
      tpu.vector_store_idx %arg8[%add3A_9, %broadcast_in_dim3A_18, %and3A_4, %broadcast_in_dim3A_910], %get3A_915 : memref<4x4x8x133xf32, #tpu.memory_space<vmem>>[vector<16xi32>, vector<16xi32>, vector<16xi32>, vector<16xi32>], vector<16xf32>,
      %get3A_916 = arith.index_cast %add3A_912 : i32 to index
      %get3A_917 = arith.constant 16 : index
      %get3A_918 = tpu.vector_load %arg6[%get3A_916, %get3A_917] {strides = array<i32>} : memref<512x32xf32, #tpu.memory_space<vmem>>, vector<16xf32>,
      tpu.vector_store_idx %arg8[%add3A_15, %broadcast_in_dim3A_18, %and3A_4, %broadcast_in_dim3A_910], %get3A_918 : memref<4x4x8x133xf32, #tpu.memory_space<vmem>>[vector<16xi32>, vector<16xi32>, vector<16xi32>, vector<16xi32>], vector<16xf32>,
      %mul3A_919 = arith.constant 4 : i32
      %mul3A_920 = arith.muli %scan3A_841, %mul3A_919 : i32
      %add3A_921 = arith.constant 2 : i32
      %add3A_922 = arith.addi %mul3A_920, %add3A_921 : i32
      %broadcast_in_dim3A_923 = vector.broadcast %add3A_922 : i32 to vector<16xi32>
      %add3A_924 = arith.constant 128 : i32
      %add3A_925 = arith.addi %add3A_924, %add3A_922 : i32
      %get3A_926 = arith.index_cast %add3A_925 : i32 to index
      %get3A_927 = arith.constant 0 : index
      %get3A_928 = tpu.vector_load %arg6[%get3A_926, %get3A_927] {strides = array<i32>} : memref<512x32xf32, #tpu.memory_space<vmem>>, vector<16xf32>,
      tpu.vector_store_idx %arg8[%add3A_9, %broadcast_in_dim3A_18, %and3A_4, %broadcast_in_dim3A_923], %get3A_928 : memref<4x4x8x133xf32, #tpu.memory_space<vmem>>[vector<16xi32>, vector<16xi32>, vector<16xi32>, vector<16xi32>], vector<16xf32>,
      %get3A_929 = arith.index_cast %add3A_925 : i32 to index
      %get3A_930 = arith.constant 16 : index
      %get3A_931 = tpu.vector_load %arg6[%get3A_929, %get3A_930] {strides = array<i32>} : memref<512x32xf32, #tpu.memory_space<vmem>>, vector<16xf32>,
      tpu.vector_store_idx %arg8[%add3A_15, %broadcast_in_dim3A_18, %and3A_4, %broadcast_in_dim3A_923], %get3A_931 : memref<4x4x8x133xf32, #tpu.memory_space<vmem>>[vector<16xi32>, vector<16xi32>, vector<16xi32>, vector<16xi32>], vector<16xf32>,
      %mul3A_932 = arith.constant 4 : i32
      %mul3A_933 = arith.muli %scan3A_841, %mul3A_932 : i32
      %add3A_934 = arith.constant 3 : i32
      %add3A_935 = arith.addi %mul3A_933, %add3A_934 : i32
      %broadcast_in_dim3A_936 = vector.broadcast %add3A_935 : i32 to vector<16xi32>
      %add3A_937 = arith.constant 128 : i32
      %add3A_938 = arith.addi %add3A_937, %add3A_935 : i32
      %get3A_939 = arith.index_cast %add3A_938 : i32 to index
      %get3A_940 = arith.constant 0 : index
      %get3A_941 = tpu.vector_load %arg6[%get3A_939, %get3A_940] {strides = array<i32>} : memref<512x32xf32, #tpu.memory_space<vmem>>, vector<16xf32>,
      tpu.vector_store_idx %arg8[%add3A_9, %broadcast_in_dim3A_18, %and3A_4, %broadcast_in_dim3A_936], %get3A_941 : memref<4x4x8x133xf32, #tpu.memory_space<vmem>>[vector<16xi32>, vector<16xi32>, vector<16xi32>, vector<16xi32>], vector<16xf32>,
      %get3A_942 = arith.index_cast %add3A_938 : i32 to index
      %get3A_943 = arith.constant 16 : index
      %get3A_944 = tpu.vector_load %arg6[%get3A_942, %get3A_943] {strides = array<i32>} : memref<512x32xf32, #tpu.memory_space<vmem>>, vector<16xf32>,
      tpu.vector_store_idx %arg8[%add3A_15, %broadcast_in_dim3A_18, %and3A_4, %broadcast_in_dim3A_936], %get3A_944 : memref<4x4x8x133xf32, #tpu.memory_space<vmem>>[vector<16xi32>, vector<16xi32>, vector<16xi32>, vector<16xi32>], vector<16xf32>,
      %mul3A_945 = arith.constant 4 : i32
      %mul3A_946 = arith.muli %scan3A_841, %mul3A_945 : i32
      %add3A_947 = arith.constant 0 : i32
      %add3A_948 = arith.addi %mul3A_946, %add3A_947 : i32
      %broadcast_in_dim3A_949 = vector.broadcast %add3A_948 : i32 to vector<16xi32>
      %add3A_950 = arith.constant 256 : i32
      %add3A_951 = arith.addi %add3A_950, %add3A_948 : i32
      %get3A_952 = arith.index_cast %add3A_951 : i32 to index
      %get3A_953 = arith.constant 0 : index
      %get3A_954 = tpu.vector_load %arg6[%get3A_952, %get3A_953] {strides = array<i32>} : memref<512x32xf32, #tpu.memory_space<vmem>>, vector<16xf32>,
      tpu.vector_store_idx %arg8[%add3A_9, %broadcast_in_dim3A_20, %and3A_4, %broadcast_in_dim3A_949], %get3A_954 : memref<4x4x8x133xf32, #tpu.memory_space<vmem>>[vector<16xi32>, vector<16xi32>, vector<16xi32>, vector<16xi32>], vector<16xf32>,
      %get3A_955 = arith.index_cast %add3A_951 : i32 to index
      %get3A_956 = arith.constant 16 : index
      %get3A_957 = tpu.vector_load %arg6[%get3A_955, %get3A_956] {strides = array<i32>} : memref<512x32xf32, #tpu.memory_space<vmem>>, vector<16xf32>,
      tpu.vector_store_idx %arg8[%add3A_15, %broadcast_in_dim3A_20, %and3A_4, %broadcast_in_dim3A_949], %get3A_957 : memref<4x4x8x133xf32, #tpu.memory_space<vmem>>[vector<16xi32>, vector<16xi32>, vector<16xi32>, vector<16xi32>], vector<16xf32>,
      %mul3A_958 = arith.constant 4 : i32
      %mul3A_959 = arith.muli %scan3A_841, %mul3A_958 : i32
      %add3A_960 = arith.constant 1 : i32
      %add3A_961 = arith.addi %mul3A_959, %add3A_960 : i32
      %broadcast_in_dim3A_962 = vector.broadcast %add3A_961 : i32 to vector<16xi32>
      %add3A_963 = arith.constant 256 : i32
      %add3A_964 = arith.addi %add3A_963, %add3A_961 : i32
      %get3A_965 = arith.index_cast %add3A_964 : i32 to index
      %get3A_966 = arith.constant 0 : index
      %get3A_967 = tpu.vector_load %arg6[%get3A_965, %get3A_966] {strides = array<i32>} : memref<512x32xf32, #tpu.memory_space<vmem>>, vector<16xf32>,
      tpu.vector_store_idx %arg8[%add3A_9, %broadcast_in_dim3A_20, %and3A_4, %broadcast_in_dim3A_962], %get3A_967 : memref<4x4x8x133xf32, #tpu.memory_space<vmem>>[vector<16xi32>, vector<16xi32>, vector<16xi32>, vector<16xi32>], vector<16xf32>,
      %get3A_968 = arith.index_cast %add3A_964 : i32 to index
      %get3A_969 = arith.constant 16 : index
      %get3A_970 = tpu.vector_load %arg6[%get3A_968, %get3A_969] {strides = array<i32>} : memref<512x32xf32, #tpu.memory_space<vmem>>, vector<16xf32>,
      tpu.vector_store_idx %arg8[%add3A_15, %broadcast_in_dim3A_20, %and3A_4, %broadcast_in_dim3A_962], %get3A_970 : memref<4x4x8x133xf32, #tpu.memory_space<vmem>>[vector<16xi32>, vector<16xi32>, vector<16xi32>, vector<16xi32>], vector<16xf32>,
      %mul3A_971 = arith.constant 4 : i32
      %mul3A_972 = arith.muli %scan3A_841, %mul3A_971 : i32
      %add3A_973 = arith.constant 2 : i32
      %add3A_974 = arith.addi %mul3A_972, %add3A_973 : i32
      %broadcast_in_dim3A_975 = vector.broadcast %add3A_974 : i32 to vector<16xi32>
      %add3A_976 = arith.constant 256 : i32
      %add3A_977 = arith.addi %add3A_976, %add3A_974 : i32
      %get3A_978 = arith.index_cast %add3A_977 : i32 to index
      %get3A_979 = arith.constant 0 : index
      %get3A_980 = tpu.vector_load %arg6[%get3A_978, %get3A_979] {strides = array<i32>} : memref<512x32xf32, #tpu.memory_space<vmem>>, vector<16xf32>,
      tpu.vector_store_idx %arg8[%add3A_9, %broadcast_in_dim3A_20, %and3A_4, %broadcast_in_dim3A_975], %get3A_980 : memref<4x4x8x133xf32, #tpu.memory_space<vmem>>[vector<16xi32>, vector<16xi32>, vector<16xi32>, vector<16xi32>], vector<16xf32>,
      %get3A_981 = arith.index_cast %add3A_977 : i32 to index
      %get3A_982 = arith.constant 16 : index
      %get3A_983 = tpu.vector_load %arg6[%get3A_981, %get3A_982] {strides = array<i32>} : memref<512x32xf32, #tpu.memory_space<vmem>>, vector<16xf32>,
      tpu.vector_store_idx %arg8[%add3A_15, %broadcast_in_dim3A_20, %and3A_4, %broadcast_in_dim3A_975], %get3A_983 : memref<4x4x8x133xf32, #tpu.memory_space<vmem>>[vector<16xi32>, vector<16xi32>, vector<16xi32>, vector<16xi32>], vector<16xf32>,
      %mul3A_984 = arith.constant 4 : i32
      %mul3A_985 = arith.muli %scan3A_841, %mul3A_984 : i32
      %add3A_986 = arith.constant 3 : i32
      %add3A_987 = arith.addi %mul3A_985, %add3A_986 : i32
      %broadcast_in_dim3A_988 = vector.broadcast %add3A_987 : i32 to vector<16xi32>
      %add3A_989 = arith.constant 256 : i32
      %add3A_990 = arith.addi %add3A_989, %add3A_987 : i32
      %get3A_991 = arith.index_cast %add3A_990 : i32 to index
      %get3A_992 = arith.constant 0 : index
      %get3A_993 = tpu.vector_load %arg6[%get3A_991, %get3A_992] {strides = array<i32>} : memref<512x32xf32, #tpu.memory_space<vmem>>, vector<16xf32>,
      tpu.vector_store_idx %arg8[%add3A_9, %broadcast_in_dim3A_20, %and3A_4, %broadcast_in_dim3A_988], %get3A_993 : memref<4x4x8x133xf32, #tpu.memory_space<vmem>>[vector<16xi32>, vector<16xi32>, vector<16xi32>, vector<16xi32>], vector<16xf32>,
      %get3A_994 = arith.index_cast %add3A_990 : i32 to index
      %get3A_995 = arith.constant 16 : index
      %get3A_996 = tpu.vector_load %arg6[%get3A_994, %get3A_995] {strides = array<i32>} : memref<512x32xf32, #tpu.memory_space<vmem>>, vector<16xf32>,
      tpu.vector_store_idx %arg8[%add3A_15, %broadcast_in_dim3A_20, %and3A_4, %broadcast_in_dim3A_988], %get3A_996 : memref<4x4x8x133xf32, #tpu.memory_space<vmem>>[vector<16xi32>, vector<16xi32>, vector<16xi32>, vector<16xi32>], vector<16xf32>,
      %mul3A_997 = arith.constant 4 : i32
      %mul3A_998 = arith.muli %scan3A_841, %mul3A_997 : i32
      %add3A_999 = arith.constant 0 : i32
      %add3A_1000 = arith.addi %mul3A_998, %add3A_999 : i32
      %broadcast_in_dim3A_1001 = vector.broadcast %add3A_1000 : i32 to vector<16xi32>
      %add3A_1002 = arith.constant 384 : i32
      %add3A_1003 = arith.addi %add3A_1002, %add3A_1000 : i32
      %get3A_1004 = arith.index_cast %add3A_1003 : i32 to index
      %get3A_1005 = arith.constant 0 : index
      %get3A_1006 = tpu.vector_load %arg6[%get3A_1004, %get3A_1005] {strides = array<i32>} : memref<512x32xf32, #tpu.memory_space<vmem>>, vector<16xf32>,
      tpu.vector_store_idx %arg8[%add3A_9, %broadcast_in_dim3A_22, %and3A_4, %broadcast_in_dim3A_1001], %get3A_1006 : memref<4x4x8x133xf32, #tpu.memory_space<vmem>>[vector<16xi32>, vector<16xi32>, vector<16xi32>, vector<16xi32>], vector<16xf32>,
      %get3A_1007 = arith.index_cast %add3A_1003 : i32 to index
      %get3A_1008 = arith.constant 16 : index
      %get3A_1009 = tpu.vector_load %arg6[%get3A_1007, %get3A_1008] {strides = array<i32>} : memref<512x32xf32, #tpu.memory_space<vmem>>, vector<16xf32>,
      tpu.vector_store_idx %arg8[%add3A_15, %broadcast_in_dim3A_22, %and3A_4, %broadcast_in_dim3A_1001], %get3A_1009 : memref<4x4x8x133xf32, #tpu.memory_space<vmem>>[vector<16xi32>, vector<16xi32>, vector<16xi32>, vector<16xi32>], vector<16xf32>,
      %mul3A_1010 = arith.constant 4 : i32
      %mul3A_1011 = arith.muli %scan3A_841, %mul3A_1010 : i32
      %add3A_1012 = arith.constant 1 : i32
      %add3A_1013 = arith.addi %mul3A_1011, %add3A_1012 : i32
      %broadcast_in_dim3A_1014 = vector.broadcast %add3A_1013 : i32 to vector<16xi32>
      %add3A_1015 = arith.constant 384 : i32
      %add3A_1016 = arith.addi %add3A_1015, %add3A_1013 : i32
      %get3A_1017 = arith.index_cast %add3A_1016 : i32 to index
      %get3A_1018 = arith.constant 0 : index
      %get3A_1019 = tpu.vector_load %arg6[%get3A_1017, %get3A_1018] {strides = array<i32>} : memref<512x32xf32, #tpu.memory_space<vmem>>, vector<16xf32>,
      tpu.vector_store_idx %arg8[%add3A_9, %broadcast_in_dim3A_22, %and3A_4, %broadcast_in_dim3A_1014], %get3A_1019 : memref<4x4x8x133xf32, #tpu.memory_space<vmem>>[vector<16xi32>, vector<16xi32>, vector<16xi32>, vector<16xi32>], vector<16xf32>,
      %get3A_1020 = arith.index_cast %add3A_1016 : i32 to index
      %get3A_1021 = arith.constant 16 : index
      %get3A_1022 = tpu.vector_load %arg6[%get3A_1020, %get3A_1021] {strides = array<i32>} : memref<512x32xf32, #tpu.memory_space<vmem>>, vector<16xf32>,
      tpu.vector_store_idx %arg8[%add3A_15, %broadcast_in_dim3A_22, %and3A_4, %broadcast_in_dim3A_1014], %get3A_1022 : memref<4x4x8x133xf32, #tpu.memory_space<vmem>>[vector<16xi32>, vector<16xi32>, vector<16xi32>, vector<16xi32>], vector<16xf32>,
      %mul3A_1023 = arith.constant 4 : i32
      %mul3A_1024 = arith.muli %scan3A_841, %mul3A_1023 : i32
      %add3A_1025 = arith.constant 2 : i32
      %add3A_1026 = arith.addi %mul3A_1024, %add3A_1025 : i32
      %broadcast_in_dim3A_1027 = vector.broadcast %add3A_1026 : i32 to vector<16xi32>
      %add3A_1028 = arith.constant 384 : i32
      %add3A_1029 = arith.addi %add3A_1028, %add3A_1026 : i32
      %get3A_1030 = arith.index_cast %add3A_1029 : i32 to index
      %get3A_1031 = arith.constant 0 : index
      %get3A_1032 = tpu.vector_load %arg6[%get3A_1030, %get3A_1031] {strides = array<i32>} : memref<512x32xf32, #tpu.memory_space<vmem>>, vector<16xf32>,
      tpu.vector_store_idx %arg8[%add3A_9, %broadcast_in_dim3A_22, %and3A_4, %broadcast_in_dim3A_1027], %get3A_1032 : memref<4x4x8x133xf32, #tpu.memory_space<vmem>>[vector<16xi32>, vector<16xi32>, vector<16xi32>, vector<16xi32>], vector<16xf32>,
      %get3A_1033 = arith.index_cast %add3A_1029 : i32 to index
      %get3A_1034 = arith.constant 16 : index
      %get3A_1035 = tpu.vector_load %arg6[%get3A_1033, %get3A_1034] {strides = array<i32>} : memref<512x32xf32, #tpu.memory_space<vmem>>, vector<16xf32>,
      tpu.vector_store_idx %arg8[%add3A_15, %broadcast_in_dim3A_22, %and3A_4, %broadcast_in_dim3A_1027], %get3A_1035 : memref<4x4x8x133xf32, #tpu.memory_space<vmem>>[vector<16xi32>, vector<16xi32>, vector<16xi32>, vector<16xi32>], vector<16xf32>,
      %mul3A_1036 = arith.constant 4 : i32
      %mul3A_1037 = arith.muli %scan3A_841, %mul3A_1036 : i32
      %add3A_1038 = arith.constant 3 : i32
      %add3A_1039 = arith.addi %mul3A_1037, %add3A_1038 : i32
      %broadcast_in_dim3A_1040 = vector.broadcast %add3A_1039 : i32 to vector<16xi32>
      %add3A_1041 = arith.constant 384 : i32
      %add3A_1042 = arith.addi %add3A_1041, %add3A_1039 : i32
      %get3A_1043 = arith.index_cast %add3A_1042 : i32 to index
      %get3A_1044 = arith.constant 0 : index
      %get3A_1045 = tpu.vector_load %arg6[%get3A_1043, %get3A_1044] {strides = array<i32>} : memref<512x32xf32, #tpu.memory_space<vmem>>, vector<16xf32>,
      tpu.vector_store_idx %arg8[%add3A_9, %broadcast_in_dim3A_22, %and3A_4, %broadcast_in_dim3A_1040], %get3A_1045 : memref<4x4x8x133xf32, #tpu.memory_space<vmem>>[vector<16xi32>, vector<16xi32>, vector<16xi32>, vector<16xi32>], vector<16xf32>,
      %get3A_1046 = arith.index_cast %add3A_1042 : i32 to index
      %get3A_1047 = arith.constant 16 : index
      %get3A_1048 = tpu.vector_load %arg6[%get3A_1046, %get3A_1047] {strides = array<i32>} : memref<512x32xf32, #tpu.memory_space<vmem>>, vector<16xf32>,
      tpu.vector_store_idx %arg8[%add3A_15, %broadcast_in_dim3A_22, %and3A_4, %broadcast_in_dim3A_1040], %get3A_1048 : memref<4x4x8x133xf32, #tpu.memory_space<vmem>>[vector<16xi32>, vector<16xi32>, vector<16xi32>, vector<16xi32>], vector<16xf32>,
    }
    %scan3A_50 = arith.constant 32 : i32
    %mul3A_51 = arith.constant 4 : i32
    %mul3A_52 = arith.muli %add3A_40, %mul3A_51 : i32
    %shift_right_arithmetic3A_53 = arith.constant 7 : i32
    %shift_right_arithmetic3A_54 = arith.shrsi %mul3A_52, %shift_right_arithmetic3A_53 : i32
    %and3A_55 = arith.constant 127 : i32
    %and3A_56 = arith.andi %mul3A_52, %and3A_55 : i32
    %dma_start3A_57 = arith.constant 0 : i32
    %dma_start3A_58 = arith.constant 0 : i32
    %dma_start3A_59 = arith.constant 0 : i32
    %dma_start3A_60 = arith.constant 0 : i32
    %dma_start3A_61 = arith.constant 0 : i32
    %dma_start3A_62 = tpu.memref_slice %arg8[%dma_start3A_57, %dma_start3A_59, %dma_start3A_60, %dma_start3A_61] : memref<4x4x8x133xf32, #tpu.memory_space<vmem>> -> memref<1x4x8x128xf32, #tpu.memory_space<vmem>>
    %dma_start3A_63 = tpu.memref_squeeze %dma_start3A_62 : memref<1x4x8x128xf32, #tpu.memory_space<vmem>> -> memref<4x8x128xf32, #tpu.memory_space<vmem>>
    %dma_start3A_64 = arith.constant 0 : i32
    %dma_start3A_65 = arith.constant 0 : i32
    %dma_start3A_66 = tpu.memref_slice %arg4[%shift_right_arithmetic3A_54, %dma_start3A_58, %and3A_56, %dma_start3A_64, %dma_start3A_65] : memref<50x4x128x8x128xf32, #tpu.memory_space<hbm>> -> memref<1x1x4x8x128xf32, #tpu.memory_space<hbm>>
    %dma_start3A_67 = tpu.memref_squeeze %dma_start3A_66 : memref<1x1x4x8x128xf32, #tpu.memory_space<hbm>> -> memref<4x8x128xf32, #tpu.memory_space<hbm>>
    %dma_start3A_68 = arith.constant 0 : i32
    %dma_start3A_69 = arith.constant 0 : i32
    %dma_start3A_70 = tpu.memref_slice %arg4[%shift_right_arithmetic3A_54, %dma_start3A_58, %and3A_56, %dma_start3A_68, %dma_start3A_69] : memref<50x4x128x8x128xf32, #tpu.memory_space<hbm>> -> memref<1x1x4x8x128xf32, #tpu.memory_space<hbm>>
    %dma_start3A_71 = tpu.memref_squeeze %dma_start3A_70 : memref<1x1x4x8x128xf32, #tpu.memory_space<hbm>> -> memref<4x8x128xf32, #tpu.memory_space<hbm>>
    %dma_start3A_72 = arith.constant 0 : i32
    %dma_start3A_73 = arith.constant 0 : i32
    %dma_start3A_74 = arith.constant 0 : i32
    %dma_start3A_75 = tpu.memref_slice %arg8[%dma_start3A_57, %dma_start3A_72, %dma_start3A_73, %dma_start3A_74] : memref<4x4x8x133xf32, #tpu.memory_space<vmem>> -> memref<1x4x8x128xf32, #tpu.memory_space<vmem>>
    %dma_start3A_76 = tpu.memref_squeeze %dma_start3A_75 : memref<1x4x8x128xf32, #tpu.memory_space<vmem>> -> memref<4x8x128xf32, #tpu.memory_space<vmem>>
    tpu.enqueue_dma source(%dma_start3A_76 : memref<4x8x128xf32, #tpu.memory_space<vmem>>) target(%dma_start3A_71 : memref<4x8x128xf32, #tpu.memory_space<hbm>>) target_semaphore(%arg12 : memref<!tpu.dma_semaphore, #tpu.memory_space<semaphore_mem>>)
    %dma_start3A_77 = arith.constant 1 : i32
    %dma_start3A_78 = arith.constant 1 : i32
    %dma_start3A_79 = arith.constant 0 : i32
    %dma_start3A_80 = arith.constant 0 : i32
    %dma_start3A_81 = arith.constant 0 : i32
    %dma_start3A_82 = tpu.memref_slice %arg8[%dma_start3A_77, %dma_start3A_79, %dma_start3A_80, %dma_start3A_81] : memref<4x4x8x133xf32, #tpu.memory_space<vmem>> -> memref<1x4x8x128xf32, #tpu.memory_space<vmem>>
    %dma_start3A_83 = tpu.memref_squeeze %dma_start3A_82 : memref<1x4x8x128xf32, #tpu.memory_space<vmem>> -> memref<4x8x128xf32, #tpu.memory_space<vmem>>
    %dma_start3A_84 = arith.constant 0 : i32
    %dma_start3A_85 = arith.constant 0 : i32
    %dma_start3A_86 = tpu.memref_slice %arg4[%shift_right_arithmetic3A_54, %dma_start3A_78, %and3A_56, %dma_start3A_84, %dma_start3A_85] : memref<50x4x128x8x128xf32, #tpu.memory_space<hbm>> -> memref<1x1x4x8x128xf32, #tpu.memory_space<hbm>>
    %dma_start3A_87 = tpu.memref_squeeze %dma_start3A_86 : memref<1x1x4x8x128xf32, #tpu.memory_space<hbm>> -> memref<4x8x128xf32, #tpu.memory_space<hbm>>
    %dma_start3A_88 = arith.constant 0 : i32
    %dma_start3A_89 = arith.constant 0 : i32
    %dma_start3A_90 = tpu.memref_slice %arg4[%shift_right_arithmetic3A_54, %dma_start3A_78, %and3A_56, %dma_start3A_88, %dma_start3A_89] : memref<50x4x128x8x128xf32, #tpu.memory_space<hbm>> -> memref<1x1x4x8x128xf32, #tpu.memory_space<hbm>>
    %dma_start3A_91 = tpu.memref_squeeze %dma_start3A_90 : memref<1x1x4x8x128xf32, #tpu.memory_space<hbm>> -> memref<4x8x128xf32, #tpu.memory_space<hbm>>
    %dma_start3A_92 = arith.constant 0 : i32
    %dma_start3A_93 = arith.constant 0 : i32
    %dma_start3A_94 = arith.constant 0 : i32
    %dma_start3A_95 = tpu.memref_slice %arg8[%dma_start3A_77, %dma_start3A_92, %dma_start3A_93, %dma_start3A_94] : memref<4x4x8x133xf32, #tpu.memory_space<vmem>> -> memref<1x4x8x128xf32, #tpu.memory_space<vmem>>
    %dma_start3A_96 = tpu.memref_squeeze %dma_start3A_95 : memref<1x4x8x128xf32, #tpu.memory_space<vmem>> -> memref<4x8x128xf32, #tpu.memory_space<vmem>>
    tpu.enqueue_dma source(%dma_start3A_96 : memref<4x8x128xf32, #tpu.memory_space<vmem>>) target(%dma_start3A_91 : memref<4x8x128xf32, #tpu.memory_space<hbm>>) target_semaphore(%arg12 : memref<!tpu.dma_semaphore, #tpu.memory_space<semaphore_mem>>)
    %dma_start3A_97 = arith.constant 2 : i32
    %dma_start3A_98 = arith.constant 2 : i32
    %dma_start3A_99 = arith.constant 0 : i32
    %dma_start3A_100 = arith.constant 0 : i32
    %dma_start3A_101 = arith.constant 0 : i32
    %dma_start3A_102 = tpu.memref_slice %arg8[%dma_start3A_97, %dma_start3A_99, %dma_start3A_100, %dma_start3A_101] : memref<4x4x8x133xf32, #tpu.memory_space<vmem>> -> memref<1x4x8x128xf32, #tpu.memory_space<vmem>>
    %dma_start3A_103 = tpu.memref_squeeze %dma_start3A_102 : memref<1x4x8x128xf32, #tpu.memory_space<vmem>> -> memref<4x8x128xf32, #tpu.memory_space<vmem>>
    %dma_start3A_104 = arith.constant 0 : i32
    %dma_start3A_105 = arith.constant 0 : i32
    %dma_start3A_106 = tpu.memref_slice %arg4[%shift_right_arithmetic3A_54, %dma_start3A_98, %and3A_56, %dma_start3A_104, %dma_start3A_105] : memref<50x4x128x8x128xf32, #tpu.memory_space<hbm>> -> memref<1x1x4x8x128xf32, #tpu.memory_space<hbm>>
    %dma_start3A_107 = tpu.memref_squeeze %dma_start3A_106 : memref<1x1x4x8x128xf32, #tpu.memory_space<hbm>> -> memref<4x8x128xf32, #tpu.memory_space<hbm>>
    %dma_start3A_108 = arith.constant 0 : i32
    %dma_start3A_109 = arith.constant 0 : i32
    %dma_start3A_110 = tpu.memref_slice %arg4[%shift_right_arithmetic3A_54, %dma_start3A_98, %and3A_56, %dma_start3A_108, %dma_start3A_109] : memref<50x4x128x8x128xf32, #tpu.memory_space<hbm>> -> memref<1x1x4x8x128xf32, #tpu.memory_space<hbm>>
    %dma_start3A_111 = tpu.memref_squeeze %dma_start3A_110 : memref<1x1x4x8x128xf32, #tpu.memory_space<hbm>> -> memref<4x8x128xf32, #tpu.memory_space<hbm>>
    %dma_start3A_112 = arith.constant 0 : i32
    %dma_start3A_113 = arith.constant 0 : i32
    %dma_start3A_114 = arith.constant 0 : i32
    %dma_start3A_115 = tpu.memref_slice %arg8[%dma_start3A_97, %dma_start3A_112, %dma_start3A_113, %dma_start3A_114] : memref<4x4x8x133xf32, #tpu.memory_space<vmem>> -> memref<1x4x8x128xf32, #tpu.memory_space<vmem>>
    %dma_start3A_116 = tpu.memref_squeeze %dma_start3A_115 : memref<1x4x8x128xf32, #tpu.memory_space<vmem>> -> memref<4x8x128xf32, #tpu.memory_space<vmem>>
    tpu.enqueue_dma source(%dma_start3A_116 : memref<4x8x128xf32, #tpu.memory_space<vmem>>) target(%dma_start3A_111 : memref<4x8x128xf32, #tpu.memory_space<hbm>>) target_semaphore(%arg12 : memref<!tpu.dma_semaphore, #tpu.memory_space<semaphore_mem>>)
    %dma_start3A_117 = arith.constant 3 : i32
    %dma_start3A_118 = arith.constant 3 : i32
    %dma_start3A_119 = arith.constant 0 : i32
    %dma_start3A_120 = arith.constant 0 : i32
    %dma_start3A_121 = arith.constant 0 : i32
    %dma_start3A_122 = tpu.memref_slice %arg8[%dma_start3A_117, %dma_start3A_119, %dma_start3A_120, %dma_start3A_121] : memref<4x4x8x133xf32, #tpu.memory_space<vmem>> -> memref<1x4x8x128xf32, #tpu.memory_space<vmem>>
    %dma_start3A_123 = tpu.memref_squeeze %dma_start3A_122 : memref<1x4x8x128xf32, #tpu.memory_space<vmem>> -> memref<4x8x128xf32, #tpu.memory_space<vmem>>
    %dma_start3A_124 = arith.constant 0 : i32
    %dma_start3A_125 = arith.constant 0 : i32
    %dma_start3A_126 = tpu.memref_slice %arg4[%shift_right_arithmetic3A_54, %dma_start3A_118, %and3A_56, %dma_start3A_124, %dma_start3A_125] : memref<50x4x128x8x128xf32, #tpu.memory_space<hbm>> -> memref<1x1x4x8x128xf32, #tpu.memory_space<hbm>>
    %dma_start3A_127 = tpu.memref_squeeze %dma_start3A_126 : memref<1x1x4x8x128xf32, #tpu.memory_space<hbm>> -> memref<4x8x128xf32, #tpu.memory_space<hbm>>
    %dma_start3A_128 = arith.constant 0 : i32
    %dma_start3A_129 = arith.constant 0 : i32
    %dma_start3A_130 = tpu.memref_slice %arg4[%shift_right_arithmetic3A_54, %dma_start3A_118, %and3A_56, %dma_start3A_128, %dma_start3A_129] : memref<50x4x128x8x128xf32, #tpu.memory_space<hbm>> -> memref<1x1x4x8x128xf32, #tpu.memory_space<hbm>>
    %dma_start3A_131 = tpu.memref_squeeze %dma_start3A_130 : memref<1x1x4x8x128xf32, #tpu.memory_space<hbm>> -> memref<4x8x128xf32, #tpu.memory_space<hbm>>
    %dma_start3A_132 = arith.constant 0 : i32
    %dma_start3A_133 = arith.constant 0 : i32
    %dma_start3A_134 = arith.constant 0 : i32
    %dma_start3A_135 = tpu.memref_slice %arg8[%dma_start3A_117, %dma_start3A_132, %dma_start3A_133, %dma_start3A_134] : memref<4x4x8x133xf32, #tpu.memory_space<vmem>> -> memref<1x4x8x128xf32, #tpu.memory_space<vmem>>
    %dma_start3A_136 = tpu.memref_squeeze %dma_start3A_135 : memref<1x4x8x128xf32, #tpu.memory_space<vmem>> -> memref<4x8x128xf32, #tpu.memory_space<vmem>>
    tpu.enqueue_dma source(%dma_start3A_136 : memref<4x8x128xf32, #tpu.memory_space<vmem>>) target(%dma_start3A_131 : memref<4x8x128xf32, #tpu.memory_space<hbm>>) target_semaphore(%arg12 : memref<!tpu.dma_semaphore, #tpu.memory_space<semaphore_mem>>)
    %add3A_137 = arith.constant 0 : i32
    %add3A_138 = arith.addi %mul3A_2, %add3A_137 : i32
    %add3A_139 = arith.constant 2 : i32
    %add3A_140 = arith.addi %add3A_138, %add3A_139 : i32
    %sub3A_141 = arith.subi %add3A_140, %mul3A_2 : i32
    %mul3A_142 = arith.constant 512 : i32
    %mul3A_143 = arith.muli %sub3A_141, %mul3A_142 : i32
    %dma_start3A_144 = tpu.memref_slice %arg5[%mul3A_143] : memref<25600xi32, #tpu.memory_space<vmem>> -> memref<512xi32, #tpu.memory_space<vmem>>
    %dma_start3A_145 = arith.constant 0 : i32
    %dma_start3A_146 = arith.constant 0 : i32
    %dma_start3A_147 = tpu.memref_slice %arg3[%dma_start3A_145, %dma_start3A_146] : memref<1000000x32xf32, #tpu.memory_space<hbm>> -> memref<1000000x32xf32, #tpu.memory_space<hbm>>
    tpu.enqueue_indirect_dma source(%dma_start3A_147 : memref<1000000x32xf32, #tpu.memory_space<hbm>>) target(%arg6 : memref<512x32xf32, #tpu.memory_space<vmem>>) offsets(%dma_start3A_144 : memref<512xi32, #tpu.memory_space<vmem>>) semaphore(%arg10 : memref<!tpu.dma_semaphore, #tpu.memory_space<semaphore_mem>>)
    %add3A_148 = arith.constant 1 : i32
    %add3A_149 = arith.addi %mul3A_2, %add3A_148 : i32
    %dma_wait3A_150 = arith.constant 0 : i32
    %dma_wait3A_151 = arith.constant 0 : i32
    %dma_wait3A_152 = tpu.memref_slice %arg3[%dma_wait3A_150, %dma_wait3A_151] : memref<1000000x32xf32, #tpu.memory_space<hbm>> -> memref<512x32xf32, #tpu.memory_space<hbm>>
    %dma_wait3A_153 = arith.constant 0 : i32
    %dma_wait3A_154 = arith.constant 0 : i32
    %dma_wait3A_155 = tpu.memref_slice %arg3[%dma_wait3A_153, %dma_wait3A_154] : memref<1000000x32xf32, #tpu.memory_space<hbm>> -> memref<512x32xf32, #tpu.memory_space<hbm>>
    tpu.wait_dma2 semaphore(%arg11 : memref<!tpu.dma_semaphore, #tpu.memory_space<semaphore_mem>>) src(%dma_wait3A_155 : memref<512x32xf32, #tpu.memory_space<hbm>>) dst(%arg7 : memref<512x32xf32, #tpu.memory_space<vmem>>)
    %scan3A_156 = arith.constant 0 : i32
    %scan3A_157 = arith.constant 0 : i32
    %scan3A_158 = arith.constant 32 : i32
    %scan3A_159 = arith.addi %scan3A_157, %scan3A_158 : i32
    %scan3A_160 = arith.constant 1 : i32
    scf.for %scan3A_841 = %scan3A_157 to %scan3A_159 step %scan3A_160  : i32 {
      %mul3A_842 = arith.constant 4 : i32
      %mul3A_843 = arith.muli %scan3A_841, %mul3A_842 : i32
      %add3A_844 = arith.constant 0 : i32
      %add3A_845 = arith.addi %mul3A_843, %add3A_844 : i32
      %broadcast_in_dim3A_846 = vector.broadcast %add3A_845 : i32 to vector<16xi32>
      %add3A_847 = arith.constant 0 : i32
      %add3A_848 = arith.addi %add3A_847, %add3A_845 : i32
      %get3A = arith.index_cast %add3A_848 : i32 to index
      %get3A_849 = arith.constant 0 : index
      %get3A_850 = tpu.vector_load %arg7[%get3A, %get3A_849] {strides = array<i32>} : memref<512x32xf32, #tpu.memory_space<vmem>>, vector<16xf32>,
      tpu.vector_store_idx %arg9[%add3A_9, %broadcast_in_dim3A_16, %and3A_4, %broadcast_in_dim3A_846], %get3A_850 : memref<4x4x8x133xf32, #tpu.memory_space<vmem>>[vector<16xi32>, vector<16xi32>, vector<16xi32>, vector<16xi32>], vector<16xf32>,
      %get3A_851 = arith.index_cast %add3A_848 : i32 to index
      %get3A_852 = arith.constant 16 : index
      %get3A_853 = tpu.vector_load %arg7[%get3A_851, %get3A_852] {strides = array<i32>} : memref<512x32xf32, #tpu.memory_space<vmem>>, vector<16xf32>,
      tpu.vector_store_idx %arg9[%add3A_15, %broadcast_in_dim3A_16, %and3A_4, %broadcast_in_dim3A_846], %get3A_853 : memref<4x4x8x133xf32, #tpu.memory_space<vmem>>[vector<16xi32>, vector<16xi32>, vector<16xi32>, vector<16xi32>], vector<16xf32>,
      %mul3A_854 = arith.constant 4 : i32
      %mul3A_855 = arith.muli %scan3A_841, %mul3A_854 : i32
      %add3A_856 = arith.constant 1 : i32
      %add3A_857 = arith.addi %mul3A_855, %add3A_856 : i32
      %broadcast_in_dim3A_858 = vector.broadcast %add3A_857 : i32 to vector<16xi32>
      %add3A_859 = arith.constant 0 : i32
      %add3A_860 = arith.addi %add3A_859, %add3A_857 : i32
      %get3A_861 = arith.index_cast %add3A_860 : i32 to index
      %get3A_862 = arith.constant 0 : index
      %get3A_863 = tpu.vector_load %arg7[%get3A_861, %get3A_862] {strides = array<i32>} : memref<512x32xf32, #tpu.memory_space<vmem>>, vector<16xf32>,
      tpu.vector_store_idx %arg9[%add3A_9, %broadcast_in_dim3A_16, %and3A_4, %broadcast_in_dim3A_858], %get3A_863 : memref<4x4x8x133xf32, #tpu.memory_space<vmem>>[vector<16xi32>, vector<16xi32>, vector<16xi32>, vector<16xi32>], vector<16xf32>,
      %get3A_864 = arith.index_cast %add3A_860 : i32 to index
      %get3A_865 = arith.constant 16 : index
      %get3A_866 = tpu.vector_load %arg7[%get3A_864, %get3A_865] {strides = array<i32>} : memref<512x32xf32, #tpu.memory_space<vmem>>, vector<16xf32>,
      tpu.vector_store_idx %arg9[%add3A_15, %broadcast_in_dim3A_16, %and3A_4, %broadcast_in_dim3A_858], %get3A_866 : memref<4x4x8x133xf32, #tpu.memory_space<vmem>>[vector<16xi32>, vector<16xi32>, vector<16xi32>, vector<16xi32>], vector<16xf32>,
      %mul3A_867 = arith.constant 4 : i32
      %mul3A_868 = arith.muli %scan3A_841, %mul3A_867 : i32
      %add3A_869 = arith.constant 2 : i32
      %add3A_870 = arith.addi %mul3A_868, %add3A_869 : i32
      %broadcast_in_dim3A_871 = vector.broadcast %add3A_870 : i32 to vector<16xi32>
      %add3A_872 = arith.constant 0 : i32
      %add3A_873 = arith.addi %add3A_872, %add3A_870 : i32
      %get3A_874 = arith.index_cast %add3A_873 : i32 to index
      %get3A_875 = arith.constant 0 : index
      %get3A_876 = tpu.vector_load %arg7[%get3A_874, %get3A_875] {strides = array<i32>} : memref<512x32xf32, #tpu.memory_space<vmem>>, vector<16xf32>,
      tpu.vector_store_idx %arg9[%add3A_9, %broadcast_in_dim3A_16, %and3A_4, %broadcast_in_dim3A_871], %get3A_876 : memref<4x4x8x133xf32, #tpu.memory_space<vmem>>[vector<16xi32>, vector<16xi32>, vector<16xi32>, vector<16xi32>], vector<16xf32>,
      %get3A_877 = arith.index_cast %add3A_873 : i32 to index
      %get3A_878 = arith.constant 16 : index
      %get3A_879 = tpu.vector_load %arg7[%get3A_877, %get3A_878] {strides = array<i32>} : memref<512x32xf32, #tpu.memory_space<vmem>>, vector<16xf32>,
      tpu.vector_store_idx %arg9[%add3A_15, %broadcast_in_dim3A_16, %and3A_4, %broadcast_in_dim3A_871], %get3A_879 : memref<4x4x8x133xf32, #tpu.memory_space<vmem>>[vector<16xi32>, vector<16xi32>, vector<16xi32>, vector<16xi32>], vector<16xf32>,
      %mul3A_880 = arith.constant 4 : i32
      %mul3A_881 = arith.muli %scan3A_841, %mul3A_880 : i32
      %add3A_882 = arith.constant 3 : i32
      %add3A_883 = arith.addi %mul3A_881, %add3A_882 : i32
      %broadcast_in_dim3A_884 = vector.broadcast %add3A_883 : i32 to vector<16xi32>
      %add3A_885 = arith.constant 0 : i32
      %add3A_886 = arith.addi %add3A_885, %add3A_883 : i32
      %get3A_887 = arith.index_cast %add3A_886 : i32 to index
      %get3A_888 = arith.constant 0 : index
      %get3A_889 = tpu.vector_load %arg7[%get3A_887, %get3A_888] {strides = array<i32>} : memref<512x32xf32, #tpu.memory_space<vmem>>, vector<16xf32>,
      tpu.vector_store_idx %arg9[%add3A_9, %broadcast_in_dim3A_16, %and3A_4, %broadcast_in_dim3A_884], %get3A_889 : memref<4x4x8x133xf32, #tpu.memory_space<vmem>>[vector<16xi32>, vector<16xi32>, vector<16xi32>, vector<16xi32>], vector<16xf32>,
      %get3A_890 = arith.index_cast %add3A_886 : i32 to index
      %get3A_891 = arith.constant 16 : index
      %get3A_892 = tpu.vector_load %arg7[%get3A_890, %get3A_891] {strides = array<i32>} : memref<512x32xf32, #tpu.memory_space<vmem>>, vector<16xf32>,
      tpu.vector_store_idx %arg9[%add3A_15, %broadcast_in_dim3A_16, %and3A_4, %broadcast_in_dim3A_884], %get3A_892 : memref<4x4x8x133xf32, #tpu.memory_space<vmem>>[vector<16xi32>, vector<16xi32>, vector<16xi32>, vector<16xi32>], vector<16xf32>,
      %mul3A_893 = arith.constant 4 : i32
      %mul3A_894 = arith.muli %scan3A_841, %mul3A_893 : i32
      %add3A_895 = arith.constant 0 : i32
      %add3A_896 = arith.addi %mul3A_894, %add3A_895 : i32
      %broadcast_in_dim3A_897 = vector.broadcast %add3A_896 : i32 to vector<16xi32>
      %add3A_898 = arith.constant 128 : i32
      %add3A_899 = arith.addi %add3A_898, %add3A_896 : i32
      %get3A_900 = arith.index_cast %add3A_899 : i32 to index
      %get3A_901 = arith.constant 0 : index
      %get3A_902 = tpu.vector_load %arg7[%get3A_900, %get3A_901] {strides = array<i32>} : memref<512x32xf32, #tpu.memory_space<vmem>>, vector<16xf32>,
      tpu.vector_store_idx %arg9[%add3A_9, %broadcast_in_dim3A_18, %and3A_4, %broadcast_in_dim3A_897], %get3A_902 : memref<4x4x8x133xf32, #tpu.memory_space<vmem>>[vector<16xi32>, vector<16xi32>, vector<16xi32>, vector<16xi32>], vector<16xf32>,
      %get3A_903 = arith.index_cast %add3A_899 : i32 to index
      %get3A_904 = arith.constant 16 : index
      %get3A_905 = tpu.vector_load %arg7[%get3A_903, %get3A_904] {strides = array<i32>} : memref<512x32xf32, #tpu.memory_space<vmem>>, vector<16xf32>,
      tpu.vector_store_idx %arg9[%add3A_15, %broadcast_in_dim3A_18, %and3A_4, %broadcast_in_dim3A_897], %get3A_905 : memref<4x4x8x133xf32, #tpu.memory_space<vmem>>[vector<16xi32>, vector<16xi32>, vector<16xi32>, vector<16xi32>], vector<16xf32>,
      %mul3A_906 = arith.constant 4 : i32
      %mul3A_907 = arith.muli %scan3A_841, %mul3A_906 : i32
      %add3A_908 = arith.constant 1 : i32
      %add3A_909 = arith.addi %mul3A_907, %add3A_908 : i32
      %broadcast_in_dim3A_910 = vector.broadcast %add3A_909 : i32 to vector<16xi32>
      %add3A_911 = arith.constant 128 : i32
      %add3A_912 = arith.addi %add3A_911, %add3A_909 : i32
      %get3A_913 = arith.index_cast %add3A_912 : i32 to index
      %get3A_914 = arith.constant 0 : index
      %get3A_915 = tpu.vector_load %arg7[%get3A_913, %get3A_914] {strides = array<i32>} : memref<512x32xf32, #tpu.memory_space<vmem>>, vector<16xf32>,
      tpu.vector_store_idx %arg9[%add3A_9, %broadcast_in_dim3A_18, %and3A_4, %broadcast_in_dim3A_910], %get3A_915 : memref<4x4x8x133xf32, #tpu.memory_space<vmem>>[vector<16xi32>, vector<16xi32>, vector<16xi32>, vector<16xi32>], vector<16xf32>,
      %get3A_916 = arith.index_cast %add3A_912 : i32 to index
      %get3A_917 = arith.constant 16 : index
      %get3A_918 = tpu.vector_load %arg7[%get3A_916, %get3A_917] {strides = array<i32>} : memref<512x32xf32, #tpu.memory_space<vmem>>, vector<16xf32>,
      tpu.vector_store_idx %arg9[%add3A_15, %broadcast_in_dim3A_18, %and3A_4, %broadcast_in_dim3A_910], %get3A_918 : memref<4x4x8x133xf32, #tpu.memory_space<vmem>>[vector<16xi32>, vector<16xi32>, vector<16xi32>, vector<16xi32>], vector<16xf32>,
      %mul3A_919 = arith.constant 4 : i32
      %mul3A_920 = arith.muli %scan3A_841, %mul3A_919 : i32
      %add3A_921 = arith.constant 2 : i32
      %add3A_922 = arith.addi %mul3A_920, %add3A_921 : i32
      %broadcast_in_dim3A_923 = vector.broadcast %add3A_922 : i32 to vector<16xi32>
      %add3A_924 = arith.constant 128 : i32
      %add3A_925 = arith.addi %add3A_924, %add3A_922 : i32
      %get3A_926 = arith.index_cast %add3A_925 : i32 to index
      %get3A_927 = arith.constant 0 : index
      %get3A_928 = tpu.vector_load %arg7[%get3A_926, %get3A_927] {strides = array<i32>} : memref<512x32xf32, #tpu.memory_space<vmem>>, vector<16xf32>,
      tpu.vector_store_idx %arg9[%add3A_9, %broadcast_in_dim3A_18, %and3A_4, %broadcast_in_dim3A_923], %get3A_928 : memref<4x4x8x133xf32, #tpu.memory_space<vmem>>[vector<16xi32>, vector<16xi32>, vector<16xi32>, vector<16xi32>], vector<16xf32>,
      %get3A_929 = arith.index_cast %add3A_925 : i32 to index
      %get3A_930 = arith.constant 16 : index
      %get3A_931 = tpu.vector_load %arg7[%get3A_929, %get3A_930] {strides = array<i32>} : memref<512x32xf32, #tpu.memory_space<vmem>>, vector<16xf32>,
      tpu.vector_store_idx %arg9[%add3A_15, %broadcast_in_dim3A_18, %and3A_4, %broadcast_in_dim3A_923], %get3A_931 : memref<4x4x8x133xf32, #tpu.memory_space<vmem>>[vector<16xi32>, vector<16xi32>, vector<16xi32>, vector<16xi32>], vector<16xf32>,
      %mul3A_932 = arith.constant 4 : i32
      %mul3A_933 = arith.muli %scan3A_841, %mul3A_932 : i32
      %add3A_934 = arith.constant 3 : i32
      %add3A_935 = arith.addi %mul3A_933, %add3A_934 : i32
      %broadcast_in_dim3A_936 = vector.broadcast %add3A_935 : i32 to vector<16xi32>
      %add3A_937 = arith.constant 128 : i32
      %add3A_938 = arith.addi %add3A_937, %add3A_935 : i32
      %get3A_939 = arith.index_cast %add3A_938 : i32 to index
      %get3A_940 = arith.constant 0 : index
      %get3A_941 = tpu.vector_load %arg7[%get3A_939, %get3A_940] {strides = array<i32>} : memref<512x32xf32, #tpu.memory_space<vmem>>, vector<16xf32>,
      tpu.vector_store_idx %arg9[%add3A_9, %broadcast_in_dim3A_18, %and3A_4, %broadcast_in_dim3A_936], %get3A_941 : memref<4x4x8x133xf32, #tpu.memory_space<vmem>>[vector<16xi32>, vector<16xi32>, vector<16xi32>, vector<16xi32>], vector<16xf32>,
      %get3A_942 = arith.index_cast %add3A_938 : i32 to index
      %get3A_943 = arith.constant 16 : index
      %get3A_944 = tpu.vector_load %arg7[%get3A_942, %get3A_943] {strides = array<i32>} : memref<512x32xf32, #tpu.memory_space<vmem>>, vector<16xf32>,
      tpu.vector_store_idx %arg9[%add3A_15, %broadcast_in_dim3A_18, %and3A_4, %broadcast_in_dim3A_936], %get3A_944 : memref<4x4x8x133xf32, #tpu.memory_space<vmem>>[vector<16xi32>, vector<16xi32>, vector<16xi32>, vector<16xi32>], vector<16xf32>,
      %mul3A_945 = arith.constant 4 : i32
      %mul3A_946 = arith.muli %scan3A_841, %mul3A_945 : i32
      %add3A_947 = arith.constant 0 : i32
      %add3A_948 = arith.addi %mul3A_946, %add3A_947 : i32
      %broadcast_in_dim3A_949 = vector.broadcast %add3A_948 : i32 to vector<16xi32>
      %add3A_950 = arith.constant 256 : i32
      %add3A_951 = arith.addi %add3A_950, %add3A_948 : i32
      %get3A_952 = arith.index_cast %add3A_951 : i32 to index
      %get3A_953 = arith.constant 0 : index
      %get3A_954 = tpu.vector_load %arg7[%get3A_952, %get3A_953] {strides = array<i32>} : memref<512x32xf32, #tpu.memory_space<vmem>>, vector<16xf32>,
      tpu.vector_store_idx %arg9[%add3A_9, %broadcast_in_dim3A_20, %and3A_4, %broadcast_in_dim3A_949], %get3A_954 : memref<4x4x8x133xf32, #tpu.memory_space<vmem>>[vector<16xi32>, vector<16xi32>, vector<16xi32>, vector<16xi32>], vector<16xf32>,
      %get3A_955 = arith.index_cast %add3A_951 : i32 to index
      %get3A_956 = arith.constant 16 : index
      %get3A_957 = tpu.vector_load %arg7[%get3A_955, %get3A_956] {strides = array<i32>} : memref<512x32xf32, #tpu.memory_space<vmem>>, vector<16xf32>,
      tpu.vector_store_idx %arg9[%add3A_15, %broadcast_in_dim3A_20, %and3A_4, %broadcast_in_dim3A_949], %get3A_957 : memref<4x4x8x133xf32, #tpu.memory_space<vmem>>[vector<16xi32>, vector<16xi32>, vector<16xi32>, vector<16xi32>], vector<16xf32>,
      %mul3A_958 = arith.constant 4 : i32
      %mul3A_959 = arith.muli %scan3A_841, %mul3A_958 : i32
      %add3A_960 = arith.constant 1 : i32
      %add3A_961 = arith.addi %mul3A_959, %add3A_960 : i32
      %broadcast_in_dim3A_962 = vector.broadcast %add3A_961 : i32 to vector<16xi32>
      %add3A_963 = arith.constant 256 : i32
      %add3A_964 = arith.addi %add3A_963, %add3A_961 : i32
      %get3A_965 = arith.index_cast %add3A_964 : i32 to index
      %get3A_966 = arith.constant 0 : index
      %get3A_967 = tpu.vector_load %arg7[%get3A_965, %get3A_966] {strides = array<i32>} : memref<512x32xf32, #tpu.memory_space<vmem>>, vector<16xf32>,
      tpu.vector_store_idx %arg9[%add3A_9, %broadcast_in_dim3A_20, %and3A_4, %broadcast_in_dim3A_962], %get3A_967 : memref<4x4x8x133xf32, #tpu.memory_space<vmem>>[vector<16xi32>, vector<16xi32>, vector<16xi32>, vector<16xi32>], vector<16xf32>,
      %get3A_968 = arith.index_cast %add3A_964 : i32 to index
      %get3A_969 = arith.constant 16 : index
      %get3A_970 = tpu.vector_load %arg7[%get3A_968, %get3A_969] {strides = array<i32>} : memref<512x32xf32, #tpu.memory_space<vmem>>, vector<16xf32>,
      tpu.vector_store_idx %arg9[%add3A_15, %broadcast_in_dim3A_20, %and3A_4, %broadcast_in_dim3A_962], %get3A_970 : memref<4x4x8x133xf32, #tpu.memory_space<vmem>>[vector<16xi32>, vector<16xi32>, vector<16xi32>, vector<16xi32>], vector<16xf32>,
      %mul3A_971 = arith.constant 4 : i32
      %mul3A_972 = arith.muli %scan3A_841, %mul3A_971 : i32
      %add3A_973 = arith.constant 2 : i32
      %add3A_974 = arith.addi %mul3A_972, %add3A_973 : i32
      %broadcast_in_dim3A_975 = vector.broadcast %add3A_974 : i32 to vector<16xi32>
      %add3A_976 = arith.constant 256 : i32
      %add3A_977 = arith.addi %add3A_976, %add3A_974 : i32
      %get3A_978 = arith.index_cast %add3A_977 : i32 to index
      %get3A_979 = arith.constant 0 : index
      %get3A_980 = tpu.vector_load %arg7[%get3A_978, %get3A_979] {strides = array<i32>} : memref<512x32xf32, #tpu.memory_space<vmem>>, vector<16xf32>,
      tpu.vector_store_idx %arg9[%add3A_9, %broadcast_in_dim3A_20, %and3A_4, %broadcast_in_dim3A_975], %get3A_980 : memref<4x4x8x133xf32, #tpu.memory_space<vmem>>[vector<16xi32>, vector<16xi32>, vector<16xi32>, vector<16xi32>], vector<16xf32>,
      %get3A_981 = arith.index_cast %add3A_977 : i32 to index
      %get3A_982 = arith.constant 16 : index
      %get3A_983 = tpu.vector_load %arg7[%get3A_981, %get3A_982] {strides = array<i32>} : memref<512x32xf32, #tpu.memory_space<vmem>>, vector<16xf32>,
      tpu.vector_store_idx %arg9[%add3A_15, %broadcast_in_dim3A_20, %and3A_4, %broadcast_in_dim3A_975], %get3A_983 : memref<4x4x8x133xf32, #tpu.memory_space<vmem>>[vector<16xi32>, vector<16xi32>, vector<16xi32>, vector<16xi32>], vector<16xf32>,
      %mul3A_984 = arith.constant 4 : i32
      %mul3A_985 = arith.muli %scan3A_841, %mul3A_984 : i32
      %add3A_986 = arith.constant 3 : i32
      %add3A_987 = arith.addi %mul3A_985, %add3A_986 : i32
      %broadcast_in_dim3A_988 = vector.broadcast %add3A_987 : i32 to vector<16xi32>
      %add3A_989 = arith.constant 256 : i32
      %add3A_990 = arith.addi %add3A_989, %add3A_987 : i32
      %get3A_991 = arith.index_cast %add3A_990 : i32 to index
      %get3A_992 = arith.constant 0 : index
      %get3A_993 = tpu.vector_load %arg7[%get3A_991, %get3A_992] {strides = array<i32>} : memref<512x32xf32, #tpu.memory_space<vmem>>, vector<16xf32>,
      tpu.vector_store_idx %arg9[%add3A_9, %broadcast_in_dim3A_20, %and3A_4, %broadcast_in_dim3A_988], %get3A_993 : memref<4x4x8x133xf32, #tpu.memory_space<vmem>>[vector<16xi32>, vector<16xi32>, vector<16xi32>, vector<16xi32>], vector<16xf32>,
      %get3A_994 = arith.index_cast %add3A_990 : i32 to index
      %get3A_995 = arith.constant 16 : index
      %get3A_996 = tpu.vector_load %arg7[%get3A_994, %get3A_995] {strides = array<i32>} : memref<512x32xf32, #tpu.memory_space<vmem>>, vector<16xf32>,
      tpu.vector_store_idx %arg9[%add3A_15, %broadcast_in_dim3A_20, %and3A_4, %broadcast_in_dim3A_988], %get3A_996 : memref<4x4x8x133xf32, #tpu.memory_space<vmem>>[vector<16xi32>, vector<16xi32>, vector<16xi32>, vector<16xi32>], vector<16xf32>,
      %mul3A_997 = arith.constant 4 : i32
      %mul3A_998 = arith.muli %scan3A_841, %mul3A_997 : i32
      %add3A_999 = arith.constant 0 : i32
      %add3A_1000 = arith.addi %mul3A_998, %add3A_999 : i32
      %broadcast_in_dim3A_1001 = vector.broadcast %add3A_1000 : i32 to vector<16xi32>
      %add3A_1002 = arith.constant 384 : i32
      %add3A_1003 = arith.addi %add3A_1002, %add3A_1000 : i32
      %get3A_1004 = arith.index_cast %add3A_1003 : i32 to index
      %get3A_1005 = arith.constant 0 : index
      %get3A_1006 = tpu.vector_load %arg7[%get3A_1004, %get3A_1005] {strides = array<i32>} : memref<512x32xf32, #tpu.memory_space<vmem>>, vector<16xf32>,
      tpu.vector_store_idx %arg9[%add3A_9, %broadcast_in_dim3A_22, %and3A_4, %broadcast_in_dim3A_1001], %get3A_1006 : memref<4x4x8x133xf32, #tpu.memory_space<vmem>>[vector<16xi32>, vector<16xi32>, vector<16xi32>, vector<16xi32>], vector<16xf32>,
      %get3A_1007 = arith.index_cast %add3A_1003 : i32 to index
      %get3A_1008 = arith.constant 16 : index
      %get3A_1009 = tpu.vector_load %arg7[%get3A_1007, %get3A_1008] {strides = array<i32>} : memref<512x32xf32, #tpu.memory_space<vmem>>, vector<16xf32>,
      tpu.vector_store_idx %arg9[%add3A_15, %broadcast_in_dim3A_22, %and3A_4, %broadcast_in_dim3A_1001], %get3A_1009 : memref<4x4x8x133xf32, #tpu.memory_space<vmem>>[vector<16xi32>, vector<16xi32>, vector<16xi32>, vector<16xi32>], vector<16xf32>,
      %mul3A_1010 = arith.constant 4 : i32
      %mul3A_1011 = arith.muli %scan3A_841, %mul3A_1010 : i32
      %add3A_1012 = arith.constant 1 : i32
      %add3A_1013 = arith.addi %mul3A_1011, %add3A_1012 : i32
      %broadcast_in_dim3A_1014 = vector.broadcast %add3A_1013 : i32 to vector<16xi32>
      %add3A_1015 = arith.constant 384 : i32
      %add3A_1016 = arith.addi %add3A_1015, %add3A_1013 : i32
      %get3A_1017 = arith.index_cast %add3A_1016 : i32 to index
      %get3A_1018 = arith.constant 0 : index
      %get3A_1019 = tpu.vector_load %arg7[%get3A_1017, %get3A_1018] {strides = array<i32>} : memref<512x32xf32, #tpu.memory_space<vmem>>, vector<16xf32>,
      tpu.vector_store_idx %arg9[%add3A_9, %broadcast_in_dim3A_22, %and3A_4, %broadcast_in_dim3A_1014], %get3A_1019 : memref<4x4x8x133xf32, #tpu.memory_space<vmem>>[vector<16xi32>, vector<16xi32>, vector<16xi32>, vector<16xi32>], vector<16xf32>,
      %get3A_1020 = arith.index_cast %add3A_1016 : i32 to index
      %get3A_1021 = arith.constant 16 : index
      %get3A_1022 = tpu.vector_load %arg7[%get3A_1020, %get3A_1021] {strides = array<i32>} : memref<512x32xf32, #tpu.memory_space<vmem>>, vector<16xf32>,
      tpu.vector_store_idx %arg9[%add3A_15, %broadcast_in_dim3A_22, %and3A_4, %broadcast_in_dim3A_1014], %get3A_1022 : memref<4x4x8x133xf32, #tpu.memory_space<vmem>>[vector<16xi32>, vector<16xi32>, vector<16xi32>, vector<16xi32>], vector<16xf32>,
      %mul3A_1023 = arith.constant 4 : i32
      %mul3A_1024 = arith.muli %scan3A_841, %mul3A_1023 : i32
      %add3A_1025 = arith.constant 2 : i32
      %add3A_1026 = arith.addi %mul3A_1024, %add3A_1025 : i32
      %broadcast_in_dim3A_1027 = vector.broadcast %add3A_1026 : i32 to vector<16xi32>
      %add3A_1028 = arith.constant 384 : i32
      %add3A_1029 = arith.addi %add3A_1028, %add3A_1026 : i32
      %get3A_1030 = arith.index_cast %add3A_1029 : i32 to index
      %get3A_1031 = arith.constant 0 : index
      %get3A_1032 = tpu.vector_load %arg7[%get3A_1030, %get3A_1031] {strides = array<i32>} : memref<512x32xf32, #tpu.memory_space<vmem>>, vector<16xf32>,
      tpu.vector_store_idx %arg9[%add3A_9, %broadcast_in_dim3A_22, %and3A_4, %broadcast_in_dim3A_1027], %get3A_1032 : memref<4x4x8x133xf32, #tpu.memory_space<vmem>>[vector<16xi32>, vector<16xi32>, vector<16xi32>, vector<16xi32>], vector<16xf32>,
      %get3A_1033 = arith.index_cast %add3A_1029 : i32 to index
      %get3A_1034 = arith.constant 16 : index
      %get3A_1035 = tpu.vector_load %arg7[%get3A_1033, %get3A_1034] {strides = array<i32>} : memref<512x32xf32, #tpu.memory_space<vmem>>, vector<16xf32>,
      tpu.vector_store_idx %arg9[%add3A_15, %broadcast_in_dim3A_22, %and3A_4, %broadcast_in_dim3A_1027], %get3A_1035 : memref<4x4x8x133xf32, #tpu.memory_space<vmem>>[vector<16xi32>, vector<16xi32>, vector<16xi32>, vector<16xi32>], vector<16xf32>,
      %mul3A_1036 = arith.constant 4 : i32
      %mul3A_1037 = arith.muli %scan3A_841, %mul3A_1036 : i32
      %add3A_1038 = arith.constant 3 : i32
      %add3A_1039 = arith.addi %mul3A_1037, %add3A_1038 : i32
      %broadcast_in_dim3A_1040 = vector.broadcast %add3A_1039 : i32 to vector<16xi32>
      %add3A_1041 = arith.constant 384 : i32
      %add3A_1042 = arith.addi %add3A_1041, %add3A_1039 : i32
      %get3A_1043 = arith.index_cast %add3A_1042 : i32 to index
      %get3A_1044 = arith.constant 0 : index
      %get3A_1045 = tpu.vector_load %arg7[%get3A_1043, %get3A_1044] {strides = array<i32>} : memref<512x32xf32, #tpu.memory_space<vmem>>, vector<16xf32>,
      tpu.vector_store_idx %arg9[%add3A_9, %broadcast_in_dim3A_22, %and3A_4, %broadcast_in_dim3A_1040], %get3A_1045 : memref<4x4x8x133xf32, #tpu.memory_space<vmem>>[vector<16xi32>, vector<16xi32>, vector<16xi32>, vector<16xi32>], vector<16xf32>,
      %get3A_1046 = arith.index_cast %add3A_1042 : i32 to index
      %get3A_1047 = arith.constant 16 : index
      %get3A_1048 = tpu.vector_load %arg7[%get3A_1046, %get3A_1047] {strides = array<i32>} : memref<512x32xf32, #tpu.memory_space<vmem>>, vector<16xf32>,
      tpu.vector_store_idx %arg9[%add3A_15, %broadcast_in_dim3A_22, %and3A_4, %broadcast_in_dim3A_1040], %get3A_1048 : memref<4x4x8x133xf32, #tpu.memory_space<vmem>>[vector<16xi32>, vector<16xi32>, vector<16xi32>, vector<16xi32>], vector<16xf32>,
    }
    %scan3A_161 = arith.constant 32 : i32
    %mul3A_162 = arith.constant 4 : i32
    %mul3A_163 = arith.muli %add3A_149, %mul3A_162 : i32
    %shift_right_arithmetic3A_164 = arith.constant 7 : i32
    %shift_right_arithmetic3A_165 = arith.shrsi %mul3A_163, %shift_right_arithmetic3A_164 : i32
    %and3A_166 = arith.constant 127 : i32
    %and3A_167 = arith.andi %mul3A_163, %and3A_166 : i32
    %dma_start3A_168 = arith.constant 0 : i32
    %dma_start3A_169 = arith.constant 0 : i32
    %dma_start3A_170 = arith.constant 0 : i32
    %dma_start3A_171 = arith.constant 0 : i32
    %dma_start3A_172 = arith.constant 0 : i32
    %dma_start3A_173 = tpu.memref_slice %arg9[%dma_start3A_168, %dma_start3A_170, %dma_start3A_171, %dma_start3A_172] : memref<4x4x8x133xf32, #tpu.memory_space<vmem>> -> memref<1x4x8x128xf32, #tpu.memory_space<vmem>>
    %dma_start3A_174 = tpu.memref_squeeze %dma_start3A_173 : memref<1x4x8x128xf32, #tpu.memory_space<vmem>> -> memref<4x8x128xf32, #tpu.memory_space<vmem>>
    %dma_start3A_175 = arith.constant 0 : i32
    %dma_start3A_176 = arith.constant 0 : i32
    %dma_start3A_177 = tpu.memref_slice %arg4[%shift_right_arithmetic3A_165, %dma_start3A_169, %and3A_167, %dma_start3A_175, %dma_start3A_176] : memref<50x4x128x8x128xf32, #tpu.memory_space<hbm>> -> memref<1x1x4x8x128xf32, #tpu.memory_space<hbm>>
    %dma_start3A_178 = tpu.memref_squeeze %dma_start3A_177 : memref<1x1x4x8x128xf32, #tpu.memory_space<hbm>> -> memref<4x8x128xf32, #tpu.memory_space<hbm>>
    %dma_start3A_179 = arith.constant 0 : i32
    %dma_start3A_180 = arith.constant 0 : i32
    %dma_start3A_181 = tpu.memref_slice %arg4[%shift_right_arithmetic3A_165, %dma_start3A_169, %and3A_167, %dma_start3A_179, %dma_start3A_180] : memref<50x4x128x8x128xf32, #tpu.memory_space<hbm>> -> memref<1x1x4x8x128xf32, #tpu.memory_space<hbm>>
    %dma_start3A_182 = tpu.memref_squeeze %dma_start3A_181 : memref<1x1x4x8x128xf32, #tpu.memory_space<hbm>> -> memref<4x8x128xf32, #tpu.memory_space<hbm>>
    %dma_start3A_183 = arith.constant 0 : i32
    %dma_start3A_184 = arith.constant 0 : i32
    %dma_start3A_185 = arith.constant 0 : i32
    %dma_start3A_186 = tpu.memref_slice %arg9[%dma_start3A_168, %dma_start3A_183, %dma_start3A_184, %dma_start3A_185] : memref<4x4x8x133xf32, #tpu.memory_space<vmem>> -> memref<1x4x8x128xf32, #tpu.memory_space<vmem>>
    %dma_start3A_187 = tpu.memref_squeeze %dma_start3A_186 : memref<1x4x8x128xf32, #tpu.memory_space<vmem>> -> memref<4x8x128xf32, #tpu.memory_space<vmem>>
    tpu.enqueue_dma source(%dma_start3A_187 : memref<4x8x128xf32, #tpu.memory_space<vmem>>) target(%dma_start3A_182 : memref<4x8x128xf32, #tpu.memory_space<hbm>>) target_semaphore(%arg13 : memref<!tpu.dma_semaphore, #tpu.memory_space<semaphore_mem>>)
    %dma_start3A_188 = arith.constant 1 : i32
    %dma_start3A_189 = arith.constant 1 : i32
    %dma_start3A_190 = arith.constant 0 : i32
    %dma_start3A_191 = arith.constant 0 : i32
    %dma_start3A_192 = arith.constant 0 : i32
    %dma_start3A_193 = tpu.memref_slice %arg9[%dma_start3A_188, %dma_start3A_190, %dma_start3A_191, %dma_start3A_192] : memref<4x4x8x133xf32, #tpu.memory_space<vmem>> -> memref<1x4x8x128xf32, #tpu.memory_space<vmem>>
    %dma_start3A_194 = tpu.memref_squeeze %dma_start3A_193 : memref<1x4x8x128xf32, #tpu.memory_space<vmem>> -> memref<4x8x128xf32, #tpu.memory_space<vmem>>
    %dma_start3A_195 = arith.constant 0 : i32
    %dma_start3A_196 = arith.constant 0 : i32
    %dma_start3A_197 = tpu.memref_slice %arg4[%shift_right_arithmetic3A_165, %dma_start3A_189, %and3A_167, %dma_start3A_195, %dma_start3A_196] : memref<50x4x128x8x128xf32, #tpu.memory_space<hbm>> -> memref<1x1x4x8x128xf32, #tpu.memory_space<hbm>>
    %dma_start3A_198 = tpu.memref_squeeze %dma_start3A_197 : memref<1x1x4x8x128xf32, #tpu.memory_space<hbm>> -> memref<4x8x128xf32, #tpu.memory_space<hbm>>
    %dma_start3A_199 = arith.constant 0 : i32
    %dma_start3A_200 = arith.constant 0 : i32
    %dma_start3A_201 = tpu.memref_slice %arg4[%shift_right_arithmetic3A_165, %dma_start3A_189, %and3A_167, %dma_start3A_199, %dma_start3A_200] : memref<50x4x128x8x128xf32, #tpu.memory_space<hbm>> -> memref<1x1x4x8x128xf32, #tpu.memory_space<hbm>>
    %dma_start3A_202 = tpu.memref_squeeze %dma_start3A_201 : memref<1x1x4x8x128xf32, #tpu.memory_space<hbm>> -> memref<4x8x128xf32, #tpu.memory_space<hbm>>
    %dma_start3A_203 = arith.constant 0 : i32
    %dma_start3A_204 = arith.constant 0 : i32
    %dma_start3A_205 = arith.constant 0 : i32
    %dma_start3A_206 = tpu.memref_slice %arg9[%dma_start3A_188, %dma_start3A_203, %dma_start3A_204, %dma_start3A_205] : memref<4x4x8x133xf32, #tpu.memory_space<vmem>> -> memref<1x4x8x128xf32, #tpu.memory_space<vmem>>
    %dma_start3A_207 = tpu.memref_squeeze %dma_start3A_206 : memref<1x4x8x128xf32, #tpu.memory_space<vmem>> -> memref<4x8x128xf32, #tpu.memory_space<vmem>>
    tpu.enqueue_dma source(%dma_start3A_207 : memref<4x8x128xf32, #tpu.memory_space<vmem>>) target(%dma_start3A_202 : memref<4x8x128xf32, #tpu.memory_space<hbm>>) target_semaphore(%arg13 : memref<!tpu.dma_semaphore, #tpu.memory_space<semaphore_mem>>)
    %dma_start3A_208 = arith.constant 2 : i32
    %dma_start3A_209 = arith.constant 2 : i32
    %dma_start3A_210 = arith.constant 0 : i32
    %dma_start3A_211 = arith.constant 0 : i32
    %dma_start3A_212 = arith.constant 0 : i32
    %dma_start3A_213 = tpu.memref_slice %arg9[%dma_start3A_208, %dma_start3A_210, %dma_start3A_211, %dma_start3A_212] : memref<4x4x8x133xf32, #tpu.memory_space<vmem>> -> memref<1x4x8x128xf32, #tpu.memory_space<vmem>>
    %dma_start3A_214 = tpu.memref_squeeze %dma_start3A_213 : memref<1x4x8x128xf32, #tpu.memory_space<vmem>> -> memref<4x8x128xf32, #tpu.memory_space<vmem>>
    %dma_start3A_215 = arith.constant 0 : i32
    %dma_start3A_216 = arith.constant 0 : i32
    %dma_start3A_217 = tpu.memref_slice %arg4[%shift_right_arithmetic3A_165, %dma_start3A_209, %and3A_167, %dma_start3A_215, %dma_start3A_216] : memref<50x4x128x8x128xf32, #tpu.memory_space<hbm>> -> memref<1x1x4x8x128xf32, #tpu.memory_space<hbm>>
    %dma_start3A_218 = tpu.memref_squeeze %dma_start3A_217 : memref<1x1x4x8x128xf32, #tpu.memory_space<hbm>> -> memref<4x8x128xf32, #tpu.memory_space<hbm>>
    %dma_start3A_219 = arith.constant 0 : i32
    %dma_start3A_220 = arith.constant 0 : i32
    %dma_start3A_221 = tpu.memref_slice %arg4[%shift_right_arithmetic3A_165, %dma_start3A_209, %and3A_167, %dma_start3A_219, %dma_start3A_220] : memref<50x4x128x8x128xf32, #tpu.memory_space<hbm>> -> memref<1x1x4x8x128xf32, #tpu.memory_space<hbm>>
    %dma_start3A_222 = tpu.memref_squeeze %dma_start3A_221 : memref<1x1x4x8x128xf32, #tpu.memory_space<hbm>> -> memref<4x8x128xf32, #tpu.memory_space<hbm>>
    %dma_start3A_223 = arith.constant 0 : i32
    %dma_start3A_224 = arith.constant 0 : i32
    %dma_start3A_225 = arith.constant 0 : i32
    %dma_start3A_226 = tpu.memref_slice %arg9[%dma_start3A_208, %dma_start3A_223, %dma_start3A_224, %dma_start3A_225] : memref<4x4x8x133xf32, #tpu.memory_space<vmem>> -> memref<1x4x8x128xf32, #tpu.memory_space<vmem>>
    %dma_start3A_227 = tpu.memref_squeeze %dma_start3A_226 : memref<1x4x8x128xf32, #tpu.memory_space<vmem>> -> memref<4x8x128xf32, #tpu.memory_space<vmem>>
    tpu.enqueue_dma source(%dma_start3A_227 : memref<4x8x128xf32, #tpu.memory_space<vmem>>) target(%dma_start3A_222 : memref<4x8x128xf32, #tpu.memory_space<hbm>>) target_semaphore(%arg13 : memref<!tpu.dma_semaphore, #tpu.memory_space<semaphore_mem>>)
    %dma_start3A_228 = arith.constant 3 : i32
    %dma_start3A_229 = arith.constant 3 : i32
    %dma_start3A_230 = arith.constant 0 : i32
    %dma_start3A_231 = arith.constant 0 : i32
    %dma_start3A_232 = arith.constant 0 : i32
    %dma_start3A_233 = tpu.memref_slice %arg9[%dma_start3A_228, %dma_start3A_230, %dma_start3A_231, %dma_start3A_232] : memref<4x4x8x133xf32, #tpu.memory_space<vmem>> -> memref<1x4x8x128xf32, #tpu.memory_space<vmem>>
    %dma_start3A_234 = tpu.memref_squeeze %dma_start3A_233 : memref<1x4x8x128xf32, #tpu.memory_space<vmem>> -> memref<4x8x128xf32, #tpu.memory_space<vmem>>
    %dma_start3A_235 = arith.constant 0 : i32
    %dma_start3A_236 = arith.constant 0 : i32
    %dma_start3A_237 = tpu.memref_slice %arg4[%shift_right_arithmetic3A_165, %dma_start3A_229, %and3A_167, %dma_start3A_235, %dma_start3A_236] : memref<50x4x128x8x128xf32, #tpu.memory_space<hbm>> -> memref<1x1x4x8x128xf32, #tpu.memory_space<hbm>>
    %dma_start3A_238 = tpu.memref_squeeze %dma_start3A_237 : memref<1x1x4x8x128xf32, #tpu.memory_space<hbm>> -> memref<4x8x128xf32, #tpu.memory_space<hbm>>
    %dma_start3A_239 = arith.constant 0 : i32
    %dma_start3A_240 = arith.constant 0 : i32
    %dma_start3A_241 = tpu.memref_slice %arg4[%shift_right_arithmetic3A_165, %dma_start3A_229, %and3A_167, %dma_start3A_239, %dma_start3A_240] : memref<50x4x128x8x128xf32, #tpu.memory_space<hbm>> -> memref<1x1x4x8x128xf32, #tpu.memory_space<hbm>>
    %dma_start3A_242 = tpu.memref_squeeze %dma_start3A_241 : memref<1x1x4x8x128xf32, #tpu.memory_space<hbm>> -> memref<4x8x128xf32, #tpu.memory_space<hbm>>
    %dma_start3A_243 = arith.constant 0 : i32
    %dma_start3A_244 = arith.constant 0 : i32
    %dma_start3A_245 = arith.constant 0 : i32
    %dma_start3A_246 = tpu.memref_slice %arg9[%dma_start3A_228, %dma_start3A_243, %dma_start3A_244, %dma_start3A_245] : memref<4x4x8x133xf32, #tpu.memory_space<vmem>> -> memref<1x4x8x128xf32, #tpu.memory_space<vmem>>
    %dma_start3A_247 = tpu.memref_squeeze %dma_start3A_246 : memref<1x4x8x128xf32, #tpu.memory_space<vmem>> -> memref<4x8x128xf32, #tpu.memory_space<vmem>>
    tpu.enqueue_dma source(%dma_start3A_247 : memref<4x8x128xf32, #tpu.memory_space<vmem>>) target(%dma_start3A_242 : memref<4x8x128xf32, #tpu.memory_space<hbm>>) target_semaphore(%arg13 : memref<!tpu.dma_semaphore, #tpu.memory_space<semaphore_mem>>)
    %add3A_248 = arith.constant 1 : i32
    %add3A_249 = arith.addi %mul3A_2, %add3A_248 : i32
    %add3A_250 = arith.constant 2 : i32
    %add3A_251 = arith.addi %add3A_249, %add3A_250 : i32
    %sub3A_252 = arith.subi %add3A_251, %mul3A_2 : i32
    %mul3A_253 = arith.constant 512 : i32
    %mul3A_254 = arith.muli %sub3A_252, %mul3A_253 : i32
    %dma_start3A_255 = tpu.memref_slice %arg5[%mul3A_254] : memref<25600xi32, #tpu.memory_space<vmem>> -> memref<512xi32, #tpu.memory_space<vmem>>
    %dma_start3A_256 = arith.constant 0 : i32
    %dma_start3A_257 = arith.constant 0 : i32
    %dma_start3A_258 = tpu.memref_slice %arg3[%dma_start3A_256, %dma_start3A_257] : memref<1000000x32xf32, #tpu.memory_space<hbm>> -> memref<1000000x32xf32, #tpu.memory_space<hbm>>
    tpu.enqueue_indirect_dma source(%dma_start3A_258 : memref<1000000x32xf32, #tpu.memory_space<hbm>>) target(%arg7 : memref<512x32xf32, #tpu.memory_space<vmem>>) offsets(%dma_start3A_255 : memref<512xi32, #tpu.memory_space<vmem>>) semaphore(%arg11 : memref<!tpu.dma_semaphore, #tpu.memory_space<semaphore_mem>>)
    %scan3A_259 = arith.constant 0 : i32
    %scan3A_260 = arith.constant 1 : i32
    %scan3A_261 = arith.constant 23 : i32
    %scan3A_262 = arith.addi %scan3A_260, %scan3A_261 : i32
    %scan3A_263 = arith.constant 1 : i32
    scf.for %scan3A_841 = %scan3A_260 to %scan3A_262 step %scan3A_263  : i32 {
      %mul3A_842 = arith.constant 2 : i32
      %mul3A_843 = arith.muli %scan3A_841, %mul3A_842 : i32
      %add3A_844 = arith.addi %mul3A_2, %mul3A_843 : i32
      %add3A_845 = arith.constant 0 : i32
      %add3A_846 = arith.addi %add3A_844, %add3A_845 : i32
      %dma_wait3A_847 = arith.constant 0 : i32
      %dma_wait3A_848 = arith.constant 0 : i32
      %dma_wait3A_849 = tpu.memref_slice %arg3[%dma_wait3A_847, %dma_wait3A_848] : memref<1000000x32xf32, #tpu.memory_space<hbm>> -> memref<512x32xf32, #tpu.memory_space<hbm>>
      %dma_wait3A_850 = arith.constant 0 : i32
      %dma_wait3A_851 = arith.constant 0 : i32
      %dma_wait3A_852 = tpu.memref_slice %arg3[%dma_wait3A_850, %dma_wait3A_851] : memref<1000000x32xf32, #tpu.memory_space<hbm>> -> memref<512x32xf32, #tpu.memory_space<hbm>>
      tpu.wait_dma2 semaphore(%arg10 : memref<!tpu.dma_semaphore, #tpu.memory_space<semaphore_mem>>) src(%dma_wait3A_852 : memref<512x32xf32, #tpu.memory_space<hbm>>) dst(%arg6 : memref<512x32xf32, #tpu.memory_space<vmem>>)
      %dma_wait3A_853 = arith.constant 0 : i32
      %dma_wait3A_854 = arith.constant 0 : i32
      %dma_wait3A_855 = arith.constant 0 : i32
      %dma_wait3A_856 = arith.constant 0 : i32
      %dma_wait3A_857 = arith.constant 0 : i32
      %dma_wait3A_858 = arith.constant 0 : i32
      %dma_wait3A_859 = tpu.memref_slice %arg8[%dma_wait3A_853, %dma_wait3A_856, %dma_wait3A_857, %dma_wait3A_858] : memref<4x4x8x133xf32, #tpu.memory_space<vmem>> -> memref<1x4x8x128xf32, #tpu.memory_space<vmem>>
      %dma_wait3A_860 = tpu.memref_squeeze %dma_wait3A_859 : memref<1x4x8x128xf32, #tpu.memory_space<vmem>> -> memref<4x8x128xf32, #tpu.memory_space<vmem>>
      %dma_wait3A_861 = arith.constant 0 : i32
      %dma_wait3A_862 = arith.constant 0 : i32
      %dma_wait3A_863 = arith.constant 0 : i32
      %dma_wait3A_864 = tpu.memref_slice %arg4[%dma_wait3A_854, %dma_wait3A_855, %dma_wait3A_861, %dma_wait3A_862, %dma_wait3A_863] : memref<50x4x128x8x128xf32, #tpu.memory_space<hbm>> -> memref<1x1x4x8x128xf32, #tpu.memory_space<hbm>>
      %dma_wait3A_865 = tpu.memref_squeeze %dma_wait3A_864 : memref<1x1x4x8x128xf32, #tpu.memory_space<hbm>> -> memref<4x8x128xf32, #tpu.memory_space<hbm>>
      %dma_wait3A_866 = arith.constant 0 : i32
      %dma_wait3A_867 = arith.constant 0 : i32
      %dma_wait3A_868 = arith.constant 0 : i32
      %dma_wait3A_869 = tpu.memref_slice %arg4[%dma_wait3A_854, %dma_wait3A_855, %dma_wait3A_866, %dma_wait3A_867, %dma_wait3A_868] : memref<50x4x128x8x128xf32, #tpu.memory_space<hbm>> -> memref<1x1x4x8x128xf32, #tpu.memory_space<hbm>>
      %dma_wait3A_870 = tpu.memref_squeeze %dma_wait3A_869 : memref<1x1x4x8x128xf32, #tpu.memory_space<hbm>> -> memref<4x8x128xf32, #tpu.memory_space<hbm>>
      %dma_wait3A_871 = arith.constant 0 : i32
      %dma_wait3A_872 = arith.constant 0 : i32
      %dma_wait3A_873 = arith.constant 0 : i32
      %dma_wait3A_874 = tpu.memref_slice %arg8[%dma_wait3A_853, %dma_wait3A_871, %dma_wait3A_872, %dma_wait3A_873] : memref<4x4x8x133xf32, #tpu.memory_space<vmem>> -> memref<1x4x8x128xf32, #tpu.memory_space<vmem>>
      %dma_wait3A_875 = tpu.memref_squeeze %dma_wait3A_874 : memref<1x4x8x128xf32, #tpu.memory_space<vmem>> -> memref<4x8x128xf32, #tpu.memory_space<vmem>>
      tpu.wait_dma2 semaphore(%arg12 : memref<!tpu.dma_semaphore, #tpu.memory_space<semaphore_mem>>) src(%dma_wait3A_875 : memref<4x8x128xf32, #tpu.memory_space<vmem>>) dst(%dma_wait3A_870 : memref<4x8x128xf32, #tpu.memory_space<hbm>>)
      %dma_wait3A_876 = arith.constant 1 : i32
      %dma_wait3A_877 = arith.constant 0 : i32
      %dma_wait3A_878 = arith.constant 0 : i32
      %dma_wait3A_879 = arith.constant 0 : i32
      %dma_wait3A_880 = arith.constant 0 : i32
      %dma_wait3A_881 = arith.constant 0 : i32
      %dma_wait3A_882 = tpu.memref_slice %arg8[%dma_wait3A_876, %dma_wait3A_879, %dma_wait3A_880, %dma_wait3A_881] : memref<4x4x8x133xf32, #tpu.memory_space<vmem>> -> memref<1x4x8x128xf32, #tpu.memory_space<vmem>>
      %dma_wait3A_883 = tpu.memref_squeeze %dma_wait3A_882 : memref<1x4x8x128xf32, #tpu.memory_space<vmem>> -> memref<4x8x128xf32, #tpu.memory_space<vmem>>
      %dma_wait3A_884 = arith.constant 0 : i32
      %dma_wait3A_885 = arith.constant 0 : i32
      %dma_wait3A_886 = arith.constant 0 : i32
      %dma_wait3A_887 = tpu.memref_slice %arg4[%dma_wait3A_877, %dma_wait3A_878, %dma_wait3A_884, %dma_wait3A_885, %dma_wait3A_886] : memref<50x4x128x8x128xf32, #tpu.memory_space<hbm>> -> memref<1x1x4x8x128xf32, #tpu.memory_space<hbm>>
      %dma_wait3A_888 = tpu.memref_squeeze %dma_wait3A_887 : memref<1x1x4x8x128xf32, #tpu.memory_space<hbm>> -> memref<4x8x128xf32, #tpu.memory_space<hbm>>
      %dma_wait3A_889 = arith.constant 0 : i32
      %dma_wait3A_890 = arith.constant 0 : i32
      %dma_wait3A_891 = arith.constant 0 : i32
      %dma_wait3A_892 = tpu.memref_slice %arg4[%dma_wait3A_877, %dma_wait3A_878, %dma_wait3A_889, %dma_wait3A_890, %dma_wait3A_891] : memref<50x4x128x8x128xf32, #tpu.memory_space<hbm>> -> memref<1x1x4x8x128xf32, #tpu.memory_space<hbm>>
      %dma_wait3A_893 = tpu.memref_squeeze %dma_wait3A_892 : memref<1x1x4x8x128xf32, #tpu.memory_space<hbm>> -> memref<4x8x128xf32, #tpu.memory_space<hbm>>
      %dma_wait3A_894 = arith.constant 0 : i32
      %dma_wait3A_895 = arith.constant 0 : i32
      %dma_wait3A_896 = arith.constant 0 : i32
      %dma_wait3A_897 = tpu.memref_slice %arg8[%dma_wait3A_876, %dma_wait3A_894, %dma_wait3A_895, %dma_wait3A_896] : memref<4x4x8x133xf32, #tpu.memory_space<vmem>> -> memref<1x4x8x128xf32, #tpu.memory_space<vmem>>
      %dma_wait3A_898 = tpu.memref_squeeze %dma_wait3A_897 : memref<1x4x8x128xf32, #tpu.memory_space<vmem>> -> memref<4x8x128xf32, #tpu.memory_space<vmem>>
      tpu.wait_dma2 semaphore(%arg12 : memref<!tpu.dma_semaphore, #tpu.memory_space<semaphore_mem>>) src(%dma_wait3A_898 : memref<4x8x128xf32, #tpu.memory_space<vmem>>) dst(%dma_wait3A_893 : memref<4x8x128xf32, #tpu.memory_space<hbm>>)
      %dma_wait3A_899 = arith.constant 2 : i32
      %dma_wait3A_900 = arith.constant 0 : i32
      %dma_wait3A_901 = arith.constant 0 : i32
      %dma_wait3A_902 = arith.constant 0 : i32
      %dma_wait3A_903 = arith.constant 0 : i32
      %dma_wait3A_904 = arith.constant 0 : i32
      %dma_wait3A_905 = tpu.memref_slice %arg8[%dma_wait3A_899, %dma_wait3A_902, %dma_wait3A_903, %dma_wait3A_904] : memref<4x4x8x133xf32, #tpu.memory_space<vmem>> -> memref<1x4x8x128xf32, #tpu.memory_space<vmem>>
      %dma_wait3A_906 = tpu.memref_squeeze %dma_wait3A_905 : memref<1x4x8x128xf32, #tpu.memory_space<vmem>> -> memref<4x8x128xf32, #tpu.memory_space<vmem>>
      %dma_wait3A_907 = arith.constant 0 : i32
      %dma_wait3A_908 = arith.constant 0 : i32
      %dma_wait3A_909 = arith.constant 0 : i32
      %dma_wait3A_910 = tpu.memref_slice %arg4[%dma_wait3A_900, %dma_wait3A_901, %dma_wait3A_907, %dma_wait3A_908, %dma_wait3A_909] : memref<50x4x128x8x128xf32, #tpu.memory_space<hbm>> -> memref<1x1x4x8x128xf32, #tpu.memory_space<hbm>>
      %dma_wait3A_911 = tpu.memref_squeeze %dma_wait3A_910 : memref<1x1x4x8x128xf32, #tpu.memory_space<hbm>> -> memref<4x8x128xf32, #tpu.memory_space<hbm>>
      %dma_wait3A_912 = arith.constant 0 : i32
      %dma_wait3A_913 = arith.constant 0 : i32
      %dma_wait3A_914 = arith.constant 0 : i32
      %dma_wait3A_915 = tpu.memref_slice %arg4[%dma_wait3A_900, %dma_wait3A_901, %dma_wait3A_912, %dma_wait3A_913, %dma_wait3A_914] : memref<50x4x128x8x128xf32, #tpu.memory_space<hbm>> -> memref<1x1x4x8x128xf32, #tpu.memory_space<hbm>>
      %dma_wait3A_916 = tpu.memref_squeeze %dma_wait3A_915 : memref<1x1x4x8x128xf32, #tpu.memory_space<hbm>> -> memref<4x8x128xf32, #tpu.memory_space<hbm>>
      %dma_wait3A_917 = arith.constant 0 : i32
      %dma_wait3A_918 = arith.constant 0 : i32
      %dma_wait3A_919 = arith.constant 0 : i32
      %dma_wait3A_920 = tpu.memref_slice %arg8[%dma_wait3A_899, %dma_wait3A_917, %dma_wait3A_918, %dma_wait3A_919] : memref<4x4x8x133xf32, #tpu.memory_space<vmem>> -> memref<1x4x8x128xf32, #tpu.memory_space<vmem>>
      %dma_wait3A_921 = tpu.memref_squeeze %dma_wait3A_920 : memref<1x4x8x128xf32, #tpu.memory_space<vmem>> -> memref<4x8x128xf32, #tpu.memory_space<vmem>>
      tpu.wait_dma2 semaphore(%arg12 : memref<!tpu.dma_semaphore, #tpu.memory_space<semaphore_mem>>) src(%dma_wait3A_921 : memref<4x8x128xf32, #tpu.memory_space<vmem>>) dst(%dma_wait3A_916 : memref<4x8x128xf32, #tpu.memory_space<hbm>>)
      %dma_wait3A_922 = arith.constant 3 : i32
      %dma_wait3A_923 = arith.constant 0 : i32
      %dma_wait3A_924 = arith.constant 0 : i32
      %dma_wait3A_925 = arith.constant 0 : i32
      %dma_wait3A_926 = arith.constant 0 : i32
      %dma_wait3A_927 = arith.constant 0 : i32
      %dma_wait3A_928 = tpu.memref_slice %arg8[%dma_wait3A_922, %dma_wait3A_925, %dma_wait3A_926, %dma_wait3A_927] : memref<4x4x8x133xf32, #tpu.memory_space<vmem>> -> memref<1x4x8x128xf32, #tpu.memory_space<vmem>>
      %dma_wait3A_929 = tpu.memref_squeeze %dma_wait3A_928 : memref<1x4x8x128xf32, #tpu.memory_space<vmem>> -> memref<4x8x128xf32, #tpu.memory_space<vmem>>
      %dma_wait3A_930 = arith.constant 0 : i32
      %dma_wait3A_931 = arith.constant 0 : i32
      %dma_wait3A_932 = arith.constant 0 : i32
      %dma_wait3A_933 = tpu.memref_slice %arg4[%dma_wait3A_923, %dma_wait3A_924, %dma_wait3A_930, %dma_wait3A_931, %dma_wait3A_932] : memref<50x4x128x8x128xf32, #tpu.memory_space<hbm>> -> memref<1x1x4x8x128xf32, #tpu.memory_space<hbm>>
      %dma_wait3A_934 = tpu.memref_squeeze %dma_wait3A_933 : memref<1x1x4x8x128xf32, #tpu.memory_space<hbm>> -> memref<4x8x128xf32, #tpu.memory_space<hbm>>
      %dma_wait3A_935 = arith.constant 0 : i32
      %dma_wait3A_936 = arith.constant 0 : i32
      %dma_wait3A_937 = arith.constant 0 : i32
      %dma_wait3A_938 = tpu.memref_slice %arg4[%dma_wait3A_923, %dma_wait3A_924, %dma_wait3A_935, %dma_wait3A_936, %dma_wait3A_937] : memref<50x4x128x8x128xf32, #tpu.memory_space<hbm>> -> memref<1x1x4x8x128xf32, #tpu.memory_space<hbm>>
      %dma_wait3A_939 = tpu.memref_squeeze %dma_wait3A_938 : memref<1x1x4x8x128xf32, #tpu.memory_space<hbm>> -> memref<4x8x128xf32, #tpu.memory_space<hbm>>
      %dma_wait3A_940 = arith.constant 0 : i32
      %dma_wait3A_941 = arith.constant 0 : i32
      %dma_wait3A_942 = arith.constant 0 : i32
      %dma_wait3A_943 = tpu.memref_slice %arg8[%dma_wait3A_922, %dma_wait3A_940, %dma_wait3A_941, %dma_wait3A_942] : memref<4x4x8x133xf32, #tpu.memory_space<vmem>> -> memref<1x4x8x128xf32, #tpu.memory_space<vmem>>
      %dma_wait3A_944 = tpu.memref_squeeze %dma_wait3A_943 : memref<1x4x8x128xf32, #tpu.memory_space<vmem>> -> memref<4x8x128xf32, #tpu.memory_space<vmem>>
      tpu.wait_dma2 semaphore(%arg12 : memref<!tpu.dma_semaphore, #tpu.memory_space<semaphore_mem>>) src(%dma_wait3A_944 : memref<4x8x128xf32, #tpu.memory_space<vmem>>) dst(%dma_wait3A_939 : memref<4x8x128xf32, #tpu.memory_space<hbm>>)
      %scan3A_945 = arith.constant 0 : i32
      %scan3A_946 = arith.constant 0 : i32
      %scan3A_947 = arith.constant 32 : i32
      %scan3A_948 = arith.addi %scan3A_946, %scan3A_947 : i32
      %scan3A_949 = arith.constant 1 : i32
      scf.for %scan3A_1251 = %scan3A_946 to %scan3A_948 step %scan3A_949  : i32 {
        %mul3A_1252 = arith.constant 4 : i32
        %mul3A_1253 = arith.muli %scan3A_1251, %mul3A_1252 : i32
        %add3A_1254 = arith.constant 0 : i32
        %add3A_1255 = arith.addi %mul3A_1253, %add3A_1254 : i32
        %broadcast_in_dim3A_1256 = vector.broadcast %add3A_1255 : i32 to vector<16xi32>
        %add3A_1257 = arith.constant 0 : i32
        %add3A_1258 = arith.addi %add3A_1257, %add3A_1255 : i32
        %get3A = arith.index_cast %add3A_1258 : i32 to index
        %get3A_1259 = arith.constant 0 : index
        %get3A_1260 = tpu.vector_load %arg6[%get3A, %get3A_1259] {strides = array<i32>} : memref<512x32xf32, #tpu.memory_space<vmem>>, vector<16xf32>,
        tpu.vector_store_idx %arg8[%add3A_9, %broadcast_in_dim3A_16, %and3A_4, %broadcast_in_dim3A_1256], %get3A_1260 : memref<4x4x8x133xf32, #tpu.memory_space<vmem>>[vector<16xi32>, vector<16xi32>, vector<16xi32>, vector<16xi32>], vector<16xf32>,
        %get3A_1261 = arith.index_cast %add3A_1258 : i32 to index
        %get3A_1262 = arith.constant 16 : index
        %get3A_1263 = tpu.vector_load %arg6[%get3A_1261, %get3A_1262] {strides = array<i32>} : memref<512x32xf32, #tpu.memory_space<vmem>>, vector<16xf32>,
        tpu.vector_store_idx %arg8[%add3A_15, %broadcast_in_dim3A_16, %and3A_4, %broadcast_in_dim3A_1256], %get3A_1263 : memref<4x4x8x133xf32, #tpu.memory_space<vmem>>[vector<16xi32>, vector<16xi32>, vector<16xi32>, vector<16xi32>], vector<16xf32>,
        %mul3A_1264 = arith.constant 4 : i32
        %mul3A_1265 = arith.muli %scan3A_1251, %mul3A_1264 : i32
        %add3A_1266 = arith.constant 1 : i32
        %add3A_1267 = arith.addi %mul3A_1265, %add3A_1266 : i32
        %broadcast_in_dim3A_1268 = vector.broadcast %add3A_1267 : i32 to vector<16xi32>
        %add3A_1269 = arith.constant 0 : i32
        %add3A_1270 = arith.addi %add3A_1269, %add3A_1267 : i32
        %get3A_1271 = arith.index_cast %add3A_1270 : i32 to index
        %get3A_1272 = arith.constant 0 : index
        %get3A_1273 = tpu.vector_load %arg6[%get3A_1271, %get3A_1272] {strides = array<i32>} : memref<512x32xf32, #tpu.memory_space<vmem>>, vector<16xf32>,
        tpu.vector_store_idx %arg8[%add3A_9, %broadcast_in_dim3A_16, %and3A_4, %broadcast_in_dim3A_1268], %get3A_1273 : memref<4x4x8x133xf32, #tpu.memory_space<vmem>>[vector<16xi32>, vector<16xi32>, vector<16xi32>, vector<16xi32>], vector<16xf32>,
        %get3A_1274 = arith.index_cast %add3A_1270 : i32 to index
        %get3A_1275 = arith.constant 16 : index
        %get3A_1276 = tpu.vector_load %arg6[%get3A_1274, %get3A_1275] {strides = array<i32>} : memref<512x32xf32, #tpu.memory_space<vmem>>, vector<16xf32>,
        tpu.vector_store_idx %arg8[%add3A_15, %broadcast_in_dim3A_16, %and3A_4, %broadcast_in_dim3A_1268], %get3A_1276 : memref<4x4x8x133xf32, #tpu.memory_space<vmem>>[vector<16xi32>, vector<16xi32>, vector<16xi32>, vector<16xi32>], vector<16xf32>,
        %mul3A_1277 = arith.constant 4 : i32
        %mul3A_1278 = arith.muli %scan3A_1251, %mul3A_1277 : i32
        %add3A_1279 = arith.constant 2 : i32
        %add3A_1280 = arith.addi %mul3A_1278, %add3A_1279 : i32
        %broadcast_in_dim3A_1281 = vector.broadcast %add3A_1280 : i32 to vector<16xi32>
        %add3A_1282 = arith.constant 0 : i32
        %add3A_1283 = arith.addi %add3A_1282, %add3A_1280 : i32
        %get3A_1284 = arith.index_cast %add3A_1283 : i32 to index
        %get3A_1285 = arith.constant 0 : index
        %get3A_1286 = tpu.vector_load %arg6[%get3A_1284, %get3A_1285] {strides = array<i32>} : memref<512x32xf32, #tpu.memory_space<vmem>>, vector<16xf32>,
        tpu.vector_store_idx %arg8[%add3A_9, %broadcast_in_dim3A_16, %and3A_4, %broadcast_in_dim3A_1281], %get3A_1286 : memref<4x4x8x133xf32, #tpu.memory_space<vmem>>[vector<16xi32>, vector<16xi32>, vector<16xi32>, vector<16xi32>], vector<16xf32>,
        %get3A_1287 = arith.index_cast %add3A_1283 : i32 to index
        %get3A_1288 = arith.constant 16 : index
        %get3A_1289 = tpu.vector_load %arg6[%get3A_1287, %get3A_1288] {strides = array<i32>} : memref<512x32xf32, #tpu.memory_space<vmem>>, vector<16xf32>,
        tpu.vector_store_idx %arg8[%add3A_15, %broadcast_in_dim3A_16, %and3A_4, %broadcast_in_dim3A_1281], %get3A_1289 : memref<4x4x8x133xf32, #tpu.memory_space<vmem>>[vector<16xi32>, vector<16xi32>, vector<16xi32>, vector<16xi32>], vector<16xf32>,
        %mul3A_1290 = arith.constant 4 : i32
        %mul3A_1291 = arith.muli %scan3A_1251, %mul3A_1290 : i32
        %add3A_1292 = arith.constant 3 : i32
        %add3A_1293 = arith.addi %mul3A_1291, %add3A_1292 : i32
        %broadcast_in_dim3A_1294 = vector.broadcast %add3A_1293 : i32 to vector<16xi32>
        %add3A_1295 = arith.constant 0 : i32
        %add3A_1296 = arith.addi %add3A_1295, %add3A_1293 : i32
        %get3A_1297 = arith.index_cast %add3A_1296 : i32 to index
        %get3A_1298 = arith.constant 0 : index
        %get3A_1299 = tpu.vector_load %arg6[%get3A_1297, %get3A_1298] {strides = array<i32>} : memref<512x32xf32, #tpu.memory_space<vmem>>, vector<16xf32>,
        tpu.vector_store_idx %arg8[%add3A_9, %broadcast_in_dim3A_16, %and3A_4, %broadcast_in_dim3A_1294], %get3A_1299 : memref<4x4x8x133xf32, #tpu.memory_space<vmem>>[vector<16xi32>, vector<16xi32>, vector<16xi32>, vector<16xi32>], vector<16xf32>,
        %get3A_1300 = arith.index_cast %add3A_1296 : i32 to index
        %get3A_1301 = arith.constant 16 : index
        %get3A_1302 = tpu.vector_load %arg6[%get3A_1300, %get3A_1301] {strides = array<i32>} : memref<512x32xf32, #tpu.memory_space<vmem>>, vector<16xf32>,
        tpu.vector_store_idx %arg8[%add3A_15, %broadcast_in_dim3A_16, %and3A_4, %broadcast_in_dim3A_1294], %get3A_1302 : memref<4x4x8x133xf32, #tpu.memory_space<vmem>>[vector<16xi32>, vector<16xi32>, vector<16xi32>, vector<16xi32>], vector<16xf32>,
        %mul3A_1303 = arith.constant 4 : i32
        %mul3A_1304 = arith.muli %scan3A_1251, %mul3A_1303 : i32
        %add3A_1305 = arith.constant 0 : i32
        %add3A_1306 = arith.addi %mul3A_1304, %add3A_1305 : i32
        %broadcast_in_dim3A_1307 = vector.broadcast %add3A_1306 : i32 to vector<16xi32>
        %add3A_1308 = arith.constant 128 : i32
        %add3A_1309 = arith.addi %add3A_1308, %add3A_1306 : i32
        %get3A_1310 = arith.index_cast %add3A_1309 : i32 to index
        %get3A_1311 = arith.constant 0 : index
        %get3A_1312 = tpu.vector_load %arg6[%get3A_1310, %get3A_1311] {strides = array<i32>} : memref<512x32xf32, #tpu.memory_space<vmem>>, vector<16xf32>,
        tpu.vector_store_idx %arg8[%add3A_9, %broadcast_in_dim3A_18, %and3A_4, %broadcast_in_dim3A_1307], %get3A_1312 : memref<4x4x8x133xf32, #tpu.memory_space<vmem>>[vector<16xi32>, vector<16xi32>, vector<16xi32>, vector<16xi32>], vector<16xf32>,
        %get3A_1313 = arith.index_cast %add3A_1309 : i32 to index
        %get3A_1314 = arith.constant 16 : index
        %get3A_1315 = tpu.vector_load %arg6[%get3A_1313, %get3A_1314] {strides = array<i32>} : memref<512x32xf32, #tpu.memory_space<vmem>>, vector<16xf32>,
        tpu.vector_store_idx %arg8[%add3A_15, %broadcast_in_dim3A_18, %and3A_4, %broadcast_in_dim3A_1307], %get3A_1315 : memref<4x4x8x133xf32, #tpu.memory_space<vmem>>[vector<16xi32>, vector<16xi32>, vector<16xi32>, vector<16xi32>], vector<16xf32>,
        %mul3A_1316 = arith.constant 4 : i32
        %mul3A_1317 = arith.muli %scan3A_1251, %mul3A_1316 : i32
        %add3A_1318 = arith.constant 1 : i32
        %add3A_1319 = arith.addi %mul3A_1317, %add3A_1318 : i32
        %broadcast_in_dim3A_1320 = vector.broadcast %add3A_1319 : i32 to vector<16xi32>
        %add3A_1321 = arith.constant 128 : i32
        %add3A_1322 = arith.addi %add3A_1321, %add3A_1319 : i32
        %get3A_1323 = arith.index_cast %add3A_1322 : i32 to index
        %get3A_1324 = arith.constant 0 : index
        %get3A_1325 = tpu.vector_load %arg6[%get3A_1323, %get3A_1324] {strides = array<i32>} : memref<512x32xf32, #tpu.memory_space<vmem>>, vector<16xf32>,
        tpu.vector_store_idx %arg8[%add3A_9, %broadcast_in_dim3A_18, %and3A_4, %broadcast_in_dim3A_1320], %get3A_1325 : memref<4x4x8x133xf32, #tpu.memory_space<vmem>>[vector<16xi32>, vector<16xi32>, vector<16xi32>, vector<16xi32>], vector<16xf32>,
        %get3A_1326 = arith.index_cast %add3A_1322 : i32 to index
        %get3A_1327 = arith.constant 16 : index
        %get3A_1328 = tpu.vector_load %arg6[%get3A_1326, %get3A_1327] {strides = array<i32>} : memref<512x32xf32, #tpu.memory_space<vmem>>, vector<16xf32>,
        tpu.vector_store_idx %arg8[%add3A_15, %broadcast_in_dim3A_18, %and3A_4, %broadcast_in_dim3A_1320], %get3A_1328 : memref<4x4x8x133xf32, #tpu.memory_space<vmem>>[vector<16xi32>, vector<16xi32>, vector<16xi32>, vector<16xi32>], vector<16xf32>,
        %mul3A_1329 = arith.constant 4 : i32
        %mul3A_1330 = arith.muli %scan3A_1251, %mul3A_1329 : i32
        %add3A_1331 = arith.constant 2 : i32
        %add3A_1332 = arith.addi %mul3A_1330, %add3A_1331 : i32
        %broadcast_in_dim3A_1333 = vector.broadcast %add3A_1332 : i32 to vector<16xi32>
        %add3A_1334 = arith.constant 128 : i32
        %add3A_1335 = arith.addi %add3A_1334, %add3A_1332 : i32
        %get3A_1336 = arith.index_cast %add3A_1335 : i32 to index
        %get3A_1337 = arith.constant 0 : index
        %get3A_1338 = tpu.vector_load %arg6[%get3A_1336, %get3A_1337] {strides = array<i32>} : memref<512x32xf32, #tpu.memory_space<vmem>>, vector<16xf32>,
        tpu.vector_store_idx %arg8[%add3A_9, %broadcast_in_dim3A_18, %and3A_4, %broadcast_in_dim3A_1333], %get3A_1338 : memref<4x4x8x133xf32, #tpu.memory_space<vmem>>[vector<16xi32>, vector<16xi32>, vector<16xi32>, vector<16xi32>], vector<16xf32>,
        %get3A_1339 = arith.index_cast %add3A_1335 : i32 to index
        %get3A_1340 = arith.constant 16 : index
        %get3A_1341 = tpu.vector_load %arg6[%get3A_1339, %get3A_1340] {strides = array<i32>} : memref<512x32xf32, #tpu.memory_space<vmem>>, vector<16xf32>,
        tpu.vector_store_idx %arg8[%add3A_15, %broadcast_in_dim3A_18, %and3A_4, %broadcast_in_dim3A_1333], %get3A_1341 : memref<4x4x8x133xf32, #tpu.memory_space<vmem>>[vector<16xi32>, vector<16xi32>, vector<16xi32>, vector<16xi32>], vector<16xf32>,
        %mul3A_1342 = arith.constant 4 : i32
        %mul3A_1343 = arith.muli %scan3A_1251, %mul3A_1342 : i32
        %add3A_1344 = arith.constant 3 : i32
        %add3A_1345 = arith.addi %mul3A_1343, %add3A_1344 : i32
        %broadcast_in_dim3A_1346 = vector.broadcast %add3A_1345 : i32 to vector<16xi32>
        %add3A_1347 = arith.constant 128 : i32
        %add3A_1348 = arith.addi %add3A_1347, %add3A_1345 : i32
        %get3A_1349 = arith.index_cast %add3A_1348 : i32 to index
        %get3A_1350 = arith.constant 0 : index
        %get3A_1351 = tpu.vector_load %arg6[%get3A_1349, %get3A_1350] {strides = array<i32>} : memref<512x32xf32, #tpu.memory_space<vmem>>, vector<16xf32>,
        tpu.vector_store_idx %arg8[%add3A_9, %broadcast_in_dim3A_18, %and3A_4, %broadcast_in_dim3A_1346], %get3A_1351 : memref<4x4x8x133xf32, #tpu.memory_space<vmem>>[vector<16xi32>, vector<16xi32>, vector<16xi32>, vector<16xi32>], vector<16xf32>,
        %get3A_1352 = arith.index_cast %add3A_1348 : i32 to index
        %get3A_1353 = arith.constant 16 : index
        %get3A_1354 = tpu.vector_load %arg6[%get3A_1352, %get3A_1353] {strides = array<i32>} : memref<512x32xf32, #tpu.memory_space<vmem>>, vector<16xf32>,
        tpu.vector_store_idx %arg8[%add3A_15, %broadcast_in_dim3A_18, %and3A_4, %broadcast_in_dim3A_1346], %get3A_1354 : memref<4x4x8x133xf32, #tpu.memory_space<vmem>>[vector<16xi32>, vector<16xi32>, vector<16xi32>, vector<16xi32>], vector<16xf32>,
        %mul3A_1355 = arith.constant 4 : i32
        %mul3A_1356 = arith.muli %scan3A_1251, %mul3A_1355 : i32
        %add3A_1357 = arith.constant 0 : i32
        %add3A_1358 = arith.addi %mul3A_1356, %add3A_1357 : i32
        %broadcast_in_dim3A_1359 = vector.broadcast %add3A_1358 : i32 to vector<16xi32>
        %add3A_1360 = arith.constant 256 : i32
        %add3A_1361 = arith.addi %add3A_1360, %add3A_1358 : i32
        %get3A_1362 = arith.index_cast %add3A_1361 : i32 to index
        %get3A_1363 = arith.constant 0 : index
        %get3A_1364 = tpu.vector_load %arg6[%get3A_1362, %get3A_1363] {strides = array<i32>} : memref<512x32xf32, #tpu.memory_space<vmem>>, vector<16xf32>,
        tpu.vector_store_idx %arg8[%add3A_9, %broadcast_in_dim3A_20, %and3A_4, %broadcast_in_dim3A_1359], %get3A_1364 : memref<4x4x8x133xf32, #tpu.memory_space<vmem>>[vector<16xi32>, vector<16xi32>, vector<16xi32>, vector<16xi32>], vector<16xf32>,
        %get3A_1365 = arith.index_cast %add3A_1361 : i32 to index
        %get3A_1366 = arith.constant 16 : index
        %get3A_1367 = tpu.vector_load %arg6[%get3A_1365, %get3A_1366] {strides = array<i32>} : memref<512x32xf32, #tpu.memory_space<vmem>>, vector<16xf32>,
        tpu.vector_store_idx %arg8[%add3A_15, %broadcast_in_dim3A_20, %and3A_4, %broadcast_in_dim3A_1359], %get3A_1367 : memref<4x4x8x133xf32, #tpu.memory_space<vmem>>[vector<16xi32>, vector<16xi32>, vector<16xi32>, vector<16xi32>], vector<16xf32>,
        %mul3A_1368 = arith.constant 4 : i32
        %mul3A_1369 = arith.muli %scan3A_1251, %mul3A_1368 : i32
        %add3A_1370 = arith.constant 1 : i32
        %add3A_1371 = arith.addi %mul3A_1369, %add3A_1370 : i32
        %broadcast_in_dim3A_1372 = vector.broadcast %add3A_1371 : i32 to vector<16xi32>
        %add3A_1373 = arith.constant 256 : i32
        %add3A_1374 = arith.addi %add3A_1373, %add3A_1371 : i32
        %get3A_1375 = arith.index_cast %add3A_1374 : i32 to index
        %get3A_1376 = arith.constant 0 : index
        %get3A_1377 = tpu.vector_load %arg6[%get3A_1375, %get3A_1376] {strides = array<i32>} : memref<512x32xf32, #tpu.memory_space<vmem>>, vector<16xf32>,
        tpu.vector_store_idx %arg8[%add3A_9, %broadcast_in_dim3A_20, %and3A_4, %broadcast_in_dim3A_1372], %get3A_1377 : memref<4x4x8x133xf32, #tpu.memory_space<vmem>>[vector<16xi32>, vector<16xi32>, vector<16xi32>, vector<16xi32>], vector<16xf32>,
        %get3A_1378 = arith.index_cast %add3A_1374 : i32 to index
        %get3A_1379 = arith.constant 16 : index
        %get3A_1380 = tpu.vector_load %arg6[%get3A_1378, %get3A_1379] {strides = array<i32>} : memref<512x32xf32, #tpu.memory_space<vmem>>, vector<16xf32>,
        tpu.vector_store_idx %arg8[%add3A_15, %broadcast_in_dim3A_20, %and3A_4, %broadcast_in_dim3A_1372], %get3A_1380 : memref<4x4x8x133xf32, #tpu.memory_space<vmem>>[vector<16xi32>, vector<16xi32>, vector<16xi32>, vector<16xi32>], vector<16xf32>,
        %mul3A_1381 = arith.constant 4 : i32
        %mul3A_1382 = arith.muli %scan3A_1251, %mul3A_1381 : i32
        %add3A_1383 = arith.constant 2 : i32
        %add3A_1384 = arith.addi %mul3A_1382, %add3A_1383 : i32
        %broadcast_in_dim3A_1385 = vector.broadcast %add3A_1384 : i32 to vector<16xi32>
        %add3A_1386 = arith.constant 256 : i32
        %add3A_1387 = arith.addi %add3A_1386, %add3A_1384 : i32
        %get3A_1388 = arith.index_cast %add3A_1387 : i32 to index
        %get3A_1389 = arith.constant 0 : index
        %get3A_1390 = tpu.vector_load %arg6[%get3A_1388, %get3A_1389] {strides = array<i32>} : memref<512x32xf32, #tpu.memory_space<vmem>>, vector<16xf32>,
        tpu.vector_store_idx %arg8[%add3A_9, %broadcast_in_dim3A_20, %and3A_4, %broadcast_in_dim3A_1385], %get3A_1390 : memref<4x4x8x133xf32, #tpu.memory_space<vmem>>[vector<16xi32>, vector<16xi32>, vector<16xi32>, vector<16xi32>], vector<16xf32>,
        %get3A_1391 = arith.index_cast %add3A_1387 : i32 to index
        %get3A_1392 = arith.constant 16 : index
        %get3A_1393 = tpu.vector_load %arg6[%get3A_1391, %get3A_1392] {strides = array<i32>} : memref<512x32xf32, #tpu.memory_space<vmem>>, vector<16xf32>,
        tpu.vector_store_idx %arg8[%add3A_15, %broadcast_in_dim3A_20, %and3A_4, %broadcast_in_dim3A_1385], %get3A_1393 : memref<4x4x8x133xf32, #tpu.memory_space<vmem>>[vector<16xi32>, vector<16xi32>, vector<16xi32>, vector<16xi32>], vector<16xf32>,
        %mul3A_1394 = arith.constant 4 : i32
        %mul3A_1395 = arith.muli %scan3A_1251, %mul3A_1394 : i32
        %add3A_1396 = arith.constant 3 : i32
        %add3A_1397 = arith.addi %mul3A_1395, %add3A_1396 : i32
        %broadcast_in_dim3A_1398 = vector.broadcast %add3A_1397 : i32 to vector<16xi32>
        %add3A_1399 = arith.constant 256 : i32
        %add3A_1400 = arith.addi %add3A_1399, %add3A_1397 : i32
        %get3A_1401 = arith.index_cast %add3A_1400 : i32 to index
        %get3A_1402 = arith.constant 0 : index
        %get3A_1403 = tpu.vector_load %arg6[%get3A_1401, %get3A_1402] {strides = array<i32>} : memref<512x32xf32, #tpu.memory_space<vmem>>, vector<16xf32>,
        tpu.vector_store_idx %arg8[%add3A_9, %broadcast_in_dim3A_20, %and3A_4, %broadcast_in_dim3A_1398], %get3A_1403 : memref<4x4x8x133xf32, #tpu.memory_space<vmem>>[vector<16xi32>, vector<16xi32>, vector<16xi32>, vector<16xi32>], vector<16xf32>,
        %get3A_1404 = arith.index_cast %add3A_1400 : i32 to index
        %get3A_1405 = arith.constant 16 : index
        %get3A_1406 = tpu.vector_load %arg6[%get3A_1404, %get3A_1405] {strides = array<i32>} : memref<512x32xf32, #tpu.memory_space<vmem>>, vector<16xf32>,
        tpu.vector_store_idx %arg8[%add3A_15, %broadcast_in_dim3A_20, %and3A_4, %broadcast_in_dim3A_1398], %get3A_1406 : memref<4x4x8x133xf32, #tpu.memory_space<vmem>>[vector<16xi32>, vector<16xi32>, vector<16xi32>, vector<16xi32>], vector<16xf32>,
        %mul3A_1407 = arith.constant 4 : i32
        %mul3A_1408 = arith.muli %scan3A_1251, %mul3A_1407 : i32
        %add3A_1409 = arith.constant 0 : i32
        %add3A_1410 = arith.addi %mul3A_1408, %add3A_1409 : i32
        %broadcast_in_dim3A_1411 = vector.broadcast %add3A_1410 : i32 to vector<16xi32>
        %add3A_1412 = arith.constant 384 : i32
        %add3A_1413 = arith.addi %add3A_1412, %add3A_1410 : i32
        %get3A_1414 = arith.index_cast %add3A_1413 : i32 to index
        %get3A_1415 = arith.constant 0 : index
        %get3A_1416 = tpu.vector_load %arg6[%get3A_1414, %get3A_1415] {strides = array<i32>} : memref<512x32xf32, #tpu.memory_space<vmem>>, vector<16xf32>,
        tpu.vector_store_idx %arg8[%add3A_9, %broadcast_in_dim3A_22, %and3A_4, %broadcast_in_dim3A_1411], %get3A_1416 : memref<4x4x8x133xf32, #tpu.memory_space<vmem>>[vector<16xi32>, vector<16xi32>, vector<16xi32>, vector<16xi32>], vector<16xf32>,
        %get3A_1417 = arith.index_cast %add3A_1413 : i32 to index
        %get3A_1418 = arith.constant 16 : index
        %get3A_1419 = tpu.vector_load %arg6[%get3A_1417, %get3A_1418] {strides = array<i32>} : memref<512x32xf32, #tpu.memory_space<vmem>>, vector<16xf32>,
        tpu.vector_store_idx %arg8[%add3A_15, %broadcast_in_dim3A_22, %and3A_4, %broadcast_in_dim3A_1411], %get3A_1419 : memref<4x4x8x133xf32, #tpu.memory_space<vmem>>[vector<16xi32>, vector<16xi32>, vector<16xi32>, vector<16xi32>], vector<16xf32>,
        %mul3A_1420 = arith.constant 4 : i32
        %mul3A_1421 = arith.muli %scan3A_1251, %mul3A_1420 : i32
        %add3A_1422 = arith.constant 1 : i32
        %add3A_1423 = arith.addi %mul3A_1421, %add3A_1422 : i32
        %broadcast_in_dim3A_1424 = vector.broadcast %add3A_1423 : i32 to vector<16xi32>
        %add3A_1425 = arith.constant 384 : i32
        %add3A_1426 = arith.addi %add3A_1425, %add3A_1423 : i32
        %get3A_1427 = arith.index_cast %add3A_1426 : i32 to index
        %get3A_1428 = arith.constant 0 : index
        %get3A_1429 = tpu.vector_load %arg6[%get3A_1427, %get3A_1428] {strides = array<i32>} : memref<512x32xf32, #tpu.memory_space<vmem>>, vector<16xf32>,
        tpu.vector_store_idx %arg8[%add3A_9, %broadcast_in_dim3A_22, %and3A_4, %broadcast_in_dim3A_1424], %get3A_1429 : memref<4x4x8x133xf32, #tpu.memory_space<vmem>>[vector<16xi32>, vector<16xi32>, vector<16xi32>, vector<16xi32>], vector<16xf32>,
        %get3A_1430 = arith.index_cast %add3A_1426 : i32 to index
        %get3A_1431 = arith.constant 16 : index
        %get3A_1432 = tpu.vector_load %arg6[%get3A_1430, %get3A_1431] {strides = array<i32>} : memref<512x32xf32, #tpu.memory_space<vmem>>, vector<16xf32>,
        tpu.vector_store_idx %arg8[%add3A_15, %broadcast_in_dim3A_22, %and3A_4, %broadcast_in_dim3A_1424], %get3A_1432 : memref<4x4x8x133xf32, #tpu.memory_space<vmem>>[vector<16xi32>, vector<16xi32>, vector<16xi32>, vector<16xi32>], vector<16xf32>,
        %mul3A_1433 = arith.constant 4 : i32
        %mul3A_1434 = arith.muli %scan3A_1251, %mul3A_1433 : i32
        %add3A_1435 = arith.constant 2 : i32
        %add3A_1436 = arith.addi %mul3A_1434, %add3A_1435 : i32
        %broadcast_in_dim3A_1437 = vector.broadcast %add3A_1436 : i32 to vector<16xi32>
        %add3A_1438 = arith.constant 384 : i32
        %add3A_1439 = arith.addi %add3A_1438, %add3A_1436 : i32
        %get3A_1440 = arith.index_cast %add3A_1439 : i32 to index
        %get3A_1441 = arith.constant 0 : index
        %get3A_1442 = tpu.vector_load %arg6[%get3A_1440, %get3A_1441] {strides = array<i32>} : memref<512x32xf32, #tpu.memory_space<vmem>>, vector<16xf32>,
        tpu.vector_store_idx %arg8[%add3A_9, %broadcast_in_dim3A_22, %and3A_4, %broadcast_in_dim3A_1437], %get3A_1442 : memref<4x4x8x133xf32, #tpu.memory_space<vmem>>[vector<16xi32>, vector<16xi32>, vector<16xi32>, vector<16xi32>], vector<16xf32>,
        %get3A_1443 = arith.index_cast %add3A_1439 : i32 to index
        %get3A_1444 = arith.constant 16 : index
        %get3A_1445 = tpu.vector_load %arg6[%get3A_1443, %get3A_1444] {strides = array<i32>} : memref<512x32xf32, #tpu.memory_space<vmem>>, vector<16xf32>,
        tpu.vector_store_idx %arg8[%add3A_15, %broadcast_in_dim3A_22, %and3A_4, %broadcast_in_dim3A_1437], %get3A_1445 : memref<4x4x8x133xf32, #tpu.memory_space<vmem>>[vector<16xi32>, vector<16xi32>, vector<16xi32>, vector<16xi32>], vector<16xf32>,
        %mul3A_1446 = arith.constant 4 : i32
        %mul3A_1447 = arith.muli %scan3A_1251, %mul3A_1446 : i32
        %add3A_1448 = arith.constant 3 : i32
        %add3A_1449 = arith.addi %mul3A_1447, %add3A_1448 : i32
        %broadcast_in_dim3A_1450 = vector.broadcast %add3A_1449 : i32 to vector<16xi32>
        %add3A_1451 = arith.constant 384 : i32
        %add3A_1452 = arith.addi %add3A_1451, %add3A_1449 : i32
        %get3A_1453 = arith.index_cast %add3A_1452 : i32 to index
        %get3A_1454 = arith.constant 0 : index
        %get3A_1455 = tpu.vector_load %arg6[%get3A_1453, %get3A_1454] {strides = array<i32>} : memref<512x32xf32, #tpu.memory_space<vmem>>, vector<16xf32>,
        tpu.vector_store_idx %arg8[%add3A_9, %broadcast_in_dim3A_22, %and3A_4, %broadcast_in_dim3A_1450], %get3A_1455 : memref<4x4x8x133xf32, #tpu.memory_space<vmem>>[vector<16xi32>, vector<16xi32>, vector<16xi32>, vector<16xi32>], vector<16xf32>,
        %get3A_1456 = arith.index_cast %add3A_1452 : i32 to index
        %get3A_1457 = arith.constant 16 : index
        %get3A_1458 = tpu.vector_load %arg6[%get3A_1456, %get3A_1457] {strides = array<i32>} : memref<512x32xf32, #tpu.memory_space<vmem>>, vector<16xf32>,
        tpu.vector_store_idx %arg8[%add3A_15, %broadcast_in_dim3A_22, %and3A_4, %broadcast_in_dim3A_1450], %get3A_1458 : memref<4x4x8x133xf32, #tpu.memory_space<vmem>>[vector<16xi32>, vector<16xi32>, vector<16xi32>, vector<16xi32>], vector<16xf32>,
      }
      %scan3A_950 = arith.constant 32 : i32
      %mul3A_951 = arith.constant 4 : i32
      %mul3A_952 = arith.muli %add3A_846, %mul3A_951 : i32
      %shift_right_arithmetic3A_953 = arith.constant 7 : i32
      %shift_right_arithmetic3A_954 = arith.shrsi %mul3A_952, %shift_right_arithmetic3A_953 : i32
      %and3A_955 = arith.constant 127 : i32
      %and3A_956 = arith.andi %mul3A_952, %and3A_955 : i32
      %dma_start3A_957 = arith.constant 0 : i32
      %dma_start3A_958 = arith.constant 0 : i32
      %dma_start3A_959 = arith.constant 0 : i32
      %dma_start3A_960 = arith.constant 0 : i32
      %dma_start3A_961 = arith.constant 0 : i32
      %dma_start3A_962 = tpu.memref_slice %arg8[%dma_start3A_957, %dma_start3A_959, %dma_start3A_960, %dma_start3A_961] : memref<4x4x8x133xf32, #tpu.memory_space<vmem>> -> memref<1x4x8x128xf32, #tpu.memory_space<vmem>>
      %dma_start3A_963 = tpu.memref_squeeze %dma_start3A_962 : memref<1x4x8x128xf32, #tpu.memory_space<vmem>> -> memref<4x8x128xf32, #tpu.memory_space<vmem>>
      %dma_start3A_964 = arith.constant 0 : i32
      %dma_start3A_965 = arith.constant 0 : i32
      %dma_start3A_966 = tpu.memref_slice %arg4[%shift_right_arithmetic3A_954, %dma_start3A_958, %and3A_956, %dma_start3A_964, %dma_start3A_965] : memref<50x4x128x8x128xf32, #tpu.memory_space<hbm>> -> memref<1x1x4x8x128xf32, #tpu.memory_space<hbm>>
      %dma_start3A_967 = tpu.memref_squeeze %dma_start3A_966 : memref<1x1x4x8x128xf32, #tpu.memory_space<hbm>> -> memref<4x8x128xf32, #tpu.memory_space<hbm>>
      %dma_start3A_968 = arith.constant 0 : i32
      %dma_start3A_969 = arith.constant 0 : i32
      %dma_start3A_970 = tpu.memref_slice %arg4[%shift_right_arithmetic3A_954, %dma_start3A_958, %and3A_956, %dma_start3A_968, %dma_start3A_969] : memref<50x4x128x8x128xf32, #tpu.memory_space<hbm>> -> memref<1x1x4x8x128xf32, #tpu.memory_space<hbm>>
      %dma_start3A_971 = tpu.memref_squeeze %dma_start3A_970 : memref<1x1x4x8x128xf32, #tpu.memory_space<hbm>> -> memref<4x8x128xf32, #tpu.memory_space<hbm>>
      %dma_start3A_972 = arith.constant 0 : i32
      %dma_start3A_973 = arith.constant 0 : i32
      %dma_start3A_974 = arith.constant 0 : i32
      %dma_start3A_975 = tpu.memref_slice %arg8[%dma_start3A_957, %dma_start3A_972, %dma_start3A_973, %dma_start3A_974] : memref<4x4x8x133xf32, #tpu.memory_space<vmem>> -> memref<1x4x8x128xf32, #tpu.memory_space<vmem>>
      %dma_start3A_976 = tpu.memref_squeeze %dma_start3A_975 : memref<1x4x8x128xf32, #tpu.memory_space<vmem>> -> memref<4x8x128xf32, #tpu.memory_space<vmem>>
      tpu.enqueue_dma source(%dma_start3A_976 : memref<4x8x128xf32, #tpu.memory_space<vmem>>) target(%dma_start3A_971 : memref<4x8x128xf32, #tpu.memory_space<hbm>>) target_semaphore(%arg12 : memref<!tpu.dma_semaphore, #tpu.memory_space<semaphore_mem>>)
      %dma_start3A_977 = arith.constant 1 : i32
      %dma_start3A_978 = arith.constant 1 : i32
      %dma_start3A_979 = arith.constant 0 : i32
      %dma_start3A_980 = arith.constant 0 : i32
      %dma_start3A_981 = arith.constant 0 : i32
      %dma_start3A_982 = tpu.memref_slice %arg8[%dma_start3A_977, %dma_start3A_979, %dma_start3A_980, %dma_start3A_981] : memref<4x4x8x133xf32, #tpu.memory_space<vmem>> -> memref<1x4x8x128xf32, #tpu.memory_space<vmem>>
      %dma_start3A_983 = tpu.memref_squeeze %dma_start3A_982 : memref<1x4x8x128xf32, #tpu.memory_space<vmem>> -> memref<4x8x128xf32, #tpu.memory_space<vmem>>
      %dma_start3A_984 = arith.constant 0 : i32
      %dma_start3A_985 = arith.constant 0 : i32
      %dma_start3A_986 = tpu.memref_slice %arg4[%shift_right_arithmetic3A_954, %dma_start3A_978, %and3A_956, %dma_start3A_984, %dma_start3A_985] : memref<50x4x128x8x128xf32, #tpu.memory_space<hbm>> -> memref<1x1x4x8x128xf32, #tpu.memory_space<hbm>>
      %dma_start3A_987 = tpu.memref_squeeze %dma_start3A_986 : memref<1x1x4x8x128xf32, #tpu.memory_space<hbm>> -> memref<4x8x128xf32, #tpu.memory_space<hbm>>
      %dma_start3A_988 = arith.constant 0 : i32
      %dma_start3A_989 = arith.constant 0 : i32
      %dma_start3A_990 = tpu.memref_slice %arg4[%shift_right_arithmetic3A_954, %dma_start3A_978, %and3A_956, %dma_start3A_988, %dma_start3A_989] : memref<50x4x128x8x128xf32, #tpu.memory_space<hbm>> -> memref<1x1x4x8x128xf32, #tpu.memory_space<hbm>>
      %dma_start3A_991 = tpu.memref_squeeze %dma_start3A_990 : memref<1x1x4x8x128xf32, #tpu.memory_space<hbm>> -> memref<4x8x128xf32, #tpu.memory_space<hbm>>
      %dma_start3A_992 = arith.constant 0 : i32
      %dma_start3A_993 = arith.constant 0 : i32
      %dma_start3A_994 = arith.constant 0 : i32
      %dma_start3A_995 = tpu.memref_slice %arg8[%dma_start3A_977, %dma_start3A_992, %dma_start3A_993, %dma_start3A_994] : memref<4x4x8x133xf32, #tpu.memory_space<vmem>> -> memref<1x4x8x128xf32, #tpu.memory_space<vmem>>
      %dma_start3A_996 = tpu.memref_squeeze %dma_start3A_995 : memref<1x4x8x128xf32, #tpu.memory_space<vmem>> -> memref<4x8x128xf32, #tpu.memory_space<vmem>>
      tpu.enqueue_dma source(%dma_start3A_996 : memref<4x8x128xf32, #tpu.memory_space<vmem>>) target(%dma_start3A_991 : memref<4x8x128xf32, #tpu.memory_space<hbm>>) target_semaphore(%arg12 : memref<!tpu.dma_semaphore, #tpu.memory_space<semaphore_mem>>)
      %dma_start3A_997 = arith.constant 2 : i32
      %dma_start3A_998 = arith.constant 2 : i32
      %dma_start3A_999 = arith.constant 0 : i32
      %dma_start3A_1000 = arith.constant 0 : i32
      %dma_start3A_1001 = arith.constant 0 : i32
      %dma_start3A_1002 = tpu.memref_slice %arg8[%dma_start3A_997, %dma_start3A_999, %dma_start3A_1000, %dma_start3A_1001] : memref<4x4x8x133xf32, #tpu.memory_space<vmem>> -> memref<1x4x8x128xf32, #tpu.memory_space<vmem>>
      %dma_start3A_1003 = tpu.memref_squeeze %dma_start3A_1002 : memref<1x4x8x128xf32, #tpu.memory_space<vmem>> -> memref<4x8x128xf32, #tpu.memory_space<vmem>>
      %dma_start3A_1004 = arith.constant 0 : i32
      %dma_start3A_1005 = arith.constant 0 : i32
      %dma_start3A_1006 = tpu.memref_slice %arg4[%shift_right_arithmetic3A_954, %dma_start3A_998, %and3A_956, %dma_start3A_1004, %dma_start3A_1005] : memref<50x4x128x8x128xf32, #tpu.memory_space<hbm>> -> memref<1x1x4x8x128xf32, #tpu.memory_space<hbm>>
      %dma_start3A_1007 = tpu.memref_squeeze %dma_start3A_1006 : memref<1x1x4x8x128xf32, #tpu.memory_space<hbm>> -> memref<4x8x128xf32, #tpu.memory_space<hbm>>
      %dma_start3A_1008 = arith.constant 0 : i32
      %dma_start3A_1009 = arith.constant 0 : i32
      %dma_start3A_1010 = tpu.memref_slice %arg4[%shift_right_arithmetic3A_954, %dma_start3A_998, %and3A_956, %dma_start3A_1008, %dma_start3A_1009] : memref<50x4x128x8x128xf32, #tpu.memory_space<hbm>> -> memref<1x1x4x8x128xf32, #tpu.memory_space<hbm>>
      %dma_start3A_1011 = tpu.memref_squeeze %dma_start3A_1010 : memref<1x1x4x8x128xf32, #tpu.memory_space<hbm>> -> memref<4x8x128xf32, #tpu.memory_space<hbm>>
      %dma_start3A_1012 = arith.constant 0 : i32
      %dma_start3A_1013 = arith.constant 0 : i32
      %dma_start3A_1014 = arith.constant 0 : i32
      %dma_start3A_1015 = tpu.memref_slice %arg8[%dma_start3A_997, %dma_start3A_1012, %dma_start3A_1013, %dma_start3A_1014] : memref<4x4x8x133xf32, #tpu.memory_space<vmem>> -> memref<1x4x8x128xf32, #tpu.memory_space<vmem>>
      %dma_start3A_1016 = tpu.memref_squeeze %dma_start3A_1015 : memref<1x4x8x128xf32, #tpu.memory_space<vmem>> -> memref<4x8x128xf32, #tpu.memory_space<vmem>>
      tpu.enqueue_dma source(%dma_start3A_1016 : memref<4x8x128xf32, #tpu.memory_space<vmem>>) target(%dma_start3A_1011 : memref<4x8x128xf32, #tpu.memory_space<hbm>>) target_semaphore(%arg12 : memref<!tpu.dma_semaphore, #tpu.memory_space<semaphore_mem>>)
      %dma_start3A_1017 = arith.constant 3 : i32
      %dma_start3A_1018 = arith.constant 3 : i32
      %dma_start3A_1019 = arith.constant 0 : i32
      %dma_start3A_1020 = arith.constant 0 : i32
      %dma_start3A_1021 = arith.constant 0 : i32
      %dma_start3A_1022 = tpu.memref_slice %arg8[%dma_start3A_1017, %dma_start3A_1019, %dma_start3A_1020, %dma_start3A_1021] : memref<4x4x8x133xf32, #tpu.memory_space<vmem>> -> memref<1x4x8x128xf32, #tpu.memory_space<vmem>>
      %dma_start3A_1023 = tpu.memref_squeeze %dma_start3A_1022 : memref<1x4x8x128xf32, #tpu.memory_space<vmem>> -> memref<4x8x128xf32, #tpu.memory_space<vmem>>
      %dma_start3A_1024 = arith.constant 0 : i32
      %dma_start3A_1025 = arith.constant 0 : i32
      %dma_start3A_1026 = tpu.memref_slice %arg4[%shift_right_arithmetic3A_954, %dma_start3A_1018, %and3A_956, %dma_start3A_1024, %dma_start3A_1025] : memref<50x4x128x8x128xf32, #tpu.memory_space<hbm>> -> memref<1x1x4x8x128xf32, #tpu.memory_space<hbm>>
      %dma_start3A_1027 = tpu.memref_squeeze %dma_start3A_1026 : memref<1x1x4x8x128xf32, #tpu.memory_space<hbm>> -> memref<4x8x128xf32, #tpu.memory_space<hbm>>
      %dma_start3A_1028 = arith.constant 0 : i32
      %dma_start3A_1029 = arith.constant 0 : i32
      %dma_start3A_1030 = tpu.memref_slice %arg4[%shift_right_arithmetic3A_954, %dma_start3A_1018, %and3A_956, %dma_start3A_1028, %dma_start3A_1029] : memref<50x4x128x8x128xf32, #tpu.memory_space<hbm>> -> memref<1x1x4x8x128xf32, #tpu.memory_space<hbm>>
      %dma_start3A_1031 = tpu.memref_squeeze %dma_start3A_1030 : memref<1x1x4x8x128xf32, #tpu.memory_space<hbm>> -> memref<4x8x128xf32, #tpu.memory_space<hbm>>
      %dma_start3A_1032 = arith.constant 0 : i32
      %dma_start3A_1033 = arith.constant 0 : i32
      %dma_start3A_1034 = arith.constant 0 : i32
      %dma_start3A_1035 = tpu.memref_slice %arg8[%dma_start3A_1017, %dma_start3A_1032, %dma_start3A_1033, %dma_start3A_1034] : memref<4x4x8x133xf32, #tpu.memory_space<vmem>> -> memref<1x4x8x128xf32, #tpu.memory_space<vmem>>
      %dma_start3A_1036 = tpu.memref_squeeze %dma_start3A_1035 : memref<1x4x8x128xf32, #tpu.memory_space<vmem>> -> memref<4x8x128xf32, #tpu.memory_space<vmem>>
      tpu.enqueue_dma source(%dma_start3A_1036 : memref<4x8x128xf32, #tpu.memory_space<vmem>>) target(%dma_start3A_1031 : memref<4x8x128xf32, #tpu.memory_space<hbm>>) target_semaphore(%arg12 : memref<!tpu.dma_semaphore, #tpu.memory_space<semaphore_mem>>)
      %add3A_1037 = arith.constant 0 : i32
      %add3A_1038 = arith.addi %add3A_844, %add3A_1037 : i32
      %add3A_1039 = arith.constant 2 : i32
      %add3A_1040 = arith.addi %add3A_1038, %add3A_1039 : i32
      %sub3A_1041 = arith.subi %add3A_1040, %mul3A_2 : i32
      %mul3A_1042 = arith.constant 512 : i32
      %mul3A_1043 = arith.muli %sub3A_1041, %mul3A_1042 : i32
      %dma_start3A_1044 = tpu.memref_slice %arg5[%mul3A_1043] : memref<25600xi32, #tpu.memory_space<vmem>> -> memref<512xi32, #tpu.memory_space<vmem>>
      %dma_start3A_1045 = arith.constant 0 : i32
      %dma_start3A_1046 = arith.constant 0 : i32
      %dma_start3A_1047 = tpu.memref_slice %arg3[%dma_start3A_1045, %dma_start3A_1046] : memref<1000000x32xf32, #tpu.memory_space<hbm>> -> memref<1000000x32xf32, #tpu.memory_space<hbm>>
      tpu.enqueue_indirect_dma source(%dma_start3A_1047 : memref<1000000x32xf32, #tpu.memory_space<hbm>>) target(%arg6 : memref<512x32xf32, #tpu.memory_space<vmem>>) offsets(%dma_start3A_1044 : memref<512xi32, #tpu.memory_space<vmem>>) semaphore(%arg10 : memref<!tpu.dma_semaphore, #tpu.memory_space<semaphore_mem>>)
      %add3A_1048 = arith.constant 1 : i32
      %add3A_1049 = arith.addi %add3A_844, %add3A_1048 : i32
      %dma_wait3A_1050 = arith.constant 0 : i32
      %dma_wait3A_1051 = arith.constant 0 : i32
      %dma_wait3A_1052 = tpu.memref_slice %arg3[%dma_wait3A_1050, %dma_wait3A_1051] : memref<1000000x32xf32, #tpu.memory_space<hbm>> -> memref<512x32xf32, #tpu.memory_space<hbm>>
      %dma_wait3A_1053 = arith.constant 0 : i32
      %dma_wait3A_1054 = arith.constant 0 : i32
      %dma_wait3A_1055 = tpu.memref_slice %arg3[%dma_wait3A_1053, %dma_wait3A_1054] : memref<1000000x32xf32, #tpu.memory_space<hbm>> -> memref<512x32xf32, #tpu.memory_space<hbm>>
      tpu.wait_dma2 semaphore(%arg11 : memref<!tpu.dma_semaphore, #tpu.memory_space<semaphore_mem>>) src(%dma_wait3A_1055 : memref<512x32xf32, #tpu.memory_space<hbm>>) dst(%arg7 : memref<512x32xf32, #tpu.memory_space<vmem>>)
      %dma_wait3A_1056 = arith.constant 0 : i32
      %dma_wait3A_1057 = arith.constant 0 : i32
      %dma_wait3A_1058 = arith.constant 0 : i32
      %dma_wait3A_1059 = arith.constant 0 : i32
      %dma_wait3A_1060 = arith.constant 0 : i32
      %dma_wait3A_1061 = arith.constant 0 : i32
      %dma_wait3A_1062 = tpu.memref_slice %arg9[%dma_wait3A_1056, %dma_wait3A_1059, %dma_wait3A_1060, %dma_wait3A_1061] : memref<4x4x8x133xf32, #tpu.memory_space<vmem>> -> memref<1x4x8x128xf32, #tpu.memory_space<vmem>>
      %dma_wait3A_1063 = tpu.memref_squeeze %dma_wait3A_1062 : memref<1x4x8x128xf32, #tpu.memory_space<vmem>> -> memref<4x8x128xf32, #tpu.memory_space<vmem>>
      %dma_wait3A_1064 = arith.constant 0 : i32
      %dma_wait3A_1065 = arith.constant 0 : i32
      %dma_wait3A_1066 = arith.constant 0 : i32
      %dma_wait3A_1067 = tpu.memref_slice %arg4[%dma_wait3A_1057, %dma_wait3A_1058, %dma_wait3A_1064, %dma_wait3A_1065, %dma_wait3A_1066] : memref<50x4x128x8x128xf32, #tpu.memory_space<hbm>> -> memref<1x1x4x8x128xf32, #tpu.memory_space<hbm>>
      %dma_wait3A_1068 = tpu.memref_squeeze %dma_wait3A_1067 : memref<1x1x4x8x128xf32, #tpu.memory_space<hbm>> -> memref<4x8x128xf32, #tpu.memory_space<hbm>>
      %dma_wait3A_1069 = arith.constant 0 : i32
      %dma_wait3A_1070 = arith.constant 0 : i32
      %dma_wait3A_1071 = arith.constant 0 : i32
      %dma_wait3A_1072 = tpu.memref_slice %arg4[%dma_wait3A_1057, %dma_wait3A_1058, %dma_wait3A_1069, %dma_wait3A_1070, %dma_wait3A_1071] : memref<50x4x128x8x128xf32, #tpu.memory_space<hbm>> -> memref<1x1x4x8x128xf32, #tpu.memory_space<hbm>>
      %dma_wait3A_1073 = tpu.memref_squeeze %dma_wait3A_1072 : memref<1x1x4x8x128xf32, #tpu.memory_space<hbm>> -> memref<4x8x128xf32, #tpu.memory_space<hbm>>
      %dma_wait3A_1074 = arith.constant 0 : i32
      %dma_wait3A_1075 = arith.constant 0 : i32
      %dma_wait3A_1076 = arith.constant 0 : i32
      %dma_wait3A_1077 = tpu.memref_slice %arg9[%dma_wait3A_1056, %dma_wait3A_1074, %dma_wait3A_1075, %dma_wait3A_1076] : memref<4x4x8x133xf32, #tpu.memory_space<vmem>> -> memref<1x4x8x128xf32, #tpu.memory_space<vmem>>
      %dma_wait3A_1078 = tpu.memref_squeeze %dma_wait3A_1077 : memref<1x4x8x128xf32, #tpu.memory_space<vmem>> -> memref<4x8x128xf32, #tpu.memory_space<vmem>>
      tpu.wait_dma2 semaphore(%arg13 : memref<!tpu.dma_semaphore, #tpu.memory_space<semaphore_mem>>) src(%dma_wait3A_1078 : memref<4x8x128xf32, #tpu.memory_space<vmem>>) dst(%dma_wait3A_1073 : memref<4x8x128xf32, #tpu.memory_space<hbm>>)
      %dma_wait3A_1079 = arith.constant 1 : i32
      %dma_wait3A_1080 = arith.constant 0 : i32
      %dma_wait3A_1081 = arith.constant 0 : i32
      %dma_wait3A_1082 = arith.constant 0 : i32
      %dma_wait3A_1083 = arith.constant 0 : i32
      %dma_wait3A_1084 = arith.constant 0 : i32
      %dma_wait3A_1085 = tpu.memref_slice %arg9[%dma_wait3A_1079, %dma_wait3A_1082, %dma_wait3A_1083, %dma_wait3A_1084] : memref<4x4x8x133xf32, #tpu.memory_space<vmem>> -> memref<1x4x8x128xf32, #tpu.memory_space<vmem>>
      %dma_wait3A_1086 = tpu.memref_squeeze %dma_wait3A_1085 : memref<1x4x8x128xf32, #tpu.memory_space<vmem>> -> memref<4x8x128xf32, #tpu.memory_space<vmem>>
      %dma_wait3A_1087 = arith.constant 0 : i32
      %dma_wait3A_1088 = arith.constant 0 : i32
      %dma_wait3A_1089 = arith.constant 0 : i32
      %dma_wait3A_1090 = tpu.memref_slice %arg4[%dma_wait3A_1080, %dma_wait3A_1081, %dma_wait3A_1087, %dma_wait3A_1088, %dma_wait3A_1089] : memref<50x4x128x8x128xf32, #tpu.memory_space<hbm>> -> memref<1x1x4x8x128xf32, #tpu.memory_space<hbm>>
      %dma_wait3A_1091 = tpu.memref_squeeze %dma_wait3A_1090 : memref<1x1x4x8x128xf32, #tpu.memory_space<hbm>> -> memref<4x8x128xf32, #tpu.memory_space<hbm>>
      %dma_wait3A_1092 = arith.constant 0 : i32
      %dma_wait3A_1093 = arith.constant 0 : i32
      %dma_wait3A_1094 = arith.constant 0 : i32
      %dma_wait3A_1095 = tpu.memref_slice %arg4[%dma_wait3A_1080, %dma_wait3A_1081, %dma_wait3A_1092, %dma_wait3A_1093, %dma_wait3A_1094] : memref<50x4x128x8x128xf32, #tpu.memory_space<hbm>> -> memref<1x1x4x8x128xf32, #tpu.memory_space<hbm>>
      %dma_wait3A_1096 = tpu.memref_squeeze %dma_wait3A_1095 : memref<1x1x4x8x128xf32, #tpu.memory_space<hbm>> -> memref<4x8x128xf32, #tpu.memory_space<hbm>>
      %dma_wait3A_1097 = arith.constant 0 : i32
      %dma_wait3A_1098 = arith.constant 0 : i32
      %dma_wait3A_1099 = arith.constant 0 : i32
      %dma_wait3A_1100 = tpu.memref_slice %arg9[%dma_wait3A_1079, %dma_wait3A_1097, %dma_wait3A_1098, %dma_wait3A_1099] : memref<4x4x8x133xf32, #tpu.memory_space<vmem>> -> memref<1x4x8x128xf32, #tpu.memory_space<vmem>>
      %dma_wait3A_1101 = tpu.memref_squeeze %dma_wait3A_1100 : memref<1x4x8x128xf32, #tpu.memory_space<vmem>> -> memref<4x8x128xf32, #tpu.memory_space<vmem>>
      tpu.wait_dma2 semaphore(%arg13 : memref<!tpu.dma_semaphore, #tpu.memory_space<semaphore_mem>>) src(%dma_wait3A_1101 : memref<4x8x128xf32, #tpu.memory_space<vmem>>) dst(%dma_wait3A_1096 : memref<4x8x128xf32, #tpu.memory_space<hbm>>)
      %dma_wait3A_1102 = arith.constant 2 : i32
      %dma_wait3A_1103 = arith.constant 0 : i32
      %dma_wait3A_1104 = arith.constant 0 : i32
      %dma_wait3A_1105 = arith.constant 0 : i32
      %dma_wait3A_1106 = arith.constant 0 : i32
      %dma_wait3A_1107 = arith.constant 0 : i32
      %dma_wait3A_1108 = tpu.memref_slice %arg9[%dma_wait3A_1102, %dma_wait3A_1105, %dma_wait3A_1106, %dma_wait3A_1107] : memref<4x4x8x133xf32, #tpu.memory_space<vmem>> -> memref<1x4x8x128xf32, #tpu.memory_space<vmem>>
      %dma_wait3A_1109 = tpu.memref_squeeze %dma_wait3A_1108 : memref<1x4x8x128xf32, #tpu.memory_space<vmem>> -> memref<4x8x128xf32, #tpu.memory_space<vmem>>
      %dma_wait3A_1110 = arith.constant 0 : i32
      %dma_wait3A_1111 = arith.constant 0 : i32
      %dma_wait3A_1112 = arith.constant 0 : i32
      %dma_wait3A_1113 = tpu.memref_slice %arg4[%dma_wait3A_1103, %dma_wait3A_1104, %dma_wait3A_1110, %dma_wait3A_1111, %dma_wait3A_1112] : memref<50x4x128x8x128xf32, #tpu.memory_space<hbm>> -> memref<1x1x4x8x128xf32, #tpu.memory_space<hbm>>
      %dma_wait3A_1114 = tpu.memref_squeeze %dma_wait3A_1113 : memref<1x1x4x8x128xf32, #tpu.memory_space<hbm>> -> memref<4x8x128xf32, #tpu.memory_space<hbm>>
      %dma_wait3A_1115 = arith.constant 0 : i32
      %dma_wait3A_1116 = arith.constant 0 : i32
      %dma_wait3A_1117 = arith.constant 0 : i32
      %dma_wait3A_1118 = tpu.memref_slice %arg4[%dma_wait3A_1103, %dma_wait3A_1104, %dma_wait3A_1115, %dma_wait3A_1116, %dma_wait3A_1117] : memref<50x4x128x8x128xf32, #tpu.memory_space<hbm>> -> memref<1x1x4x8x128xf32, #tpu.memory_space<hbm>>
      %dma_wait3A_1119 = tpu.memref_squeeze %dma_wait3A_1118 : memref<1x1x4x8x128xf32, #tpu.memory_space<hbm>> -> memref<4x8x128xf32, #tpu.memory_space<hbm>>
      %dma_wait3A_1120 = arith.constant 0 : i32
      %dma_wait3A_1121 = arith.constant 0 : i32
      %dma_wait3A_1122 = arith.constant 0 : i32
      %dma_wait3A_1123 = tpu.memref_slice %arg9[%dma_wait3A_1102, %dma_wait3A_1120, %dma_wait3A_1121, %dma_wait3A_1122] : memref<4x4x8x133xf32, #tpu.memory_space<vmem>> -> memref<1x4x8x128xf32, #tpu.memory_space<vmem>>
      %dma_wait3A_1124 = tpu.memref_squeeze %dma_wait3A_1123 : memref<1x4x8x128xf32, #tpu.memory_space<vmem>> -> memref<4x8x128xf32, #tpu.memory_space<vmem>>
      tpu.wait_dma2 semaphore(%arg13 : memref<!tpu.dma_semaphore, #tpu.memory_space<semaphore_mem>>) src(%dma_wait3A_1124 : memref<4x8x128xf32, #tpu.memory_space<vmem>>) dst(%dma_wait3A_1119 : memref<4x8x128xf32, #tpu.memory_space<hbm>>)
      %dma_wait3A_1125 = arith.constant 3 : i32
      %dma_wait3A_1126 = arith.constant 0 : i32
      %dma_wait3A_1127 = arith.constant 0 : i32
      %dma_wait3A_1128 = arith.constant 0 : i32
      %dma_wait3A_1129 = arith.constant 0 : i32
      %dma_wait3A_1130 = arith.constant 0 : i32
      %dma_wait3A_1131 = tpu.memref_slice %arg9[%dma_wait3A_1125, %dma_wait3A_1128, %dma_wait3A_1129, %dma_wait3A_1130] : memref<4x4x8x133xf32, #tpu.memory_space<vmem>> -> memref<1x4x8x128xf32, #tpu.memory_space<vmem>>
      %dma_wait3A_1132 = tpu.memref_squeeze %dma_wait3A_1131 : memref<1x4x8x128xf32, #tpu.memory_space<vmem>> -> memref<4x8x128xf32, #tpu.memory_space<vmem>>
      %dma_wait3A_1133 = arith.constant 0 : i32
      %dma_wait3A_1134 = arith.constant 0 : i32
      %dma_wait3A_1135 = arith.constant 0 : i32
      %dma_wait3A_1136 = tpu.memref_slice %arg4[%dma_wait3A_1126, %dma_wait3A_1127, %dma_wait3A_1133, %dma_wait3A_1134, %dma_wait3A_1135] : memref<50x4x128x8x128xf32, #tpu.memory_space<hbm>> -> memref<1x1x4x8x128xf32, #tpu.memory_space<hbm>>
      %dma_wait3A_1137 = tpu.memref_squeeze %dma_wait3A_1136 : memref<1x1x4x8x128xf32, #tpu.memory_space<hbm>> -> memref<4x8x128xf32, #tpu.memory_space<hbm>>
      %dma_wait3A_1138 = arith.constant 0 : i32
      %dma_wait3A_1139 = arith.constant 0 : i32
      %dma_wait3A_1140 = arith.constant 0 : i32
      %dma_wait3A_1141 = tpu.memref_slice %arg4[%dma_wait3A_1126, %dma_wait3A_1127, %dma_wait3A_1138, %dma_wait3A_1139, %dma_wait3A_1140] : memref<50x4x128x8x128xf32, #tpu.memory_space<hbm>> -> memref<1x1x4x8x128xf32, #tpu.memory_space<hbm>>
      %dma_wait3A_1142 = tpu.memref_squeeze %dma_wait3A_1141 : memref<1x1x4x8x128xf32, #tpu.memory_space<hbm>> -> memref<4x8x128xf32, #tpu.memory_space<hbm>>
      %dma_wait3A_1143 = arith.constant 0 : i32
      %dma_wait3A_1144 = arith.constant 0 : i32
      %dma_wait3A_1145 = arith.constant 0 : i32
      %dma_wait3A_1146 = tpu.memref_slice %arg9[%dma_wait3A_1125, %dma_wait3A_1143, %dma_wait3A_1144, %dma_wait3A_1145] : memref<4x4x8x133xf32, #tpu.memory_space<vmem>> -> memref<1x4x8x128xf32, #tpu.memory_space<vmem>>
      %dma_wait3A_1147 = tpu.memref_squeeze %dma_wait3A_1146 : memref<1x4x8x128xf32, #tpu.memory_space<vmem>> -> memref<4x8x128xf32, #tpu.memory_space<vmem>>
      tpu.wait_dma2 semaphore(%arg13 : memref<!tpu.dma_semaphore, #tpu.memory_space<semaphore_mem>>) src(%dma_wait3A_1147 : memref<4x8x128xf32, #tpu.memory_space<vmem>>) dst(%dma_wait3A_1142 : memref<4x8x128xf32, #tpu.memory_space<hbm>>)
      %scan3A_1148 = arith.constant 0 : i32
      %scan3A_1149 = arith.constant 0 : i32
      %scan3A_1150 = arith.constant 32 : i32
      %scan3A_1151 = arith.addi %scan3A_1149, %scan3A_1150 : i32
      %scan3A_1152 = arith.constant 1 : i32
      scf.for %scan3A_1251 = %scan3A_1149 to %scan3A_1151 step %scan3A_1152  : i32 {
        %mul3A_1252 = arith.constant 4 : i32
        %mul3A_1253 = arith.muli %scan3A_1251, %mul3A_1252 : i32
        %add3A_1254 = arith.constant 0 : i32
        %add3A_1255 = arith.addi %mul3A_1253, %add3A_1254 : i32
        %broadcast_in_dim3A_1256 = vector.broadcast %add3A_1255 : i32 to vector<16xi32>
        %add3A_1257 = arith.constant 0 : i32
        %add3A_1258 = arith.addi %add3A_1257, %add3A_1255 : i32
        %get3A = arith.index_cast %add3A_1258 : i32 to index
        %get3A_1259 = arith.constant 0 : index
        %get3A_1260 = tpu.vector_load %arg7[%get3A, %get3A_1259] {strides = array<i32>} : memref<512x32xf32, #tpu.memory_space<vmem>>, vector<16xf32>,
        tpu.vector_store_idx %arg9[%add3A_9, %broadcast_in_dim3A_16, %and3A_4, %broadcast_in_dim3A_1256], %get3A_1260 : memref<4x4x8x133xf32, #tpu.memory_space<vmem>>[vector<16xi32>, vector<16xi32>, vector<16xi32>, vector<16xi32>], vector<16xf32>,
        %get3A_1261 = arith.index_cast %add3A_1258 : i32 to index
        %get3A_1262 = arith.constant 16 : index
        %get3A_1263 = tpu.vector_load %arg7[%get3A_1261, %get3A_1262] {strides = array<i32>} : memref<512x32xf32, #tpu.memory_space<vmem>>, vector<16xf32>,
        tpu.vector_store_idx %arg9[%add3A_15, %broadcast_in_dim3A_16, %and3A_4, %broadcast_in_dim3A_1256], %get3A_1263 : memref<4x4x8x133xf32, #tpu.memory_space<vmem>>[vector<16xi32>, vector<16xi32>, vector<16xi32>, vector<16xi32>], vector<16xf32>,
        %mul3A_1264 = arith.constant 4 : i32
        %mul3A_1265 = arith.muli %scan3A_1251, %mul3A_1264 : i32
        %add3A_1266 = arith.constant 1 : i32
        %add3A_1267 = arith.addi %mul3A_1265, %add3A_1266 : i32
        %broadcast_in_dim3A_1268 = vector.broadcast %add3A_1267 : i32 to vector<16xi32>
        %add3A_1269 = arith.constant 0 : i32
        %add3A_1270 = arith.addi %add3A_1269, %add3A_1267 : i32
        %get3A_1271 = arith.index_cast %add3A_1270 : i32 to index
        %get3A_1272 = arith.constant 0 : index
        %get3A_1273 = tpu.vector_load %arg7[%get3A_1271, %get3A_1272] {strides = array<i32>} : memref<512x32xf32, #tpu.memory_space<vmem>>, vector<16xf32>,
        tpu.vector_store_idx %arg9[%add3A_9, %broadcast_in_dim3A_16, %and3A_4, %broadcast_in_dim3A_1268], %get3A_1273 : memref<4x4x8x133xf32, #tpu.memory_space<vmem>>[vector<16xi32>, vector<16xi32>, vector<16xi32>, vector<16xi32>], vector<16xf32>,
        %get3A_1274 = arith.index_cast %add3A_1270 : i32 to index
        %get3A_1275 = arith.constant 16 : index
        %get3A_1276 = tpu.vector_load %arg7[%get3A_1274, %get3A_1275] {strides = array<i32>} : memref<512x32xf32, #tpu.memory_space<vmem>>, vector<16xf32>,
        tpu.vector_store_idx %arg9[%add3A_15, %broadcast_in_dim3A_16, %and3A_4, %broadcast_in_dim3A_1268], %get3A_1276 : memref<4x4x8x133xf32, #tpu.memory_space<vmem>>[vector<16xi32>, vector<16xi32>, vector<16xi32>, vector<16xi32>], vector<16xf32>,
        %mul3A_1277 = arith.constant 4 : i32
        %mul3A_1278 = arith.muli %scan3A_1251, %mul3A_1277 : i32
        %add3A_1279 = arith.constant 2 : i32
        %add3A_1280 = arith.addi %mul3A_1278, %add3A_1279 : i32
        %broadcast_in_dim3A_1281 = vector.broadcast %add3A_1280 : i32 to vector<16xi32>
        %add3A_1282 = arith.constant 0 : i32
        %add3A_1283 = arith.addi %add3A_1282, %add3A_1280 : i32
        %get3A_1284 = arith.index_cast %add3A_1283 : i32 to index
        %get3A_1285 = arith.constant 0 : index
        %get3A_1286 = tpu.vector_load %arg7[%get3A_1284, %get3A_1285] {strides = array<i32>} : memref<512x32xf32, #tpu.memory_space<vmem>>, vector<16xf32>,
        tpu.vector_store_idx %arg9[%add3A_9, %broadcast_in_dim3A_16, %and3A_4, %broadcast_in_dim3A_1281], %get3A_1286 : memref<4x4x8x133xf32, #tpu.memory_space<vmem>>[vector<16xi32>, vector<16xi32>, vector<16xi32>, vector<16xi32>], vector<16xf32>,
        %get3A_1287 = arith.index_cast %add3A_1283 : i32 to index
        %get3A_1288 = arith.constant 16 : index
        %get3A_1289 = tpu.vector_load %arg7[%get3A_1287, %get3A_1288] {strides = array<i32>} : memref<512x32xf32, #tpu.memory_space<vmem>>, vector<16xf32>,
        tpu.vector_store_idx %arg9[%add3A_15, %broadcast_in_dim3A_16, %and3A_4, %broadcast_in_dim3A_1281], %get3A_1289 : memref<4x4x8x133xf32, #tpu.memory_space<vmem>>[vector<16xi32>, vector<16xi32>, vector<16xi32>, vector<16xi32>], vector<16xf32>,
        %mul3A_1290 = arith.constant 4 : i32
        %mul3A_1291 = arith.muli %scan3A_1251, %mul3A_1290 : i32
        %add3A_1292 = arith.constant 3 : i32
        %add3A_1293 = arith.addi %mul3A_1291, %add3A_1292 : i32
        %broadcast_in_dim3A_1294 = vector.broadcast %add3A_1293 : i32 to vector<16xi32>
        %add3A_1295 = arith.constant 0 : i32
        %add3A_1296 = arith.addi %add3A_1295, %add3A_1293 : i32
        %get3A_1297 = arith.index_cast %add3A_1296 : i32 to index
        %get3A_1298 = arith.constant 0 : index
        %get3A_1299 = tpu.vector_load %arg7[%get3A_1297, %get3A_1298] {strides = array<i32>} : memref<512x32xf32, #tpu.memory_space<vmem>>, vector<16xf32>,
        tpu.vector_store_idx %arg9[%add3A_9, %broadcast_in_dim3A_16, %and3A_4, %broadcast_in_dim3A_1294], %get3A_1299 : memref<4x4x8x133xf32, #tpu.memory_space<vmem>>[vector<16xi32>, vector<16xi32>, vector<16xi32>, vector<16xi32>], vector<16xf32>,
        %get3A_1300 = arith.index_cast %add3A_1296 : i32 to index
        %get3A_1301 = arith.constant 16 : index
        %get3A_1302 = tpu.vector_load %arg7[%get3A_1300, %get3A_1301] {strides = array<i32>} : memref<512x32xf32, #tpu.memory_space<vmem>>, vector<16xf32>,
        tpu.vector_store_idx %arg9[%add3A_15, %broadcast_in_dim3A_16, %and3A_4, %broadcast_in_dim3A_1294], %get3A_1302 : memref<4x4x8x133xf32, #tpu.memory_space<vmem>>[vector<16xi32>, vector<16xi32>, vector<16xi32>, vector<16xi32>], vector<16xf32>,
        %mul3A_1303 = arith.constant 4 : i32
        %mul3A_1304 = arith.muli %scan3A_1251, %mul3A_1303 : i32
        %add3A_1305 = arith.constant 0 : i32
        %add3A_1306 = arith.addi %mul3A_1304, %add3A_1305 : i32
        %broadcast_in_dim3A_1307 = vector.broadcast %add3A_1306 : i32 to vector<16xi32>
        %add3A_1308 = arith.constant 128 : i32
        %add3A_1309 = arith.addi %add3A_1308, %add3A_1306 : i32
        %get3A_1310 = arith.index_cast %add3A_1309 : i32 to index
        %get3A_1311 = arith.constant 0 : index
        %get3A_1312 = tpu.vector_load %arg7[%get3A_1310, %get3A_1311] {strides = array<i32>} : memref<512x32xf32, #tpu.memory_space<vmem>>, vector<16xf32>,
        tpu.vector_store_idx %arg9[%add3A_9, %broadcast_in_dim3A_18, %and3A_4, %broadcast_in_dim3A_1307], %get3A_1312 : memref<4x4x8x133xf32, #tpu.memory_space<vmem>>[vector<16xi32>, vector<16xi32>, vector<16xi32>, vector<16xi32>], vector<16xf32>,
        %get3A_1313 = arith.index_cast %add3A_1309 : i32 to index
        %get3A_1314 = arith.constant 16 : index
        %get3A_1315 = tpu.vector_load %arg7[%get3A_1313, %get3A_1314] {strides = array<i32>} : memref<512x32xf32, #tpu.memory_space<vmem>>, vector<16xf32>,
        tpu.vector_store_idx %arg9[%add3A_15, %broadcast_in_dim3A_18, %and3A_4, %broadcast_in_dim3A_1307], %get3A_1315 : memref<4x4x8x133xf32, #tpu.memory_space<vmem>>[vector<16xi32>, vector<16xi32>, vector<16xi32>, vector<16xi32>], vector<16xf32>,
        %mul3A_1316 = arith.constant 4 : i32
        %mul3A_1317 = arith.muli %scan3A_1251, %mul3A_1316 : i32
        %add3A_1318 = arith.constant 1 : i32
        %add3A_1319 = arith.addi %mul3A_1317, %add3A_1318 : i32
        %broadcast_in_dim3A_1320 = vector.broadcast %add3A_1319 : i32 to vector<16xi32>
        %add3A_1321 = arith.constant 128 : i32
        %add3A_1322 = arith.addi %add3A_1321, %add3A_1319 : i32
        %get3A_1323 = arith.index_cast %add3A_1322 : i32 to index
        %get3A_1324 = arith.constant 0 : index
        %get3A_1325 = tpu.vector_load %arg7[%get3A_1323, %get3A_1324] {strides = array<i32>} : memref<512x32xf32, #tpu.memory_space<vmem>>, vector<16xf32>,
        tpu.vector_store_idx %arg9[%add3A_9, %broadcast_in_dim3A_18, %and3A_4, %broadcast_in_dim3A_1320], %get3A_1325 : memref<4x4x8x133xf32, #tpu.memory_space<vmem>>[vector<16xi32>, vector<16xi32>, vector<16xi32>, vector<16xi32>], vector<16xf32>,
        %get3A_1326 = arith.index_cast %add3A_1322 : i32 to index
        %get3A_1327 = arith.constant 16 : index
        %get3A_1328 = tpu.vector_load %arg7[%get3A_1326, %get3A_1327] {strides = array<i32>} : memref<512x32xf32, #tpu.memory_space<vmem>>, vector<16xf32>,
        tpu.vector_store_idx %arg9[%add3A_15, %broadcast_in_dim3A_18, %and3A_4, %broadcast_in_dim3A_1320], %get3A_1328 : memref<4x4x8x133xf32, #tpu.memory_space<vmem>>[vector<16xi32>, vector<16xi32>, vector<16xi32>, vector<16xi32>], vector<16xf32>,
        %mul3A_1329 = arith.constant 4 : i32
        %mul3A_1330 = arith.muli %scan3A_1251, %mul3A_1329 : i32
        %add3A_1331 = arith.constant 2 : i32
        %add3A_1332 = arith.addi %mul3A_1330, %add3A_1331 : i32
        %broadcast_in_dim3A_1333 = vector.broadcast %add3A_1332 : i32 to vector<16xi32>
        %add3A_1334 = arith.constant 128 : i32
        %add3A_1335 = arith.addi %add3A_1334, %add3A_1332 : i32
        %get3A_1336 = arith.index_cast %add3A_1335 : i32 to index
        %get3A_1337 = arith.constant 0 : index
        %get3A_1338 = tpu.vector_load %arg7[%get3A_1336, %get3A_1337] {strides = array<i32>} : memref<512x32xf32, #tpu.memory_space<vmem>>, vector<16xf32>,
        tpu.vector_store_idx %arg9[%add3A_9, %broadcast_in_dim3A_18, %and3A_4, %broadcast_in_dim3A_1333], %get3A_1338 : memref<4x4x8x133xf32, #tpu.memory_space<vmem>>[vector<16xi32>, vector<16xi32>, vector<16xi32>, vector<16xi32>], vector<16xf32>,
        %get3A_1339 = arith.index_cast %add3A_1335 : i32 to index
        %get3A_1340 = arith.constant 16 : index
        %get3A_1341 = tpu.vector_load %arg7[%get3A_1339, %get3A_1340] {strides = array<i32>} : memref<512x32xf32, #tpu.memory_space<vmem>>, vector<16xf32>,
        tpu.vector_store_idx %arg9[%add3A_15, %broadcast_in_dim3A_18, %and3A_4, %broadcast_in_dim3A_1333], %get3A_1341 : memref<4x4x8x133xf32, #tpu.memory_space<vmem>>[vector<16xi32>, vector<16xi32>, vector<16xi32>, vector<16xi32>], vector<16xf32>,
        %mul3A_1342 = arith.constant 4 : i32
        %mul3A_1343 = arith.muli %scan3A_1251, %mul3A_1342 : i32
        %add3A_1344 = arith.constant 3 : i32
        %add3A_1345 = arith.addi %mul3A_1343, %add3A_1344 : i32
        %broadcast_in_dim3A_1346 = vector.broadcast %add3A_1345 : i32 to vector<16xi32>
        %add3A_1347 = arith.constant 128 : i32
        %add3A_1348 = arith.addi %add3A_1347, %add3A_1345 : i32
        %get3A_1349 = arith.index_cast %add3A_1348 : i32 to index
        %get3A_1350 = arith.constant 0 : index
        %get3A_1351 = tpu.vector_load %arg7[%get3A_1349, %get3A_1350] {strides = array<i32>} : memref<512x32xf32, #tpu.memory_space<vmem>>, vector<16xf32>,
        tpu.vector_store_idx %arg9[%add3A_9, %broadcast_in_dim3A_18, %and3A_4, %broadcast_in_dim3A_1346], %get3A_1351 : memref<4x4x8x133xf32, #tpu.memory_space<vmem>>[vector<16xi32>, vector<16xi32>, vector<16xi32>, vector<16xi32>], vector<16xf32>,
        %get3A_1352 = arith.index_cast %add3A_1348 : i32 to index
        %get3A_1353 = arith.constant 16 : index
        %get3A_1354 = tpu.vector_load %arg7[%get3A_1352, %get3A_1353] {strides = array<i32>} : memref<512x32xf32, #tpu.memory_space<vmem>>, vector<16xf32>,
        tpu.vector_store_idx %arg9[%add3A_15, %broadcast_in_dim3A_18, %and3A_4, %broadcast_in_dim3A_1346], %get3A_1354 : memref<4x4x8x133xf32, #tpu.memory_space<vmem>>[vector<16xi32>, vector<16xi32>, vector<16xi32>, vector<16xi32>], vector<16xf32>,
        %mul3A_1355 = arith.constant 4 : i32
        %mul3A_1356 = arith.muli %scan3A_1251, %mul3A_1355 : i32
        %add3A_1357 = arith.constant 0 : i32
        %add3A_1358 = arith.addi %mul3A_1356, %add3A_1357 : i32
        %broadcast_in_dim3A_1359 = vector.broadcast %add3A_1358 : i32 to vector<16xi32>
        %add3A_1360 = arith.constant 256 : i32
        %add3A_1361 = arith.addi %add3A_1360, %add3A_1358 : i32
        %get3A_1362 = arith.index_cast %add3A_1361 : i32 to index
        %get3A_1363 = arith.constant 0 : index
        %get3A_1364 = tpu.vector_load %arg7[%get3A_1362, %get3A_1363] {strides = array<i32>} : memref<512x32xf32, #tpu.memory_space<vmem>>, vector<16xf32>,
        tpu.vector_store_idx %arg9[%add3A_9, %broadcast_in_dim3A_20, %and3A_4, %broadcast_in_dim3A_1359], %get3A_1364 : memref<4x4x8x133xf32, #tpu.memory_space<vmem>>[vector<16xi32>, vector<16xi32>, vector<16xi32>, vector<16xi32>], vector<16xf32>,
        %get3A_1365 = arith.index_cast %add3A_1361 : i32 to index
        %get3A_1366 = arith.constant 16 : index
        %get3A_1367 = tpu.vector_load %arg7[%get3A_1365, %get3A_1366] {strides = array<i32>} : memref<512x32xf32, #tpu.memory_space<vmem>>, vector<16xf32>,
        tpu.vector_store_idx %arg9[%add3A_15, %broadcast_in_dim3A_20, %and3A_4, %broadcast_in_dim3A_1359], %get3A_1367 : memref<4x4x8x133xf32, #tpu.memory_space<vmem>>[vector<16xi32>, vector<16xi32>, vector<16xi32>, vector<16xi32>], vector<16xf32>,
        %mul3A_1368 = arith.constant 4 : i32
        %mul3A_1369 = arith.muli %scan3A_1251, %mul3A_1368 : i32
        %add3A_1370 = arith.constant 1 : i32
        %add3A_1371 = arith.addi %mul3A_1369, %add3A_1370 : i32
        %broadcast_in_dim3A_1372 = vector.broadcast %add3A_1371 : i32 to vector<16xi32>
        %add3A_1373 = arith.constant 256 : i32
        %add3A_1374 = arith.addi %add3A_1373, %add3A_1371 : i32
        %get3A_1375 = arith.index_cast %add3A_1374 : i32 to index
        %get3A_1376 = arith.constant 0 : index
        %get3A_1377 = tpu.vector_load %arg7[%get3A_1375, %get3A_1376] {strides = array<i32>} : memref<512x32xf32, #tpu.memory_space<vmem>>, vector<16xf32>,
        tpu.vector_store_idx %arg9[%add3A_9, %broadcast_in_dim3A_20, %and3A_4, %broadcast_in_dim3A_1372], %get3A_1377 : memref<4x4x8x133xf32, #tpu.memory_space<vmem>>[vector<16xi32>, vector<16xi32>, vector<16xi32>, vector<16xi32>], vector<16xf32>,
        %get3A_1378 = arith.index_cast %add3A_1374 : i32 to index
        %get3A_1379 = arith.constant 16 : index
        %get3A_1380 = tpu.vector_load %arg7[%get3A_1378, %get3A_1379] {strides = array<i32>} : memref<512x32xf32, #tpu.memory_space<vmem>>, vector<16xf32>,
        tpu.vector_store_idx %arg9[%add3A_15, %broadcast_in_dim3A_20, %and3A_4, %broadcast_in_dim3A_1372], %get3A_1380 : memref<4x4x8x133xf32, #tpu.memory_space<vmem>>[vector<16xi32>, vector<16xi32>, vector<16xi32>, vector<16xi32>], vector<16xf32>,
        %mul3A_1381 = arith.constant 4 : i32
        %mul3A_1382 = arith.muli %scan3A_1251, %mul3A_1381 : i32
        %add3A_1383 = arith.constant 2 : i32
        %add3A_1384 = arith.addi %mul3A_1382, %add3A_1383 : i32
        %broadcast_in_dim3A_1385 = vector.broadcast %add3A_1384 : i32 to vector<16xi32>
        %add3A_1386 = arith.constant 256 : i32
        %add3A_1387 = arith.addi %add3A_1386, %add3A_1384 : i32
        %get3A_1388 = arith.index_cast %add3A_1387 : i32 to index
        %get3A_1389 = arith.constant 0 : index
        %get3A_1390 = tpu.vector_load %arg7[%get3A_1388, %get3A_1389] {strides = array<i32>} : memref<512x32xf32, #tpu.memory_space<vmem>>, vector<16xf32>,
        tpu.vector_store_idx %arg9[%add3A_9, %broadcast_in_dim3A_20, %and3A_4, %broadcast_in_dim3A_1385], %get3A_1390 : memref<4x4x8x133xf32, #tpu.memory_space<vmem>>[vector<16xi32>, vector<16xi32>, vector<16xi32>, vector<16xi32>], vector<16xf32>,
        %get3A_1391 = arith.index_cast %add3A_1387 : i32 to index
        %get3A_1392 = arith.constant 16 : index
        %get3A_1393 = tpu.vector_load %arg7[%get3A_1391, %get3A_1392] {strides = array<i32>} : memref<512x32xf32, #tpu.memory_space<vmem>>, vector<16xf32>,
        tpu.vector_store_idx %arg9[%add3A_15, %broadcast_in_dim3A_20, %and3A_4, %broadcast_in_dim3A_1385], %get3A_1393 : memref<4x4x8x133xf32, #tpu.memory_space<vmem>>[vector<16xi32>, vector<16xi32>, vector<16xi32>, vector<16xi32>], vector<16xf32>,
        %mul3A_1394 = arith.constant 4 : i32
        %mul3A_1395 = arith.muli %scan3A_1251, %mul3A_1394 : i32
        %add3A_1396 = arith.constant 3 : i32
        %add3A_1397 = arith.addi %mul3A_1395, %add3A_1396 : i32
        %broadcast_in_dim3A_1398 = vector.broadcast %add3A_1397 : i32 to vector<16xi32>
        %add3A_1399 = arith.constant 256 : i32
        %add3A_1400 = arith.addi %add3A_1399, %add3A_1397 : i32
        %get3A_1401 = arith.index_cast %add3A_1400 : i32 to index
        %get3A_1402 = arith.constant 0 : index
        %get3A_1403 = tpu.vector_load %arg7[%get3A_1401, %get3A_1402] {strides = array<i32>} : memref<512x32xf32, #tpu.memory_space<vmem>>, vector<16xf32>,
        tpu.vector_store_idx %arg9[%add3A_9, %broadcast_in_dim3A_20, %and3A_4, %broadcast_in_dim3A_1398], %get3A_1403 : memref<4x4x8x133xf32, #tpu.memory_space<vmem>>[vector<16xi32>, vector<16xi32>, vector<16xi32>, vector<16xi32>], vector<16xf32>,
        %get3A_1404 = arith.index_cast %add3A_1400 : i32 to index
        %get3A_1405 = arith.constant 16 : index
        %get3A_1406 = tpu.vector_load %arg7[%get3A_1404, %get3A_1405] {strides = array<i32>} : memref<512x32xf32, #tpu.memory_space<vmem>>, vector<16xf32>,
        tpu.vector_store_idx %arg9[%add3A_15, %broadcast_in_dim3A_20, %and3A_4, %broadcast_in_dim3A_1398], %get3A_1406 : memref<4x4x8x133xf32, #tpu.memory_space<vmem>>[vector<16xi32>, vector<16xi32>, vector<16xi32>, vector<16xi32>], vector<16xf32>,
        %mul3A_1407 = arith.constant 4 : i32
        %mul3A_1408 = arith.muli %scan3A_1251, %mul3A_1407 : i32
        %add3A_1409 = arith.constant 0 : i32
        %add3A_1410 = arith.addi %mul3A_1408, %add3A_1409 : i32
        %broadcast_in_dim3A_1411 = vector.broadcast %add3A_1410 : i32 to vector<16xi32>
        %add3A_1412 = arith.constant 384 : i32
        %add3A_1413 = arith.addi %add3A_1412, %add3A_1410 : i32
        %get3A_1414 = arith.index_cast %add3A_1413 : i32 to index
        %get3A_1415 = arith.constant 0 : index
        %get3A_1416 = tpu.vector_load %arg7[%get3A_1414, %get3A_1415] {strides = array<i32>} : memref<512x32xf32, #tpu.memory_space<vmem>>, vector<16xf32>,
        tpu.vector_store_idx %arg9[%add3A_9, %broadcast_in_dim3A_22, %and3A_4, %broadcast_in_dim3A_1411], %get3A_1416 : memref<4x4x8x133xf32, #tpu.memory_space<vmem>>[vector<16xi32>, vector<16xi32>, vector<16xi32>, vector<16xi32>], vector<16xf32>,
        %get3A_1417 = arith.index_cast %add3A_1413 : i32 to index
        %get3A_1418 = arith.constant 16 : index
        %get3A_1419 = tpu.vector_load %arg7[%get3A_1417, %get3A_1418] {strides = array<i32>} : memref<512x32xf32, #tpu.memory_space<vmem>>, vector<16xf32>,
        tpu.vector_store_idx %arg9[%add3A_15, %broadcast_in_dim3A_22, %and3A_4, %broadcast_in_dim3A_1411], %get3A_1419 : memref<4x4x8x133xf32, #tpu.memory_space<vmem>>[vector<16xi32>, vector<16xi32>, vector<16xi32>, vector<16xi32>], vector<16xf32>,
        %mul3A_1420 = arith.constant 4 : i32
        %mul3A_1421 = arith.muli %scan3A_1251, %mul3A_1420 : i32
        %add3A_1422 = arith.constant 1 : i32
        %add3A_1423 = arith.addi %mul3A_1421, %add3A_1422 : i32
        %broadcast_in_dim3A_1424 = vector.broadcast %add3A_1423 : i32 to vector<16xi32>
        %add3A_1425 = arith.constant 384 : i32
        %add3A_1426 = arith.addi %add3A_1425, %add3A_1423 : i32
        %get3A_1427 = arith.index_cast %add3A_1426 : i32 to index
        %get3A_1428 = arith.constant 0 : index
        %get3A_1429 = tpu.vector_load %arg7[%get3A_1427, %get3A_1428] {strides = array<i32>} : memref<512x32xf32, #tpu.memory_space<vmem>>, vector<16xf32>,
        tpu.vector_store_idx %arg9[%add3A_9, %broadcast_in_dim3A_22, %and3A_4, %broadcast_in_dim3A_1424], %get3A_1429 : memref<4x4x8x133xf32, #tpu.memory_space<vmem>>[vector<16xi32>, vector<16xi32>, vector<16xi32>, vector<16xi32>], vector<16xf32>,
        %get3A_1430 = arith.index_cast %add3A_1426 : i32 to index
        %get3A_1431 = arith.constant 16 : index
        %get3A_1432 = tpu.vector_load %arg7[%get3A_1430, %get3A_1431] {strides = array<i32>} : memref<512x32xf32, #tpu.memory_space<vmem>>, vector<16xf32>,
        tpu.vector_store_idx %arg9[%add3A_15, %broadcast_in_dim3A_22, %and3A_4, %broadcast_in_dim3A_1424], %get3A_1432 : memref<4x4x8x133xf32, #tpu.memory_space<vmem>>[vector<16xi32>, vector<16xi32>, vector<16xi32>, vector<16xi32>], vector<16xf32>,
        %mul3A_1433 = arith.constant 4 : i32
        %mul3A_1434 = arith.muli %scan3A_1251, %mul3A_1433 : i32
        %add3A_1435 = arith.constant 2 : i32
        %add3A_1436 = arith.addi %mul3A_1434, %add3A_1435 : i32
        %broadcast_in_dim3A_1437 = vector.broadcast %add3A_1436 : i32 to vector<16xi32>
        %add3A_1438 = arith.constant 384 : i32
        %add3A_1439 = arith.addi %add3A_1438, %add3A_1436 : i32
        %get3A_1440 = arith.index_cast %add3A_1439 : i32 to index
        %get3A_1441 = arith.constant 0 : index
        %get3A_1442 = tpu.vector_load %arg7[%get3A_1440, %get3A_1441] {strides = array<i32>} : memref<512x32xf32, #tpu.memory_space<vmem>>, vector<16xf32>,
        tpu.vector_store_idx %arg9[%add3A_9, %broadcast_in_dim3A_22, %and3A_4, %broadcast_in_dim3A_1437], %get3A_1442 : memref<4x4x8x133xf32, #tpu.memory_space<vmem>>[vector<16xi32>, vector<16xi32>, vector<16xi32>, vector<16xi32>], vector<16xf32>,
        %get3A_1443 = arith.index_cast %add3A_1439 : i32 to index
        %get3A_1444 = arith.constant 16 : index
        %get3A_1445 = tpu.vector_load %arg7[%get3A_1443, %get3A_1444] {strides = array<i32>} : memref<512x32xf32, #tpu.memory_space<vmem>>, vector<16xf32>,
        tpu.vector_store_idx %arg9[%add3A_15, %broadcast_in_dim3A_22, %and3A_4, %broadcast_in_dim3A_1437], %get3A_1445 : memref<4x4x8x133xf32, #tpu.memory_space<vmem>>[vector<16xi32>, vector<16xi32>, vector<16xi32>, vector<16xi32>], vector<16xf32>,
        %mul3A_1446 = arith.constant 4 : i32
        %mul3A_1447 = arith.muli %scan3A_1251, %mul3A_1446 : i32
        %add3A_1448 = arith.constant 3 : i32
        %add3A_1449 = arith.addi %mul3A_1447, %add3A_1448 : i32
        %broadcast_in_dim3A_1450 = vector.broadcast %add3A_1449 : i32 to vector<16xi32>
        %add3A_1451 = arith.constant 384 : i32
        %add3A_1452 = arith.addi %add3A_1451, %add3A_1449 : i32
        %get3A_1453 = arith.index_cast %add3A_1452 : i32 to index
        %get3A_1454 = arith.constant 0 : index
        %get3A_1455 = tpu.vector_load %arg7[%get3A_1453, %get3A_1454] {strides = array<i32>} : memref<512x32xf32, #tpu.memory_space<vmem>>, vector<16xf32>,
        tpu.vector_store_idx %arg9[%add3A_9, %broadcast_in_dim3A_22, %and3A_4, %broadcast_in_dim3A_1450], %get3A_1455 : memref<4x4x8x133xf32, #tpu.memory_space<vmem>>[vector<16xi32>, vector<16xi32>, vector<16xi32>, vector<16xi32>], vector<16xf32>,
        %get3A_1456 = arith.index_cast %add3A_1452 : i32 to index
        %get3A_1457 = arith.constant 16 : index
        %get3A_1458 = tpu.vector_load %arg7[%get3A_1456, %get3A_1457] {strides = array<i32>} : memref<512x32xf32, #tpu.memory_space<vmem>>, vector<16xf32>,
        tpu.vector_store_idx %arg9[%add3A_15, %broadcast_in_dim3A_22, %and3A_4, %broadcast_in_dim3A_1450], %get3A_1458 : memref<4x4x8x133xf32, #tpu.memory_space<vmem>>[vector<16xi32>, vector<16xi32>, vector<16xi32>, vector<16xi32>], vector<16xf32>,
      }
      %scan3A_1153 = arith.constant 32 : i32
      %mul3A_1154 = arith.constant 4 : i32
      %mul3A_1155 = arith.muli %add3A_1049, %mul3A_1154 : i32
      %shift_right_arithmetic3A_1156 = arith.constant 7 : i32
      %shift_right_arithmetic3A_1157 = arith.shrsi %mul3A_1155, %shift_right_arithmetic3A_1156 : i32
      %and3A_1158 = arith.constant 127 : i32
      %and3A_1159 = arith.andi %mul3A_1155, %and3A_1158 : i32
      %dma_start3A_1160 = arith.constant 0 : i32
      %dma_start3A_1161 = arith.constant 0 : i32
      %dma_start3A_1162 = arith.constant 0 : i32
      %dma_start3A_1163 = arith.constant 0 : i32
      %dma_start3A_1164 = arith.constant 0 : i32
      %dma_start3A_1165 = tpu.memref_slice %arg9[%dma_start3A_1160, %dma_start3A_1162, %dma_start3A_1163, %dma_start3A_1164] : memref<4x4x8x133xf32, #tpu.memory_space<vmem>> -> memref<1x4x8x128xf32, #tpu.memory_space<vmem>>
      %dma_start3A_1166 = tpu.memref_squeeze %dma_start3A_1165 : memref<1x4x8x128xf32, #tpu.memory_space<vmem>> -> memref<4x8x128xf32, #tpu.memory_space<vmem>>
      %dma_start3A_1167 = arith.constant 0 : i32
      %dma_start3A_1168 = arith.constant 0 : i32
      %dma_start3A_1169 = tpu.memref_slice %arg4[%shift_right_arithmetic3A_1157, %dma_start3A_1161, %and3A_1159, %dma_start3A_1167, %dma_start3A_1168] : memref<50x4x128x8x128xf32, #tpu.memory_space<hbm>> -> memref<1x1x4x8x128xf32, #tpu.memory_space<hbm>>
      %dma_start3A_1170 = tpu.memref_squeeze %dma_start3A_1169 : memref<1x1x4x8x128xf32, #tpu.memory_space<hbm>> -> memref<4x8x128xf32, #tpu.memory_space<hbm>>
      %dma_start3A_1171 = arith.constant 0 : i32
      %dma_start3A_1172 = arith.constant 0 : i32
      %dma_start3A_1173 = tpu.memref_slice %arg4[%shift_right_arithmetic3A_1157, %dma_start3A_1161, %and3A_1159, %dma_start3A_1171, %dma_start3A_1172] : memref<50x4x128x8x128xf32, #tpu.memory_space<hbm>> -> memref<1x1x4x8x128xf32, #tpu.memory_space<hbm>>
      %dma_start3A_1174 = tpu.memref_squeeze %dma_start3A_1173 : memref<1x1x4x8x128xf32, #tpu.memory_space<hbm>> -> memref<4x8x128xf32, #tpu.memory_space<hbm>>
      %dma_start3A_1175 = arith.constant 0 : i32
      %dma_start3A_1176 = arith.constant 0 : i32
      %dma_start3A_1177 = arith.constant 0 : i32
      %dma_start3A_1178 = tpu.memref_slice %arg9[%dma_start3A_1160, %dma_start3A_1175, %dma_start3A_1176, %dma_start3A_1177] : memref<4x4x8x133xf32, #tpu.memory_space<vmem>> -> memref<1x4x8x128xf32, #tpu.memory_space<vmem>>
      %dma_start3A_1179 = tpu.memref_squeeze %dma_start3A_1178 : memref<1x4x8x128xf32, #tpu.memory_space<vmem>> -> memref<4x8x128xf32, #tpu.memory_space<vmem>>
      tpu.enqueue_dma source(%dma_start3A_1179 : memref<4x8x128xf32, #tpu.memory_space<vmem>>) target(%dma_start3A_1174 : memref<4x8x128xf32, #tpu.memory_space<hbm>>) target_semaphore(%arg13 : memref<!tpu.dma_semaphore, #tpu.memory_space<semaphore_mem>>)
      %dma_start3A_1180 = arith.constant 1 : i32
      %dma_start3A_1181 = arith.constant 1 : i32
      %dma_start3A_1182 = arith.constant 0 : i32
      %dma_start3A_1183 = arith.constant 0 : i32
      %dma_start3A_1184 = arith.constant 0 : i32
      %dma_start3A_1185 = tpu.memref_slice %arg9[%dma_start3A_1180, %dma_start3A_1182, %dma_start3A_1183, %dma_start3A_1184] : memref<4x4x8x133xf32, #tpu.memory_space<vmem>> -> memref<1x4x8x128xf32, #tpu.memory_space<vmem>>
      %dma_start3A_1186 = tpu.memref_squeeze %dma_start3A_1185 : memref<1x4x8x128xf32, #tpu.memory_space<vmem>> -> memref<4x8x128xf32, #tpu.memory_space<vmem>>
      %dma_start3A_1187 = arith.constant 0 : i32
      %dma_start3A_1188 = arith.constant 0 : i32
      %dma_start3A_1189 = tpu.memref_slice %arg4[%shift_right_arithmetic3A_1157, %dma_start3A_1181, %and3A_1159, %dma_start3A_1187, %dma_start3A_1188] : memref<50x4x128x8x128xf32, #tpu.memory_space<hbm>> -> memref<1x1x4x8x128xf32, #tpu.memory_space<hbm>>
      %dma_start3A_1190 = tpu.memref_squeeze %dma_start3A_1189 : memref<1x1x4x8x128xf32, #tpu.memory_space<hbm>> -> memref<4x8x128xf32, #tpu.memory_space<hbm>>
      %dma_start3A_1191 = arith.constant 0 : i32
      %dma_start3A_1192 = arith.constant 0 : i32
      %dma_start3A_1193 = tpu.memref_slice %arg4[%shift_right_arithmetic3A_1157, %dma_start3A_1181, %and3A_1159, %dma_start3A_1191, %dma_start3A_1192] : memref<50x4x128x8x128xf32, #tpu.memory_space<hbm>> -> memref<1x1x4x8x128xf32, #tpu.memory_space<hbm>>
      %dma_start3A_1194 = tpu.memref_squeeze %dma_start3A_1193 : memref<1x1x4x8x128xf32, #tpu.memory_space<hbm>> -> memref<4x8x128xf32, #tpu.memory_space<hbm>>
      %dma_start3A_1195 = arith.constant 0 : i32
      %dma_start3A_1196 = arith.constant 0 : i32
      %dma_start3A_1197 = arith.constant 0 : i32
      %dma_start3A_1198 = tpu.memref_slice %arg9[%dma_start3A_1180, %dma_start3A_1195, %dma_start3A_1196, %dma_start3A_1197] : memref<4x4x8x133xf32, #tpu.memory_space<vmem>> -> memref<1x4x8x128xf32, #tpu.memory_space<vmem>>
      %dma_start3A_1199 = tpu.memref_squeeze %dma_start3A_1198 : memref<1x4x8x128xf32, #tpu.memory_space<vmem>> -> memref<4x8x128xf32, #tpu.memory_space<vmem>>
      tpu.enqueue_dma source(%dma_start3A_1199 : memref<4x8x128xf32, #tpu.memory_space<vmem>>) target(%dma_start3A_1194 : memref<4x8x128xf32, #tpu.memory_space<hbm>>) target_semaphore(%arg13 : memref<!tpu.dma_semaphore, #tpu.memory_space<semaphore_mem>>)
      %dma_start3A_1200 = arith.constant 2 : i32
      %dma_start3A_1201 = arith.constant 2 : i32
      %dma_start3A_1202 = arith.constant 0 : i32
      %dma_start3A_1203 = arith.constant 0 : i32
      %dma_start3A_1204 = arith.constant 0 : i32
      %dma_start3A_1205 = tpu.memref_slice %arg9[%dma_start3A_1200, %dma_start3A_1202, %dma_start3A_1203, %dma_start3A_1204] : memref<4x4x8x133xf32, #tpu.memory_space<vmem>> -> memref<1x4x8x128xf32, #tpu.memory_space<vmem>>
      %dma_start3A_1206 = tpu.memref_squeeze %dma_start3A_1205 : memref<1x4x8x128xf32, #tpu.memory_space<vmem>> -> memref<4x8x128xf32, #tpu.memory_space<vmem>>
      %dma_start3A_1207 = arith.constant 0 : i32
      %dma_start3A_1208 = arith.constant 0 : i32
      %dma_start3A_1209 = tpu.memref_slice %arg4[%shift_right_arithmetic3A_1157, %dma_start3A_1201, %and3A_1159, %dma_start3A_1207, %dma_start3A_1208] : memref<50x4x128x8x128xf32, #tpu.memory_space<hbm>> -> memref<1x1x4x8x128xf32, #tpu.memory_space<hbm>>
      %dma_start3A_1210 = tpu.memref_squeeze %dma_start3A_1209 : memref<1x1x4x8x128xf32, #tpu.memory_space<hbm>> -> memref<4x8x128xf32, #tpu.memory_space<hbm>>
      %dma_start3A_1211 = arith.constant 0 : i32
      %dma_start3A_1212 = arith.constant 0 : i32
      %dma_start3A_1213 = tpu.memref_slice %arg4[%shift_right_arithmetic3A_1157, %dma_start3A_1201, %and3A_1159, %dma_start3A_1211, %dma_start3A_1212] : memref<50x4x128x8x128xf32, #tpu.memory_space<hbm>> -> memref<1x1x4x8x128xf32, #tpu.memory_space<hbm>>
      %dma_start3A_1214 = tpu.memref_squeeze %dma_start3A_1213 : memref<1x1x4x8x128xf32, #tpu.memory_space<hbm>> -> memref<4x8x128xf32, #tpu.memory_space<hbm>>
      %dma_start3A_1215 = arith.constant 0 : i32
      %dma_start3A_1216 = arith.constant 0 : i32
      %dma_start3A_1217 = arith.constant 0 : i32
      %dma_start3A_1218 = tpu.memref_slice %arg9[%dma_start3A_1200, %dma_start3A_1215, %dma_start3A_1216, %dma_start3A_1217] : memref<4x4x8x133xf32, #tpu.memory_space<vmem>> -> memref<1x4x8x128xf32, #tpu.memory_space<vmem>>
      %dma_start3A_1219 = tpu.memref_squeeze %dma_start3A_1218 : memref<1x4x8x128xf32, #tpu.memory_space<vmem>> -> memref<4x8x128xf32, #tpu.memory_space<vmem>>
      tpu.enqueue_dma source(%dma_start3A_1219 : memref<4x8x128xf32, #tpu.memory_space<vmem>>) target(%dma_start3A_1214 : memref<4x8x128xf32, #tpu.memory_space<hbm>>) target_semaphore(%arg13 : memref<!tpu.dma_semaphore, #tpu.memory_space<semaphore_mem>>)
      %dma_start3A_1220 = arith.constant 3 : i32
      %dma_start3A_1221 = arith.constant 3 : i32
      %dma_start3A_1222 = arith.constant 0 : i32
      %dma_start3A_1223 = arith.constant 0 : i32
      %dma_start3A_1224 = arith.constant 0 : i32
      %dma_start3A_1225 = tpu.memref_slice %arg9[%dma_start3A_1220, %dma_start3A_1222, %dma_start3A_1223, %dma_start3A_1224] : memref<4x4x8x133xf32, #tpu.memory_space<vmem>> -> memref<1x4x8x128xf32, #tpu.memory_space<vmem>>
      %dma_start3A_1226 = tpu.memref_squeeze %dma_start3A_1225 : memref<1x4x8x128xf32, #tpu.memory_space<vmem>> -> memref<4x8x128xf32, #tpu.memory_space<vmem>>
      %dma_start3A_1227 = arith.constant 0 : i32
      %dma_start3A_1228 = arith.constant 0 : i32
      %dma_start3A_1229 = tpu.memref_slice %arg4[%shift_right_arithmetic3A_1157, %dma_start3A_1221, %and3A_1159, %dma_start3A_1227, %dma_start3A_1228] : memref<50x4x128x8x128xf32, #tpu.memory_space<hbm>> -> memref<1x1x4x8x128xf32, #tpu.memory_space<hbm>>
      %dma_start3A_1230 = tpu.memref_squeeze %dma_start3A_1229 : memref<1x1x4x8x128xf32, #tpu.memory_space<hbm>> -> memref<4x8x128xf32, #tpu.memory_space<hbm>>
      %dma_start3A_1231 = arith.constant 0 : i32
      %dma_start3A_1232 = arith.constant 0 : i32
      %dma_start3A_1233 = tpu.memref_slice %arg4[%shift_right_arithmetic3A_1157, %dma_start3A_1221, %and3A_1159, %dma_start3A_1231, %dma_start3A_1232] : memref<50x4x128x8x128xf32, #tpu.memory_space<hbm>> -> memref<1x1x4x8x128xf32, #tpu.memory_space<hbm>>
      %dma_start3A_1234 = tpu.memref_squeeze %dma_start3A_1233 : memref<1x1x4x8x128xf32, #tpu.memory_space<hbm>> -> memref<4x8x128xf32, #tpu.memory_space<hbm>>
      %dma_start3A_1235 = arith.constant 0 : i32
      %dma_start3A_1236 = arith.constant 0 : i32
      %dma_start3A_1237 = arith.constant 0 : i32
      %dma_start3A_1238 = tpu.memref_slice %arg9[%dma_start3A_1220, %dma_start3A_1235, %dma_start3A_1236, %dma_start3A_1237] : memref<4x4x8x133xf32, #tpu.memory_space<vmem>> -> memref<1x4x8x128xf32, #tpu.memory_space<vmem>>
      %dma_start3A_1239 = tpu.memref_squeeze %dma_start3A_1238 : memref<1x4x8x128xf32, #tpu.memory_space<vmem>> -> memref<4x8x128xf32, #tpu.memory_space<vmem>>
      tpu.enqueue_dma source(%dma_start3A_1239 : memref<4x8x128xf32, #tpu.memory_space<vmem>>) target(%dma_start3A_1234 : memref<4x8x128xf32, #tpu.memory_space<hbm>>) target_semaphore(%arg13 : memref<!tpu.dma_semaphore, #tpu.memory_space<semaphore_mem>>)
      %add3A_1240 = arith.constant 1 : i32
      %add3A_1241 = arith.addi %add3A_844, %add3A_1240 : i32
      %add3A_1242 = arith.constant 2 : i32
      %add3A_1243 = arith.addi %add3A_1241, %add3A_1242 : i32
      %sub3A_1244 = arith.subi %add3A_1243, %mul3A_2 : i32
      %mul3A_1245 = arith.constant 512 : i32
      %mul3A_1246 = arith.muli %sub3A_1244, %mul3A_1245 : i32
      %dma_start3A_1247 = tpu.memref_slice %arg5[%mul3A_1246] : memref<25600xi32, #tpu.memory_space<vmem>> -> memref<512xi32, #tpu.memory_space<vmem>>
      %dma_start3A_1248 = arith.constant 0 : i32
      %dma_start3A_1249 = arith.constant 0 : i32
      %dma_start3A_1250 = tpu.memref_slice %arg3[%dma_start3A_1248, %dma_start3A_1249] : memref<1000000x32xf32, #tpu.memory_space<hbm>> -> memref<1000000x32xf32, #tpu.memory_space<hbm>>
      tpu.enqueue_indirect_dma source(%dma_start3A_1250 : memref<1000000x32xf32, #tpu.memory_space<hbm>>) target(%arg7 : memref<512x32xf32, #tpu.memory_space<vmem>>) offsets(%dma_start3A_1247 : memref<512xi32, #tpu.memory_space<vmem>>) semaphore(%arg11 : memref<!tpu.dma_semaphore, #tpu.memory_space<semaphore_mem>>)
    }
    %scan3A_264 = arith.constant 23 : i32
    %add3A_265 = arith.constant 50 : i32
    %add3A_266 = arith.addi %mul3A_2, %add3A_265 : i32
    %sub3A_267 = arith.constant 2 : i32
    %sub3A_268 = arith.subi %add3A_266, %sub3A_267 : i32
    %add3A_269 = arith.constant 0 : i32
    %add3A_270 = arith.addi %sub3A_268, %add3A_269 : i32
    %dma_wait3A_271 = arith.constant 0 : i32
    %dma_wait3A_272 = arith.constant 0 : i32
    %dma_wait3A_273 = tpu.memref_slice %arg3[%dma_wait3A_271, %dma_wait3A_272] : memref<1000000x32xf32, #tpu.memory_space<hbm>> -> memref<512x32xf32, #tpu.memory_space<hbm>>
    %dma_wait3A_274 = arith.constant 0 : i32
    %dma_wait3A_275 = arith.constant 0 : i32
    %dma_wait3A_276 = tpu.memref_slice %arg3[%dma_wait3A_274, %dma_wait3A_275] : memref<1000000x32xf32, #tpu.memory_space<hbm>> -> memref<512x32xf32, #tpu.memory_space<hbm>>
    tpu.wait_dma2 semaphore(%arg10 : memref<!tpu.dma_semaphore, #tpu.memory_space<semaphore_mem>>) src(%dma_wait3A_276 : memref<512x32xf32, #tpu.memory_space<hbm>>) dst(%arg6 : memref<512x32xf32, #tpu.memory_space<vmem>>)
    %dma_wait3A_277 = arith.constant 0 : i32
    %dma_wait3A_278 = arith.constant 0 : i32
    %dma_wait3A_279 = arith.constant 0 : i32
    %dma_wait3A_280 = arith.constant 0 : i32
    %dma_wait3A_281 = arith.constant 0 : i32
    %dma_wait3A_282 = arith.constant 0 : i32
    %dma_wait3A_283 = tpu.memref_slice %arg8[%dma_wait3A_277, %dma_wait3A_280, %dma_wait3A_281, %dma_wait3A_282] : memref<4x4x8x133xf32, #tpu.memory_space<vmem>> -> memref<1x4x8x128xf32, #tpu.memory_space<vmem>>
    %dma_wait3A_284 = tpu.memref_squeeze %dma_wait3A_283 : memref<1x4x8x128xf32, #tpu.memory_space<vmem>> -> memref<4x8x128xf32, #tpu.memory_space<vmem>>
    %dma_wait3A_285 = arith.constant 0 : i32
    %dma_wait3A_286 = arith.constant 0 : i32
    %dma_wait3A_287 = arith.constant 0 : i32
    %dma_wait3A_288 = tpu.memref_slice %arg4[%dma_wait3A_278, %dma_wait3A_279, %dma_wait3A_285, %dma_wait3A_286, %dma_wait3A_287] : memref<50x4x128x8x128xf32, #tpu.memory_space<hbm>> -> memref<1x1x4x8x128xf32, #tpu.memory_space<hbm>>
    %dma_wait3A_289 = tpu.memref_squeeze %dma_wait3A_288 : memref<1x1x4x8x128xf32, #tpu.memory_space<hbm>> -> memref<4x8x128xf32, #tpu.memory_space<hbm>>
    %dma_wait3A_290 = arith.constant 0 : i32
    %dma_wait3A_291 = arith.constant 0 : i32
    %dma_wait3A_292 = arith.constant 0 : i32
    %dma_wait3A_293 = tpu.memref_slice %arg4[%dma_wait3A_278, %dma_wait3A_279, %dma_wait3A_290, %dma_wait3A_291, %dma_wait3A_292] : memref<50x4x128x8x128xf32, #tpu.memory_space<hbm>> -> memref<1x1x4x8x128xf32, #tpu.memory_space<hbm>>
    %dma_wait3A_294 = tpu.memref_squeeze %dma_wait3A_293 : memref<1x1x4x8x128xf32, #tpu.memory_space<hbm>> -> memref<4x8x128xf32, #tpu.memory_space<hbm>>
    %dma_wait3A_295 = arith.constant 0 : i32
    %dma_wait3A_296 = arith.constant 0 : i32
    %dma_wait3A_297 = arith.constant 0 : i32
    %dma_wait3A_298 = tpu.memref_slice %arg8[%dma_wait3A_277, %dma_wait3A_295, %dma_wait3A_296, %dma_wait3A_297] : memref<4x4x8x133xf32, #tpu.memory_space<vmem>> -> memref<1x4x8x128xf32, #tpu.memory_space<vmem>>
    %dma_wait3A_299 = tpu.memref_squeeze %dma_wait3A_298 : memref<1x4x8x128xf32, #tpu.memory_space<vmem>> -> memref<4x8x128xf32, #tpu.memory_space<vmem>>
    tpu.wait_dma2 semaphore(%arg12 : memref<!tpu.dma_semaphore, #tpu.memory_space<semaphore_mem>>) src(%dma_wait3A_299 : memref<4x8x128xf32, #tpu.memory_space<vmem>>) dst(%dma_wait3A_294 : memref<4x8x128xf32, #tpu.memory_space<hbm>>)
    %dma_wait3A_300 = arith.constant 1 : i32
    %dma_wait3A_301 = arith.constant 0 : i32
    %dma_wait3A_302 = arith.constant 0 : i32
    %dma_wait3A_303 = arith.constant 0 : i32
    %dma_wait3A_304 = arith.constant 0 : i32
    %dma_wait3A_305 = arith.constant 0 : i32
    %dma_wait3A_306 = tpu.memref_slice %arg8[%dma_wait3A_300, %dma_wait3A_303, %dma_wait3A_304, %dma_wait3A_305] : memref<4x4x8x133xf32, #tpu.memory_space<vmem>> -> memref<1x4x8x128xf32, #tpu.memory_space<vmem>>
    %dma_wait3A_307 = tpu.memref_squeeze %dma_wait3A_306 : memref<1x4x8x128xf32, #tpu.memory_space<vmem>> -> memref<4x8x128xf32, #tpu.memory_space<vmem>>
    %dma_wait3A_308 = arith.constant 0 : i32
    %dma_wait3A_309 = arith.constant 0 : i32
    %dma_wait3A_310 = arith.constant 0 : i32
    %dma_wait3A_311 = tpu.memref_slice %arg4[%dma_wait3A_301, %dma_wait3A_302, %dma_wait3A_308, %dma_wait3A_309, %dma_wait3A_310] : memref<50x4x128x8x128xf32, #tpu.memory_space<hbm>> -> memref<1x1x4x8x128xf32, #tpu.memory_space<hbm>>
    %dma_wait3A_312 = tpu.memref_squeeze %dma_wait3A_311 : memref<1x1x4x8x128xf32, #tpu.memory_space<hbm>> -> memref<4x8x128xf32, #tpu.memory_space<hbm>>
    %dma_wait3A_313 = arith.constant 0 : i32
    %dma_wait3A_314 = arith.constant 0 : i32
    %dma_wait3A_315 = arith.constant 0 : i32
    %dma_wait3A_316 = tpu.memref_slice %arg4[%dma_wait3A_301, %dma_wait3A_302, %dma_wait3A_313, %dma_wait3A_314, %dma_wait3A_315] : memref<50x4x128x8x128xf32, #tpu.memory_space<hbm>> -> memref<1x1x4x8x128xf32, #tpu.memory_space<hbm>>
    %dma_wait3A_317 = tpu.memref_squeeze %dma_wait3A_316 : memref<1x1x4x8x128xf32, #tpu.memory_space<hbm>> -> memref<4x8x128xf32, #tpu.memory_space<hbm>>
    %dma_wait3A_318 = arith.constant 0 : i32
    %dma_wait3A_319 = arith.constant 0 : i32
    %dma_wait3A_320 = arith.constant 0 : i32
    %dma_wait3A_321 = tpu.memref_slice %arg8[%dma_wait3A_300, %dma_wait3A_318, %dma_wait3A_319, %dma_wait3A_320] : memref<4x4x8x133xf32, #tpu.memory_space<vmem>> -> memref<1x4x8x128xf32, #tpu.memory_space<vmem>>
    %dma_wait3A_322 = tpu.memref_squeeze %dma_wait3A_321 : memref<1x4x8x128xf32, #tpu.memory_space<vmem>> -> memref<4x8x128xf32, #tpu.memory_space<vmem>>
    tpu.wait_dma2 semaphore(%arg12 : memref<!tpu.dma_semaphore, #tpu.memory_space<semaphore_mem>>) src(%dma_wait3A_322 : memref<4x8x128xf32, #tpu.memory_space<vmem>>) dst(%dma_wait3A_317 : memref<4x8x128xf32, #tpu.memory_space<hbm>>)
    %dma_wait3A_323 = arith.constant 2 : i32
    %dma_wait3A_324 = arith.constant 0 : i32
    %dma_wait3A_325 = arith.constant 0 : i32
    %dma_wait3A_326 = arith.constant 0 : i32
    %dma_wait3A_327 = arith.constant 0 : i32
    %dma_wait3A_328 = arith.constant 0 : i32
    %dma_wait3A_329 = tpu.memref_slice %arg8[%dma_wait3A_323, %dma_wait3A_326, %dma_wait3A_327, %dma_wait3A_328] : memref<4x4x8x133xf32, #tpu.memory_space<vmem>> -> memref<1x4x8x128xf32, #tpu.memory_space<vmem>>
    %dma_wait3A_330 = tpu.memref_squeeze %dma_wait3A_329 : memref<1x4x8x128xf32, #tpu.memory_space<vmem>> -> memref<4x8x128xf32, #tpu.memory_space<vmem>>
    %dma_wait3A_331 = arith.constant 0 : i32
    %dma_wait3A_332 = arith.constant 0 : i32
    %dma_wait3A_333 = arith.constant 0 : i32
    %dma_wait3A_334 = tpu.memref_slice %arg4[%dma_wait3A_324, %dma_wait3A_325, %dma_wait3A_331, %dma_wait3A_332, %dma_wait3A_333] : memref<50x4x128x8x128xf32, #tpu.memory_space<hbm>> -> memref<1x1x4x8x128xf32, #tpu.memory_space<hbm>>
    %dma_wait3A_335 = tpu.memref_squeeze %dma_wait3A_334 : memref<1x1x4x8x128xf32, #tpu.memory_space<hbm>> -> memref<4x8x128xf32, #tpu.memory_space<hbm>>
    %dma_wait3A_336 = arith.constant 0 : i32
    %dma_wait3A_337 = arith.constant 0 : i32
    %dma_wait3A_338 = arith.constant 0 : i32
    %dma_wait3A_339 = tpu.memref_slice %arg4[%dma_wait3A_324, %dma_wait3A_325, %dma_wait3A_336, %dma_wait3A_337, %dma_wait3A_338] : memref<50x4x128x8x128xf32, #tpu.memory_space<hbm>> -> memref<1x1x4x8x128xf32, #tpu.memory_space<hbm>>
    %dma_wait3A_340 = tpu.memref_squeeze %dma_wait3A_339 : memref<1x1x4x8x128xf32, #tpu.memory_space<hbm>> -> memref<4x8x128xf32, #tpu.memory_space<hbm>>
    %dma_wait3A_341 = arith.constant 0 : i32
    %dma_wait3A_342 = arith.constant 0 : i32
    %dma_wait3A_343 = arith.constant 0 : i32
    %dma_wait3A_344 = tpu.memref_slice %arg8[%dma_wait3A_323, %dma_wait3A_341, %dma_wait3A_342, %dma_wait3A_343] : memref<4x4x8x133xf32, #tpu.memory_space<vmem>> -> memref<1x4x8x128xf32, #tpu.memory_space<vmem>>
    %dma_wait3A_345 = tpu.memref_squeeze %dma_wait3A_344 : memref<1x4x8x128xf32, #tpu.memory_space<vmem>> -> memref<4x8x128xf32, #tpu.memory_space<vmem>>
    tpu.wait_dma2 semaphore(%arg12 : memref<!tpu.dma_semaphore, #tpu.memory_space<semaphore_mem>>) src(%dma_wait3A_345 : memref<4x8x128xf32, #tpu.memory_space<vmem>>) dst(%dma_wait3A_340 : memref<4x8x128xf32, #tpu.memory_space<hbm>>)
    %dma_wait3A_346 = arith.constant 3 : i32
    %dma_wait3A_347 = arith.constant 0 : i32
    %dma_wait3A_348 = arith.constant 0 : i32
    %dma_wait3A_349 = arith.constant 0 : i32
    %dma_wait3A_350 = arith.constant 0 : i32
    %dma_wait3A_351 = arith.constant 0 : i32
    %dma_wait3A_352 = tpu.memref_slice %arg8[%dma_wait3A_346, %dma_wait3A_349, %dma_wait3A_350, %dma_wait3A_351] : memref<4x4x8x133xf32, #tpu.memory_space<vmem>> -> memref<1x4x8x128xf32, #tpu.memory_space<vmem>>
    %dma_wait3A_353 = tpu.memref_squeeze %dma_wait3A_352 : memref<1x4x8x128xf32, #tpu.memory_space<vmem>> -> memref<4x8x128xf32, #tpu.memory_space<vmem>>
    %dma_wait3A_354 = arith.constant 0 : i32
    %dma_wait3A_355 = arith.constant 0 : i32
    %dma_wait3A_356 = arith.constant 0 : i32
    %dma_wait3A_357 = tpu.memref_slice %arg4[%dma_wait3A_347, %dma_wait3A_348, %dma_wait3A_354, %dma_wait3A_355, %dma_wait3A_356] : memref<50x4x128x8x128xf32, #tpu.memory_space<hbm>> -> memref<1x1x4x8x128xf32, #tpu.memory_space<hbm>>
    %dma_wait3A_358 = tpu.memref_squeeze %dma_wait3A_357 : memref<1x1x4x8x128xf32, #tpu.memory_space<hbm>> -> memref<4x8x128xf32, #tpu.memory_space<hbm>>
    %dma_wait3A_359 = arith.constant 0 : i32
    %dma_wait3A_360 = arith.constant 0 : i32
    %dma_wait3A_361 = arith.constant 0 : i32
    %dma_wait3A_362 = tpu.memref_slice %arg4[%dma_wait3A_347, %dma_wait3A_348, %dma_wait3A_359, %dma_wait3A_360, %dma_wait3A_361] : memref<50x4x128x8x128xf32, #tpu.memory_space<hbm>> -> memref<1x1x4x8x128xf32, #tpu.memory_space<hbm>>
    %dma_wait3A_363 = tpu.memref_squeeze %dma_wait3A_362 : memref<1x1x4x8x128xf32, #tpu.memory_space<hbm>> -> memref<4x8x128xf32, #tpu.memory_space<hbm>>
    %dma_wait3A_364 = arith.constant 0 : i32
    %dma_wait3A_365 = arith.constant 0 : i32
    %dma_wait3A_366 = arith.constant 0 : i32
    %dma_wait3A_367 = tpu.memref_slice %arg8[%dma_wait3A_346, %dma_wait3A_364, %dma_wait3A_365, %dma_wait3A_366] : memref<4x4x8x133xf32, #tpu.memory_space<vmem>> -> memref<1x4x8x128xf32, #tpu.memory_space<vmem>>
    %dma_wait3A_368 = tpu.memref_squeeze %dma_wait3A_367 : memref<1x4x8x128xf32, #tpu.memory_space<vmem>> -> memref<4x8x128xf32, #tpu.memory_space<vmem>>
    tpu.wait_dma2 semaphore(%arg12 : memref<!tpu.dma_semaphore, #tpu.memory_space<semaphore_mem>>) src(%dma_wait3A_368 : memref<4x8x128xf32, #tpu.memory_space<vmem>>) dst(%dma_wait3A_363 : memref<4x8x128xf32, #tpu.memory_space<hbm>>)
    %scan3A_369 = arith.constant 0 : i32
    %scan3A_370 = arith.constant 0 : i32
    %scan3A_371 = arith.constant 32 : i32
    %scan3A_372 = arith.addi %scan3A_370, %scan3A_371 : i32
    %scan3A_373 = arith.constant 1 : i32
    scf.for %scan3A_841 = %scan3A_370 to %scan3A_372 step %scan3A_373  : i32 {
      %mul3A_842 = arith.constant 4 : i32
      %mul3A_843 = arith.muli %scan3A_841, %mul3A_842 : i32
      %add3A_844 = arith.constant 0 : i32
      %add3A_845 = arith.addi %mul3A_843, %add3A_844 : i32
      %broadcast_in_dim3A_846 = vector.broadcast %add3A_845 : i32 to vector<16xi32>
      %add3A_847 = arith.constant 0 : i32
      %add3A_848 = arith.addi %add3A_847, %add3A_845 : i32
      %get3A = arith.index_cast %add3A_848 : i32 to index
      %get3A_849 = arith.constant 0 : index
      %get3A_850 = tpu.vector_load %arg6[%get3A, %get3A_849] {strides = array<i32>} : memref<512x32xf32, #tpu.memory_space<vmem>>, vector<16xf32>,
      tpu.vector_store_idx %arg8[%add3A_9, %broadcast_in_dim3A_16, %and3A_4, %broadcast_in_dim3A_846], %get3A_850 : memref<4x4x8x133xf32, #tpu.memory_space<vmem>>[vector<16xi32>, vector<16xi32>, vector<16xi32>, vector<16xi32>], vector<16xf32>,
      %get3A_851 = arith.index_cast %add3A_848 : i32 to index
      %get3A_852 = arith.constant 16 : index
      %get3A_853 = tpu.vector_load %arg6[%get3A_851, %get3A_852] {strides = array<i32>} : memref<512x32xf32, #tpu.memory_space<vmem>>, vector<16xf32>,
      tpu.vector_store_idx %arg8[%add3A_15, %broadcast_in_dim3A_16, %and3A_4, %broadcast_in_dim3A_846], %get3A_853 : memref<4x4x8x133xf32, #tpu.memory_space<vmem>>[vector<16xi32>, vector<16xi32>, vector<16xi32>, vector<16xi32>], vector<16xf32>,
      %mul3A_854 = arith.constant 4 : i32
      %mul3A_855 = arith.muli %scan3A_841, %mul3A_854 : i32
      %add3A_856 = arith.constant 1 : i32
      %add3A_857 = arith.addi %mul3A_855, %add3A_856 : i32
      %broadcast_in_dim3A_858 = vector.broadcast %add3A_857 : i32 to vector<16xi32>
      %add3A_859 = arith.constant 0 : i32
      %add3A_860 = arith.addi %add3A_859, %add3A_857 : i32
      %get3A_861 = arith.index_cast %add3A_860 : i32 to index
      %get3A_862 = arith.constant 0 : index
      %get3A_863 = tpu.vector_load %arg6[%get3A_861, %get3A_862] {strides = array<i32>} : memref<512x32xf32, #tpu.memory_space<vmem>>, vector<16xf32>,
      tpu.vector_store_idx %arg8[%add3A_9, %broadcast_in_dim3A_16, %and3A_4, %broadcast_in_dim3A_858], %get3A_863 : memref<4x4x8x133xf32, #tpu.memory_space<vmem>>[vector<16xi32>, vector<16xi32>, vector<16xi32>, vector<16xi32>], vector<16xf32>,
      %get3A_864 = arith.index_cast %add3A_860 : i32 to index
      %get3A_865 = arith.constant 16 : index
      %get3A_866 = tpu.vector_load %arg6[%get3A_864, %get3A_865] {strides = array<i32>} : memref<512x32xf32, #tpu.memory_space<vmem>>, vector<16xf32>,
      tpu.vector_store_idx %arg8[%add3A_15, %broadcast_in_dim3A_16, %and3A_4, %broadcast_in_dim3A_858], %get3A_866 : memref<4x4x8x133xf32, #tpu.memory_space<vmem>>[vector<16xi32>, vector<16xi32>, vector<16xi32>, vector<16xi32>], vector<16xf32>,
      %mul3A_867 = arith.constant 4 : i32
      %mul3A_868 = arith.muli %scan3A_841, %mul3A_867 : i32
      %add3A_869 = arith.constant 2 : i32
      %add3A_870 = arith.addi %mul3A_868, %add3A_869 : i32
      %broadcast_in_dim3A_871 = vector.broadcast %add3A_870 : i32 to vector<16xi32>
      %add3A_872 = arith.constant 0 : i32
      %add3A_873 = arith.addi %add3A_872, %add3A_870 : i32
      %get3A_874 = arith.index_cast %add3A_873 : i32 to index
      %get3A_875 = arith.constant 0 : index
      %get3A_876 = tpu.vector_load %arg6[%get3A_874, %get3A_875] {strides = array<i32>} : memref<512x32xf32, #tpu.memory_space<vmem>>, vector<16xf32>,
      tpu.vector_store_idx %arg8[%add3A_9, %broadcast_in_dim3A_16, %and3A_4, %broadcast_in_dim3A_871], %get3A_876 : memref<4x4x8x133xf32, #tpu.memory_space<vmem>>[vector<16xi32>, vector<16xi32>, vector<16xi32>, vector<16xi32>], vector<16xf32>,
      %get3A_877 = arith.index_cast %add3A_873 : i32 to index
      %get3A_878 = arith.constant 16 : index
      %get3A_879 = tpu.vector_load %arg6[%get3A_877, %get3A_878] {strides = array<i32>} : memref<512x32xf32, #tpu.memory_space<vmem>>, vector<16xf32>,
      tpu.vector_store_idx %arg8[%add3A_15, %broadcast_in_dim3A_16, %and3A_4, %broadcast_in_dim3A_871], %get3A_879 : memref<4x4x8x133xf32, #tpu.memory_space<vmem>>[vector<16xi32>, vector<16xi32>, vector<16xi32>, vector<16xi32>], vector<16xf32>,
      %mul3A_880 = arith.constant 4 : i32
      %mul3A_881 = arith.muli %scan3A_841, %mul3A_880 : i32
      %add3A_882 = arith.constant 3 : i32
      %add3A_883 = arith.addi %mul3A_881, %add3A_882 : i32
      %broadcast_in_dim3A_884 = vector.broadcast %add3A_883 : i32 to vector<16xi32>
      %add3A_885 = arith.constant 0 : i32
      %add3A_886 = arith.addi %add3A_885, %add3A_883 : i32
      %get3A_887 = arith.index_cast %add3A_886 : i32 to index
      %get3A_888 = arith.constant 0 : index
      %get3A_889 = tpu.vector_load %arg6[%get3A_887, %get3A_888] {strides = array<i32>} : memref<512x32xf32, #tpu.memory_space<vmem>>, vector<16xf32>,
      tpu.vector_store_idx %arg8[%add3A_9, %broadcast_in_dim3A_16, %and3A_4, %broadcast_in_dim3A_884], %get3A_889 : memref<4x4x8x133xf32, #tpu.memory_space<vmem>>[vector<16xi32>, vector<16xi32>, vector<16xi32>, vector<16xi32>], vector<16xf32>,
      %get3A_890 = arith.index_cast %add3A_886 : i32 to index
      %get3A_891 = arith.constant 16 : index
      %get3A_892 = tpu.vector_load %arg6[%get3A_890, %get3A_891] {strides = array<i32>} : memref<512x32xf32, #tpu.memory_space<vmem>>, vector<16xf32>,
      tpu.vector_store_idx %arg8[%add3A_15, %broadcast_in_dim3A_16, %and3A_4, %broadcast_in_dim3A_884], %get3A_892 : memref<4x4x8x133xf32, #tpu.memory_space<vmem>>[vector<16xi32>, vector<16xi32>, vector<16xi32>, vector<16xi32>], vector<16xf32>,
      %mul3A_893 = arith.constant 4 : i32
      %mul3A_894 = arith.muli %scan3A_841, %mul3A_893 : i32
      %add3A_895 = arith.constant 0 : i32
      %add3A_896 = arith.addi %mul3A_894, %add3A_895 : i32
      %broadcast_in_dim3A_897 = vector.broadcast %add3A_896 : i32 to vector<16xi32>
      %add3A_898 = arith.constant 128 : i32
      %add3A_899 = arith.addi %add3A_898, %add3A_896 : i32
      %get3A_900 = arith.index_cast %add3A_899 : i32 to index
      %get3A_901 = arith.constant 0 : index
      %get3A_902 = tpu.vector_load %arg6[%get3A_900, %get3A_901] {strides = array<i32>} : memref<512x32xf32, #tpu.memory_space<vmem>>, vector<16xf32>,
      tpu.vector_store_idx %arg8[%add3A_9, %broadcast_in_dim3A_18, %and3A_4, %broadcast_in_dim3A_897], %get3A_902 : memref<4x4x8x133xf32, #tpu.memory_space<vmem>>[vector<16xi32>, vector<16xi32>, vector<16xi32>, vector<16xi32>], vector<16xf32>,
      %get3A_903 = arith.index_cast %add3A_899 : i32 to index
      %get3A_904 = arith.constant 16 : index
      %get3A_905 = tpu.vector_load %arg6[%get3A_903, %get3A_904] {strides = array<i32>} : memref<512x32xf32, #tpu.memory_space<vmem>>, vector<16xf32>,
      tpu.vector_store_idx %arg8[%add3A_15, %broadcast_in_dim3A_18, %and3A_4, %broadcast_in_dim3A_897], %get3A_905 : memref<4x4x8x133xf32, #tpu.memory_space<vmem>>[vector<16xi32>, vector<16xi32>, vector<16xi32>, vector<16xi32>], vector<16xf32>,
      %mul3A_906 = arith.constant 4 : i32
      %mul3A_907 = arith.muli %scan3A_841, %mul3A_906 : i32
      %add3A_908 = arith.constant 1 : i32
      %add3A_909 = arith.addi %mul3A_907, %add3A_908 : i32
      %broadcast_in_dim3A_910 = vector.broadcast %add3A_909 : i32 to vector<16xi32>
      %add3A_911 = arith.constant 128 : i32
      %add3A_912 = arith.addi %add3A_911, %add3A_909 : i32
      %get3A_913 = arith.index_cast %add3A_912 : i32 to index
      %get3A_914 = arith.constant 0 : index
      %get3A_915 = tpu.vector_load %arg6[%get3A_913, %get3A_914] {strides = array<i32>} : memref<512x32xf32, #tpu.memory_space<vmem>>, vector<16xf32>,
      tpu.vector_store_idx %arg8[%add3A_9, %broadcast_in_dim3A_18, %and3A_4, %broadcast_in_dim3A_910], %get3A_915 : memref<4x4x8x133xf32, #tpu.memory_space<vmem>>[vector<16xi32>, vector<16xi32>, vector<16xi32>, vector<16xi32>], vector<16xf32>,
      %get3A_916 = arith.index_cast %add3A_912 : i32 to index
      %get3A_917 = arith.constant 16 : index
      %get3A_918 = tpu.vector_load %arg6[%get3A_916, %get3A_917] {strides = array<i32>} : memref<512x32xf32, #tpu.memory_space<vmem>>, vector<16xf32>,
      tpu.vector_store_idx %arg8[%add3A_15, %broadcast_in_dim3A_18, %and3A_4, %broadcast_in_dim3A_910], %get3A_918 : memref<4x4x8x133xf32, #tpu.memory_space<vmem>>[vector<16xi32>, vector<16xi32>, vector<16xi32>, vector<16xi32>], vector<16xf32>,
      %mul3A_919 = arith.constant 4 : i32
      %mul3A_920 = arith.muli %scan3A_841, %mul3A_919 : i32
      %add3A_921 = arith.constant 2 : i32
      %add3A_922 = arith.addi %mul3A_920, %add3A_921 : i32
      %broadcast_in_dim3A_923 = vector.broadcast %add3A_922 : i32 to vector<16xi32>
      %add3A_924 = arith.constant 128 : i32
      %add3A_925 = arith.addi %add3A_924, %add3A_922 : i32
      %get3A_926 = arith.index_cast %add3A_925 : i32 to index
      %get3A_927 = arith.constant 0 : index
      %get3A_928 = tpu.vector_load %arg6[%get3A_926, %get3A_927] {strides = array<i32>} : memref<512x32xf32, #tpu.memory_space<vmem>>, vector<16xf32>,
      tpu.vector_store_idx %arg8[%add3A_9, %broadcast_in_dim3A_18, %and3A_4, %broadcast_in_dim3A_923], %get3A_928 : memref<4x4x8x133xf32, #tpu.memory_space<vmem>>[vector<16xi32>, vector<16xi32>, vector<16xi32>, vector<16xi32>], vector<16xf32>,
      %get3A_929 = arith.index_cast %add3A_925 : i32 to index
      %get3A_930 = arith.constant 16 : index
      %get3A_931 = tpu.vector_load %arg6[%get3A_929, %get3A_930] {strides = array<i32>} : memref<512x32xf32, #tpu.memory_space<vmem>>, vector<16xf32>,
      tpu.vector_store_idx %arg8[%add3A_15, %broadcast_in_dim3A_18, %and3A_4, %broadcast_in_dim3A_923], %get3A_931 : memref<4x4x8x133xf32, #tpu.memory_space<vmem>>[vector<16xi32>, vector<16xi32>, vector<16xi32>, vector<16xi32>], vector<16xf32>,
      %mul3A_932 = arith.constant 4 : i32
      %mul3A_933 = arith.muli %scan3A_841, %mul3A_932 : i32
      %add3A_934 = arith.constant 3 : i32
      %add3A_935 = arith.addi %mul3A_933, %add3A_934 : i32
      %broadcast_in_dim3A_936 = vector.broadcast %add3A_935 : i32 to vector<16xi32>
      %add3A_937 = arith.constant 128 : i32
      %add3A_938 = arith.addi %add3A_937, %add3A_935 : i32
      %get3A_939 = arith.index_cast %add3A_938 : i32 to index
      %get3A_940 = arith.constant 0 : index
      %get3A_941 = tpu.vector_load %arg6[%get3A_939, %get3A_940] {strides = array<i32>} : memref<512x32xf32, #tpu.memory_space<vmem>>, vector<16xf32>,
      tpu.vector_store_idx %arg8[%add3A_9, %broadcast_in_dim3A_18, %and3A_4, %broadcast_in_dim3A_936], %get3A_941 : memref<4x4x8x133xf32, #tpu.memory_space<vmem>>[vector<16xi32>, vector<16xi32>, vector<16xi32>, vector<16xi32>], vector<16xf32>,
      %get3A_942 = arith.index_cast %add3A_938 : i32 to index
      %get3A_943 = arith.constant 16 : index
      %get3A_944 = tpu.vector_load %arg6[%get3A_942, %get3A_943] {strides = array<i32>} : memref<512x32xf32, #tpu.memory_space<vmem>>, vector<16xf32>,
      tpu.vector_store_idx %arg8[%add3A_15, %broadcast_in_dim3A_18, %and3A_4, %broadcast_in_dim3A_936], %get3A_944 : memref<4x4x8x133xf32, #tpu.memory_space<vmem>>[vector<16xi32>, vector<16xi32>, vector<16xi32>, vector<16xi32>], vector<16xf32>,
      %mul3A_945 = arith.constant 4 : i32
      %mul3A_946 = arith.muli %scan3A_841, %mul3A_945 : i32
      %add3A_947 = arith.constant 0 : i32
      %add3A_948 = arith.addi %mul3A_946, %add3A_947 : i32
      %broadcast_in_dim3A_949 = vector.broadcast %add3A_948 : i32 to vector<16xi32>
      %add3A_950 = arith.constant 256 : i32
      %add3A_951 = arith.addi %add3A_950, %add3A_948 : i32
      %get3A_952 = arith.index_cast %add3A_951 : i32 to index
      %get3A_953 = arith.constant 0 : index
      %get3A_954 = tpu.vector_load %arg6[%get3A_952, %get3A_953] {strides = array<i32>} : memref<512x32xf32, #tpu.memory_space<vmem>>, vector<16xf32>,
      tpu.vector_store_idx %arg8[%add3A_9, %broadcast_in_dim3A_20, %and3A_4, %broadcast_in_dim3A_949], %get3A_954 : memref<4x4x8x133xf32, #tpu.memory_space<vmem>>[vector<16xi32>, vector<16xi32>, vector<16xi32>, vector<16xi32>], vector<16xf32>,
      %get3A_955 = arith.index_cast %add3A_951 : i32 to index
      %get3A_956 = arith.constant 16 : index
      %get3A_957 = tpu.vector_load %arg6[%get3A_955, %get3A_956] {strides = array<i32>} : memref<512x32xf32, #tpu.memory_space<vmem>>, vector<16xf32>,
      tpu.vector_store_idx %arg8[%add3A_15, %broadcast_in_dim3A_20, %and3A_4, %broadcast_in_dim3A_949], %get3A_957 : memref<4x4x8x133xf32, #tpu.memory_space<vmem>>[vector<16xi32>, vector<16xi32>, vector<16xi32>, vector<16xi32>], vector<16xf32>,
      %mul3A_958 = arith.constant 4 : i32
      %mul3A_959 = arith.muli %scan3A_841, %mul3A_958 : i32
      %add3A_960 = arith.constant 1 : i32
      %add3A_961 = arith.addi %mul3A_959, %add3A_960 : i32
      %broadcast_in_dim3A_962 = vector.broadcast %add3A_961 : i32 to vector<16xi32>
      %add3A_963 = arith.constant 256 : i32
      %add3A_964 = arith.addi %add3A_963, %add3A_961 : i32
      %get3A_965 = arith.index_cast %add3A_964 : i32 to index
      %get3A_966 = arith.constant 0 : index
      %get3A_967 = tpu.vector_load %arg6[%get3A_965, %get3A_966] {strides = array<i32>} : memref<512x32xf32, #tpu.memory_space<vmem>>, vector<16xf32>,
      tpu.vector_store_idx %arg8[%add3A_9, %broadcast_in_dim3A_20, %and3A_4, %broadcast_in_dim3A_962], %get3A_967 : memref<4x4x8x133xf32, #tpu.memory_space<vmem>>[vector<16xi32>, vector<16xi32>, vector<16xi32>, vector<16xi32>], vector<16xf32>,
      %get3A_968 = arith.index_cast %add3A_964 : i32 to index
      %get3A_969 = arith.constant 16 : index
      %get3A_970 = tpu.vector_load %arg6[%get3A_968, %get3A_969] {strides = array<i32>} : memref<512x32xf32, #tpu.memory_space<vmem>>, vector<16xf32>,
      tpu.vector_store_idx %arg8[%add3A_15, %broadcast_in_dim3A_20, %and3A_4, %broadcast_in_dim3A_962], %get3A_970 : memref<4x4x8x133xf32, #tpu.memory_space<vmem>>[vector<16xi32>, vector<16xi32>, vector<16xi32>, vector<16xi32>], vector<16xf32>,
      %mul3A_971 = arith.constant 4 : i32
      %mul3A_972 = arith.muli %scan3A_841, %mul3A_971 : i32
      %add3A_973 = arith.constant 2 : i32
      %add3A_974 = arith.addi %mul3A_972, %add3A_973 : i32
      %broadcast_in_dim3A_975 = vector.broadcast %add3A_974 : i32 to vector<16xi32>
      %add3A_976 = arith.constant 256 : i32
      %add3A_977 = arith.addi %add3A_976, %add3A_974 : i32
      %get3A_978 = arith.index_cast %add3A_977 : i32 to index
      %get3A_979 = arith.constant 0 : index
      %get3A_980 = tpu.vector_load %arg6[%get3A_978, %get3A_979] {strides = array<i32>} : memref<512x32xf32, #tpu.memory_space<vmem>>, vector<16xf32>,
      tpu.vector_store_idx %arg8[%add3A_9, %broadcast_in_dim3A_20, %and3A_4, %broadcast_in_dim3A_975], %get3A_980 : memref<4x4x8x133xf32, #tpu.memory_space<vmem>>[vector<16xi32>, vector<16xi32>, vector<16xi32>, vector<16xi32>], vector<16xf32>,
      %get3A_981 = arith.index_cast %add3A_977 : i32 to index
      %get3A_982 = arith.constant 16 : index
      %get3A_983 = tpu.vector_load %arg6[%get3A_981, %get3A_982] {strides = array<i32>} : memref<512x32xf32, #tpu.memory_space<vmem>>, vector<16xf32>,
      tpu.vector_store_idx %arg8[%add3A_15, %broadcast_in_dim3A_20, %and3A_4, %broadcast_in_dim3A_975], %get3A_983 : memref<4x4x8x133xf32, #tpu.memory_space<vmem>>[vector<16xi32>, vector<16xi32>, vector<16xi32>, vector<16xi32>], vector<16xf32>,
      %mul3A_984 = arith.constant 4 : i32
      %mul3A_985 = arith.muli %scan3A_841, %mul3A_984 : i32
      %add3A_986 = arith.constant 3 : i32
      %add3A_987 = arith.addi %mul3A_985, %add3A_986 : i32
      %broadcast_in_dim3A_988 = vector.broadcast %add3A_987 : i32 to vector<16xi32>
      %add3A_989 = arith.constant 256 : i32
      %add3A_990 = arith.addi %add3A_989, %add3A_987 : i32
      %get3A_991 = arith.index_cast %add3A_990 : i32 to index
      %get3A_992 = arith.constant 0 : index
      %get3A_993 = tpu.vector_load %arg6[%get3A_991, %get3A_992] {strides = array<i32>} : memref<512x32xf32, #tpu.memory_space<vmem>>, vector<16xf32>,
      tpu.vector_store_idx %arg8[%add3A_9, %broadcast_in_dim3A_20, %and3A_4, %broadcast_in_dim3A_988], %get3A_993 : memref<4x4x8x133xf32, #tpu.memory_space<vmem>>[vector<16xi32>, vector<16xi32>, vector<16xi32>, vector<16xi32>], vector<16xf32>,
      %get3A_994 = arith.index_cast %add3A_990 : i32 to index
      %get3A_995 = arith.constant 16 : index
      %get3A_996 = tpu.vector_load %arg6[%get3A_994, %get3A_995] {strides = array<i32>} : memref<512x32xf32, #tpu.memory_space<vmem>>, vector<16xf32>,
      tpu.vector_store_idx %arg8[%add3A_15, %broadcast_in_dim3A_20, %and3A_4, %broadcast_in_dim3A_988], %get3A_996 : memref<4x4x8x133xf32, #tpu.memory_space<vmem>>[vector<16xi32>, vector<16xi32>, vector<16xi32>, vector<16xi32>], vector<16xf32>,
      %mul3A_997 = arith.constant 4 : i32
      %mul3A_998 = arith.muli %scan3A_841, %mul3A_997 : i32
      %add3A_999 = arith.constant 0 : i32
      %add3A_1000 = arith.addi %mul3A_998, %add3A_999 : i32
      %broadcast_in_dim3A_1001 = vector.broadcast %add3A_1000 : i32 to vector<16xi32>
      %add3A_1002 = arith.constant 384 : i32
      %add3A_1003 = arith.addi %add3A_1002, %add3A_1000 : i32
      %get3A_1004 = arith.index_cast %add3A_1003 : i32 to index
      %get3A_1005 = arith.constant 0 : index
      %get3A_1006 = tpu.vector_load %arg6[%get3A_1004, %get3A_1005] {strides = array<i32>} : memref<512x32xf32, #tpu.memory_space<vmem>>, vector<16xf32>,
      tpu.vector_store_idx %arg8[%add3A_9, %broadcast_in_dim3A_22, %and3A_4, %broadcast_in_dim3A_1001], %get3A_1006 : memref<4x4x8x133xf32, #tpu.memory_space<vmem>>[vector<16xi32>, vector<16xi32>, vector<16xi32>, vector<16xi32>], vector<16xf32>,
      %get3A_1007 = arith.index_cast %add3A_1003 : i32 to index
      %get3A_1008 = arith.constant 16 : index
      %get3A_1009 = tpu.vector_load %arg6[%get3A_1007, %get3A_1008] {strides = array<i32>} : memref<512x32xf32, #tpu.memory_space<vmem>>, vector<16xf32>,
      tpu.vector_store_idx %arg8[%add3A_15, %broadcast_in_dim3A_22, %and3A_4, %broadcast_in_dim3A_1001], %get3A_1009 : memref<4x4x8x133xf32, #tpu.memory_space<vmem>>[vector<16xi32>, vector<16xi32>, vector<16xi32>, vector<16xi32>], vector<16xf32>,
      %mul3A_1010 = arith.constant 4 : i32
      %mul3A_1011 = arith.muli %scan3A_841, %mul3A_1010 : i32
      %add3A_1012 = arith.constant 1 : i32
      %add3A_1013 = arith.addi %mul3A_1011, %add3A_1012 : i32
      %broadcast_in_dim3A_1014 = vector.broadcast %add3A_1013 : i32 to vector<16xi32>
      %add3A_1015 = arith.constant 384 : i32
      %add3A_1016 = arith.addi %add3A_1015, %add3A_1013 : i32
      %get3A_1017 = arith.index_cast %add3A_1016 : i32 to index
      %get3A_1018 = arith.constant 0 : index
      %get3A_1019 = tpu.vector_load %arg6[%get3A_1017, %get3A_1018] {strides = array<i32>} : memref<512x32xf32, #tpu.memory_space<vmem>>, vector<16xf32>,
      tpu.vector_store_idx %arg8[%add3A_9, %broadcast_in_dim3A_22, %and3A_4, %broadcast_in_dim3A_1014], %get3A_1019 : memref<4x4x8x133xf32, #tpu.memory_space<vmem>>[vector<16xi32>, vector<16xi32>, vector<16xi32>, vector<16xi32>], vector<16xf32>,
      %get3A_1020 = arith.index_cast %add3A_1016 : i32 to index
      %get3A_1021 = arith.constant 16 : index
      %get3A_1022 = tpu.vector_load %arg6[%get3A_1020, %get3A_1021] {strides = array<i32>} : memref<512x32xf32, #tpu.memory_space<vmem>>, vector<16xf32>,
      tpu.vector_store_idx %arg8[%add3A_15, %broadcast_in_dim3A_22, %and3A_4, %broadcast_in_dim3A_1014], %get3A_1022 : memref<4x4x8x133xf32, #tpu.memory_space<vmem>>[vector<16xi32>, vector<16xi32>, vector<16xi32>, vector<16xi32>], vector<16xf32>,
      %mul3A_1023 = arith.constant 4 : i32
      %mul3A_1024 = arith.muli %scan3A_841, %mul3A_1023 : i32
      %add3A_1025 = arith.constant 2 : i32
      %add3A_1026 = arith.addi %mul3A_1024, %add3A_1025 : i32
      %broadcast_in_dim3A_1027 = vector.broadcast %add3A_1026 : i32 to vector<16xi32>
      %add3A_1028 = arith.constant 384 : i32
      %add3A_1029 = arith.addi %add3A_1028, %add3A_1026 : i32
      %get3A_1030 = arith.index_cast %add3A_1029 : i32 to index
      %get3A_1031 = arith.constant 0 : index
      %get3A_1032 = tpu.vector_load %arg6[%get3A_1030, %get3A_1031] {strides = array<i32>} : memref<512x32xf32, #tpu.memory_space<vmem>>, vector<16xf32>,
      tpu.vector_store_idx %arg8[%add3A_9, %broadcast_in_dim3A_22, %and3A_4, %broadcast_in_dim3A_1027], %get3A_1032 : memref<4x4x8x133xf32, #tpu.memory_space<vmem>>[vector<16xi32>, vector<16xi32>, vector<16xi32>, vector<16xi32>], vector<16xf32>,
      %get3A_1033 = arith.index_cast %add3A_1029 : i32 to index
      %get3A_1034 = arith.constant 16 : index
      %get3A_1035 = tpu.vector_load %arg6[%get3A_1033, %get3A_1034] {strides = array<i32>} : memref<512x32xf32, #tpu.memory_space<vmem>>, vector<16xf32>,
      tpu.vector_store_idx %arg8[%add3A_15, %broadcast_in_dim3A_22, %and3A_4, %broadcast_in_dim3A_1027], %get3A_1035 : memref<4x4x8x133xf32, #tpu.memory_space<vmem>>[vector<16xi32>, vector<16xi32>, vector<16xi32>, vector<16xi32>], vector<16xf32>,
      %mul3A_1036 = arith.constant 4 : i32
      %mul3A_1037 = arith.muli %scan3A_841, %mul3A_1036 : i32
      %add3A_1038 = arith.constant 3 : i32
      %add3A_1039 = arith.addi %mul3A_1037, %add3A_1038 : i32
      %broadcast_in_dim3A_1040 = vector.broadcast %add3A_1039 : i32 to vector<16xi32>
      %add3A_1041 = arith.constant 384 : i32
      %add3A_1042 = arith.addi %add3A_1041, %add3A_1039 : i32
      %get3A_1043 = arith.index_cast %add3A_1042 : i32 to index
      %get3A_1044 = arith.constant 0 : index
      %get3A_1045 = tpu.vector_load %arg6[%get3A_1043, %get3A_1044] {strides = array<i32>} : memref<512x32xf32, #tpu.memory_space<vmem>>, vector<16xf32>,
      tpu.vector_store_idx %arg8[%add3A_9, %broadcast_in_dim3A_22, %and3A_4, %broadcast_in_dim3A_1040], %get3A_1045 : memref<4x4x8x133xf32, #tpu.memory_space<vmem>>[vector<16xi32>, vector<16xi32>, vector<16xi32>, vector<16xi32>], vector<16xf32>,
      %get3A_1046 = arith.index_cast %add3A_1042 : i32 to index
      %get3A_1047 = arith.constant 16 : index
      %get3A_1048 = tpu.vector_load %arg6[%get3A_1046, %get3A_1047] {strides = array<i32>} : memref<512x32xf32, #tpu.memory_space<vmem>>, vector<16xf32>,
      tpu.vector_store_idx %arg8[%add3A_15, %broadcast_in_dim3A_22, %and3A_4, %broadcast_in_dim3A_1040], %get3A_1048 : memref<4x4x8x133xf32, #tpu.memory_space<vmem>>[vector<16xi32>, vector<16xi32>, vector<16xi32>, vector<16xi32>], vector<16xf32>,
    }
    %scan3A_374 = arith.constant 32 : i32
    %mul3A_375 = arith.constant 4 : i32
    %mul3A_376 = arith.muli %add3A_270, %mul3A_375 : i32
    %shift_right_arithmetic3A_377 = arith.constant 7 : i32
    %shift_right_arithmetic3A_378 = arith.shrsi %mul3A_376, %shift_right_arithmetic3A_377 : i32
    %and3A_379 = arith.constant 127 : i32
    %and3A_380 = arith.andi %mul3A_376, %and3A_379 : i32
    %dma_start3A_381 = arith.constant 0 : i32
    %dma_start3A_382 = arith.constant 0 : i32
    %dma_start3A_383 = arith.constant 0 : i32
    %dma_start3A_384 = arith.constant 0 : i32
    %dma_start3A_385 = arith.constant 0 : i32
    %dma_start3A_386 = tpu.memref_slice %arg8[%dma_start3A_381, %dma_start3A_383, %dma_start3A_384, %dma_start3A_385] : memref<4x4x8x133xf32, #tpu.memory_space<vmem>> -> memref<1x4x8x128xf32, #tpu.memory_space<vmem>>
    %dma_start3A_387 = tpu.memref_squeeze %dma_start3A_386 : memref<1x4x8x128xf32, #tpu.memory_space<vmem>> -> memref<4x8x128xf32, #tpu.memory_space<vmem>>
    %dma_start3A_388 = arith.constant 0 : i32
    %dma_start3A_389 = arith.constant 0 : i32
    %dma_start3A_390 = tpu.memref_slice %arg4[%shift_right_arithmetic3A_378, %dma_start3A_382, %and3A_380, %dma_start3A_388, %dma_start3A_389] : memref<50x4x128x8x128xf32, #tpu.memory_space<hbm>> -> memref<1x1x4x8x128xf32, #tpu.memory_space<hbm>>
    %dma_start3A_391 = tpu.memref_squeeze %dma_start3A_390 : memref<1x1x4x8x128xf32, #tpu.memory_space<hbm>> -> memref<4x8x128xf32, #tpu.memory_space<hbm>>
    %dma_start3A_392 = arith.constant 0 : i32
    %dma_start3A_393 = arith.constant 0 : i32
    %dma_start3A_394 = tpu.memref_slice %arg4[%shift_right_arithmetic3A_378, %dma_start3A_382, %and3A_380, %dma_start3A_392, %dma_start3A_393] : memref<50x4x128x8x128xf32, #tpu.memory_space<hbm>> -> memref<1x1x4x8x128xf32, #tpu.memory_space<hbm>>
    %dma_start3A_395 = tpu.memref_squeeze %dma_start3A_394 : memref<1x1x4x8x128xf32, #tpu.memory_space<hbm>> -> memref<4x8x128xf32, #tpu.memory_space<hbm>>
    %dma_start3A_396 = arith.constant 0 : i32
    %dma_start3A_397 = arith.constant 0 : i32
    %dma_start3A_398 = arith.constant 0 : i32
    %dma_start3A_399 = tpu.memref_slice %arg8[%dma_start3A_381, %dma_start3A_396, %dma_start3A_397, %dma_start3A_398] : memref<4x4x8x133xf32, #tpu.memory_space<vmem>> -> memref<1x4x8x128xf32, #tpu.memory_space<vmem>>
    %dma_start3A_400 = tpu.memref_squeeze %dma_start3A_399 : memref<1x4x8x128xf32, #tpu.memory_space<vmem>> -> memref<4x8x128xf32, #tpu.memory_space<vmem>>
    tpu.enqueue_dma source(%dma_start3A_400 : memref<4x8x128xf32, #tpu.memory_space<vmem>>) target(%dma_start3A_395 : memref<4x8x128xf32, #tpu.memory_space<hbm>>) target_semaphore(%arg12 : memref<!tpu.dma_semaphore, #tpu.memory_space<semaphore_mem>>)
    %dma_start3A_401 = arith.constant 1 : i32
    %dma_start3A_402 = arith.constant 1 : i32
    %dma_start3A_403 = arith.constant 0 : i32
    %dma_start3A_404 = arith.constant 0 : i32
    %dma_start3A_405 = arith.constant 0 : i32
    %dma_start3A_406 = tpu.memref_slice %arg8[%dma_start3A_401, %dma_start3A_403, %dma_start3A_404, %dma_start3A_405] : memref<4x4x8x133xf32, #tpu.memory_space<vmem>> -> memref<1x4x8x128xf32, #tpu.memory_space<vmem>>
    %dma_start3A_407 = tpu.memref_squeeze %dma_start3A_406 : memref<1x4x8x128xf32, #tpu.memory_space<vmem>> -> memref<4x8x128xf32, #tpu.memory_space<vmem>>
    %dma_start3A_408 = arith.constant 0 : i32
    %dma_start3A_409 = arith.constant 0 : i32
    %dma_start3A_410 = tpu.memref_slice %arg4[%shift_right_arithmetic3A_378, %dma_start3A_402, %and3A_380, %dma_start3A_408, %dma_start3A_409] : memref<50x4x128x8x128xf32, #tpu.memory_space<hbm>> -> memref<1x1x4x8x128xf32, #tpu.memory_space<hbm>>
    %dma_start3A_411 = tpu.memref_squeeze %dma_start3A_410 : memref<1x1x4x8x128xf32, #tpu.memory_space<hbm>> -> memref<4x8x128xf32, #tpu.memory_space<hbm>>
    %dma_start3A_412 = arith.constant 0 : i32
    %dma_start3A_413 = arith.constant 0 : i32
    %dma_start3A_414 = tpu.memref_slice %arg4[%shift_right_arithmetic3A_378, %dma_start3A_402, %and3A_380, %dma_start3A_412, %dma_start3A_413] : memref<50x4x128x8x128xf32, #tpu.memory_space<hbm>> -> memref<1x1x4x8x128xf32, #tpu.memory_space<hbm>>
    %dma_start3A_415 = tpu.memref_squeeze %dma_start3A_414 : memref<1x1x4x8x128xf32, #tpu.memory_space<hbm>> -> memref<4x8x128xf32, #tpu.memory_space<hbm>>
    %dma_start3A_416 = arith.constant 0 : i32
    %dma_start3A_417 = arith.constant 0 : i32
    %dma_start3A_418 = arith.constant 0 : i32
    %dma_start3A_419 = tpu.memref_slice %arg8[%dma_start3A_401, %dma_start3A_416, %dma_start3A_417, %dma_start3A_418] : memref<4x4x8x133xf32, #tpu.memory_space<vmem>> -> memref<1x4x8x128xf32, #tpu.memory_space<vmem>>
    %dma_start3A_420 = tpu.memref_squeeze %dma_start3A_419 : memref<1x4x8x128xf32, #tpu.memory_space<vmem>> -> memref<4x8x128xf32, #tpu.memory_space<vmem>>
    tpu.enqueue_dma source(%dma_start3A_420 : memref<4x8x128xf32, #tpu.memory_space<vmem>>) target(%dma_start3A_415 : memref<4x8x128xf32, #tpu.memory_space<hbm>>) target_semaphore(%arg12 : memref<!tpu.dma_semaphore, #tpu.memory_space<semaphore_mem>>)
    %dma_start3A_421 = arith.constant 2 : i32
    %dma_start3A_422 = arith.constant 2 : i32
    %dma_start3A_423 = arith.constant 0 : i32
    %dma_start3A_424 = arith.constant 0 : i32
    %dma_start3A_425 = arith.constant 0 : i32
    %dma_start3A_426 = tpu.memref_slice %arg8[%dma_start3A_421, %dma_start3A_423, %dma_start3A_424, %dma_start3A_425] : memref<4x4x8x133xf32, #tpu.memory_space<vmem>> -> memref<1x4x8x128xf32, #tpu.memory_space<vmem>>
    %dma_start3A_427 = tpu.memref_squeeze %dma_start3A_426 : memref<1x4x8x128xf32, #tpu.memory_space<vmem>> -> memref<4x8x128xf32, #tpu.memory_space<vmem>>
    %dma_start3A_428 = arith.constant 0 : i32
    %dma_start3A_429 = arith.constant 0 : i32
    %dma_start3A_430 = tpu.memref_slice %arg4[%shift_right_arithmetic3A_378, %dma_start3A_422, %and3A_380, %dma_start3A_428, %dma_start3A_429] : memref<50x4x128x8x128xf32, #tpu.memory_space<hbm>> -> memref<1x1x4x8x128xf32, #tpu.memory_space<hbm>>
    %dma_start3A_431 = tpu.memref_squeeze %dma_start3A_430 : memref<1x1x4x8x128xf32, #tpu.memory_space<hbm>> -> memref<4x8x128xf32, #tpu.memory_space<hbm>>
    %dma_start3A_432 = arith.constant 0 : i32
    %dma_start3A_433 = arith.constant 0 : i32
    %dma_start3A_434 = tpu.memref_slice %arg4[%shift_right_arithmetic3A_378, %dma_start3A_422, %and3A_380, %dma_start3A_432, %dma_start3A_433] : memref<50x4x128x8x128xf32, #tpu.memory_space<hbm>> -> memref<1x1x4x8x128xf32, #tpu.memory_space<hbm>>
    %dma_start3A_435 = tpu.memref_squeeze %dma_start3A_434 : memref<1x1x4x8x128xf32, #tpu.memory_space<hbm>> -> memref<4x8x128xf32, #tpu.memory_space<hbm>>
    %dma_start3A_436 = arith.constant 0 : i32
    %dma_start3A_437 = arith.constant 0 : i32
    %dma_start3A_438 = arith.constant 0 : i32
    %dma_start3A_439 = tpu.memref_slice %arg8[%dma_start3A_421, %dma_start3A_436, %dma_start3A_437, %dma_start3A_438] : memref<4x4x8x133xf32, #tpu.memory_space<vmem>> -> memref<1x4x8x128xf32, #tpu.memory_space<vmem>>
    %dma_start3A_440 = tpu.memref_squeeze %dma_start3A_439 : memref<1x4x8x128xf32, #tpu.memory_space<vmem>> -> memref<4x8x128xf32, #tpu.memory_space<vmem>>
    tpu.enqueue_dma source(%dma_start3A_440 : memref<4x8x128xf32, #tpu.memory_space<vmem>>) target(%dma_start3A_435 : memref<4x8x128xf32, #tpu.memory_space<hbm>>) target_semaphore(%arg12 : memref<!tpu.dma_semaphore, #tpu.memory_space<semaphore_mem>>)
    %dma_start3A_441 = arith.constant 3 : i32
    %dma_start3A_442 = arith.constant 3 : i32
    %dma_start3A_443 = arith.constant 0 : i32
    %dma_start3A_444 = arith.constant 0 : i32
    %dma_start3A_445 = arith.constant 0 : i32
    %dma_start3A_446 = tpu.memref_slice %arg8[%dma_start3A_441, %dma_start3A_443, %dma_start3A_444, %dma_start3A_445] : memref<4x4x8x133xf32, #tpu.memory_space<vmem>> -> memref<1x4x8x128xf32, #tpu.memory_space<vmem>>
    %dma_start3A_447 = tpu.memref_squeeze %dma_start3A_446 : memref<1x4x8x128xf32, #tpu.memory_space<vmem>> -> memref<4x8x128xf32, #tpu.memory_space<vmem>>
    %dma_start3A_448 = arith.constant 0 : i32
    %dma_start3A_449 = arith.constant 0 : i32
    %dma_start3A_450 = tpu.memref_slice %arg4[%shift_right_arithmetic3A_378, %dma_start3A_442, %and3A_380, %dma_start3A_448, %dma_start3A_449] : memref<50x4x128x8x128xf32, #tpu.memory_space<hbm>> -> memref<1x1x4x8x128xf32, #tpu.memory_space<hbm>>
    %dma_start3A_451 = tpu.memref_squeeze %dma_start3A_450 : memref<1x1x4x8x128xf32, #tpu.memory_space<hbm>> -> memref<4x8x128xf32, #tpu.memory_space<hbm>>
    %dma_start3A_452 = arith.constant 0 : i32
    %dma_start3A_453 = arith.constant 0 : i32
    %dma_start3A_454 = tpu.memref_slice %arg4[%shift_right_arithmetic3A_378, %dma_start3A_442, %and3A_380, %dma_start3A_452, %dma_start3A_453] : memref<50x4x128x8x128xf32, #tpu.memory_space<hbm>> -> memref<1x1x4x8x128xf32, #tpu.memory_space<hbm>>
    %dma_start3A_455 = tpu.memref_squeeze %dma_start3A_454 : memref<1x1x4x8x128xf32, #tpu.memory_space<hbm>> -> memref<4x8x128xf32, #tpu.memory_space<hbm>>
    %dma_start3A_456 = arith.constant 0 : i32
    %dma_start3A_457 = arith.constant 0 : i32
    %dma_start3A_458 = arith.constant 0 : i32
    %dma_start3A_459 = tpu.memref_slice %arg8[%dma_start3A_441, %dma_start3A_456, %dma_start3A_457, %dma_start3A_458] : memref<4x4x8x133xf32, #tpu.memory_space<vmem>> -> memref<1x4x8x128xf32, #tpu.memory_space<vmem>>
    %dma_start3A_460 = tpu.memref_squeeze %dma_start3A_459 : memref<1x4x8x128xf32, #tpu.memory_space<vmem>> -> memref<4x8x128xf32, #tpu.memory_space<vmem>>
    tpu.enqueue_dma source(%dma_start3A_460 : memref<4x8x128xf32, #tpu.memory_space<vmem>>) target(%dma_start3A_455 : memref<4x8x128xf32, #tpu.memory_space<hbm>>) target_semaphore(%arg12 : memref<!tpu.dma_semaphore, #tpu.memory_space<semaphore_mem>>)
    %add3A_461 = arith.constant 50 : i32
    %add3A_462 = arith.addi %mul3A_2, %add3A_461 : i32
    %sub3A_463 = arith.constant 2 : i32
    %sub3A_464 = arith.subi %add3A_462, %sub3A_463 : i32
    %add3A_465 = arith.constant 1 : i32
    %add3A_466 = arith.addi %sub3A_464, %add3A_465 : i32
    %dma_wait3A_467 = arith.constant 0 : i32
    %dma_wait3A_468 = arith.constant 0 : i32
    %dma_wait3A_469 = tpu.memref_slice %arg3[%dma_wait3A_467, %dma_wait3A_468] : memref<1000000x32xf32, #tpu.memory_space<hbm>> -> memref<512x32xf32, #tpu.memory_space<hbm>>
    %dma_wait3A_470 = arith.constant 0 : i32
    %dma_wait3A_471 = arith.constant 0 : i32
    %dma_wait3A_472 = tpu.memref_slice %arg3[%dma_wait3A_470, %dma_wait3A_471] : memref<1000000x32xf32, #tpu.memory_space<hbm>> -> memref<512x32xf32, #tpu.memory_space<hbm>>
    tpu.wait_dma2 semaphore(%arg11 : memref<!tpu.dma_semaphore, #tpu.memory_space<semaphore_mem>>) src(%dma_wait3A_472 : memref<512x32xf32, #tpu.memory_space<hbm>>) dst(%arg7 : memref<512x32xf32, #tpu.memory_space<vmem>>)
    %dma_wait3A_473 = arith.constant 0 : i32
    %dma_wait3A_474 = arith.constant 0 : i32
    %dma_wait3A_475 = arith.constant 0 : i32
    %dma_wait3A_476 = arith.constant 0 : i32
    %dma_wait3A_477 = arith.constant 0 : i32
    %dma_wait3A_478 = arith.constant 0 : i32
    %dma_wait3A_479 = tpu.memref_slice %arg9[%dma_wait3A_473, %dma_wait3A_476, %dma_wait3A_477, %dma_wait3A_478] : memref<4x4x8x133xf32, #tpu.memory_space<vmem>> -> memref<1x4x8x128xf32, #tpu.memory_space<vmem>>
    %dma_wait3A_480 = tpu.memref_squeeze %dma_wait3A_479 : memref<1x4x8x128xf32, #tpu.memory_space<vmem>> -> memref<4x8x128xf32, #tpu.memory_space<vmem>>
    %dma_wait3A_481 = arith.constant 0 : i32
    %dma_wait3A_482 = arith.constant 0 : i32
    %dma_wait3A_483 = arith.constant 0 : i32
    %dma_wait3A_484 = tpu.memref_slice %arg4[%dma_wait3A_474, %dma_wait3A_475, %dma_wait3A_481, %dma_wait3A_482, %dma_wait3A_483] : memref<50x4x128x8x128xf32, #tpu.memory_space<hbm>> -> memref<1x1x4x8x128xf32, #tpu.memory_space<hbm>>
    %dma_wait3A_485 = tpu.memref_squeeze %dma_wait3A_484 : memref<1x1x4x8x128xf32, #tpu.memory_space<hbm>> -> memref<4x8x128xf32, #tpu.memory_space<hbm>>
    %dma_wait3A_486 = arith.constant 0 : i32
    %dma_wait3A_487 = arith.constant 0 : i32
    %dma_wait3A_488 = arith.constant 0 : i32
    %dma_wait3A_489 = tpu.memref_slice %arg4[%dma_wait3A_474, %dma_wait3A_475, %dma_wait3A_486, %dma_wait3A_487, %dma_wait3A_488] : memref<50x4x128x8x128xf32, #tpu.memory_space<hbm>> -> memref<1x1x4x8x128xf32, #tpu.memory_space<hbm>>
    %dma_wait3A_490 = tpu.memref_squeeze %dma_wait3A_489 : memref<1x1x4x8x128xf32, #tpu.memory_space<hbm>> -> memref<4x8x128xf32, #tpu.memory_space<hbm>>
    %dma_wait3A_491 = arith.constant 0 : i32
    %dma_wait3A_492 = arith.constant 0 : i32
    %dma_wait3A_493 = arith.constant 0 : i32
    %dma_wait3A_494 = tpu.memref_slice %arg9[%dma_wait3A_473, %dma_wait3A_491, %dma_wait3A_492, %dma_wait3A_493] : memref<4x4x8x133xf32, #tpu.memory_space<vmem>> -> memref<1x4x8x128xf32, #tpu.memory_space<vmem>>
    %dma_wait3A_495 = tpu.memref_squeeze %dma_wait3A_494 : memref<1x4x8x128xf32, #tpu.memory_space<vmem>> -> memref<4x8x128xf32, #tpu.memory_space<vmem>>
    tpu.wait_dma2 semaphore(%arg13 : memref<!tpu.dma_semaphore, #tpu.memory_space<semaphore_mem>>) src(%dma_wait3A_495 : memref<4x8x128xf32, #tpu.memory_space<vmem>>) dst(%dma_wait3A_490 : memref<4x8x128xf32, #tpu.memory_space<hbm>>)
    %dma_wait3A_496 = arith.constant 1 : i32
    %dma_wait3A_497 = arith.constant 0 : i32
    %dma_wait3A_498 = arith.constant 0 : i32
    %dma_wait3A_499 = arith.constant 0 : i32
    %dma_wait3A_500 = arith.constant 0 : i32
    %dma_wait3A_501 = arith.constant 0 : i32
    %dma_wait3A_502 = tpu.memref_slice %arg9[%dma_wait3A_496, %dma_wait3A_499, %dma_wait3A_500, %dma_wait3A_501] : memref<4x4x8x133xf32, #tpu.memory_space<vmem>> -> memref<1x4x8x128xf32, #tpu.memory_space<vmem>>
    %dma_wait3A_503 = tpu.memref_squeeze %dma_wait3A_502 : memref<1x4x8x128xf32, #tpu.memory_space<vmem>> -> memref<4x8x128xf32, #tpu.memory_space<vmem>>
    %dma_wait3A_504 = arith.constant 0 : i32
    %dma_wait3A_505 = arith.constant 0 : i32
    %dma_wait3A_506 = arith.constant 0 : i32
    %dma_wait3A_507 = tpu.memref_slice %arg4[%dma_wait3A_497, %dma_wait3A_498, %dma_wait3A_504, %dma_wait3A_505, %dma_wait3A_506] : memref<50x4x128x8x128xf32, #tpu.memory_space<hbm>> -> memref<1x1x4x8x128xf32, #tpu.memory_space<hbm>>
    %dma_wait3A_508 = tpu.memref_squeeze %dma_wait3A_507 : memref<1x1x4x8x128xf32, #tpu.memory_space<hbm>> -> memref<4x8x128xf32, #tpu.memory_space<hbm>>
    %dma_wait3A_509 = arith.constant 0 : i32
    %dma_wait3A_510 = arith.constant 0 : i32
    %dma_wait3A_511 = arith.constant 0 : i32
    %dma_wait3A_512 = tpu.memref_slice %arg4[%dma_wait3A_497, %dma_wait3A_498, %dma_wait3A_509, %dma_wait3A_510, %dma_wait3A_511] : memref<50x4x128x8x128xf32, #tpu.memory_space<hbm>> -> memref<1x1x4x8x128xf32, #tpu.memory_space<hbm>>
    %dma_wait3A_513 = tpu.memref_squeeze %dma_wait3A_512 : memref<1x1x4x8x128xf32, #tpu.memory_space<hbm>> -> memref<4x8x128xf32, #tpu.memory_space<hbm>>
    %dma_wait3A_514 = arith.constant 0 : i32
    %dma_wait3A_515 = arith.constant 0 : i32
    %dma_wait3A_516 = arith.constant 0 : i32
    %dma_wait3A_517 = tpu.memref_slice %arg9[%dma_wait3A_496, %dma_wait3A_514, %dma_wait3A_515, %dma_wait3A_516] : memref<4x4x8x133xf32, #tpu.memory_space<vmem>> -> memref<1x4x8x128xf32, #tpu.memory_space<vmem>>
    %dma_wait3A_518 = tpu.memref_squeeze %dma_wait3A_517 : memref<1x4x8x128xf32, #tpu.memory_space<vmem>> -> memref<4x8x128xf32, #tpu.memory_space<vmem>>
    tpu.wait_dma2 semaphore(%arg13 : memref<!tpu.dma_semaphore, #tpu.memory_space<semaphore_mem>>) src(%dma_wait3A_518 : memref<4x8x128xf32, #tpu.memory_space<vmem>>) dst(%dma_wait3A_513 : memref<4x8x128xf32, #tpu.memory_space<hbm>>)
    %dma_wait3A_519 = arith.constant 2 : i32
    %dma_wait3A_520 = arith.constant 0 : i32
    %dma_wait3A_521 = arith.constant 0 : i32
    %dma_wait3A_522 = arith.constant 0 : i32
    %dma_wait3A_523 = arith.constant 0 : i32
    %dma_wait3A_524 = arith.constant 0 : i32
    %dma_wait3A_525 = tpu.memref_slice %arg9[%dma_wait3A_519, %dma_wait3A_522, %dma_wait3A_523, %dma_wait3A_524] : memref<4x4x8x133xf32, #tpu.memory_space<vmem>> -> memref<1x4x8x128xf32, #tpu.memory_space<vmem>>
    %dma_wait3A_526 = tpu.memref_squeeze %dma_wait3A_525 : memref<1x4x8x128xf32, #tpu.memory_space<vmem>> -> memref<4x8x128xf32, #tpu.memory_space<vmem>>
    %dma_wait3A_527 = arith.constant 0 : i32
    %dma_wait3A_528 = arith.constant 0 : i32
    %dma_wait3A_529 = arith.constant 0 : i32
    %dma_wait3A_530 = tpu.memref_slice %arg4[%dma_wait3A_520, %dma_wait3A_521, %dma_wait3A_527, %dma_wait3A_528, %dma_wait3A_529] : memref<50x4x128x8x128xf32, #tpu.memory_space<hbm>> -> memref<1x1x4x8x128xf32, #tpu.memory_space<hbm>>
    %dma_wait3A_531 = tpu.memref_squeeze %dma_wait3A_530 : memref<1x1x4x8x128xf32, #tpu.memory_space<hbm>> -> memref<4x8x128xf32, #tpu.memory_space<hbm>>
    %dma_wait3A_532 = arith.constant 0 : i32
    %dma_wait3A_533 = arith.constant 0 : i32
    %dma_wait3A_534 = arith.constant 0 : i32
    %dma_wait3A_535 = tpu.memref_slice %arg4[%dma_wait3A_520, %dma_wait3A_521, %dma_wait3A_532, %dma_wait3A_533, %dma_wait3A_534] : memref<50x4x128x8x128xf32, #tpu.memory_space<hbm>> -> memref<1x1x4x8x128xf32, #tpu.memory_space<hbm>>
    %dma_wait3A_536 = tpu.memref_squeeze %dma_wait3A_535 : memref<1x1x4x8x128xf32, #tpu.memory_space<hbm>> -> memref<4x8x128xf32, #tpu.memory_space<hbm>>
    %dma_wait3A_537 = arith.constant 0 : i32
    %dma_wait3A_538 = arith.constant 0 : i32
    %dma_wait3A_539 = arith.constant 0 : i32
    %dma_wait3A_540 = tpu.memref_slice %arg9[%dma_wait3A_519, %dma_wait3A_537, %dma_wait3A_538, %dma_wait3A_539] : memref<4x4x8x133xf32, #tpu.memory_space<vmem>> -> memref<1x4x8x128xf32, #tpu.memory_space<vmem>>
    %dma_wait3A_541 = tpu.memref_squeeze %dma_wait3A_540 : memref<1x4x8x128xf32, #tpu.memory_space<vmem>> -> memref<4x8x128xf32, #tpu.memory_space<vmem>>
    tpu.wait_dma2 semaphore(%arg13 : memref<!tpu.dma_semaphore, #tpu.memory_space<semaphore_mem>>) src(%dma_wait3A_541 : memref<4x8x128xf32, #tpu.memory_space<vmem>>) dst(%dma_wait3A_536 : memref<4x8x128xf32, #tpu.memory_space<hbm>>)
    %dma_wait3A_542 = arith.constant 3 : i32
    %dma_wait3A_543 = arith.constant 0 : i32
    %dma_wait3A_544 = arith.constant 0 : i32
    %dma_wait3A_545 = arith.constant 0 : i32
    %dma_wait3A_546 = arith.constant 0 : i32
    %dma_wait3A_547 = arith.constant 0 : i32
    %dma_wait3A_548 = tpu.memref_slice %arg9[%dma_wait3A_542, %dma_wait3A_545, %dma_wait3A_546, %dma_wait3A_547] : memref<4x4x8x133xf32, #tpu.memory_space<vmem>> -> memref<1x4x8x128xf32, #tpu.memory_space<vmem>>
    %dma_wait3A_549 = tpu.memref_squeeze %dma_wait3A_548 : memref<1x4x8x128xf32, #tpu.memory_space<vmem>> -> memref<4x8x128xf32, #tpu.memory_space<vmem>>
    %dma_wait3A_550 = arith.constant 0 : i32
    %dma_wait3A_551 = arith.constant 0 : i32
    %dma_wait3A_552 = arith.constant 0 : i32
    %dma_wait3A_553 = tpu.memref_slice %arg4[%dma_wait3A_543, %dma_wait3A_544, %dma_wait3A_550, %dma_wait3A_551, %dma_wait3A_552] : memref<50x4x128x8x128xf32, #tpu.memory_space<hbm>> -> memref<1x1x4x8x128xf32, #tpu.memory_space<hbm>>
    %dma_wait3A_554 = tpu.memref_squeeze %dma_wait3A_553 : memref<1x1x4x8x128xf32, #tpu.memory_space<hbm>> -> memref<4x8x128xf32, #tpu.memory_space<hbm>>
    %dma_wait3A_555 = arith.constant 0 : i32
    %dma_wait3A_556 = arith.constant 0 : i32
    %dma_wait3A_557 = arith.constant 0 : i32
    %dma_wait3A_558 = tpu.memref_slice %arg4[%dma_wait3A_543, %dma_wait3A_544, %dma_wait3A_555, %dma_wait3A_556, %dma_wait3A_557] : memref<50x4x128x8x128xf32, #tpu.memory_space<hbm>> -> memref<1x1x4x8x128xf32, #tpu.memory_space<hbm>>
    %dma_wait3A_559 = tpu.memref_squeeze %dma_wait3A_558 : memref<1x1x4x8x128xf32, #tpu.memory_space<hbm>> -> memref<4x8x128xf32, #tpu.memory_space<hbm>>
    %dma_wait3A_560 = arith.constant 0 : i32
    %dma_wait3A_561 = arith.constant 0 : i32
    %dma_wait3A_562 = arith.constant 0 : i32
    %dma_wait3A_563 = tpu.memref_slice %arg9[%dma_wait3A_542, %dma_wait3A_560, %dma_wait3A_561, %dma_wait3A_562] : memref<4x4x8x133xf32, #tpu.memory_space<vmem>> -> memref<1x4x8x128xf32, #tpu.memory_space<vmem>>
    %dma_wait3A_564 = tpu.memref_squeeze %dma_wait3A_563 : memref<1x4x8x128xf32, #tpu.memory_space<vmem>> -> memref<4x8x128xf32, #tpu.memory_space<vmem>>
    tpu.wait_dma2 semaphore(%arg13 : memref<!tpu.dma_semaphore, #tpu.memory_space<semaphore_mem>>) src(%dma_wait3A_564 : memref<4x8x128xf32, #tpu.memory_space<vmem>>) dst(%dma_wait3A_559 : memref<4x8x128xf32, #tpu.memory_space<hbm>>)
    %scan3A_565 = arith.constant 0 : i32
    %scan3A_566 = arith.constant 0 : i32
    %scan3A_567 = arith.constant 32 : i32
    %scan3A_568 = arith.addi %scan3A_566, %scan3A_567 : i32
    %scan3A_569 = arith.constant 1 : i32
    scf.for %scan3A_841 = %scan3A_566 to %scan3A_568 step %scan3A_569  : i32 {
      %mul3A_842 = arith.constant 4 : i32
      %mul3A_843 = arith.muli %scan3A_841, %mul3A_842 : i32
      %add3A_844 = arith.constant 0 : i32
      %add3A_845 = arith.addi %mul3A_843, %add3A_844 : i32
      %broadcast_in_dim3A_846 = vector.broadcast %add3A_845 : i32 to vector<16xi32>
      %add3A_847 = arith.constant 0 : i32
      %add3A_848 = arith.addi %add3A_847, %add3A_845 : i32
      %get3A = arith.index_cast %add3A_848 : i32 to index
      %get3A_849 = arith.constant 0 : index
      %get3A_850 = tpu.vector_load %arg7[%get3A, %get3A_849] {strides = array<i32>} : memref<512x32xf32, #tpu.memory_space<vmem>>, vector<16xf32>,
      tpu.vector_store_idx %arg9[%add3A_9, %broadcast_in_dim3A_16, %and3A_4, %broadcast_in_dim3A_846], %get3A_850 : memref<4x4x8x133xf32, #tpu.memory_space<vmem>>[vector<16xi32>, vector<16xi32>, vector<16xi32>, vector<16xi32>], vector<16xf32>,
      %get3A_851 = arith.index_cast %add3A_848 : i32 to index
      %get3A_852 = arith.constant 16 : index
      %get3A_853 = tpu.vector_load %arg7[%get3A_851, %get3A_852] {strides = array<i32>} : memref<512x32xf32, #tpu.memory_space<vmem>>, vector<16xf32>,
      tpu.vector_store_idx %arg9[%add3A_15, %broadcast_in_dim3A_16, %and3A_4, %broadcast_in_dim3A_846], %get3A_853 : memref<4x4x8x133xf32, #tpu.memory_space<vmem>>[vector<16xi32>, vector<16xi32>, vector<16xi32>, vector<16xi32>], vector<16xf32>,
      %mul3A_854 = arith.constant 4 : i32
      %mul3A_855 = arith.muli %scan3A_841, %mul3A_854 : i32
      %add3A_856 = arith.constant 1 : i32
      %add3A_857 = arith.addi %mul3A_855, %add3A_856 : i32
      %broadcast_in_dim3A_858 = vector.broadcast %add3A_857 : i32 to vector<16xi32>
      %add3A_859 = arith.constant 0 : i32
      %add3A_860 = arith.addi %add3A_859, %add3A_857 : i32
      %get3A_861 = arith.index_cast %add3A_860 : i32 to index
      %get3A_862 = arith.constant 0 : index
      %get3A_863 = tpu.vector_load %arg7[%get3A_861, %get3A_862] {strides = array<i32>} : memref<512x32xf32, #tpu.memory_space<vmem>>, vector<16xf32>,
      tpu.vector_store_idx %arg9[%add3A_9, %broadcast_in_dim3A_16, %and3A_4, %broadcast_in_dim3A_858], %get3A_863 : memref<4x4x8x133xf32, #tpu.memory_space<vmem>>[vector<16xi32>, vector<16xi32>, vector<16xi32>, vector<16xi32>], vector<16xf32>,
      %get3A_864 = arith.index_cast %add3A_860 : i32 to index
      %get3A_865 = arith.constant 16 : index
      %get3A_866 = tpu.vector_load %arg7[%get3A_864, %get3A_865] {strides = array<i32>} : memref<512x32xf32, #tpu.memory_space<vmem>>, vector<16xf32>,
      tpu.vector_store_idx %arg9[%add3A_15, %broadcast_in_dim3A_16, %and3A_4, %broadcast_in_dim3A_858], %get3A_866 : memref<4x4x8x133xf32, #tpu.memory_space<vmem>>[vector<16xi32>, vector<16xi32>, vector<16xi32>, vector<16xi32>], vector<16xf32>,
      %mul3A_867 = arith.constant 4 : i32
      %mul3A_868 = arith.muli %scan3A_841, %mul3A_867 : i32
      %add3A_869 = arith.constant 2 : i32
      %add3A_870 = arith.addi %mul3A_868, %add3A_869 : i32
      %broadcast_in_dim3A_871 = vector.broadcast %add3A_870 : i32 to vector<16xi32>
      %add3A_872 = arith.constant 0 : i32
      %add3A_873 = arith.addi %add3A_872, %add3A_870 : i32
      %get3A_874 = arith.index_cast %add3A_873 : i32 to index
      %get3A_875 = arith.constant 0 : index
      %get3A_876 = tpu.vector_load %arg7[%get3A_874, %get3A_875] {strides = array<i32>} : memref<512x32xf32, #tpu.memory_space<vmem>>, vector<16xf32>,
      tpu.vector_store_idx %arg9[%add3A_9, %broadcast_in_dim3A_16, %and3A_4, %broadcast_in_dim3A_871], %get3A_876 : memref<4x4x8x133xf32, #tpu.memory_space<vmem>>[vector<16xi32>, vector<16xi32>, vector<16xi32>, vector<16xi32>], vector<16xf32>,
      %get3A_877 = arith.index_cast %add3A_873 : i32 to index
      %get3A_878 = arith.constant 16 : index
      %get3A_879 = tpu.vector_load %arg7[%get3A_877, %get3A_878] {strides = array<i32>} : memref<512x32xf32, #tpu.memory_space<vmem>>, vector<16xf32>,
      tpu.vector_store_idx %arg9[%add3A_15, %broadcast_in_dim3A_16, %and3A_4, %broadcast_in_dim3A_871], %get3A_879 : memref<4x4x8x133xf32, #tpu.memory_space<vmem>>[vector<16xi32>, vector<16xi32>, vector<16xi32>, vector<16xi32>], vector<16xf32>,
      %mul3A_880 = arith.constant 4 : i32
      %mul3A_881 = arith.muli %scan3A_841, %mul3A_880 : i32
      %add3A_882 = arith.constant 3 : i32
      %add3A_883 = arith.addi %mul3A_881, %add3A_882 : i32
      %broadcast_in_dim3A_884 = vector.broadcast %add3A_883 : i32 to vector<16xi32>
      %add3A_885 = arith.constant 0 : i32
      %add3A_886 = arith.addi %add3A_885, %add3A_883 : i32
      %get3A_887 = arith.index_cast %add3A_886 : i32 to index
      %get3A_888 = arith.constant 0 : index
      %get3A_889 = tpu.vector_load %arg7[%get3A_887, %get3A_888] {strides = array<i32>} : memref<512x32xf32, #tpu.memory_space<vmem>>, vector<16xf32>,
      tpu.vector_store_idx %arg9[%add3A_9, %broadcast_in_dim3A_16, %and3A_4, %broadcast_in_dim3A_884], %get3A_889 : memref<4x4x8x133xf32, #tpu.memory_space<vmem>>[vector<16xi32>, vector<16xi32>, vector<16xi32>, vector<16xi32>], vector<16xf32>,
      %get3A_890 = arith.index_cast %add3A_886 : i32 to index
      %get3A_891 = arith.constant 16 : index
      %get3A_892 = tpu.vector_load %arg7[%get3A_890, %get3A_891] {strides = array<i32>} : memref<512x32xf32, #tpu.memory_space<vmem>>, vector<16xf32>,
      tpu.vector_store_idx %arg9[%add3A_15, %broadcast_in_dim3A_16, %and3A_4, %broadcast_in_dim3A_884], %get3A_892 : memref<4x4x8x133xf32, #tpu.memory_space<vmem>>[vector<16xi32>, vector<16xi32>, vector<16xi32>, vector<16xi32>], vector<16xf32>,
      %mul3A_893 = arith.constant 4 : i32
      %mul3A_894 = arith.muli %scan3A_841, %mul3A_893 : i32
      %add3A_895 = arith.constant 0 : i32
      %add3A_896 = arith.addi %mul3A_894, %add3A_895 : i32
      %broadcast_in_dim3A_897 = vector.broadcast %add3A_896 : i32 to vector<16xi32>
      %add3A_898 = arith.constant 128 : i32
      %add3A_899 = arith.addi %add3A_898, %add3A_896 : i32
      %get3A_900 = arith.index_cast %add3A_899 : i32 to index
      %get3A_901 = arith.constant 0 : index
      %get3A_902 = tpu.vector_load %arg7[%get3A_900, %get3A_901] {strides = array<i32>} : memref<512x32xf32, #tpu.memory_space<vmem>>, vector<16xf32>,
      tpu.vector_store_idx %arg9[%add3A_9, %broadcast_in_dim3A_18, %and3A_4, %broadcast_in_dim3A_897], %get3A_902 : memref<4x4x8x133xf32, #tpu.memory_space<vmem>>[vector<16xi32>, vector<16xi32>, vector<16xi32>, vector<16xi32>], vector<16xf32>,
      %get3A_903 = arith.index_cast %add3A_899 : i32 to index
      %get3A_904 = arith.constant 16 : index
      %get3A_905 = tpu.vector_load %arg7[%get3A_903, %get3A_904] {strides = array<i32>} : memref<512x32xf32, #tpu.memory_space<vmem>>, vector<16xf32>,
      tpu.vector_store_idx %arg9[%add3A_15, %broadcast_in_dim3A_18, %and3A_4, %broadcast_in_dim3A_897], %get3A_905 : memref<4x4x8x133xf32, #tpu.memory_space<vmem>>[vector<16xi32>, vector<16xi32>, vector<16xi32>, vector<16xi32>], vector<16xf32>,
      %mul3A_906 = arith.constant 4 : i32
      %mul3A_907 = arith.muli %scan3A_841, %mul3A_906 : i32
      %add3A_908 = arith.constant 1 : i32
      %add3A_909 = arith.addi %mul3A_907, %add3A_908 : i32
      %broadcast_in_dim3A_910 = vector.broadcast %add3A_909 : i32 to vector<16xi32>
      %add3A_911 = arith.constant 128 : i32
      %add3A_912 = arith.addi %add3A_911, %add3A_909 : i32
      %get3A_913 = arith.index_cast %add3A_912 : i32 to index
      %get3A_914 = arith.constant 0 : index
      %get3A_915 = tpu.vector_load %arg7[%get3A_913, %get3A_914] {strides = array<i32>} : memref<512x32xf32, #tpu.memory_space<vmem>>, vector<16xf32>,
      tpu.vector_store_idx %arg9[%add3A_9, %broadcast_in_dim3A_18, %and3A_4, %broadcast_in_dim3A_910], %get3A_915 : memref<4x4x8x133xf32, #tpu.memory_space<vmem>>[vector<16xi32>, vector<16xi32>, vector<16xi32>, vector<16xi32>], vector<16xf32>,
      %get3A_916 = arith.index_cast %add3A_912 : i32 to index
      %get3A_917 = arith.constant 16 : index
      %get3A_918 = tpu.vector_load %arg7[%get3A_916, %get3A_917] {strides = array<i32>} : memref<512x32xf32, #tpu.memory_space<vmem>>, vector<16xf32>,
      tpu.vector_store_idx %arg9[%add3A_15, %broadcast_in_dim3A_18, %and3A_4, %broadcast_in_dim3A_910], %get3A_918 : memref<4x4x8x133xf32, #tpu.memory_space<vmem>>[vector<16xi32>, vector<16xi32>, vector<16xi32>, vector<16xi32>], vector<16xf32>,
      %mul3A_919 = arith.constant 4 : i32
      %mul3A_920 = arith.muli %scan3A_841, %mul3A_919 : i32
      %add3A_921 = arith.constant 2 : i32
      %add3A_922 = arith.addi %mul3A_920, %add3A_921 : i32
      %broadcast_in_dim3A_923 = vector.broadcast %add3A_922 : i32 to vector<16xi32>
      %add3A_924 = arith.constant 128 : i32
      %add3A_925 = arith.addi %add3A_924, %add3A_922 : i32
      %get3A_926 = arith.index_cast %add3A_925 : i32 to index
      %get3A_927 = arith.constant 0 : index
      %get3A_928 = tpu.vector_load %arg7[%get3A_926, %get3A_927] {strides = array<i32>} : memref<512x32xf32, #tpu.memory_space<vmem>>, vector<16xf32>,
      tpu.vector_store_idx %arg9[%add3A_9, %broadcast_in_dim3A_18, %and3A_4, %broadcast_in_dim3A_923], %get3A_928 : memref<4x4x8x133xf32, #tpu.memory_space<vmem>>[vector<16xi32>, vector<16xi32>, vector<16xi32>, vector<16xi32>], vector<16xf32>,
      %get3A_929 = arith.index_cast %add3A_925 : i32 to index
      %get3A_930 = arith.constant 16 : index
      %get3A_931 = tpu.vector_load %arg7[%get3A_929, %get3A_930] {strides = array<i32>} : memref<512x32xf32, #tpu.memory_space<vmem>>, vector<16xf32>,
      tpu.vector_store_idx %arg9[%add3A_15, %broadcast_in_dim3A_18, %and3A_4, %broadcast_in_dim3A_923], %get3A_931 : memref<4x4x8x133xf32, #tpu.memory_space<vmem>>[vector<16xi32>, vector<16xi32>, vector<16xi32>, vector<16xi32>], vector<16xf32>,
      %mul3A_932 = arith.constant 4 : i32
      %mul3A_933 = arith.muli %scan3A_841, %mul3A_932 : i32
      %add3A_934 = arith.constant 3 : i32
      %add3A_935 = arith.addi %mul3A_933, %add3A_934 : i32
      %broadcast_in_dim3A_936 = vector.broadcast %add3A_935 : i32 to vector<16xi32>
      %add3A_937 = arith.constant 128 : i32
      %add3A_938 = arith.addi %add3A_937, %add3A_935 : i32
      %get3A_939 = arith.index_cast %add3A_938 : i32 to index
      %get3A_940 = arith.constant 0 : index
      %get3A_941 = tpu.vector_load %arg7[%get3A_939, %get3A_940] {strides = array<i32>} : memref<512x32xf32, #tpu.memory_space<vmem>>, vector<16xf32>,
      tpu.vector_store_idx %arg9[%add3A_9, %broadcast_in_dim3A_18, %and3A_4, %broadcast_in_dim3A_936], %get3A_941 : memref<4x4x8x133xf32, #tpu.memory_space<vmem>>[vector<16xi32>, vector<16xi32>, vector<16xi32>, vector<16xi32>], vector<16xf32>,
      %get3A_942 = arith.index_cast %add3A_938 : i32 to index
      %get3A_943 = arith.constant 16 : index
      %get3A_944 = tpu.vector_load %arg7[%get3A_942, %get3A_943] {strides = array<i32>} : memref<512x32xf32, #tpu.memory_space<vmem>>, vector<16xf32>,
      tpu.vector_store_idx %arg9[%add3A_15, %broadcast_in_dim3A_18, %and3A_4, %broadcast_in_dim3A_936], %get3A_944 : memref<4x4x8x133xf32, #tpu.memory_space<vmem>>[vector<16xi32>, vector<16xi32>, vector<16xi32>, vector<16xi32>], vector<16xf32>,
      %mul3A_945 = arith.constant 4 : i32
      %mul3A_946 = arith.muli %scan3A_841, %mul3A_945 : i32
      %add3A_947 = arith.constant 0 : i32
      %add3A_948 = arith.addi %mul3A_946, %add3A_947 : i32
      %broadcast_in_dim3A_949 = vector.broadcast %add3A_948 : i32 to vector<16xi32>
      %add3A_950 = arith.constant 256 : i32
      %add3A_951 = arith.addi %add3A_950, %add3A_948 : i32
      %get3A_952 = arith.index_cast %add3A_951 : i32 to index
      %get3A_953 = arith.constant 0 : index
      %get3A_954 = tpu.vector_load %arg7[%get3A_952, %get3A_953] {strides = array<i32>} : memref<512x32xf32, #tpu.memory_space<vmem>>, vector<16xf32>,
      tpu.vector_store_idx %arg9[%add3A_9, %broadcast_in_dim3A_20, %and3A_4, %broadcast_in_dim3A_949], %get3A_954 : memref<4x4x8x133xf32, #tpu.memory_space<vmem>>[vector<16xi32>, vector<16xi32>, vector<16xi32>, vector<16xi32>], vector<16xf32>,
      %get3A_955 = arith.index_cast %add3A_951 : i32 to index
      %get3A_956 = arith.constant 16 : index
      %get3A_957 = tpu.vector_load %arg7[%get3A_955, %get3A_956] {strides = array<i32>} : memref<512x32xf32, #tpu.memory_space<vmem>>, vector<16xf32>,
      tpu.vector_store_idx %arg9[%add3A_15, %broadcast_in_dim3A_20, %and3A_4, %broadcast_in_dim3A_949], %get3A_957 : memref<4x4x8x133xf32, #tpu.memory_space<vmem>>[vector<16xi32>, vector<16xi32>, vector<16xi32>, vector<16xi32>], vector<16xf32>,
      %mul3A_958 = arith.constant 4 : i32
      %mul3A_959 = arith.muli %scan3A_841, %mul3A_958 : i32
      %add3A_960 = arith.constant 1 : i32
      %add3A_961 = arith.addi %mul3A_959, %add3A_960 : i32
      %broadcast_in_dim3A_962 = vector.broadcast %add3A_961 : i32 to vector<16xi32>
      %add3A_963 = arith.constant 256 : i32
      %add3A_964 = arith.addi %add3A_963, %add3A_961 : i32
      %get3A_965 = arith.index_cast %add3A_964 : i32 to index
      %get3A_966 = arith.constant 0 : index
      %get3A_967 = tpu.vector_load %arg7[%get3A_965, %get3A_966] {strides = array<i32>} : memref<512x32xf32, #tpu.memory_space<vmem>>, vector<16xf32>,
      tpu.vector_store_idx %arg9[%add3A_9, %broadcast_in_dim3A_20, %and3A_4, %broadcast_in_dim3A_962], %get3A_967 : memref<4x4x8x133xf32, #tpu.memory_space<vmem>>[vector<16xi32>, vector<16xi32>, vector<16xi32>, vector<16xi32>], vector<16xf32>,
      %get3A_968 = arith.index_cast %add3A_964 : i32 to index
      %get3A_969 = arith.constant 16 : index
      %get3A_970 = tpu.vector_load %arg7[%get3A_968, %get3A_969] {strides = array<i32>} : memref<512x32xf32, #tpu.memory_space<vmem>>, vector<16xf32>,
      tpu.vector_store_idx %arg9[%add3A_15, %broadcast_in_dim3A_20, %and3A_4, %broadcast_in_dim3A_962], %get3A_970 : memref<4x4x8x133xf32, #tpu.memory_space<vmem>>[vector<16xi32>, vector<16xi32>, vector<16xi32>, vector<16xi32>], vector<16xf32>,
      %mul3A_971 = arith.constant 4 : i32
      %mul3A_972 = arith.muli %scan3A_841, %mul3A_971 : i32
      %add3A_973 = arith.constant 2 : i32
      %add3A_974 = arith.addi %mul3A_972, %add3A_973 : i32
      %broadcast_in_dim3A_975 = vector.broadcast %add3A_974 : i32 to vector<16xi32>
      %add3A_976 = arith.constant 256 : i32
      %add3A_977 = arith.addi %add3A_976, %add3A_974 : i32
      %get3A_978 = arith.index_cast %add3A_977 : i32 to index
      %get3A_979 = arith.constant 0 : index
      %get3A_980 = tpu.vector_load %arg7[%get3A_978, %get3A_979] {strides = array<i32>} : memref<512x32xf32, #tpu.memory_space<vmem>>, vector<16xf32>,
      tpu.vector_store_idx %arg9[%add3A_9, %broadcast_in_dim3A_20, %and3A_4, %broadcast_in_dim3A_975], %get3A_980 : memref<4x4x8x133xf32, #tpu.memory_space<vmem>>[vector<16xi32>, vector<16xi32>, vector<16xi32>, vector<16xi32>], vector<16xf32>,
      %get3A_981 = arith.index_cast %add3A_977 : i32 to index
      %get3A_982 = arith.constant 16 : index
      %get3A_983 = tpu.vector_load %arg7[%get3A_981, %get3A_982] {strides = array<i32>} : memref<512x32xf32, #tpu.memory_space<vmem>>, vector<16xf32>,
      tpu.vector_store_idx %arg9[%add3A_15, %broadcast_in_dim3A_20, %and3A_4, %broadcast_in_dim3A_975], %get3A_983 : memref<4x4x8x133xf32, #tpu.memory_space<vmem>>[vector<16xi32>, vector<16xi32>, vector<16xi32>, vector<16xi32>], vector<16xf32>,
      %mul3A_984 = arith.constant 4 : i32
      %mul3A_985 = arith.muli %scan3A_841, %mul3A_984 : i32
      %add3A_986 = arith.constant 3 : i32
      %add3A_987 = arith.addi %mul3A_985, %add3A_986 : i32
      %broadcast_in_dim3A_988 = vector.broadcast %add3A_987 : i32 to vector<16xi32>
      %add3A_989 = arith.constant 256 : i32
      %add3A_990 = arith.addi %add3A_989, %add3A_987 : i32
      %get3A_991 = arith.index_cast %add3A_990 : i32 to index
      %get3A_992 = arith.constant 0 : index
      %get3A_993 = tpu.vector_load %arg7[%get3A_991, %get3A_992] {strides = array<i32>} : memref<512x32xf32, #tpu.memory_space<vmem>>, vector<16xf32>,
      tpu.vector_store_idx %arg9[%add3A_9, %broadcast_in_dim3A_20, %and3A_4, %broadcast_in_dim3A_988], %get3A_993 : memref<4x4x8x133xf32, #tpu.memory_space<vmem>>[vector<16xi32>, vector<16xi32>, vector<16xi32>, vector<16xi32>], vector<16xf32>,
      %get3A_994 = arith.index_cast %add3A_990 : i32 to index
      %get3A_995 = arith.constant 16 : index
      %get3A_996 = tpu.vector_load %arg7[%get3A_994, %get3A_995] {strides = array<i32>} : memref<512x32xf32, #tpu.memory_space<vmem>>, vector<16xf32>,
      tpu.vector_store_idx %arg9[%add3A_15, %broadcast_in_dim3A_20, %and3A_4, %broadcast_in_dim3A_988], %get3A_996 : memref<4x4x8x133xf32, #tpu.memory_space<vmem>>[vector<16xi32>, vector<16xi32>, vector<16xi32>, vector<16xi32>], vector<16xf32>,
      %mul3A_997 = arith.constant 4 : i32
      %mul3A_998 = arith.muli %scan3A_841, %mul3A_997 : i32
      %add3A_999 = arith.constant 0 : i32
      %add3A_1000 = arith.addi %mul3A_998, %add3A_999 : i32
      %broadcast_in_dim3A_1001 = vector.broadcast %add3A_1000 : i32 to vector<16xi32>
      %add3A_1002 = arith.constant 384 : i32
      %add3A_1003 = arith.addi %add3A_1002, %add3A_1000 : i32
      %get3A_1004 = arith.index_cast %add3A_1003 : i32 to index
      %get3A_1005 = arith.constant 0 : index
      %get3A_1006 = tpu.vector_load %arg7[%get3A_1004, %get3A_1005] {strides = array<i32>} : memref<512x32xf32, #tpu.memory_space<vmem>>, vector<16xf32>,
      tpu.vector_store_idx %arg9[%add3A_9, %broadcast_in_dim3A_22, %and3A_4, %broadcast_in_dim3A_1001], %get3A_1006 : memref<4x4x8x133xf32, #tpu.memory_space<vmem>>[vector<16xi32>, vector<16xi32>, vector<16xi32>, vector<16xi32>], vector<16xf32>,
      %get3A_1007 = arith.index_cast %add3A_1003 : i32 to index
      %get3A_1008 = arith.constant 16 : index
      %get3A_1009 = tpu.vector_load %arg7[%get3A_1007, %get3A_1008] {strides = array<i32>} : memref<512x32xf32, #tpu.memory_space<vmem>>, vector<16xf32>,
      tpu.vector_store_idx %arg9[%add3A_15, %broadcast_in_dim3A_22, %and3A_4, %broadcast_in_dim3A_1001], %get3A_1009 : memref<4x4x8x133xf32, #tpu.memory_space<vmem>>[vector<16xi32>, vector<16xi32>, vector<16xi32>, vector<16xi32>], vector<16xf32>,
      %mul3A_1010 = arith.constant 4 : i32
      %mul3A_1011 = arith.muli %scan3A_841, %mul3A_1010 : i32
      %add3A_1012 = arith.constant 1 : i32
      %add3A_1013 = arith.addi %mul3A_1011, %add3A_1012 : i32
      %broadcast_in_dim3A_1014 = vector.broadcast %add3A_1013 : i32 to vector<16xi32>
      %add3A_1015 = arith.constant 384 : i32
      %add3A_1016 = arith.addi %add3A_1015, %add3A_1013 : i32
      %get3A_1017 = arith.index_cast %add3A_1016 : i32 to index
      %get3A_1018 = arith.constant 0 : index
      %get3A_1019 = tpu.vector_load %arg7[%get3A_1017, %get3A_1018] {strides = array<i32>} : memref<512x32xf32, #tpu.memory_space<vmem>>, vector<16xf32>,
      tpu.vector_store_idx %arg9[%add3A_9, %broadcast_in_dim3A_22, %and3A_4, %broadcast_in_dim3A_1014], %get3A_1019 : memref<4x4x8x133xf32, #tpu.memory_space<vmem>>[vector<16xi32>, vector<16xi32>, vector<16xi32>, vector<16xi32>], vector<16xf32>,
      %get3A_1020 = arith.index_cast %add3A_1016 : i32 to index
      %get3A_1021 = arith.constant 16 : index
      %get3A_1022 = tpu.vector_load %arg7[%get3A_1020, %get3A_1021] {strides = array<i32>} : memref<512x32xf32, #tpu.memory_space<vmem>>, vector<16xf32>,
      tpu.vector_store_idx %arg9[%add3A_15, %broadcast_in_dim3A_22, %and3A_4, %broadcast_in_dim3A_1014], %get3A_1022 : memref<4x4x8x133xf32, #tpu.memory_space<vmem>>[vector<16xi32>, vector<16xi32>, vector<16xi32>, vector<16xi32>], vector<16xf32>,
      %mul3A_1023 = arith.constant 4 : i32
      %mul3A_1024 = arith.muli %scan3A_841, %mul3A_1023 : i32
      %add3A_1025 = arith.constant 2 : i32
      %add3A_1026 = arith.addi %mul3A_1024, %add3A_1025 : i32
      %broadcast_in_dim3A_1027 = vector.broadcast %add3A_1026 : i32 to vector<16xi32>
      %add3A_1028 = arith.constant 384 : i32
      %add3A_1029 = arith.addi %add3A_1028, %add3A_1026 : i32
      %get3A_1030 = arith.index_cast %add3A_1029 : i32 to index
      %get3A_1031 = arith.constant 0 : index
      %get3A_1032 = tpu.vector_load %arg7[%get3A_1030, %get3A_1031] {strides = array<i32>} : memref<512x32xf32, #tpu.memory_space<vmem>>, vector<16xf32>,
      tpu.vector_store_idx %arg9[%add3A_9, %broadcast_in_dim3A_22, %and3A_4, %broadcast_in_dim3A_1027], %get3A_1032 : memref<4x4x8x133xf32, #tpu.memory_space<vmem>>[vector<16xi32>, vector<16xi32>, vector<16xi32>, vector<16xi32>], vector<16xf32>,
      %get3A_1033 = arith.index_cast %add3A_1029 : i32 to index
      %get3A_1034 = arith.constant 16 : index
      %get3A_1035 = tpu.vector_load %arg7[%get3A_1033, %get3A_1034] {strides = array<i32>} : memref<512x32xf32, #tpu.memory_space<vmem>>, vector<16xf32>,
      tpu.vector_store_idx %arg9[%add3A_15, %broadcast_in_dim3A_22, %and3A_4, %broadcast_in_dim3A_1027], %get3A_1035 : memref<4x4x8x133xf32, #tpu.memory_space<vmem>>[vector<16xi32>, vector<16xi32>, vector<16xi32>, vector<16xi32>], vector<16xf32>,
      %mul3A_1036 = arith.constant 4 : i32
      %mul3A_1037 = arith.muli %scan3A_841, %mul3A_1036 : i32
      %add3A_1038 = arith.constant 3 : i32
      %add3A_1039 = arith.addi %mul3A_1037, %add3A_1038 : i32
      %broadcast_in_dim3A_1040 = vector.broadcast %add3A_1039 : i32 to vector<16xi32>
      %add3A_1041 = arith.constant 384 : i32
      %add3A_1042 = arith.addi %add3A_1041, %add3A_1039 : i32
      %get3A_1043 = arith.index_cast %add3A_1042 : i32 to index
      %get3A_1044 = arith.constant 0 : index
      %get3A_1045 = tpu.vector_load %arg7[%get3A_1043, %get3A_1044] {strides = array<i32>} : memref<512x32xf32, #tpu.memory_space<vmem>>, vector<16xf32>,
      tpu.vector_store_idx %arg9[%add3A_9, %broadcast_in_dim3A_22, %and3A_4, %broadcast_in_dim3A_1040], %get3A_1045 : memref<4x4x8x133xf32, #tpu.memory_space<vmem>>[vector<16xi32>, vector<16xi32>, vector<16xi32>, vector<16xi32>], vector<16xf32>,
      %get3A_1046 = arith.index_cast %add3A_1042 : i32 to index
      %get3A_1047 = arith.constant 16 : index
      %get3A_1048 = tpu.vector_load %arg7[%get3A_1046, %get3A_1047] {strides = array<i32>} : memref<512x32xf32, #tpu.memory_space<vmem>>, vector<16xf32>,
      tpu.vector_store_idx %arg9[%add3A_15, %broadcast_in_dim3A_22, %and3A_4, %broadcast_in_dim3A_1040], %get3A_1048 : memref<4x4x8x133xf32, #tpu.memory_space<vmem>>[vector<16xi32>, vector<16xi32>, vector<16xi32>, vector<16xi32>], vector<16xf32>,
    }
    %scan3A_570 = arith.constant 32 : i32
    %mul3A_571 = arith.constant 4 : i32
    %mul3A_572 = arith.muli %add3A_466, %mul3A_571 : i32
    %shift_right_arithmetic3A_573 = arith.constant 7 : i32
    %shift_right_arithmetic3A_574 = arith.shrsi %mul3A_572, %shift_right_arithmetic3A_573 : i32
    %and3A_575 = arith.constant 127 : i32
    %and3A_576 = arith.andi %mul3A_572, %and3A_575 : i32
    %dma_start3A_577 = arith.constant 0 : i32
    %dma_start3A_578 = arith.constant 0 : i32
    %dma_start3A_579 = arith.constant 0 : i32
    %dma_start3A_580 = arith.constant 0 : i32
    %dma_start3A_581 = arith.constant 0 : i32
    %dma_start3A_582 = tpu.memref_slice %arg9[%dma_start3A_577, %dma_start3A_579, %dma_start3A_580, %dma_start3A_581] : memref<4x4x8x133xf32, #tpu.memory_space<vmem>> -> memref<1x4x8x128xf32, #tpu.memory_space<vmem>>
    %dma_start3A_583 = tpu.memref_squeeze %dma_start3A_582 : memref<1x4x8x128xf32, #tpu.memory_space<vmem>> -> memref<4x8x128xf32, #tpu.memory_space<vmem>>
    %dma_start3A_584 = arith.constant 0 : i32
    %dma_start3A_585 = arith.constant 0 : i32
    %dma_start3A_586 = tpu.memref_slice %arg4[%shift_right_arithmetic3A_574, %dma_start3A_578, %and3A_576, %dma_start3A_584, %dma_start3A_585] : memref<50x4x128x8x128xf32, #tpu.memory_space<hbm>> -> memref<1x1x4x8x128xf32, #tpu.memory_space<hbm>>
    %dma_start3A_587 = tpu.memref_squeeze %dma_start3A_586 : memref<1x1x4x8x128xf32, #tpu.memory_space<hbm>> -> memref<4x8x128xf32, #tpu.memory_space<hbm>>
    %dma_start3A_588 = arith.constant 0 : i32
    %dma_start3A_589 = arith.constant 0 : i32
    %dma_start3A_590 = tpu.memref_slice %arg4[%shift_right_arithmetic3A_574, %dma_start3A_578, %and3A_576, %dma_start3A_588, %dma_start3A_589] : memref<50x4x128x8x128xf32, #tpu.memory_space<hbm>> -> memref<1x1x4x8x128xf32, #tpu.memory_space<hbm>>
    %dma_start3A_591 = tpu.memref_squeeze %dma_start3A_590 : memref<1x1x4x8x128xf32, #tpu.memory_space<hbm>> -> memref<4x8x128xf32, #tpu.memory_space<hbm>>
    %dma_start3A_592 = arith.constant 0 : i32
    %dma_start3A_593 = arith.constant 0 : i32
    %dma_start3A_594 = arith.constant 0 : i32
    %dma_start3A_595 = tpu.memref_slice %arg9[%dma_start3A_577, %dma_start3A_592, %dma_start3A_593, %dma_start3A_594] : memref<4x4x8x133xf32, #tpu.memory_space<vmem>> -> memref<1x4x8x128xf32, #tpu.memory_space<vmem>>
    %dma_start3A_596 = tpu.memref_squeeze %dma_start3A_595 : memref<1x4x8x128xf32, #tpu.memory_space<vmem>> -> memref<4x8x128xf32, #tpu.memory_space<vmem>>
    tpu.enqueue_dma source(%dma_start3A_596 : memref<4x8x128xf32, #tpu.memory_space<vmem>>) target(%dma_start3A_591 : memref<4x8x128xf32, #tpu.memory_space<hbm>>) target_semaphore(%arg13 : memref<!tpu.dma_semaphore, #tpu.memory_space<semaphore_mem>>)
    %dma_start3A_597 = arith.constant 1 : i32
    %dma_start3A_598 = arith.constant 1 : i32
    %dma_start3A_599 = arith.constant 0 : i32
    %dma_start3A_600 = arith.constant 0 : i32
    %dma_start3A_601 = arith.constant 0 : i32
    %dma_start3A_602 = tpu.memref_slice %arg9[%dma_start3A_597, %dma_start3A_599, %dma_start3A_600, %dma_start3A_601] : memref<4x4x8x133xf32, #tpu.memory_space<vmem>> -> memref<1x4x8x128xf32, #tpu.memory_space<vmem>>
    %dma_start3A_603 = tpu.memref_squeeze %dma_start3A_602 : memref<1x4x8x128xf32, #tpu.memory_space<vmem>> -> memref<4x8x128xf32, #tpu.memory_space<vmem>>
    %dma_start3A_604 = arith.constant 0 : i32
    %dma_start3A_605 = arith.constant 0 : i32
    %dma_start3A_606 = tpu.memref_slice %arg4[%shift_right_arithmetic3A_574, %dma_start3A_598, %and3A_576, %dma_start3A_604, %dma_start3A_605] : memref<50x4x128x8x128xf32, #tpu.memory_space<hbm>> -> memref<1x1x4x8x128xf32, #tpu.memory_space<hbm>>
    %dma_start3A_607 = tpu.memref_squeeze %dma_start3A_606 : memref<1x1x4x8x128xf32, #tpu.memory_space<hbm>> -> memref<4x8x128xf32, #tpu.memory_space<hbm>>
    %dma_start3A_608 = arith.constant 0 : i32
    %dma_start3A_609 = arith.constant 0 : i32
    %dma_start3A_610 = tpu.memref_slice %arg4[%shift_right_arithmetic3A_574, %dma_start3A_598, %and3A_576, %dma_start3A_608, %dma_start3A_609] : memref<50x4x128x8x128xf32, #tpu.memory_space<hbm>> -> memref<1x1x4x8x128xf32, #tpu.memory_space<hbm>>
    %dma_start3A_611 = tpu.memref_squeeze %dma_start3A_610 : memref<1x1x4x8x128xf32, #tpu.memory_space<hbm>> -> memref<4x8x128xf32, #tpu.memory_space<hbm>>
    %dma_start3A_612 = arith.constant 0 : i32
    %dma_start3A_613 = arith.constant 0 : i32
    %dma_start3A_614 = arith.constant 0 : i32
    %dma_start3A_615 = tpu.memref_slice %arg9[%dma_start3A_597, %dma_start3A_612, %dma_start3A_613, %dma_start3A_614] : memref<4x4x8x133xf32, #tpu.memory_space<vmem>> -> memref<1x4x8x128xf32, #tpu.memory_space<vmem>>
    %dma_start3A_616 = tpu.memref_squeeze %dma_start3A_615 : memref<1x4x8x128xf32, #tpu.memory_space<vmem>> -> memref<4x8x128xf32, #tpu.memory_space<vmem>>
    tpu.enqueue_dma source(%dma_start3A_616 : memref<4x8x128xf32, #tpu.memory_space<vmem>>) target(%dma_start3A_611 : memref<4x8x128xf32, #tpu.memory_space<hbm>>) target_semaphore(%arg13 : memref<!tpu.dma_semaphore, #tpu.memory_space<semaphore_mem>>)
    %dma_start3A_617 = arith.constant 2 : i32
    %dma_start3A_618 = arith.constant 2 : i32
    %dma_start3A_619 = arith.constant 0 : i32
    %dma_start3A_620 = arith.constant 0 : i32
    %dma_start3A_621 = arith.constant 0 : i32
    %dma_start3A_622 = tpu.memref_slice %arg9[%dma_start3A_617, %dma_start3A_619, %dma_start3A_620, %dma_start3A_621] : memref<4x4x8x133xf32, #tpu.memory_space<vmem>> -> memref<1x4x8x128xf32, #tpu.memory_space<vmem>>
    %dma_start3A_623 = tpu.memref_squeeze %dma_start3A_622 : memref<1x4x8x128xf32, #tpu.memory_space<vmem>> -> memref<4x8x128xf32, #tpu.memory_space<vmem>>
    %dma_start3A_624 = arith.constant 0 : i32
    %dma_start3A_625 = arith.constant 0 : i32
    %dma_start3A_626 = tpu.memref_slice %arg4[%shift_right_arithmetic3A_574, %dma_start3A_618, %and3A_576, %dma_start3A_624, %dma_start3A_625] : memref<50x4x128x8x128xf32, #tpu.memory_space<hbm>> -> memref<1x1x4x8x128xf32, #tpu.memory_space<hbm>>
    %dma_start3A_627 = tpu.memref_squeeze %dma_start3A_626 : memref<1x1x4x8x128xf32, #tpu.memory_space<hbm>> -> memref<4x8x128xf32, #tpu.memory_space<hbm>>
    %dma_start3A_628 = arith.constant 0 : i32
    %dma_start3A_629 = arith.constant 0 : i32
    %dma_start3A_630 = tpu.memref_slice %arg4[%shift_right_arithmetic3A_574, %dma_start3A_618, %and3A_576, %dma_start3A_628, %dma_start3A_629] : memref<50x4x128x8x128xf32, #tpu.memory_space<hbm>> -> memref<1x1x4x8x128xf32, #tpu.memory_space<hbm>>
    %dma_start3A_631 = tpu.memref_squeeze %dma_start3A_630 : memref<1x1x4x8x128xf32, #tpu.memory_space<hbm>> -> memref<4x8x128xf32, #tpu.memory_space<hbm>>
    %dma_start3A_632 = arith.constant 0 : i32
    %dma_start3A_633 = arith.constant 0 : i32
    %dma_start3A_634 = arith.constant 0 : i32
    %dma_start3A_635 = tpu.memref_slice %arg9[%dma_start3A_617, %dma_start3A_632, %dma_start3A_633, %dma_start3A_634] : memref<4x4x8x133xf32, #tpu.memory_space<vmem>> -> memref<1x4x8x128xf32, #tpu.memory_space<vmem>>
    %dma_start3A_636 = tpu.memref_squeeze %dma_start3A_635 : memref<1x4x8x128xf32, #tpu.memory_space<vmem>> -> memref<4x8x128xf32, #tpu.memory_space<vmem>>
    tpu.enqueue_dma source(%dma_start3A_636 : memref<4x8x128xf32, #tpu.memory_space<vmem>>) target(%dma_start3A_631 : memref<4x8x128xf32, #tpu.memory_space<hbm>>) target_semaphore(%arg13 : memref<!tpu.dma_semaphore, #tpu.memory_space<semaphore_mem>>)
    %dma_start3A_637 = arith.constant 3 : i32
    %dma_start3A_638 = arith.constant 3 : i32
    %dma_start3A_639 = arith.constant 0 : i32
    %dma_start3A_640 = arith.constant 0 : i32
    %dma_start3A_641 = arith.constant 0 : i32
    %dma_start3A_642 = tpu.memref_slice %arg9[%dma_start3A_637, %dma_start3A_639, %dma_start3A_640, %dma_start3A_641] : memref<4x4x8x133xf32, #tpu.memory_space<vmem>> -> memref<1x4x8x128xf32, #tpu.memory_space<vmem>>
    %dma_start3A_643 = tpu.memref_squeeze %dma_start3A_642 : memref<1x4x8x128xf32, #tpu.memory_space<vmem>> -> memref<4x8x128xf32, #tpu.memory_space<vmem>>
    %dma_start3A_644 = arith.constant 0 : i32
    %dma_start3A_645 = arith.constant 0 : i32
    %dma_start3A_646 = tpu.memref_slice %arg4[%shift_right_arithmetic3A_574, %dma_start3A_638, %and3A_576, %dma_start3A_644, %dma_start3A_645] : memref<50x4x128x8x128xf32, #tpu.memory_space<hbm>> -> memref<1x1x4x8x128xf32, #tpu.memory_space<hbm>>
    %dma_start3A_647 = tpu.memref_squeeze %dma_start3A_646 : memref<1x1x4x8x128xf32, #tpu.memory_space<hbm>> -> memref<4x8x128xf32, #tpu.memory_space<hbm>>
    %dma_start3A_648 = arith.constant 0 : i32
    %dma_start3A_649 = arith.constant 0 : i32
    %dma_start3A_650 = tpu.memref_slice %arg4[%shift_right_arithmetic3A_574, %dma_start3A_638, %and3A_576, %dma_start3A_648, %dma_start3A_649] : memref<50x4x128x8x128xf32, #tpu.memory_space<hbm>> -> memref<1x1x4x8x128xf32, #tpu.memory_space<hbm>>
    %dma_start3A_651 = tpu.memref_squeeze %dma_start3A_650 : memref<1x1x4x8x128xf32, #tpu.memory_space<hbm>> -> memref<4x8x128xf32, #tpu.memory_space<hbm>>
    %dma_start3A_652 = arith.constant 0 : i32
    %dma_start3A_653 = arith.constant 0 : i32
    %dma_start3A_654 = arith.constant 0 : i32
    %dma_start3A_655 = tpu.memref_slice %arg9[%dma_start3A_637, %dma_start3A_652, %dma_start3A_653, %dma_start3A_654] : memref<4x4x8x133xf32, #tpu.memory_space<vmem>> -> memref<1x4x8x128xf32, #tpu.memory_space<vmem>>
    %dma_start3A_656 = tpu.memref_squeeze %dma_start3A_655 : memref<1x4x8x128xf32, #tpu.memory_space<vmem>> -> memref<4x8x128xf32, #tpu.memory_space<vmem>>
    tpu.enqueue_dma source(%dma_start3A_656 : memref<4x8x128xf32, #tpu.memory_space<vmem>>) target(%dma_start3A_651 : memref<4x8x128xf32, #tpu.memory_space<hbm>>) target_semaphore(%arg13 : memref<!tpu.dma_semaphore, #tpu.memory_space<semaphore_mem>>)
    %dma_wait3A_657 = arith.constant 0 : i32
    %dma_wait3A_658 = arith.constant 0 : i32
    %dma_wait3A_659 = arith.constant 0 : i32
    %dma_wait3A_660 = arith.constant 0 : i32
    %dma_wait3A_661 = arith.constant 0 : i32
    %dma_wait3A_662 = arith.constant 0 : i32
    %dma_wait3A_663 = tpu.memref_slice %arg8[%dma_wait3A_657, %dma_wait3A_660, %dma_wait3A_661, %dma_wait3A_662] : memref<4x4x8x133xf32, #tpu.memory_space<vmem>> -> memref<1x4x8x128xf32, #tpu.memory_space<vmem>>
    %dma_wait3A_664 = tpu.memref_squeeze %dma_wait3A_663 : memref<1x4x8x128xf32, #tpu.memory_space<vmem>> -> memref<4x8x128xf32, #tpu.memory_space<vmem>>
    %dma_wait3A_665 = arith.constant 0 : i32
    %dma_wait3A_666 = arith.constant 0 : i32
    %dma_wait3A_667 = arith.constant 0 : i32
    %dma_wait3A_668 = tpu.memref_slice %arg4[%dma_wait3A_658, %dma_wait3A_659, %dma_wait3A_665, %dma_wait3A_666, %dma_wait3A_667] : memref<50x4x128x8x128xf32, #tpu.memory_space<hbm>> -> memref<1x1x4x8x128xf32, #tpu.memory_space<hbm>>
    %dma_wait3A_669 = tpu.memref_squeeze %dma_wait3A_668 : memref<1x1x4x8x128xf32, #tpu.memory_space<hbm>> -> memref<4x8x128xf32, #tpu.memory_space<hbm>>
    %dma_wait3A_670 = arith.constant 0 : i32
    %dma_wait3A_671 = arith.constant 0 : i32
    %dma_wait3A_672 = arith.constant 0 : i32
    %dma_wait3A_673 = tpu.memref_slice %arg4[%dma_wait3A_658, %dma_wait3A_659, %dma_wait3A_670, %dma_wait3A_671, %dma_wait3A_672] : memref<50x4x128x8x128xf32, #tpu.memory_space<hbm>> -> memref<1x1x4x8x128xf32, #tpu.memory_space<hbm>>
    %dma_wait3A_674 = tpu.memref_squeeze %dma_wait3A_673 : memref<1x1x4x8x128xf32, #tpu.memory_space<hbm>> -> memref<4x8x128xf32, #tpu.memory_space<hbm>>
    %dma_wait3A_675 = arith.constant 0 : i32
    %dma_wait3A_676 = arith.constant 0 : i32
    %dma_wait3A_677 = arith.constant 0 : i32
    %dma_wait3A_678 = tpu.memref_slice %arg8[%dma_wait3A_657, %dma_wait3A_675, %dma_wait3A_676, %dma_wait3A_677] : memref<4x4x8x133xf32, #tpu.memory_space<vmem>> -> memref<1x4x8x128xf32, #tpu.memory_space<vmem>>
    %dma_wait3A_679 = tpu.memref_squeeze %dma_wait3A_678 : memref<1x4x8x128xf32, #tpu.memory_space<vmem>> -> memref<4x8x128xf32, #tpu.memory_space<vmem>>
    tpu.wait_dma2 semaphore(%arg12 : memref<!tpu.dma_semaphore, #tpu.memory_space<semaphore_mem>>) src(%dma_wait3A_679 : memref<4x8x128xf32, #tpu.memory_space<vmem>>) dst(%dma_wait3A_674 : memref<4x8x128xf32, #tpu.memory_space<hbm>>)
    %dma_wait3A_680 = arith.constant 1 : i32
    %dma_wait3A_681 = arith.constant 0 : i32
    %dma_wait3A_682 = arith.constant 0 : i32
    %dma_wait3A_683 = arith.constant 0 : i32
    %dma_wait3A_684 = arith.constant 0 : i32
    %dma_wait3A_685 = arith.constant 0 : i32
    %dma_wait3A_686 = tpu.memref_slice %arg8[%dma_wait3A_680, %dma_wait3A_683, %dma_wait3A_684, %dma_wait3A_685] : memref<4x4x8x133xf32, #tpu.memory_space<vmem>> -> memref<1x4x8x128xf32, #tpu.memory_space<vmem>>
    %dma_wait3A_687 = tpu.memref_squeeze %dma_wait3A_686 : memref<1x4x8x128xf32, #tpu.memory_space<vmem>> -> memref<4x8x128xf32, #tpu.memory_space<vmem>>
    %dma_wait3A_688 = arith.constant 0 : i32
    %dma_wait3A_689 = arith.constant 0 : i32
    %dma_wait3A_690 = arith.constant 0 : i32
    %dma_wait3A_691 = tpu.memref_slice %arg4[%dma_wait3A_681, %dma_wait3A_682, %dma_wait3A_688, %dma_wait3A_689, %dma_wait3A_690] : memref<50x4x128x8x128xf32, #tpu.memory_space<hbm>> -> memref<1x1x4x8x128xf32, #tpu.memory_space<hbm>>
    %dma_wait3A_692 = tpu.memref_squeeze %dma_wait3A_691 : memref<1x1x4x8x128xf32, #tpu.memory_space<hbm>> -> memref<4x8x128xf32, #tpu.memory_space<hbm>>
    %dma_wait3A_693 = arith.constant 0 : i32
    %dma_wait3A_694 = arith.constant 0 : i32
    %dma_wait3A_695 = arith.constant 0 : i32
    %dma_wait3A_696 = tpu.memref_slice %arg4[%dma_wait3A_681, %dma_wait3A_682, %dma_wait3A_693, %dma_wait3A_694, %dma_wait3A_695] : memref<50x4x128x8x128xf32, #tpu.memory_space<hbm>> -> memref<1x1x4x8x128xf32, #tpu.memory_space<hbm>>
    %dma_wait3A_697 = tpu.memref_squeeze %dma_wait3A_696 : memref<1x1x4x8x128xf32, #tpu.memory_space<hbm>> -> memref<4x8x128xf32, #tpu.memory_space<hbm>>
    %dma_wait3A_698 = arith.constant 0 : i32
    %dma_wait3A_699 = arith.constant 0 : i32
    %dma_wait3A_700 = arith.constant 0 : i32
    %dma_wait3A_701 = tpu.memref_slice %arg8[%dma_wait3A_680, %dma_wait3A_698, %dma_wait3A_699, %dma_wait3A_700] : memref<4x4x8x133xf32, #tpu.memory_space<vmem>> -> memref<1x4x8x128xf32, #tpu.memory_space<vmem>>
    %dma_wait3A_702 = tpu.memref_squeeze %dma_wait3A_701 : memref<1x4x8x128xf32, #tpu.memory_space<vmem>> -> memref<4x8x128xf32, #tpu.memory_space<vmem>>
    tpu.wait_dma2 semaphore(%arg12 : memref<!tpu.dma_semaphore, #tpu.memory_space<semaphore_mem>>) src(%dma_wait3A_702 : memref<4x8x128xf32, #tpu.memory_space<vmem>>) dst(%dma_wait3A_697 : memref<4x8x128xf32, #tpu.memory_space<hbm>>)
    %dma_wait3A_703 = arith.constant 2 : i32
    %dma_wait3A_704 = arith.constant 0 : i32
    %dma_wait3A_705 = arith.constant 0 : i32
    %dma_wait3A_706 = arith.constant 0 : i32
    %dma_wait3A_707 = arith.constant 0 : i32
    %dma_wait3A_708 = arith.constant 0 : i32
    %dma_wait3A_709 = tpu.memref_slice %arg8[%dma_wait3A_703, %dma_wait3A_706, %dma_wait3A_707, %dma_wait3A_708] : memref<4x4x8x133xf32, #tpu.memory_space<vmem>> -> memref<1x4x8x128xf32, #tpu.memory_space<vmem>>
    %dma_wait3A_710 = tpu.memref_squeeze %dma_wait3A_709 : memref<1x4x8x128xf32, #tpu.memory_space<vmem>> -> memref<4x8x128xf32, #tpu.memory_space<vmem>>
    %dma_wait3A_711 = arith.constant 0 : i32
    %dma_wait3A_712 = arith.constant 0 : i32
    %dma_wait3A_713 = arith.constant 0 : i32
    %dma_wait3A_714 = tpu.memref_slice %arg4[%dma_wait3A_704, %dma_wait3A_705, %dma_wait3A_711, %dma_wait3A_712, %dma_wait3A_713] : memref<50x4x128x8x128xf32, #tpu.memory_space<hbm>> -> memref<1x1x4x8x128xf32, #tpu.memory_space<hbm>>
    %dma_wait3A_715 = tpu.memref_squeeze %dma_wait3A_714 : memref<1x1x4x8x128xf32, #tpu.memory_space<hbm>> -> memref<4x8x128xf32, #tpu.memory_space<hbm>>
    %dma_wait3A_716 = arith.constant 0 : i32
    %dma_wait3A_717 = arith.constant 0 : i32
    %dma_wait3A_718 = arith.constant 0 : i32
    %dma_wait3A_719 = tpu.memref_slice %arg4[%dma_wait3A_704, %dma_wait3A_705, %dma_wait3A_716, %dma_wait3A_717, %dma_wait3A_718] : memref<50x4x128x8x128xf32, #tpu.memory_space<hbm>> -> memref<1x1x4x8x128xf32, #tpu.memory_space<hbm>>
    %dma_wait3A_720 = tpu.memref_squeeze %dma_wait3A_719 : memref<1x1x4x8x128xf32, #tpu.memory_space<hbm>> -> memref<4x8x128xf32, #tpu.memory_space<hbm>>
    %dma_wait3A_721 = arith.constant 0 : i32
    %dma_wait3A_722 = arith.constant 0 : i32
    %dma_wait3A_723 = arith.constant 0 : i32
    %dma_wait3A_724 = tpu.memref_slice %arg8[%dma_wait3A_703, %dma_wait3A_721, %dma_wait3A_722, %dma_wait3A_723] : memref<4x4x8x133xf32, #tpu.memory_space<vmem>> -> memref<1x4x8x128xf32, #tpu.memory_space<vmem>>
    %dma_wait3A_725 = tpu.memref_squeeze %dma_wait3A_724 : memref<1x4x8x128xf32, #tpu.memory_space<vmem>> -> memref<4x8x128xf32, #tpu.memory_space<vmem>>
    tpu.wait_dma2 semaphore(%arg12 : memref<!tpu.dma_semaphore, #tpu.memory_space<semaphore_mem>>) src(%dma_wait3A_725 : memref<4x8x128xf32, #tpu.memory_space<vmem>>) dst(%dma_wait3A_720 : memref<4x8x128xf32, #tpu.memory_space<hbm>>)
    %dma_wait3A_726 = arith.constant 3 : i32
    %dma_wait3A_727 = arith.constant 0 : i32
    %dma_wait3A_728 = arith.constant 0 : i32
    %dma_wait3A_729 = arith.constant 0 : i32
    %dma_wait3A_730 = arith.constant 0 : i32
    %dma_wait3A_731 = arith.constant 0 : i32
    %dma_wait3A_732 = tpu.memref_slice %arg8[%dma_wait3A_726, %dma_wait3A_729, %dma_wait3A_730, %dma_wait3A_731] : memref<4x4x8x133xf32, #tpu.memory_space<vmem>> -> memref<1x4x8x128xf32, #tpu.memory_space<vmem>>
    %dma_wait3A_733 = tpu.memref_squeeze %dma_wait3A_732 : memref<1x4x8x128xf32, #tpu.memory_space<vmem>> -> memref<4x8x128xf32, #tpu.memory_space<vmem>>
    %dma_wait3A_734 = arith.constant 0 : i32
    %dma_wait3A_735 = arith.constant 0 : i32
    %dma_wait3A_736 = arith.constant 0 : i32
    %dma_wait3A_737 = tpu.memref_slice %arg4[%dma_wait3A_727, %dma_wait3A_728, %dma_wait3A_734, %dma_wait3A_735, %dma_wait3A_736] : memref<50x4x128x8x128xf32, #tpu.memory_space<hbm>> -> memref<1x1x4x8x128xf32, #tpu.memory_space<hbm>>
    %dma_wait3A_738 = tpu.memref_squeeze %dma_wait3A_737 : memref<1x1x4x8x128xf32, #tpu.memory_space<hbm>> -> memref<4x8x128xf32, #tpu.memory_space<hbm>>
    %dma_wait3A_739 = arith.constant 0 : i32
    %dma_wait3A_740 = arith.constant 0 : i32
    %dma_wait3A_741 = arith.constant 0 : i32
    %dma_wait3A_742 = tpu.memref_slice %arg4[%dma_wait3A_727, %dma_wait3A_728, %dma_wait3A_739, %dma_wait3A_740, %dma_wait3A_741] : memref<50x4x128x8x128xf32, #tpu.memory_space<hbm>> -> memref<1x1x4x8x128xf32, #tpu.memory_space<hbm>>
    %dma_wait3A_743 = tpu.memref_squeeze %dma_wait3A_742 : memref<1x1x4x8x128xf32, #tpu.memory_space<hbm>> -> memref<4x8x128xf32, #tpu.memory_space<hbm>>
    %dma_wait3A_744 = arith.constant 0 : i32
    %dma_wait3A_745 = arith.constant 0 : i32
    %dma_wait3A_746 = arith.constant 0 : i32
    %dma_wait3A_747 = tpu.memref_slice %arg8[%dma_wait3A_726, %dma_wait3A_744, %dma_wait3A_745, %dma_wait3A_746] : memref<4x4x8x133xf32, #tpu.memory_space<vmem>> -> memref<1x4x8x128xf32, #tpu.memory_space<vmem>>
    %dma_wait3A_748 = tpu.memref_squeeze %dma_wait3A_747 : memref<1x4x8x128xf32, #tpu.memory_space<vmem>> -> memref<4x8x128xf32, #tpu.memory_space<vmem>>
    tpu.wait_dma2 semaphore(%arg12 : memref<!tpu.dma_semaphore, #tpu.memory_space<semaphore_mem>>) src(%dma_wait3A_748 : memref<4x8x128xf32, #tpu.memory_space<vmem>>) dst(%dma_wait3A_743 : memref<4x8x128xf32, #tpu.memory_space<hbm>>)
    %dma_wait3A_749 = arith.constant 0 : i32
    %dma_wait3A_750 = arith.constant 0 : i32
    %dma_wait3A_751 = arith.constant 0 : i32
    %dma_wait3A_752 = arith.constant 0 : i32
    %dma_wait3A_753 = arith.constant 0 : i32
    %dma_wait3A_754 = arith.constant 0 : i32
    %dma_wait3A_755 = tpu.memref_slice %arg9[%dma_wait3A_749, %dma_wait3A_752, %dma_wait3A_753, %dma_wait3A_754] : memref<4x4x8x133xf32, #tpu.memory_space<vmem>> -> memref<1x4x8x128xf32, #tpu.memory_space<vmem>>
    %dma_wait3A_756 = tpu.memref_squeeze %dma_wait3A_755 : memref<1x4x8x128xf32, #tpu.memory_space<vmem>> -> memref<4x8x128xf32, #tpu.memory_space<vmem>>
    %dma_wait3A_757 = arith.constant 0 : i32
    %dma_wait3A_758 = arith.constant 0 : i32
    %dma_wait3A_759 = arith.constant 0 : i32
    %dma_wait3A_760 = tpu.memref_slice %arg4[%dma_wait3A_750, %dma_wait3A_751, %dma_wait3A_757, %dma_wait3A_758, %dma_wait3A_759] : memref<50x4x128x8x128xf32, #tpu.memory_space<hbm>> -> memref<1x1x4x8x128xf32, #tpu.memory_space<hbm>>
    %dma_wait3A_761 = tpu.memref_squeeze %dma_wait3A_760 : memref<1x1x4x8x128xf32, #tpu.memory_space<hbm>> -> memref<4x8x128xf32, #tpu.memory_space<hbm>>
    %dma_wait3A_762 = arith.constant 0 : i32
    %dma_wait3A_763 = arith.constant 0 : i32
    %dma_wait3A_764 = arith.constant 0 : i32
    %dma_wait3A_765 = tpu.memref_slice %arg4[%dma_wait3A_750, %dma_wait3A_751, %dma_wait3A_762, %dma_wait3A_763, %dma_wait3A_764] : memref<50x4x128x8x128xf32, #tpu.memory_space<hbm>> -> memref<1x1x4x8x128xf32, #tpu.memory_space<hbm>>
    %dma_wait3A_766 = tpu.memref_squeeze %dma_wait3A_765 : memref<1x1x4x8x128xf32, #tpu.memory_space<hbm>> -> memref<4x8x128xf32, #tpu.memory_space<hbm>>
    %dma_wait3A_767 = arith.constant 0 : i32
    %dma_wait3A_768 = arith.constant 0 : i32
    %dma_wait3A_769 = arith.constant 0 : i32
    %dma_wait3A_770 = tpu.memref_slice %arg9[%dma_wait3A_749, %dma_wait3A_767, %dma_wait3A_768, %dma_wait3A_769] : memref<4x4x8x133xf32, #tpu.memory_space<vmem>> -> memref<1x4x8x128xf32, #tpu.memory_space<vmem>>
    %dma_wait3A_771 = tpu.memref_squeeze %dma_wait3A_770 : memref<1x4x8x128xf32, #tpu.memory_space<vmem>> -> memref<4x8x128xf32, #tpu.memory_space<vmem>>
    tpu.wait_dma2 semaphore(%arg13 : memref<!tpu.dma_semaphore, #tpu.memory_space<semaphore_mem>>) src(%dma_wait3A_771 : memref<4x8x128xf32, #tpu.memory_space<vmem>>) dst(%dma_wait3A_766 : memref<4x8x128xf32, #tpu.memory_space<hbm>>)
    %dma_wait3A_772 = arith.constant 1 : i32
    %dma_wait3A_773 = arith.constant 0 : i32
    %dma_wait3A_774 = arith.constant 0 : i32
    %dma_wait3A_775 = arith.constant 0 : i32
    %dma_wait3A_776 = arith.constant 0 : i32
    %dma_wait3A_777 = arith.constant 0 : i32
    %dma_wait3A_778 = tpu.memref_slice %arg9[%dma_wait3A_772, %dma_wait3A_775, %dma_wait3A_776, %dma_wait3A_777] : memref<4x4x8x133xf32, #tpu.memory_space<vmem>> -> memref<1x4x8x128xf32, #tpu.memory_space<vmem>>
    %dma_wait3A_779 = tpu.memref_squeeze %dma_wait3A_778 : memref<1x4x8x128xf32, #tpu.memory_space<vmem>> -> memref<4x8x128xf32, #tpu.memory_space<vmem>>
    %dma_wait3A_780 = arith.constant 0 : i32
    %dma_wait3A_781 = arith.constant 0 : i32
    %dma_wait3A_782 = arith.constant 0 : i32
    %dma_wait3A_783 = tpu.memref_slice %arg4[%dma_wait3A_773, %dma_wait3A_774, %dma_wait3A_780, %dma_wait3A_781, %dma_wait3A_782] : memref<50x4x128x8x128xf32, #tpu.memory_space<hbm>> -> memref<1x1x4x8x128xf32, #tpu.memory_space<hbm>>
    %dma_wait3A_784 = tpu.memref_squeeze %dma_wait3A_783 : memref<1x1x4x8x128xf32, #tpu.memory_space<hbm>> -> memref<4x8x128xf32, #tpu.memory_space<hbm>>
    %dma_wait3A_785 = arith.constant 0 : i32
    %dma_wait3A_786 = arith.constant 0 : i32
    %dma_wait3A_787 = arith.constant 0 : i32
    %dma_wait3A_788 = tpu.memref_slice %arg4[%dma_wait3A_773, %dma_wait3A_774, %dma_wait3A_785, %dma_wait3A_786, %dma_wait3A_787] : memref<50x4x128x8x128xf32, #tpu.memory_space<hbm>> -> memref<1x1x4x8x128xf32, #tpu.memory_space<hbm>>
    %dma_wait3A_789 = tpu.memref_squeeze %dma_wait3A_788 : memref<1x1x4x8x128xf32, #tpu.memory_space<hbm>> -> memref<4x8x128xf32, #tpu.memory_space<hbm>>
    %dma_wait3A_790 = arith.constant 0 : i32
    %dma_wait3A_791 = arith.constant 0 : i32
    %dma_wait3A_792 = arith.constant 0 : i32
    %dma_wait3A_793 = tpu.memref_slice %arg9[%dma_wait3A_772, %dma_wait3A_790, %dma_wait3A_791, %dma_wait3A_792] : memref<4x4x8x133xf32, #tpu.memory_space<vmem>> -> memref<1x4x8x128xf32, #tpu.memory_space<vmem>>
    %dma_wait3A_794 = tpu.memref_squeeze %dma_wait3A_793 : memref<1x4x8x128xf32, #tpu.memory_space<vmem>> -> memref<4x8x128xf32, #tpu.memory_space<vmem>>
    tpu.wait_dma2 semaphore(%arg13 : memref<!tpu.dma_semaphore, #tpu.memory_space<semaphore_mem>>) src(%dma_wait3A_794 : memref<4x8x128xf32, #tpu.memory_space<vmem>>) dst(%dma_wait3A_789 : memref<4x8x128xf32, #tpu.memory_space<hbm>>)
    %dma_wait3A_795 = arith.constant 2 : i32
    %dma_wait3A_796 = arith.constant 0 : i32
    %dma_wait3A_797 = arith.constant 0 : i32
    %dma_wait3A_798 = arith.constant 0 : i32
    %dma_wait3A_799 = arith.constant 0 : i32
    %dma_wait3A_800 = arith.constant 0 : i32
    %dma_wait3A_801 = tpu.memref_slice %arg9[%dma_wait3A_795, %dma_wait3A_798, %dma_wait3A_799, %dma_wait3A_800] : memref<4x4x8x133xf32, #tpu.memory_space<vmem>> -> memref<1x4x8x128xf32, #tpu.memory_space<vmem>>
    %dma_wait3A_802 = tpu.memref_squeeze %dma_wait3A_801 : memref<1x4x8x128xf32, #tpu.memory_space<vmem>> -> memref<4x8x128xf32, #tpu.memory_space<vmem>>
    %dma_wait3A_803 = arith.constant 0 : i32
    %dma_wait3A_804 = arith.constant 0 : i32
    %dma_wait3A_805 = arith.constant 0 : i32
    %dma_wait3A_806 = tpu.memref_slice %arg4[%dma_wait3A_796, %dma_wait3A_797, %dma_wait3A_803, %dma_wait3A_804, %dma_wait3A_805] : memref<50x4x128x8x128xf32, #tpu.memory_space<hbm>> -> memref<1x1x4x8x128xf32, #tpu.memory_space<hbm>>
    %dma_wait3A_807 = tpu.memref_squeeze %dma_wait3A_806 : memref<1x1x4x8x128xf32, #tpu.memory_space<hbm>> -> memref<4x8x128xf32, #tpu.memory_space<hbm>>
    %dma_wait3A_808 = arith.constant 0 : i32
    %dma_wait3A_809 = arith.constant 0 : i32
    %dma_wait3A_810 = arith.constant 0 : i32
    %dma_wait3A_811 = tpu.memref_slice %arg4[%dma_wait3A_796, %dma_wait3A_797, %dma_wait3A_808, %dma_wait3A_809, %dma_wait3A_810] : memref<50x4x128x8x128xf32, #tpu.memory_space<hbm>> -> memref<1x1x4x8x128xf32, #tpu.memory_space<hbm>>
    %dma_wait3A_812 = tpu.memref_squeeze %dma_wait3A_811 : memref<1x1x4x8x128xf32, #tpu.memory_space<hbm>> -> memref<4x8x128xf32, #tpu.memory_space<hbm>>
    %dma_wait3A_813 = arith.constant 0 : i32
    %dma_wait3A_814 = arith.constant 0 : i32
    %dma_wait3A_815 = arith.constant 0 : i32
    %dma_wait3A_816 = tpu.memref_slice %arg9[%dma_wait3A_795, %dma_wait3A_813, %dma_wait3A_814, %dma_wait3A_815] : memref<4x4x8x133xf32, #tpu.memory_space<vmem>> -> memref<1x4x8x128xf32, #tpu.memory_space<vmem>>
    %dma_wait3A_817 = tpu.memref_squeeze %dma_wait3A_816 : memref<1x4x8x128xf32, #tpu.memory_space<vmem>> -> memref<4x8x128xf32, #tpu.memory_space<vmem>>
    tpu.wait_dma2 semaphore(%arg13 : memref<!tpu.dma_semaphore, #tpu.memory_space<semaphore_mem>>) src(%dma_wait3A_817 : memref<4x8x128xf32, #tpu.memory_space<vmem>>) dst(%dma_wait3A_812 : memref<4x8x128xf32, #tpu.memory_space<hbm>>)
    %dma_wait3A_818 = arith.constant 3 : i32
    %dma_wait3A_819 = arith.constant 0 : i32
    %dma_wait3A_820 = arith.constant 0 : i32
    %dma_wait3A_821 = arith.constant 0 : i32
    %dma_wait3A_822 = arith.constant 0 : i32
    %dma_wait3A_823 = arith.constant 0 : i32
    %dma_wait3A_824 = tpu.memref_slice %arg9[%dma_wait3A_818, %dma_wait3A_821, %dma_wait3A_822, %dma_wait3A_823] : memref<4x4x8x133xf32, #tpu.memory_space<vmem>> -> memref<1x4x8x128xf32, #tpu.memory_space<vmem>>
    %dma_wait3A_825 = tpu.memref_squeeze %dma_wait3A_824 : memref<1x4x8x128xf32, #tpu.memory_space<vmem>> -> memref<4x8x128xf32, #tpu.memory_space<vmem>>
    %dma_wait3A_826 = arith.constant 0 : i32
    %dma_wait3A_827 = arith.constant 0 : i32
    %dma_wait3A_828 = arith.constant 0 : i32
    %dma_wait3A_829 = tpu.memref_slice %arg4[%dma_wait3A_819, %dma_wait3A_820, %dma_wait3A_826, %dma_wait3A_827, %dma_wait3A_828] : memref<50x4x128x8x128xf32, #tpu.memory_space<hbm>> -> memref<1x1x4x8x128xf32, #tpu.memory_space<hbm>>
    %dma_wait3A_830 = tpu.memref_squeeze %dma_wait3A_829 : memref<1x1x4x8x128xf32, #tpu.memory_space<hbm>> -> memref<4x8x128xf32, #tpu.memory_space<hbm>>
    %dma_wait3A_831 = arith.constant 0 : i32
    %dma_wait3A_832 = arith.constant 0 : i32
    %dma_wait3A_833 = arith.constant 0 : i32
    %dma_wait3A_834 = tpu.memref_slice %arg4[%dma_wait3A_819, %dma_wait3A_820, %dma_wait3A_831, %dma_wait3A_832, %dma_wait3A_833] : memref<50x4x128x8x128xf32, #tpu.memory_space<hbm>> -> memref<1x1x4x8x128xf32, #tpu.memory_space<hbm>>
    %dma_wait3A_835 = tpu.memref_squeeze %dma_wait3A_834 : memref<1x1x4x8x128xf32, #tpu.memory_space<hbm>> -> memref<4x8x128xf32, #tpu.memory_space<hbm>>
    %dma_wait3A_836 = arith.constant 0 : i32
    %dma_wait3A_837 = arith.constant 0 : i32
    %dma_wait3A_838 = arith.constant 0 : i32
    %dma_wait3A_839 = tpu.memref_slice %arg9[%dma_wait3A_818, %dma_wait3A_836, %dma_wait3A_837, %dma_wait3A_838] : memref<4x4x8x133xf32, #tpu.memory_space<vmem>> -> memref<1x4x8x128xf32, #tpu.memory_space<vmem>>
    %dma_wait3A_840 = tpu.memref_squeeze %dma_wait3A_839 : memref<1x4x8x128xf32, #tpu.memory_space<vmem>> -> memref<4x8x128xf32, #tpu.memory_space<vmem>>
    tpu.wait_dma2 semaphore(%arg13 : memref<!tpu.dma_semaphore, #tpu.memory_space<semaphore_mem>>) src(%dma_wait3A_840 : memref<4x8x128xf32, #tpu.memory_space<vmem>>) dst(%dma_wait3A_835 : memref<4x8x128xf32, #tpu.memory_space<hbm>>)
    return
  }
}

</mosaic_0001>

<sc_bundles>
// kernel: kernel.3.cloned.1.call-start
scs
__scs_entry_jumppad:
0x0: {  	(pc) =	sbr.rel $0x88, $3  }
0x1: {  	(tag) =	ssettag $0x0;
	lr =	simm.s32 $0x1  }
0x2: {  	[smem:$0x3F9F] =	sst lr;
	_ =	strace $0xD0000000  }
0x3: {  	_ = 	snop  }
0x4: {  	_ = 	snop  }
0x5: {  	_ = 	snop  }
0x6: {  	_ = 	snop  }
0x7: {  	_ = 	snop  }
__scs_overlays_trampoline_lowered:
0x8: {  	[smem:$0x3FAE] =	sst s0  }
0x9: {  	[smem:$0x3FAF] =	sst s1  }
0xa: {  	[smem:$0x3FB0] =	sst s2  }
0xb: {  	[smem:$0x3FB1] =	sst s3  }
0xc: {  	[smem:$0x3FB2] =	sst s4  }
0xd: {  	[smem:$0x3FB3] =	sst s5  }
0xe: {  	[smem:$0x3FB4] =	sst s6  }
0xf: {  	[smem:$0x3FB5] =	sst s7  }
0x10: {  	[smem:$0x3FB6] =	sst s8  }
0x11: {  	[smem:$0x3FB7] =	sst s9;
	s0 =	simm.s32 @!p0 $0x0  }
0x12: {  	s1 =	sld [smem:$0x3F9D];
	s0 =	simm.s32 @p0 $0x1  }
0x13: {  	[smem:$0x3FB8] =	sst s0;
	s0 =	simm.s32 @!p1 $0x0  }
0x14: {  	s2 =	sld [smem:$0x3F9C];
	s0 =	simm.s32 @p1 $0x1  }
0x15: {  	[smem:$0x3FB9] =	sst s0;
	s0 =	simm.s32 @!p2 $0x0  }
0x16: {  	s3 =	sld [smem:$0x3FDB];
	s0 =	simm.s32 @p2 $0x1  }
0x17: {  	s4 =	simm.s32 $0x1BF5;
	[smem:$0x3FBB] =	sst s0  }
0x18: {  	s0 =	sld [smem:$0x3F9E];
	_ =	swait.ge [sflag:s4], $0x0  }
0x19: {  	s7 =	sld [smem:$0x3F9F]  }
0x1a: {  	s8 =	sadd.s32 $0xFFFFE003, lr  }
0x1b: {  	s9 =	sadd.s32 $0xFFFFFEF7, lr;
	s5 =	simm.s32 $0xFFFFFFFF;
	p2 =	slt.u32 s8, $0xFFFFF086  }
0x1c: {  	p1 =	slt.u32 s9, $0xF7A;
	s5 =	simm.s32 @!p2 $0x0  }
0x1d: {  	s5 =	simm.s32 @p1 $0x1;
	p0 =	seq.s32 s7, s2  }
0x1e: {  	s7 =	smul.u32 @!p0 $0xF7A, s2;
	p2 =	seq.s32 @!p0 s5, $0x0  }
0x1f: {  	s9 =	smul.u32 $0xF7A, s1;
	s8 =	simm.s32 @!p0 $0x1BF5;
	p2 =	por !p2, p0  }
0x20: {  	[sflag:s8] =	ssyncset.s32 @!p0 $0xFFFFF086;
	s6 =	sadd.s32 @!p0 s3, s7;
	s7 =	simm.s32 @!p0 $0x108  }
0x21: {  	s3 =	sadd.s32 s3, s9;
	s6 =	sadd.s32 @!p0 $0x88, s6;
	s7 =	simm.s32 @p2 $0x1082  }
0x22: {  	[simem:s7], [sflag:s8] =	dma.local @!p0 [hbm:s6], $0xF7A  }
0x23: {  	s9 =	sor.u32 $0xD0000000, s2;
	s6 =	simm.s32 $0x108;
	_ =	swait.ge @!p0 [sflag:s8], $0x0  }
0x24: {  	s3 =	sadd.s32 $0x88, s3;
	s6 =	simm.s32 @!p1 $0x1082;
	[sflag:s4] =	ssyncset.s32 $0xFFFFF086  }
0x25: {  	[simem:s6], [sflag:s4] =	dma.local [hbm:s3], $0xF7A  }
0x26: {  	[smem:$0x3F9F] =	sst s1;
	(tag) =	ssettag s2;
	_ =	strace s9  }
0x27: {  	s1 =	sld [smem:$0x3FAF]  }
0x28: {  	s2 =	sld [smem:$0x3FB0]  }
0x29: {  	s4 =	sld [smem:$0x3FB2]  }
0x2a: {  	p0 =	seq.s32 s5, $0x0;
	s5 =	sld [smem:$0x3FB3]  }
0x2b: {  	s6 =	sld [smem:$0x3FB4]  }
0x2c: {  	s7 =	sld [smem:$0x3FB5]  }
0x2d: {  	s3 =	simm.s32 $0x108;
	s8 =	sld [smem:$0x3FB6]  }
0x2e: {  	s3 =	simm.s32 @!p0 $0x1082;
	s9 =	sld [smem:$0x3FB7]  }
0x2f: {  	lr =	sadd.s32 s0, s3;
	s0 =	sld [smem:$0x3FAE]  }
0x30: {  	s3 =	sld [smem:$0x3FB1]  }
0x31: {  	[smem:$0x3FBA] =	sst s10  }
0x32: {  	s10 =	sld [smem:$0x3FB8];
	_ =	sdelay $0x3  }
0x33: {  	p0 =	seq.s32 s10, $0x1;
	s10 =	sld [smem:$0x3FBA];
	_ =	sdelay $0x3  }
0x34: {  	[smem:$0x3FBA] =	sst s10  }
0x35: {  	s10 =	sld [smem:$0x3FB9];
	_ =	sdelay $0x3  }
0x36: {  	p1 =	seq.s32 s10, $0x1;
	s10 =	sld [smem:$0x3FBA];
	_ =	sdelay $0x3  }
0x37: {  	[smem:$0x3FBA] =	sst s10  }
0x38: {  	s10 =	sld [smem:$0x3FBB]  }
0x39: {  	_ = 	snop;
	(pc) =	sbr.ind lr, $3  }
0x3a: {  	_ = 	snop  }
0x3b: {  	_ = 	snop  }
0x3c: {  	p2 =	seq.s32 s10, $0x1;
	s10 =	sld [smem:$0x3FBA]  }
0x3d: {  	_ =	shalt  }
0x3e: {  	_ =	shalt  }
0x3f: {  	_ =	shalt  }
0x40: {  	_ =	shalt  }
0x41: {  	_ =	shalt  }
0x42: {  	_ =	shalt  }
0x43: {  	_ =	shalt  }
0x44: {  	_ =	shalt  }
0x45: {  	_ =	shalt  }
0x46: {  	_ =	shalt  }
0x47: {  	_ =	shalt  }
0x48: {  	_ =	shalt  }
0x49: {  	_ =	shalt  }
0x4a: {  	_ =	shalt  }
0x4b: {  	_ =	shalt  }
0x4c: {  	_ =	shalt  }
0x4d: {  	_ =	shalt  }
0x4e: {  	_ =	shalt  }
0x4f: {  	_ =	shalt  }
0x50: {  	_ =	shalt  }
0x51: {  	_ =	shalt  }
0x52: {  	_ =	shalt  }
0x53: {  	_ =	shalt  }
0x54: {  	_ =	shalt  }
0x55: {  	_ =	shalt  }
0x56: {  	_ =	shalt  }
0x57: {  	_ =	shalt  }
0x58: {  	_ =	shalt  }
0x59: {  	_ =	shalt  }
0x5a: {  	_ =	shalt  }
0x5b: {  	_ =	shalt  }
0x5c: {  	_ =	shalt  }
0x5d: {  	_ =	shalt  }
0x5e: {  	_ =	shalt  }
0x5f: {  	_ =	shalt  }
0x60: {  	_ =	shalt  }
0x61: {  	_ =	shalt  }
0x62: {  	_ =	shalt  }
0x63: {  	_ =	shalt  }
0x64: {  	_ =	shalt  }
0x65: {  	_ =	shalt  }
0x66: {  	_ =	shalt  }
0x67: {  	_ =	shalt  }
0x68: {  	_ =	shalt  }
0x69: {  	_ =	shalt  }
0x6a: {  	_ =	shalt  }
0x6b: {  	_ =	shalt  }
0x6c: {  	_ =	shalt  }
0x6d: {  	_ =	shalt  }
0x6e: {  	_ =	shalt  }
0x6f: {  	_ =	shalt  }
0x70: {  	_ =	shalt  }
0x71: {  	_ =	shalt  }
0x72: {  	_ =	shalt  }
0x73: {  	_ =	shalt  }
0x74: {  	_ =	shalt  }
0x75: {  	_ =	shalt  }
0x76: {  	_ =	shalt  }
0x77: {  	_ =	shalt  }
0x78: {  	_ =	shalt  }
0x79: {  	_ =	shalt  }
0x7a: {  	_ =	shalt  }
0x7b: {  	_ =	shalt  }
0x7c: {  	_ =	shalt  }
0x7d: {  	_ =	shalt  }
0x7e: {  	_ =	shalt  }
0x7f: {  	_ =	shalt  }
0x80: {  	_ =	shalt  }
0x81: {  	_ =	shalt  }
0x82: {  	_ =	shalt  }
0x83: {  	_ =	shalt  }
0x84: {  	_ =	shalt  }
0x85: {  	_ =	shalt  }
0x86: {  	_ =	shalt  }
0x87: {  	_ =	shalt  }
.Lfunc_end0:
.L_simem_size_0:
called_computation_lowered:
.L_overlay_start_0:
0x88: {  	s2 =	sld [smem:$0x3FD9]  }
0x89: {  	s3 =	sld [smem:$0x3FFE];
	_ =	sdelay $0x1  }
0x8a: {  	s1 =	srdreg.scid  }
0x8b: {  	s0 =	sand.u32 $0x1, s1  }
0x8c: {  	s17 =	sshll.u32 s0, $0xA;
	s2 =	sadd.s32 s3, s2  }
0x8d: {  	s2 =	sadd.s32 s2, s17  }
0x8e: {  	[smem:$0x3FC6] =	sst s2  }
0x8f: {  	_ = 	snop  }
0x90: {  	s2 =	sld [smem:$0x3FD0];
	(tm) =	ssettm $0x1  }
0x91: {  	s18 =	sld [smem:$0x3FFB];
	_ =	sdelay $0x3  }
0x92: {  	_ =	strace s18  }
0x93: {  	s3 =	sld [smem:$0x3FFC];
	_ =	sdelay $0x3  }
0x94: {  	_ =	strace s3  }
0x95: {  	s3 =	sld [smem:$0x3FFD];
	_ =	sdelay $0x3  }
0x96: {  	_ =	strace s3  }
0x97: {  	_ =	strace $0x8FFFFFFF  }
0x98: {  	s19 =	sld [smem:$0x3FDB];
	_ =	sdelay $0x1  }
0x99: {  	s4 =	simm.s32 $_scs_section_size  }
0x9a: {  	s5 =	simm.s32 $_size__tile_overlayer_lowered;
	s6 =	simm.s32 $_tile_overlayer_lowered  }
0x9b: {  	s22 =	simm.s32 $0x1BFF;
	s21 =	sshll.u32 s6, $0x1;
	s3 =	sadd.s32 s4, s19  }
0x9c: {  	s7 =	simm.s32 $0x0;
	s20 =	sshll.u32 s5, $0x1;
	s5 =	sadd.s32 s21, s3  }
0x9d: {  	[timem:s7], [sflag:s22] =	dma.local [hbm:s5], s20  }
0x9e: {  	_ =	swait.ge [sflag:s22], s20  }
0x9f: {  	s4 =	ssub.s32 $0x0, s20;
	[sflag:s22] =	ssyncset.done $0x0  }
0xa0: {  	[sflag:s22] =	ssyncadd.s32 s4;
	_ =	sdelay $0x1  }
0xa1: {  	s23 =	simm.s32 $0x1B8B  }
0xa2: {  	_ =	swait.ge [sflag:s23], $0x1  }
0xa3: {  	[sflag:s23] =	ssyncset.done $0x0  }
0xa4: {  	s25 =	simm.s32 $0x1B8E;
	s24 =	sld [smem:$0x3FFE];
	[sflag:s23] =	ssyncadd.s32 $0xFFFFFFFF  }
0xa5: {  	s26 =	simm.s32 $execute0_lowered;
	[smem:$0x3FD2] =	sst s25  }
0xa6: {  	s5 =	sshll.u32 s26, $0x1;
	_ =	strace $0x80000046;
	[dreg:$0x1] =	wrdreg $0xFFFFFFFF  }
0xa7: {  	s28 =	simm.s32 $_size_execute0_lowered;
	s3 =	sadd.s32 s3, s5;
	[dreg:$0x0] =	wrdreg $0x0  }
0xa8: {  	s5 =	sshll.u32 s28, $0x1;
	[dreg:$0x2] =	wrdreg s3  }
0xa9: {  	[dreg:$0x3] =	wrdreg s5  }
0xaa: {  	[dreg:$0x4] =	wrdreg $0xC0  }
0xab: {  	_ =	task [dreg:s7], $0x5FFFF  }
0xac: {  	[dreg:$0x1] =	wrdreg $0xFFFFFFFF  }
0xad: {  	[dreg:$0x0] =	wrdreg $0x60  }
0xae: {  	[dreg:$0x2] =	wrdreg s24  }
0xaf: {  	[dreg:$0x3] =	wrdreg s2  }
0xb0: {  	[dreg:$0x4] =	wrdreg $0x9  }
0xb1: {  	_ =	task.clear_ibuf [dreg:s7], $0x5FFFF;
	_ =	strace $0x90000046  }
0xb2: {  	s29 =	simm.s32 $0x9;
	_ =	strace $0x80000048  }
0xb3: {  	_ =	swait.ge [sflag:s29], $0x1  }
0xb4: {  	[sflag:s29] =	ssyncadd.s32 $0xFFFFFFFF  }
0xb5: {  	_ =	strace $0x90000048  }
0xb6: {  	_ =	sfence  }
0xb7: {  	s30 =	sld [smem:$0x0];
	_ =	sdelay $0x2  }
0xb8: {  	s31 =	sshll.u32 s1, $0xD;
	s1 =	sshrl.u32 s1, $0x2  }
0xb9: {  	s3 =	sand.u32 $0x4000, s31;
	s1 =	sadd.s32 s1, s30  }
0xba: {  	s0 =	sor.u32 s3, s0;
	s1 =	sshll.u32 s1, $0x11  }
0xbb: {  	s0 =	sor.u32 s1, s0  }
0xbc: {  	s0 =	sadd.s32 $0x8F2B, s0  }
0xbd: {  	[sflag:s0] =	ssyncadd.remote.s32 $0x1  }
0xbe: {  	_ =	sfence.sel $0xFFFF  }
0xbf: {  	[dreg:$0x0] =	wrdreg $0xFFFFFFFF;
	(pc) =	sbr.abs _section_cstart, $3  }
0xc0: {  	[dreg:$0x1] =	wrdreg $0xFFFFFFFF  }
0xc1: {  	_ =	task.clear_ibuf [dreg:s7], $0x2FFFF;
	_ =	strace $0x9FFFFFFF  }
0xc2: {  	(tm) =	ssettm $0x7FFFFFFF  }
0xc3: {  	_ =	shalt  }
tec
execute0_lowered:
.L_overlay_start_1:
0x0: {  	(tag) =	ssettag $0x1  }
0x1: {  	v0 =	vimm.s32 $0x14B8;
	vm14 =	vcmask $0x300  }
0x2: {  	v1 =	vimm.s32 $0x36B8;
	vm13 =	vcmask $0x704;
	vm12 =	vcmask $0xB08  }
0x3: {  	vm11 =	vcmask $0xF0C;
	vm10 =	vcmask $0x1310;
	vm9 =	vcmask $0x1714  }
0x4: {  	vm8 =	vcmask $0x1B18;
	vm7 =	vcmask $0x1F1C;
	vm6 =	vcmask $0x2320  }
0x5: {  	vm5 =	vcmask $0x2724;
	vm4 =	vcmask $0x2B28;
	vm3 =	vcmask $0x2F2C  }
0x6: {  	vm2 =	vcmask $0x3330;
	vm1 =	vcmask $0x3734;
	vm0 =	vcmask $0x3B38  }
0x7: {  	v2 =	vimm.s32 $0x18F8;
	v3 =	vimm.s32 $0x3AF8;
	v4 =	vimm.s32 $0x1D38  }
0x8: {  	v5 =	vimm.s32 $0x3F38;
	v6 =	vimm.s32 $0x2178;
	v7 =	vimm.s32 $0x4378  }
0x9: {  	v0 =	vsel vm14, $0x0, v0;
	v1 =	vsel vm14, $0x2200, v1;
	v2 =	vsel vm14, $0x440, v2  }
0xa: {  	v3 =	vsel vm14, $0x2640, v3;
	v4 =	vsel vm14, $0x880, v4;
	v5 =	vsel vm14, $0x2A80, v5  }
0xb: {  	v6 =	vsel vm14, $0xCC0, v6;
	v7 =	vsel vm14, $0x2EC0, v7;
	v0 =	vsel vm13, $0x88, v0  }
0xc: {  	v1 =	vsel vm13, $0x2288, v1;
	v2 =	vsel vm13, $0x4C8, v2;
	v3 =	vsel vm13, $0x26C8, v3  }
0xd: {  	v4 =	vsel vm13, $0x908, v4;
	v5 =	vsel vm13, $0x2B08, v5;
	v6 =	vsel vm13, $0xD48, v6  }
0xe: {  	v7 =	vsel vm13, $0x2F48, v7;
	v0 =	vsel vm12, $0x110, v0;
	v1 =	vsel vm12, $0x2310, v1  }
0xf: {  	v2 =	vsel vm12, $0x550, v2;
	v3 =	vsel vm12, $0x2750, v3;
	v4 =	vsel vm12, $0x990, v4  }
0x10: {  	v5 =	vsel vm12, $0x2B90, v5;
	v6 =	vsel vm12, $0xDD0, v6;
	v7 =	vsel vm12, $0x2FD0, v7  }
0x11: {  	v0 =	vsel vm11, $0x198, v0;
	v1 =	vsel vm11, $0x2398, v1;
	v2 =	vsel vm11, $0x5D8, v2  }
0x12: {  	v3 =	vsel vm11, $0x27D8, v3;
	v4 =	vsel vm11, $0xA18, v4;
	v5 =	vsel vm11, $0x2C18, v5  }
0x13: {  	v6 =	vsel vm11, $0xE58, v6;
	v7 =	vsel vm11, $0x3058, v7;
	v0 =	vsel vm10, $0x220, v0  }
0x14: {  	v1 =	vsel vm10, $0x2420, v1;
	v2 =	vsel vm10, $0x660, v2;
	v3 =	vsel vm10, $0x2860, v3  }
0x15: {  	v4 =	vsel vm10, $0xAA0, v4;
	v5 =	vsel vm10, $0x2CA0, v5;
	v6 =	vsel vm10, $0xEE0, v6  }
0x16: {  	v7 =	vsel vm10, $0x30E0, v7;
	v0 =	vsel vm9, $0x2A8, v0;
	v1 =	vsel vm9, $0x24A8, v1  }
0x17: {  	v2 =	vsel vm9, $0x6E8, v2;
	v3 =	vsel vm9, $0x28E8, v3;
	v4 =	vsel vm9, $0xB28, v4  }
0x18: {  	v5 =	vsel vm9, $0x2D28, v5;
	v6 =	vsel vm9, $0xF68, v6;
	v7 =	vsel vm9, $0x3168, v7  }
0x19: {  	s0 =	srdreg.scid;
	v0 =	vsel vm8, $0x330, v0;
	v1 =	vsel vm8, $0x2530, v1;
	v2 =	vsel vm8, $0x770, v2  }
0x1a: {  	s1 =	stileid.u32;
	s2 =	rddreg [dreg:$0x0];
	v3 =	vsel vm8, $0x2970, v3;
	v4 =	vsel vm8, $0xBB0, v4;
	v5 =	vsel vm8, $0x2DB0, v5  }
0x1b: {  	s10 =	rddreg [dreg:$0x1];
	s3 =	simm.s32 $0x0;
	s28 =	simm.s32 $0x3;
	v6 =	vsel vm8, $0xFF0, v6;
	v7 =	vsel vm8, $0x31F0, v7;
	v0 =	vsel vm7, $0x3B8, v0  }
0x1c: {  	s30 =	simm.s32 $0x4;
	s0 =	sand.u32 $0x1, s0;
	s1 =	sshll.u32 s1, $0x1;
	v1 =	vsel vm7, $0x25B8, v1;
	v2 =	vsel vm7, $0x7F8, v2;
	v3 =	vsel vm7, $0x29F8, v3  }
0x1d: {  	[smem:$0x7FF] =	sst s3;
	s8 =	sadd.s32 $0x4000, s10;
	s1 =	sor.u32 s0, s1;
	v4 =	vsel vm7, $0xC38, v4;
	v5 =	vsel vm7, $0x2E38, v5;
	v6 =	vsel vm7, $0x1078, v6  }
0x1e: {  	s12 =	sadd.s32 $0x8000, s10;
	s25 =	sadd.s32 $0xC000, s10;
	s4 =	smul.u32 $0xC80, s1;
	v7 =	vsel vm7, $0x3278, v7;
	v0 =	vsel vm6, $0x1100, v0;
	v1 =	vsel vm6, $0x3300, v1  }
0x1f: {  	_ =	strace $0x80000047;
	[dreg:$0x5] =	wrdreg s8;
	s5 =	smul.u32 $0xC8000, s1;
	v2 =	vsel vm6, $0x1540, v2;
	v3 =	vsel vm6, $0x3740, v3;
	v4 =	vsel vm6, $0x1980, v4  }
0x20: {  	s0 =	ssub.s32 $0x2, s0;
	[dreg:$0x6] =	wrdreg s12;
	s6 =	smul.u32 $0x12000, s1;
	v5 =	vsel vm6, $0x3B80, v5;
	v6 =	vsel vm6, $0x1DC0, v6;
	v7 =	vsel vm6, $0x3FC0, v7  }
0x21: {  	[dreg:$0x7] =	wrdreg s25;
	s20 =	sshrl.u32 s0, $0x1;
	s21 =	smul.u32 $0x32, s1;
	v0 =	vsel vm5, $0x1188, v0;
	v1 =	vsel vm5, $0x3388, v1;
	v2 =	vsel vm5, $0x15C8, v2  }
0x22: {  	s1 =	smul.u32 $0xC8, s1;
	s0 =	ssub.s32 s0, s20;
	s5 =	sand.u32 $0x1F80000, s5;
	v3 =	vsel vm5, $0x37C8, v3;
	v4 =	vsel vm5, $0x1A08, v4;
	v5 =	vsel vm5, $0x3C08, v5  }
0x23: {  	s7 =	sadd.s32 s4, s2;
	s6 =	sand.u32 $0x1E000, s6;
	s4 =	sadd.s32 $0xF42A00, s2;
	v6 =	vsel vm5, $0x1E48, v6;
	v7 =	vsel vm5, $0x4048, v7;
	v0 =	vsel vm4, $0x1210, v0  }
0x24: {  	[dreg:$0x3] =	wrdreg s21;
	s26 =	sadd.s32 $0xC0, s1;
	s1 =	sadd.s32 $0xC4, s1;
	v1 =	vsel vm4, $0x3410, v1;
	v2 =	vsel vm4, $0x1650, v2;
	v3 =	vsel vm4, $0x3850, v3  }
0x25: {  	s0 =	smax.u32 s0, $0x1;
	s5 =	sor.u32 s6, s5;
	s23 =	sadd.s32 $0x600, s7;
	v4 =	vsel vm4, $0x1A90, v4;
	v5 =	vsel vm4, $0x3C90, v5;
	v6 =	vsel vm4, $0x1ED0, v6  }
0x26: {  	s29 =	sshll.u32 s26, $0x9;
	s2 =	sshll.u32 s26, $0x7;
	s31 =	sshll.u32 s1, $0x9;
	v7 =	vsel vm4, $0x40D0, v7;
	v0 =	vsel vm3, $0x1298, v0;
	v1 =	vsel vm3, $0x3498, v1  }
0x27: {  	s1 =	sshll.u32 s1, $0x7;
	[dreg:$0x8] =	wrdreg s0;
	s0 =	simm.s32 $0xE400;
	v2 =	vsel vm3, $0x16D8, v2;
	v3 =	vsel vm3, $0x38D8, v3;
	v4 =	vsel vm3, $0x1B18, v4  }
0x28: {  	s26 =	simm.s32 $0x12800;
	s22 =	sshrl.u32 s5, $0x3;
	[dreg:$0x4] =	wrdreg s23;
	v5 =	vsel vm3, $0x3D18, v5;
	v6 =	vsel vm3, $0x1F58, v6;
	v7 =	vsel vm3, $0x4158, v7  }
0x29: {  	s6 =	sand.u32 $0x7F0000, s29;
	s2 =	sand.u32 $0x3C00, s2;
	s5 =	sand.u32 $0x7F0000, s31;
	v0 =	vsel vm2, $0x1320, v0;
	v1 =	vsel vm2, $0x3520, v1;
	v2 =	vsel vm2, $0x1760, v2  }
0x2a: {  	s1 =	sand.u32 $0x3E00, s1;
	s7 =	sadd.s32 s10, s22;
	s9 =	sadd.s32 s22, s8;
	v3 =	vsel vm2, $0x3960, v3;
	v4 =	vsel vm2, $0x1BA0, v4;
	v5 =	vsel vm2, $0x3DA0, v5  }
0x2b: {  	s11 =	sadd.s32 s22, s12;
	s24 =	sor.u32 $0x200, s22;
	s13 =	sadd.s32 s22, s25;
	v6 =	vsel vm2, $0x1FE0, v6;
	v7 =	vsel vm2, $0x41E0, v7;
	v0 =	vsel vm1, $0x13A8, v0  }
0x2c: {  	s2 =	sor.u32 s2, s6;
	s1 =	sor.u32 s1, s5;
	s14 =	sadd.s32 s10, s24;
	v1 =	vsel vm1, $0x35A8, v1;
	v2 =	vsel vm1, $0x17E8, v2;
	v3 =	vsel vm1, $0x39E8, v3  }
0x2d: {  	s15 =	sadd.s32 s24, s8;
	s16 =	sadd.s32 s24, s12;
	s17 =	sadd.s32 s24, s25;
	v4 =	vsel vm1, $0x1C28, v4;
	v5 =	vsel vm1, $0x3E28, v5;
	v6 =	vsel vm1, $0x2068, v6  }
0x2e: {  	s18 =	sadd.s32 s10, s2;
	s19 =	sadd.s32 s2, s8;
	s20 =	sadd.s32 s2, s12;
	v7 =	vsel vm1, $0x4268, v7;
	v0 =	vsel vm0, $0x1430, v0;
	v1 =	vsel vm0, $0x3630, v1  }
0x2f: {  	s21 =	sadd.s32 s2, s25;
	s22 =	sadd.s32 s10, s1;
	s23 =	sadd.s32 s1, s8;
	v2 =	vsel vm0, $0x1870, v2;
	v3 =	vsel vm0, $0x3A70, v3;
	v4 =	vsel vm0, $0x1CB0, v4  }
0x30: {  	s24 =	sadd.s32 s1, s12;
	s25 =	sadd.s32 s1, s25;
	s2 =	simm.s32 $0x0;
	v5 =	vsel vm0, $0x3EB0, v5;
	v6 =	vsel vm0, $0x20F0, v6;
	v7 =	vsel vm0, $0x42F0, v7  }
.LBB2_1:
0x31: {  	[dreg:$0x9] =	wrdreg s2  }
0x32: {  	s1 =	rddreg [dreg:$0x4];
	s29 =	simm.s32 $0x5  }
0x33: {  	[tilespmem:s3], [sflag:$0x5] =	stream.linear.gather [hbm4b:s1+s3], $0x6400, $0x38;
	[tilespmem:$0x16C00] =	vst v63  }
0x34: {  	_ =	swait.ge [sflag:s29], $0x6400  }
0x35: {  	[sflag:s29] =	ssyncset.done $0x0  }
0x36: {  	s31 =	simm.s32 $0x200;
	s5 =	simm.s32 $0x6400;
	[sflag:s29] =	ssyncadd.s32 $0xFFFF9C00  }
0x37: {  	[tilespmem:s5], [sflag:$0x1] =	stream.indirect.gather [hbm4b:s4+s31], $0x20, s3, s31, $0xb8;
	[tilespmem:$0x16C00] =	vst v63  }
0x38: {  	s6 =	simm.s32 $0xA400;
	s8 =	simm.s32 $0x1  }
0x39: {  	[tilespmem:s6], [sflag:$0x2] =	stream.indirect.gather [hbm4b:s4+s31], $0x20, s31, s31, $0xb8;
	[tilespmem:$0x16C00] =	vst v63  }
0x3a: {  	_ =	swait.ge [sflag:s8], $0x4000  }
0x3b: {  	v8 =	vmov s3;
	[sflag:s8] =	ssyncset.done $0x0  }
0x3c: {  	s2 =	simm.s32 $0x8400;
	v8 =	vand.u32 $0x7C, v8;
	[sflag:s8] =	ssyncadd.s32 $0xFFFFC000  }
0x3d: {  	v10 =	vadd.s32 v0, v8;
	v9 =	vld [tilespmem:s2+$0xFFFFE000];
	_ =	sdelay $0x4  }
0x3e: {  	[tilespmem:v10+s0+$0x0] =	vst.idx.msk $0xffff, v9  }
0x3f: {  	v10 =	vadd.s32 v1, v8;
	v9 =	vld [tilespmem:s2+$0xFFFFE010];
	_ =	sdelay $0x2  }
0x40: {  	s12 =	simm.s32 $0x1  }
0x41: {  	v11 =	vmov s12  }
0x42: {  	[tilespmem:v10+s0+$0x0] =	vst.idx.msk $0xffff, v9;
	v9 =	vand.u32 $0x7D, v11  }
0x43: {  	v10 =	vld [tilespmem:s2+$0xFFFFE020];
	v11 =	vadd.s32 v0, v9;
	_ =	sdelay $0x4  }
0x44: {  	[tilespmem:v11+s0+$0x0] =	vst.idx.msk $0xffff, v10  }
0x45: {  	v11 =	vadd.s32 v1, v9;
	v10 =	vld [tilespmem:s2+$0xFFFFE030];
	_ =	sdelay $0x2  }
0x46: {  	s29 =	simm.s32 $0x2  }
0x47: {  	v12 =	vmov s29  }
0x48: {  	[tilespmem:v11+s0+$0x0] =	vst.idx.msk $0xffff, v10;
	v10 =	vand.u32 $0x7E, v12  }
0x49: {  	v11 =	vld [tilespmem:s2+$0xFFFFE040];
	v12 =	vadd.s32 v0, v10;
	_ =	sdelay $0x4  }
0x4a: {  	[tilespmem:v12+s0+$0x0] =	vst.idx.msk $0xffff, v11  }
0x4b: {  	v44 =	vadd.s32 v1, v10;
	v11 =	vld [tilespmem:s2+$0xFFFFE050];
	_ =	sdelay $0x2  }
0x4c: {  	s31 =	simm.s32 $0x3  }
0x4d: {  	v13 =	vmov s31  }
0x4e: {  	[tilespmem:v44+s0+$0x0] =	vst.idx.msk $0xffff, v11;
	v11 =	vand.u32 $0x7F, v13  }
0x4f: {  	v12 =	vld [tilespmem:s2+$0xFFFFE060];
	v13 =	vadd.s32 v0, v11;
	_ =	sdelay $0x4  }
0x50: {  	[tilespmem:v13+s0+$0x0] =	vst.idx.msk $0xffff, v12  }
0x51: {  	v45 =	vadd.s32 v1, v11;
	v12 =	vld [tilespmem:s2+$0xFFFFE070];
	_ =	sdelay $0x4  }
0x52: {  	[tilespmem:v45+s0+$0x0] =	vst.idx.msk $0xffff, v12  }
0x53: {  	v46 =	vadd.s32 v2, v8;
	v12 =	vld [tilespmem:s2+$0xFFFFF000];
	_ =	sdelay $0x4  }
0x54: {  	[tilespmem:v46+s0+$0x0] =	vst.idx.msk $0xffff, v12  }
0x55: {  	v47 =	vadd.s32 v3, v8;
	v12 =	vld [tilespmem:s2+$0xFFFFF010];
	_ =	sdelay $0x4  }
0x56: {  	[tilespmem:v47+s0+$0x0] =	vst.idx.msk $0xffff, v12  }
0x57: {  	v48 =	vadd.s32 v2, v9;
	v12 =	vld [tilespmem:s2+$0xFFFFF020];
	_ =	sdelay $0x4  }
0x58: {  	[tilespmem:v48+s0+$0x0] =	vst.idx.msk $0xffff, v12  }
0x59: {  	v49 =	vadd.s32 v3, v9;
	v12 =	vld [tilespmem:s2+$0xFFFFF030];
	_ =	sdelay $0x4  }
0x5a: {  	[tilespmem:v49+s0+$0x0] =	vst.idx.msk $0xffff, v12  }
0x5b: {  	v50 =	vadd.s32 v2, v10;
	v12 =	vld [tilespmem:s2+$0xFFFFF040];
	_ =	sdelay $0x4  }
0x5c: {  	[tilespmem:v50+s0+$0x0] =	vst.idx.msk $0xffff, v12  }
0x5d: {  	v51 =	vadd.s32 v3, v10;
	v12 =	vld [tilespmem:s2+$0xFFFFF050];
	_ =	sdelay $0x4  }
0x5e: {  	[tilespmem:v51+s0+$0x0] =	vst.idx.msk $0xffff, v12  }
0x5f: {  	v52 =	vadd.s32 v2, v11;
	v12 =	vld [tilespmem:s2+$0xFFFFF060];
	_ =	sdelay $0x4  }
0x60: {  	[tilespmem:v52+s0+$0x0] =	vst.idx.msk $0xffff, v12  }
0x61: {  	v53 =	vadd.s32 v3, v11;
	v12 =	vld [tilespmem:s2+$0xFFFFF070];
	_ =	sdelay $0x4  }
0x62: {  	[tilespmem:v53+s0+$0x0] =	vst.idx.msk $0xffff, v12  }
0x63: {  	v54 =	vadd.s32 v4, v8;
	v12 =	vld [tilespmem:s2+$0x0];
	_ =	sdelay $0x4  }
0x64: {  	[tilespmem:v54+s0+$0x0] =	vst.idx.msk $0xffff, v12  }
0x65: {  	v55 =	vadd.s32 v5, v8;
	v12 =	vld [tilespmem:s2+$0x10];
	_ =	sdelay $0x4  }
0x66: {  	[tilespmem:v55+s0+$0x0] =	vst.idx.msk $0xffff, v12  }
0x67: {  	v56 =	vadd.s32 v4, v9;
	v12 =	vld [tilespmem:s2+$0x20];
	_ =	sdelay $0x4  }
0x68: {  	[tilespmem:v56+s0+$0x0] =	vst.idx.msk $0xffff, v12  }
0x69: {  	v57 =	vadd.s32 v5, v9;
	v12 =	vld [tilespmem:s2+$0x30];
	_ =	sdelay $0x4  }
0x6a: {  	[tilespmem:v57+s0+$0x0] =	vst.idx.msk $0xffff, v12  }
0x6b: {  	v58 =	vadd.s32 v4, v10;
	v12 =	vld [tilespmem:s2+$0x40];
	_ =	sdelay $0x4  }
0x6c: {  	[tilespmem:v58+s0+$0x0] =	vst.idx.msk $0xffff, v12  }
0x6d: {  	v59 =	vadd.s32 v5, v10;
	v12 =	vld [tilespmem:s2+$0x50];
	_ =	sdelay $0x4  }
0x6e: {  	[tilespmem:v59+s0+$0x0] =	vst.idx.msk $0xffff, v12  }
0x6f: {  	v60 =	vadd.s32 v4, v11;
	v12 =	vld [tilespmem:s2+$0x60];
	_ =	sdelay $0x4  }
0x70: {  	[tilespmem:v60+s0+$0x0] =	vst.idx.msk $0xffff, v12  }
0x71: {  	v61 =	vadd.s32 v5, v11;
	v12 =	vld [tilespmem:s2+$0x70];
	_ =	sdelay $0x4  }
0x72: {  	[tilespmem:v61+s0+$0x0] =	vst.idx.msk $0xffff, v12  }
0x73: {  	v62 =	vadd.s32 v6, v8;
	v12 =	vld [tilespmem:s2+$0x1000];
	_ =	sdelay $0x4  }
0x74: {  	[tilespmem:v62+s0+$0x0] =	vst.idx.msk $0xffff, v12  }
0x75: {  	v8 =	vadd.s32 v7, v8;
	v12 =	vld [tilespmem:s2+$0x1010];
	_ =	sdelay $0x4  }
0x76: {  	[tilespmem:v8+s0+$0x0] =	vst.idx.msk $0xffff, v12  }
0x77: {  	v63 =	vadd.s32 v6, v9;
	v8 =	vld [tilespmem:s2+$0x1020];
	_ =	sdelay $0x4  }
0x78: {  	[tilespmem:v63+s0+$0x0] =	vst.idx.msk $0xffff, v8  }
0x79: {  	v9 =	vadd.s32 v7, v9;
	v8 =	vld [tilespmem:s2+$0x1030];
	_ =	sdelay $0x4  }
0x7a: {  	[tilespmem:v9+s0+$0x0] =	vst.idx.msk $0xffff, v8  }
0x7b: {  	v9 =	vadd.s32 v6, v10;
	v8 =	vld [tilespmem:s2+$0x1040];
	_ =	sdelay $0x4  }
0x7c: {  	[tilespmem:v9+s0+$0x0] =	vst.idx.msk $0xffff, v8  }
0x7d: {  	v9 =	vadd.s32 v7, v10;
	v8 =	vld [tilespmem:s2+$0x1050];
	_ =	sdelay $0x4  }
0x7e: {  	[tilespmem:v9+s0+$0x0] =	vst.idx.msk $0xffff, v8  }
0x7f: {  	v9 =	vadd.s32 v6, v11;
	v8 =	vld [tilespmem:s2+$0x1060];
	_ =	sdelay $0x4  }
0x80: {  	[tilespmem:v9+s0+$0x0] =	vst.idx.msk $0xffff, v8  }
0x81: {  	v10 =	vadd.s32 v7, v11;
	v9 =	vld [tilespmem:s2+$0x1070];
	_ =	sdelay $0x2  }
0x82: {  	s5 =	simm.s32 $0x4  }
0x83: {  	s1 =	simm.s32 $0x8;
	v8 =	vmov s5  }
.LBB2_2:
0x84: {  	p0 =	sne.s32 s1, $0x7C;
	v8 =	vand.u32 $0x7C, v8;
	[tilespmem:v10+s0+$0x0] =	vst.idx.msk $0xffff, v9;
	s2 =	sadd.s32 $0x80, s2  }
0x85: {  	v9 =	vld [tilespmem:s2+$0xFFFFE000];
	v10 =	vadd.s32 v0, v8;
	_ =	sdelay $0x4  }
0x86: {  	[tilespmem:v10+s0+$0x0] =	vst.idx.msk $0xffff, v9  }
0x87: {  	v10 =	vadd.s32 v1, v8;
	v9 =	vld [tilespmem:s2+$0xFFFFE010];
	_ =	sdelay $0x2  }
0x88: {  	s6 =	sadd.s32 $0x1, s5  }
0x89: {  	v11 =	vmov s6  }
0x8a: {  	[tilespmem:v10+s0+$0x0] =	vst.idx.msk $0xffff, v9;
	v9 =	vand.u32 $0x7D, v11  }
0x8b: {  	v10 =	vld [tilespmem:s2+$0xFFFFE020];
	v11 =	vadd.s32 v0, v9;
	_ =	sdelay $0x4  }
0x8c: {  	[tilespmem:v11+s0+$0x0] =	vst.idx.msk $0xffff, v10  }
0x8d: {  	v11 =	vadd.s32 v1, v9;
	v10 =	vld [tilespmem:s2+$0xFFFFE030];
	_ =	sdelay $0x2  }
0x8e: {  	s6 =	sadd.s32 $0x2, s5  }
0x8f: {  	v12 =	vmov s6  }
0x90: {  	[tilespmem:v11+s0+$0x0] =	vst.idx.msk $0xffff, v10;
	v10 =	vand.u32 $0x7E, v12  }
0x91: {  	v11 =	vld [tilespmem:s2+$0xFFFFE040];
	v12 =	vadd.s32 v0, v10;
	_ =	sdelay $0x4  }
0x92: {  	[tilespmem:v12+s0+$0x0] =	vst.idx.msk $0xffff, v11  }
0x93: {  	v12 =	vadd.s32 v1, v10;
	v11 =	vld [tilespmem:s2+$0xFFFFE050];
	_ =	sdelay $0x2  }
0x94: {  	s6 =	sadd.s32 $0x3, s5;
	s5 =	smov.u32 s1  }
0x95: {  	v13 =	vmov s6  }
0x96: {  	[tilespmem:v12+s0+$0x0] =	vst.idx.msk $0xffff, v11;
	v11 =	vand.u32 $0x7F, v13  }
0x97: {  	v12 =	vld [tilespmem:s2+$0xFFFFE060];
	v13 =	vadd.s32 v0, v11;
	_ =	sdelay $0x4  }
0x98: {  	[tilespmem:v13+s0+$0x0] =	vst.idx.msk $0xffff, v12  }
0x99: {  	v13 =	vadd.s32 v1, v11;
	v12 =	vld [tilespmem:s2+$0xFFFFE070];
	_ =	sdelay $0x4  }
0x9a: {  	[tilespmem:v13+s0+$0x0] =	vst.idx.msk $0xffff, v12  }
0x9b: {  	v13 =	vadd.s32 v2, v8;
	v12 =	vld [tilespmem:s2+$0xFFFFF000];
	_ =	sdelay $0x4  }
0x9c: {  	[tilespmem:v13+s0+$0x0] =	vst.idx.msk $0xffff, v12  }
0x9d: {  	v13 =	vadd.s32 v3, v8;
	v12 =	vld [tilespmem:s2+$0xFFFFF010];
	_ =	sdelay $0x4  }
0x9e: {  	[tilespmem:v13+s0+$0x0] =	vst.idx.msk $0xffff, v12  }
0x9f: {  	v13 =	vadd.s32 v2, v9;
	v12 =	vld [tilespmem:s2+$0xFFFFF020];
	_ =	sdelay $0x4  }
0xa0: {  	[tilespmem:v13+s0+$0x0] =	vst.idx.msk $0xffff, v12  }
0xa1: {  	v13 =	vadd.s32 v3, v9;
	v12 =	vld [tilespmem:s2+$0xFFFFF030];
	_ =	sdelay $0x4  }
0xa2: {  	[tilespmem:v13+s0+$0x0] =	vst.idx.msk $0xffff, v12  }
0xa3: {  	v13 =	vadd.s32 v2, v10;
	v12 =	vld [tilespmem:s2+$0xFFFFF040];
	_ =	sdelay $0x4  }
0xa4: {  	[tilespmem:v13+s0+$0x0] =	vst.idx.msk $0xffff, v12  }
0xa5: {  	v13 =	vadd.s32 v3, v10;
	v12 =	vld [tilespmem:s2+$0xFFFFF050];
	_ =	sdelay $0x4  }
0xa6: {  	[tilespmem:v13+s0+$0x0] =	vst.idx.msk $0xffff, v12  }
0xa7: {  	v13 =	vadd.s32 v2, v11;
	v12 =	vld [tilespmem:s2+$0xFFFFF060];
	_ =	sdelay $0x4  }
0xa8: {  	[tilespmem:v13+s0+$0x0] =	vst.idx.msk $0xffff, v12  }
0xa9: {  	v13 =	vadd.s32 v3, v11;
	v12 =	vld [tilespmem:s2+$0xFFFFF070];
	_ =	sdelay $0x4  }
0xaa: {  	[tilespmem:v13+s0+$0x0] =	vst.idx.msk $0xffff, v12  }
0xab: {  	v13 =	vadd.s32 v4, v8;
	v12 =	vld [tilespmem:s2+$0x0];
	_ =	sdelay $0x4  }
0xac: {  	[tilespmem:v13+s0+$0x0] =	vst.idx.msk $0xffff, v12  }
0xad: {  	v13 =	vadd.s32 v5, v8;
	v12 =	vld [tilespmem:s2+$0x10];
	_ =	sdelay $0x4  }
0xae: {  	[tilespmem:v13+s0+$0x0] =	vst.idx.msk $0xffff, v12  }
0xaf: {  	v13 =	vadd.s32 v4, v9;
	v12 =	vld [tilespmem:s2+$0x20];
	_ =	sdelay $0x4  }
0xb0: {  	[tilespmem:v13+s0+$0x0] =	vst.idx.msk $0xffff, v12  }
0xb1: {  	v13 =	vadd.s32 v5, v9;
	v12 =	vld [tilespmem:s2+$0x30];
	_ =	sdelay $0x4  }
0xb2: {  	[tilespmem:v13+s0+$0x0] =	vst.idx.msk $0xffff, v12  }
0xb3: {  	v13 =	vadd.s32 v4, v10;
	v12 =	vld [tilespmem:s2+$0x40];
	_ =	sdelay $0x4  }
0xb4: {  	[tilespmem:v13+s0+$0x0] =	vst.idx.msk $0xffff, v12  }
0xb5: {  	v13 =	vadd.s32 v5, v10;
	v12 =	vld [tilespmem:s2+$0x50];
	_ =	sdelay $0x4  }
0xb6: {  	[tilespmem:v13+s0+$0x0] =	vst.idx.msk $0xffff, v12  }
0xb7: {  	v13 =	vadd.s32 v4, v11;
	v12 =	vld [tilespmem:s2+$0x60];
	_ =	sdelay $0x4  }
0xb8: {  	[tilespmem:v13+s0+$0x0] =	vst.idx.msk $0xffff, v12  }
0xb9: {  	v13 =	vadd.s32 v5, v11;
	v12 =	vld [tilespmem:s2+$0x70];
	_ =	sdelay $0x4  }
0xba: {  	[tilespmem:v13+s0+$0x0] =	vst.idx.msk $0xffff, v12  }
0xbb: {  	v13 =	vadd.s32 v6, v8;
	v12 =	vld [tilespmem:s2+$0x1000];
	_ =	sdelay $0x4  }
0xbc: {  	[tilespmem:v13+s0+$0x0] =	vst.idx.msk $0xffff, v12  }
0xbd: {  	v8 =	vadd.s32 v7, v8;
	v12 =	vld [tilespmem:s2+$0x1010];
	_ =	sdelay $0x4  }
0xbe: {  	[tilespmem:v8+s0+$0x0] =	vst.idx.msk $0xffff, v12  }
0xbf: {  	v12 =	vadd.s32 v6, v9;
	v8 =	vld [tilespmem:s2+$0x1020];
	_ =	sdelay $0x4  }
0xc0: {  	[tilespmem:v12+s0+$0x0] =	vst.idx.msk $0xffff, v8  }
0xc1: {  	v9 =	vadd.s32 v7, v9;
	v8 =	vld [tilespmem:s2+$0x1030];
	_ =	sdelay $0x4  }
0xc2: {  	[tilespmem:v9+s0+$0x0] =	vst.idx.msk $0xffff, v8  }
0xc3: {  	v9 =	vadd.s32 v6, v10;
	v8 =	vld [tilespmem:s2+$0x1040];
	_ =	sdelay $0x4  }
0xc4: {  	[tilespmem:v9+s0+$0x0] =	vst.idx.msk $0xffff, v8  }
0xc5: {  	v9 =	vadd.s32 v7, v10;
	v8 =	vld [tilespmem:s2+$0x1050];
	_ =	sdelay $0x4  }
0xc6: {  	[tilespmem:v9+s0+$0x0] =	vst.idx.msk $0xffff, v8  }
0xc7: {  	v9 =	vadd.s32 v6, v11;
	v8 =	vld [tilespmem:s2+$0x1060];
	_ =	sdelay $0x4  }
0xc8: {  	[tilespmem:v9+s0+$0x0] =	vst.idx.msk $0xffff, v8  }
.Ltmp0:
0xc9: {  	v10 =	vadd.s32 v7, v11;
	v9 =	vld [tilespmem:s2+$0x1070];
	(pc) =	sbr.rel @p0 .LBB2_2-.Ltmp0, $2  }
0xca: {  	_ =	sdelay $0x2  }
0xcb: {  	s1 =	sadd.s32 $0x4, s1;
	v8 =	vmov s5  }
0xcc: {  	_ =	sdelay $0x3  }
0xcd: {  	v8 =	vand.u32 $0x7C, v8;
	[tilespmem:v10+s0+$0x0] =	vst.idx.msk $0xffff, v9;
	s1 =	sadd.s32 $0x80, s2  }
0xce: {  	v9 =	vld [tilespmem:s1+$0xFFFFE000];
	v34 =	vadd.s32 v0, v8;
	_ =	sdelay $0x4  }
0xcf: {  	[tilespmem:v34+s0+$0x0] =	vst.idx.msk $0xffff, v9  }
0xd0: {  	v35 =	vadd.s32 v1, v8;
	v9 =	vld [tilespmem:s1+$0xFFFFE010];
	_ =	sdelay $0x2  }
0xd1: {  	s12 =	sadd.s32 $0x1, s5  }
0xd2: {  	v11 =	vmov s12  }
0xd3: {  	v36 =	vand.u32 $0x7D, v11;
	[tilespmem:v35+s0+$0x0] =	vst.idx.msk $0xffff, v9  }
0xd4: {  	v11 =	vadd.s32 v0, v36;
	v10 =	vld [tilespmem:s1+$0xFFFFE020];
	_ =	sdelay $0x4  }
0xd5: {  	[tilespmem:v11+s0+$0x0] =	vst.idx.msk $0xffff, v10  }
0xd6: {  	v37 =	vadd.s32 v1, v36;
	v10 =	vld [tilespmem:s1+$0xFFFFE030];
	_ =	sdelay $0x2  }
0xd7: {  	s29 =	sadd.s32 $0x2, s5  }
0xd8: {  	v12 =	vmov s29  }
0xd9: {  	v38 =	vand.u32 $0x7E, v12;
	[tilespmem:v37+s0+$0x0] =	vst.idx.msk $0xffff, v10  }
0xda: {  	v12 =	vadd.s32 v0, v38;
	v11 =	vld [tilespmem:s1+$0xFFFFE040];
	_ =	sdelay $0x4  }
0xdb: {  	[tilespmem:v12+s0+$0x0] =	vst.idx.msk $0xffff, v11  }
0xdc: {  	v39 =	vadd.s32 v1, v38;
	v11 =	vld [tilespmem:s1+$0xFFFFE050];
	_ =	sdelay $0x2  }
0xdd: {  	s31 =	sadd.s32 $0x3, s5  }
0xde: {  	v13 =	vmov s31  }
0xdf: {  	v40 =	vand.u32 $0x7F, v13;
	[tilespmem:v39+s0+$0x0] =	vst.idx.msk $0xffff, v11  }
0xe0: {  	v13 =	vadd.s32 v0, v40;
	v12 =	vld [tilespmem:s1+$0xFFFFE060];
	_ =	sdelay $0x4  }
0xe1: {  	[tilespmem:v13+s0+$0x0] =	vst.idx.msk $0xffff, v12  }
0xe2: {  	v41 =	vadd.s32 v1, v40;
	v12 =	vld [tilespmem:s1+$0xFFFFE070];
	_ =	sdelay $0x4  }
0xe3: {  	[tilespmem:v41+s0+$0x0] =	vst.idx.msk $0xffff, v12  }
0xe4: {  	v42 =	vadd.s32 v2, v8;
	v12 =	vld [tilespmem:s1+$0xFFFFF000];
	_ =	sdelay $0x4  }
0xe5: {  	[tilespmem:v42+s0+$0x0] =	vst.idx.msk $0xffff, v12  }
0xe6: {  	v43 =	vadd.s32 v3, v8;
	v12 =	vld [tilespmem:s1+$0xFFFFF010];
	_ =	sdelay $0x4  }
0xe7: {  	[tilespmem:v43+s0+$0x0] =	vst.idx.msk $0xffff, v12  }
0xe8: {  	v44 =	vadd.s32 v2, v36;
	v12 =	vld [tilespmem:s1+$0xFFFFF020];
	_ =	sdelay $0x4  }
0xe9: {  	[tilespmem:v44+s0+$0x0] =	vst.idx.msk $0xffff, v12  }
0xea: {  	v45 =	vadd.s32 v3, v36;
	v12 =	vld [tilespmem:s1+$0xFFFFF030];
	_ =	sdelay $0x4  }
0xeb: {  	[tilespmem:v45+s0+$0x0] =	vst.idx.msk $0xffff, v12  }
0xec: {  	v46 =	vadd.s32 v2, v38;
	v12 =	vld [tilespmem:s1+$0xFFFFF040];
	_ =	sdelay $0x4  }
0xed: {  	[tilespmem:v46+s0+$0x0] =	vst.idx.msk $0xffff, v12  }
0xee: {  	v47 =	vadd.s32 v3, v38;
	v12 =	vld [tilespmem:s1+$0xFFFFF050];
	_ =	sdelay $0x4  }
0xef: {  	[tilespmem:v47+s0+$0x0] =	vst.idx.msk $0xffff, v12  }
0xf0: {  	v48 =	vadd.s32 v2, v40;
	v12 =	vld [tilespmem:s1+$0xFFFFF060];
	_ =	sdelay $0x4  }
0xf1: {  	[tilespmem:v48+s0+$0x0] =	vst.idx.msk $0xffff, v12  }
0xf2: {  	v49 =	vadd.s32 v3, v40;
	v12 =	vld [tilespmem:s1+$0xFFFFF070];
	_ =	sdelay $0x4  }
0xf3: {  	[tilespmem:v49+s0+$0x0] =	vst.idx.msk $0xffff, v12  }
0xf4: {  	v50 =	vadd.s32 v4, v8;
	v12 =	vld [tilespmem:s1+$0x0];
	_ =	sdelay $0x4  }
0xf5: {  	[tilespmem:v50+s0+$0x0] =	vst.idx.msk $0xffff, v12  }
0xf6: {  	v51 =	vadd.s32 v5, v8;
	v12 =	vld [tilespmem:s1+$0x10];
	_ =	sdelay $0x4  }
0xf7: {  	[tilespmem:v51+s0+$0x0] =	vst.idx.msk $0xffff, v12  }
0xf8: {  	v52 =	vadd.s32 v4, v36;
	v12 =	vld [tilespmem:s1+$0x20];
	_ =	sdelay $0x4  }
0xf9: {  	[tilespmem:v52+s0+$0x0] =	vst.idx.msk $0xffff, v12  }
0xfa: {  	v53 =	vadd.s32 v5, v36;
	v12 =	vld [tilespmem:s1+$0x30];
	_ =	sdelay $0x4  }
0xfb: {  	[tilespmem:v53+s0+$0x0] =	vst.idx.msk $0xffff, v12  }
0xfc: {  	v54 =	vadd.s32 v4, v38;
	v12 =	vld [tilespmem:s1+$0x40];
	_ =	sdelay $0x4  }
0xfd: {  	[tilespmem:v54+s0+$0x0] =	vst.idx.msk $0xffff, v12  }
0xfe: {  	v55 =	vadd.s32 v5, v38;
	v12 =	vld [tilespmem:s1+$0x50];
	_ =	sdelay $0x4  }
0xff: {  	[tilespmem:v55+s0+$0x0] =	vst.idx.msk $0xffff, v12  }
0x100: {  	v56 =	vadd.s32 v4, v40;
	v12 =	vld [tilespmem:s1+$0x60];
	_ =	sdelay $0x4  }
0x101: {  	[tilespmem:v56+s0+$0x0] =	vst.idx.msk $0xffff, v12  }
0x102: {  	v57 =	vadd.s32 v5, v40;
	v12 =	vld [tilespmem:s1+$0x70];
	_ =	sdelay $0x4  }
0x103: {  	[tilespmem:v57+s0+$0x0] =	vst.idx.msk $0xffff, v12  }
0x104: {  	v58 =	vadd.s32 v6, v8;
	v12 =	vld [tilespmem:s1+$0x1000];
	_ =	sdelay $0x4  }
0x105: {  	[tilespmem:v58+s0+$0x0] =	vst.idx.msk $0xffff, v12  }
0x106: {  	v8 =	vadd.s32 v7, v8;
	v12 =	vld [tilespmem:s1+$0x1010];
	_ =	sdelay $0x4  }
0x107: {  	[tilespmem:v8+s0+$0x0] =	vst.idx.msk $0xffff, v12  }
0x108: {  	v59 =	vadd.s32 v6, v36;
	v8 =	vld [tilespmem:s1+$0x1020];
	_ =	sdelay $0x4  }
0x109: {  	[tilespmem:v59+s0+$0x0] =	vst.idx.msk $0xffff, v8  }
0x10a: {  	v9 =	vadd.s32 v7, v36;
	v8 =	vld [tilespmem:s1+$0x1030];
	_ =	sdelay $0x4  }
0x10b: {  	[tilespmem:v9+s0+$0x0] =	vst.idx.msk $0xffff, v8  }
0x10c: {  	v60 =	vadd.s32 v6, v38;
	v8 =	vld [tilespmem:s1+$0x1040];
	_ =	sdelay $0x4  }
0x10d: {  	[tilespmem:v60+s0+$0x0] =	vst.idx.msk $0xffff, v8  }
0x10e: {  	v61 =	vadd.s32 v7, v38;
	v8 =	vld [tilespmem:s1+$0x1050];
	_ =	sdelay $0x4  }
0x10f: {  	[tilespmem:v61+s0+$0x0] =	vst.idx.msk $0xffff, v8  }
0x110: {  	v62 =	vadd.s32 v6, v40;
	v8 =	vld [tilespmem:s1+$0x1060];
	_ =	sdelay $0x4  }
0x111: {  	[tilespmem:v62+s0+$0x0] =	vst.idx.msk $0xffff, v8  }
0x112: {  	v63 =	vadd.s32 v7, v40;
	v8 =	vld [tilespmem:s1+$0x1070];
	_ =	sdelay $0x3  }
0x113: {  	s2 =	simm.s32 $0x10  }
0x114: {  	s6 =	sadd.s32 $0x0, s7;
	s5 =	simm.s32 $0xE488;
	s1 =	simm.s32 $0xE400;
	[tilespmem:v63+s0+$0x0] =	vst.idx.msk $0xffff, v8  }
.LBB2_4:
0x115: {  	[hbm4b:s6+s3] =	stream.linear.scatter [tilespmem:s1], [sflag:$0x3], $0x80, $0x38;
	[tilespmem:$0x16C00] =	vst v63  }
0x116: {  	s6 =	smov.u32 s2;
	s1 =	smov.u32 s5;
	p0 =	sne.s32 s2, $0x1F0  }
.Ltmp1:
0x117: {  	s2 =	sadd.s32 $0x10, s2;
	(pc) =	sbr.rel @p0 .LBB2_4-.Ltmp1, $2  }
0x118: {  	_ =	sdelay $0x2  }
0x119: {  	s5 =	sadd.s32 $0x88, s5;
	s6 =	sadd.s32 s6, s7  }
0x11a: {  	[hbm4b:s6+s3] =	stream.linear.scatter [tilespmem:s1], [sflag:$0x3], $0x80, $0x38;
	[tilespmem:$0x16C00] =	vst v63  }
0x11b: {  	s1 =	simm.s32 $0xF500  }
0x11c: {  	s2 =	simm.s32 $0x10;
	s6 =	sadd.s32 $0x0, s9;
	s5 =	simm.s32 $0xF588  }
.LBB2_6:
0x11d: {  	[hbm4b:s6+s3] =	stream.linear.scatter [tilespmem:s1], [sflag:$0x3], $0x80, $0x38;
	[tilespmem:$0x16C00] =	vst v63  }
0x11e: {  	s6 =	smov.u32 s2;
	s1 =	smov.u32 s5;
	p0 =	sne.s32 s2, $0x1F0  }
.Ltmp2:
0x11f: {  	s2 =	sadd.s32 $0x10, s2;
	(pc) =	sbr.rel @p0 .LBB2_6-.Ltmp2, $2  }
0x120: {  	_ =	sdelay $0x2  }
0x121: {  	s5 =	sadd.s32 $0x88, s5;
	s6 =	sadd.s32 s6, s9  }
0x122: {  	[hbm4b:s6+s3] =	stream.linear.scatter [tilespmem:s1], [sflag:$0x3], $0x80, $0x38;
	[tilespmem:$0x16C00] =	vst v63  }
0x123: {  	s1 =	simm.s32 $0x10600  }
0x124: {  	s2 =	simm.s32 $0x10;
	s6 =	sadd.s32 $0x0, s11;
	s5 =	simm.s32 $0x10688  }
.LBB2_8:
0x125: {  	[hbm4b:s6+s3] =	stream.linear.scatter [tilespmem:s1], [sflag:$0x3], $0x80, $0x38;
	[tilespmem:$0x16C00] =	vst v63  }
0x126: {  	s6 =	smov.u32 s2;
	s1 =	smov.u32 s5;
	p0 =	sne.s32 s2, $0x1F0  }
.Ltmp3:
0x127: {  	s2 =	sadd.s32 $0x10, s2;
	(pc) =	sbr.rel @p0 .LBB2_8-.Ltmp3, $2  }
0x128: {  	_ =	sdelay $0x2  }
0x129: {  	s5 =	sadd.s32 $0x88, s5;
	s6 =	sadd.s32 s6, s11  }
0x12a: {  	[hbm4b:s6+s3] =	stream.linear.scatter [tilespmem:s1], [sflag:$0x3], $0x80, $0x38;
	[tilespmem:$0x16C00] =	vst v63  }
0x12b: {  	s1 =	simm.s32 $0x11700  }
0x12c: {  	s2 =	simm.s32 $0x10;
	s6 =	sadd.s32 $0x0, s13;
	s5 =	simm.s32 $0x11788  }
.LBB2_10:
0x12d: {  	[hbm4b:s6+s3] =	stream.linear.scatter [tilespmem:s1], [sflag:$0x3], $0x80, $0x38;
	[tilespmem:$0x16C00] =	vst v63  }
0x12e: {  	s6 =	smov.u32 s2;
	s1 =	smov.u32 s5;
	p0 =	sne.s32 s2, $0x1F0  }
.Ltmp4:
0x12f: {  	s2 =	sadd.s32 $0x10, s2;
	(pc) =	sbr.rel @p0 .LBB2_10-.Ltmp4, $2  }
0x130: {  	_ =	sdelay $0x2  }
0x131: {  	s5 =	sadd.s32 $0x88, s5;
	s6 =	sadd.s32 s6, s13  }
0x132: {  	[hbm4b:s6+s3] =	stream.linear.scatter [tilespmem:s1], [sflag:$0x3], $0x80, $0x38;
	[tilespmem:$0x16C00] =	vst v63  }
0x133: {  	s31 =	simm.s32 $0x200  }
0x134: {  	s2 =	simm.s32 $0x6400;
	s5 =	simm.s32 $0x400;
	s6 =	simm.s32 $0x2  }
0x135: {  	[tilespmem:s2], [sflag:$0x1] =	stream.indirect.gather [hbm4b:s4+s31], $0x20, s5, s31, $0xb8;
	[tilespmem:$0x16C00] =	vst v63  }
0x136: {  	s8 =	simm.s32 $0x0;
	_ =	swait.ge [sflag:s6], $0x4000  }
0x137: {  	v8 =	vmov s8;
	[sflag:s6] =	ssyncset.done $0x0  }
0x138: {  	s2 =	simm.s32 $0xC400;
	v8 =	vand.u32 $0x7C, v8;
	[sflag:s6] =	ssyncadd.s32 $0xFFFFC000  }
0x139: {  	v10 =	vadd.s32 v0, v8;
	v9 =	vld [tilespmem:s2+$0xFFFFE000];
	_ =	sdelay $0x4  }
0x13a: {  	[tilespmem:v10+s26+$0x0] =	vst.idx.msk $0xffff, v9  }
0x13b: {  	v10 =	vadd.s32 v1, v8;
	v9 =	vld [tilespmem:s2+$0xFFFFE010];
	_ =	sdelay $0x2  }
0x13c: {  	s12 =	simm.s32 $0x1  }
0x13d: {  	v11 =	vmov s12  }
0x13e: {  	[tilespmem:v10+s26+$0x0] =	vst.idx.msk $0xffff, v9;
	v9 =	vand.u32 $0x7D, v11  }
0x13f: {  	v10 =	vld [tilespmem:s2+$0xFFFFE020];
	v11 =	vadd.s32 v0, v9;
	_ =	sdelay $0x4  }
0x140: {  	[tilespmem:v11+s26+$0x0] =	vst.idx.msk $0xffff, v10  }
0x141: {  	v11 =	vadd.s32 v1, v9;
	v10 =	vld [tilespmem:s2+$0xFFFFE030];
	_ =	sdelay $0x2  }
0x142: {  	s29 =	simm.s32 $0x2  }
0x143: {  	v12 =	vmov s29  }
0x144: {  	[tilespmem:v11+s26+$0x0] =	vst.idx.msk $0xffff, v10;
	v10 =	vand.u32 $0x7E, v12  }
0x145: {  	v11 =	vld [tilespmem:s2+$0xFFFFE040];
	v12 =	vadd.s32 v0, v10;
	_ =	sdelay $0x4  }
0x146: {  	[tilespmem:v12+s26+$0x0] =	vst.idx.msk $0xffff, v11  }
0x147: {  	v44 =	vadd.s32 v1, v10;
	v11 =	vld [tilespmem:s2+$0xFFFFE050];
	_ =	sdelay $0x2  }
0x148: {  	s31 =	simm.s32 $0x3  }
0x149: {  	v13 =	vmov s31  }
0x14a: {  	[tilespmem:v44+s26+$0x0] =	vst.idx.msk $0xffff, v11;
	v11 =	vand.u32 $0x7F, v13  }
0x14b: {  	v12 =	vld [tilespmem:s2+$0xFFFFE060];
	v13 =	vadd.s32 v0, v11;
	_ =	sdelay $0x4  }
0x14c: {  	[tilespmem:v13+s26+$0x0] =	vst.idx.msk $0xffff, v12  }
0x14d: {  	v45 =	vadd.s32 v1, v11;
	v12 =	vld [tilespmem:s2+$0xFFFFE070];
	_ =	sdelay $0x4  }
0x14e: {  	[tilespmem:v45+s26+$0x0] =	vst.idx.msk $0xffff, v12  }
0x14f: {  	v46 =	vadd.s32 v2, v8;
	v12 =	vld [tilespmem:s2+$0xFFFFF000];
	_ =	sdelay $0x4  }
0x150: {  	[tilespmem:v46+s26+$0x0] =	vst.idx.msk $0xffff, v12  }
0x151: {  	v47 =	vadd.s32 v3, v8;
	v12 =	vld [tilespmem:s2+$0xFFFFF010];
	_ =	sdelay $0x4  }
0x152: {  	[tilespmem:v47+s26+$0x0] =	vst.idx.msk $0xffff, v12  }
0x153: {  	v48 =	vadd.s32 v2, v9;
	v12 =	vld [tilespmem:s2+$0xFFFFF020];
	_ =	sdelay $0x4  }
0x154: {  	[tilespmem:v48+s26+$0x0] =	vst.idx.msk $0xffff, v12  }
0x155: {  	v49 =	vadd.s32 v3, v9;
	v12 =	vld [tilespmem:s2+$0xFFFFF030];
	_ =	sdelay $0x4  }
0x156: {  	[tilespmem:v49+s26+$0x0] =	vst.idx.msk $0xffff, v12  }
0x157: {  	v50 =	vadd.s32 v2, v10;
	v12 =	vld [tilespmem:s2+$0xFFFFF040];
	_ =	sdelay $0x4  }
0x158: {  	[tilespmem:v50+s26+$0x0] =	vst.idx.msk $0xffff, v12  }
0x159: {  	v51 =	vadd.s32 v3, v10;
	v12 =	vld [tilespmem:s2+$0xFFFFF050];
	_ =	sdelay $0x4  }
0x15a: {  	[tilespmem:v51+s26+$0x0] =	vst.idx.msk $0xffff, v12  }
0x15b: {  	v52 =	vadd.s32 v2, v11;
	v12 =	vld [tilespmem:s2+$0xFFFFF060];
	_ =	sdelay $0x4  }
0x15c: {  	[tilespmem:v52+s26+$0x0] =	vst.idx.msk $0xffff, v12  }
0x15d: {  	v53 =	vadd.s32 v3, v11;
	v12 =	vld [tilespmem:s2+$0xFFFFF070];
	_ =	sdelay $0x4  }
0x15e: {  	[tilespmem:v53+s26+$0x0] =	vst.idx.msk $0xffff, v12  }
0x15f: {  	v54 =	vadd.s32 v4, v8;
	v12 =	vld [tilespmem:s2+$0x0];
	_ =	sdelay $0x4  }
0x160: {  	[tilespmem:v54+s26+$0x0] =	vst.idx.msk $0xffff, v12  }
0x161: {  	v55 =	vadd.s32 v5, v8;
	v12 =	vld [tilespmem:s2+$0x10];
	_ =	sdelay $0x4  }
0x162: {  	[tilespmem:v55+s26+$0x0] =	vst.idx.msk $0xffff, v12  }
0x163: {  	v56 =	vadd.s32 v4, v9;
	v12 =	vld [tilespmem:s2+$0x20];
	_ =	sdelay $0x4  }
0x164: {  	[tilespmem:v56+s26+$0x0] =	vst.idx.msk $0xffff, v12  }
0x165: {  	v57 =	vadd.s32 v5, v9;
	v12 =	vld [tilespmem:s2+$0x30];
	_ =	sdelay $0x4  }
0x166: {  	[tilespmem:v57+s26+$0x0] =	vst.idx.msk $0xffff, v12  }
0x167: {  	v58 =	vadd.s32 v4, v10;
	v12 =	vld [tilespmem:s2+$0x40];
	_ =	sdelay $0x4  }
0x168: {  	[tilespmem:v58+s26+$0x0] =	vst.idx.msk $0xffff, v12  }
0x169: {  	v59 =	vadd.s32 v5, v10;
	v12 =	vld [tilespmem:s2+$0x50];
	_ =	sdelay $0x4  }
0x16a: {  	[tilespmem:v59+s26+$0x0] =	vst.idx.msk $0xffff, v12  }
0x16b: {  	v60 =	vadd.s32 v4, v11;
	v12 =	vld [tilespmem:s2+$0x60];
	_ =	sdelay $0x4  }
0x16c: {  	[tilespmem:v60+s26+$0x0] =	vst.idx.msk $0xffff, v12  }
0x16d: {  	v61 =	vadd.s32 v5, v11;
	v12 =	vld [tilespmem:s2+$0x70];
	_ =	sdelay $0x4  }
0x16e: {  	[tilespmem:v61+s26+$0x0] =	vst.idx.msk $0xffff, v12  }
0x16f: {  	v62 =	vadd.s32 v6, v8;
	v12 =	vld [tilespmem:s2+$0x1000];
	_ =	sdelay $0x4  }
0x170: {  	[tilespmem:v62+s26+$0x0] =	vst.idx.msk $0xffff, v12  }
0x171: {  	v8 =	vadd.s32 v7, v8;
	v12 =	vld [tilespmem:s2+$0x1010];
	_ =	sdelay $0x4  }
0x172: {  	[tilespmem:v8+s26+$0x0] =	vst.idx.msk $0xffff, v12  }
0x173: {  	v63 =	vadd.s32 v6, v9;
	v8 =	vld [tilespmem:s2+$0x1020];
	_ =	sdelay $0x4  }
0x174: {  	[tilespmem:v63+s26+$0x0] =	vst.idx.msk $0xffff, v8  }
0x175: {  	v9 =	vadd.s32 v7, v9;
	v8 =	vld [tilespmem:s2+$0x1030];
	_ =	sdelay $0x4  }
0x176: {  	[tilespmem:v9+s26+$0x0] =	vst.idx.msk $0xffff, v8  }
0x177: {  	v9 =	vadd.s32 v6, v10;
	v8 =	vld [tilespmem:s2+$0x1040];
	_ =	sdelay $0x4  }
0x178: {  	[tilespmem:v9+s26+$0x0] =	vst.idx.msk $0xffff, v8  }
0x179: {  	v9 =	vadd.s32 v7, v10;
	v8 =	vld [tilespmem:s2+$0x1050];
	_ =	sdelay $0x4  }
0x17a: {  	[tilespmem:v9+s26+$0x0] =	vst.idx.msk $0xffff, v8  }
0x17b: {  	v9 =	vadd.s32 v6, v11;
	v8 =	vld [tilespmem:s2+$0x1060];
	_ =	sdelay $0x4  }
0x17c: {  	[tilespmem:v9+s26+$0x0] =	vst.idx.msk $0xffff, v8  }
0x17d: {  	v10 =	vadd.s32 v7, v11;
	v9 =	vld [tilespmem:s2+$0x1070];
	_ =	sdelay $0x2  }
0x17e: {  	s5 =	simm.s32 $0x4  }
0x17f: {  	s1 =	simm.s32 $0x8;
	v8 =	vmov s5  }
.LBB2_12:
0x180: {  	p0 =	sne.s32 s1, $0x7C;
	v8 =	vand.u32 $0x7C, v8;
	[tilespmem:v10+s26+$0x0] =	vst.idx.msk $0xffff, v9;
	s2 =	sadd.s32 $0x80, s2  }
0x181: {  	v9 =	vld [tilespmem:s2+$0xFFFFE000];
	v10 =	vadd.s32 v0, v8;
	_ =	sdelay $0x4  }
0x182: {  	[tilespmem:v10+s26+$0x0] =	vst.idx.msk $0xffff, v9  }
0x183: {  	v10 =	vadd.s32 v1, v8;
	v9 =	vld [tilespmem:s2+$0xFFFFE010];
	_ =	sdelay $0x2  }
0x184: {  	s6 =	sadd.s32 $0x1, s5  }
0x185: {  	v11 =	vmov s6  }
0x186: {  	[tilespmem:v10+s26+$0x0] =	vst.idx.msk $0xffff, v9;
	v9 =	vand.u32 $0x7D, v11  }
0x187: {  	v10 =	vld [tilespmem:s2+$0xFFFFE020];
	v11 =	vadd.s32 v0, v9;
	_ =	sdelay $0x4  }
0x188: {  	[tilespmem:v11+s26+$0x0] =	vst.idx.msk $0xffff, v10  }
0x189: {  	v11 =	vadd.s32 v1, v9;
	v10 =	vld [tilespmem:s2+$0xFFFFE030];
	_ =	sdelay $0x2  }
0x18a: {  	s6 =	sadd.s32 $0x2, s5  }
0x18b: {  	v12 =	vmov s6  }
0x18c: {  	[tilespmem:v11+s26+$0x0] =	vst.idx.msk $0xffff, v10;
	v10 =	vand.u32 $0x7E, v12  }
0x18d: {  	v11 =	vld [tilespmem:s2+$0xFFFFE040];
	v12 =	vadd.s32 v0, v10;
	_ =	sdelay $0x4  }
0x18e: {  	[tilespmem:v12+s26+$0x0] =	vst.idx.msk $0xffff, v11  }
0x18f: {  	v12 =	vadd.s32 v1, v10;
	v11 =	vld [tilespmem:s2+$0xFFFFE050];
	_ =	sdelay $0x2  }
0x190: {  	s6 =	sadd.s32 $0x3, s5;
	s5 =	smov.u32 s1  }
0x191: {  	v13 =	vmov s6  }
0x192: {  	[tilespmem:v12+s26+$0x0] =	vst.idx.msk $0xffff, v11;
	v11 =	vand.u32 $0x7F, v13  }
0x193: {  	v12 =	vld [tilespmem:s2+$0xFFFFE060];
	v13 =	vadd.s32 v0, v11;
	_ =	sdelay $0x4  }
0x194: {  	[tilespmem:v13+s26+$0x0] =	vst.idx.msk $0xffff, v12  }
0x195: {  	v13 =	vadd.s32 v1, v11;
	v12 =	vld [tilespmem:s2+$0xFFFFE070];
	_ =	sdelay $0x4  }
0x196: {  	[tilespmem:v13+s26+$0x0] =	vst.idx.msk $0xffff, v12  }
0x197: {  	v13 =	vadd.s32 v2, v8;
	v12 =	vld [tilespmem:s2+$0xFFFFF000];
	_ =	sdelay $0x4  }
0x198: {  	[tilespmem:v13+s26+$0x0] =	vst.idx.msk $0xffff, v12  }
0x199: {  	v13 =	vadd.s32 v3, v8;
	v12 =	vld [tilespmem:s2+$0xFFFFF010];
	_ =	sdelay $0x4  }
0x19a: {  	[tilespmem:v13+s26+$0x0] =	vst.idx.msk $0xffff, v12  }
0x19b: {  	v13 =	vadd.s32 v2, v9;
	v12 =	vld [tilespmem:s2+$0xFFFFF020];
	_ =	sdelay $0x4  }
0x19c: {  	[tilespmem:v13+s26+$0x0] =	vst.idx.msk $0xffff, v12  }
0x19d: {  	v13 =	vadd.s32 v3, v9;
	v12 =	vld [tilespmem:s2+$0xFFFFF030];
	_ =	sdelay $0x4  }
0x19e: {  	[tilespmem:v13+s26+$0x0] =	vst.idx.msk $0xffff, v12  }
0x19f: {  	v13 =	vadd.s32 v2, v10;
	v12 =	vld [tilespmem:s2+$0xFFFFF040];
	_ =	sdelay $0x4  }
0x1a0: {  	[tilespmem:v13+s26+$0x0] =	vst.idx.msk $0xffff, v12  }
0x1a1: {  	v13 =	vadd.s32 v3, v10;
	v12 =	vld [tilespmem:s2+$0xFFFFF050];
	_ =	sdelay $0x4  }
0x1a2: {  	[tilespmem:v13+s26+$0x0] =	vst.idx.msk $0xffff, v12  }
0x1a3: {  	v13 =	vadd.s32 v2, v11;
	v12 =	vld [tilespmem:s2+$0xFFFFF060];
	_ =	sdelay $0x4  }
0x1a4: {  	[tilespmem:v13+s26+$0x0] =	vst.idx.msk $0xffff, v12  }
0x1a5: {  	v13 =	vadd.s32 v3, v11;
	v12 =	vld [tilespmem:s2+$0xFFFFF070];
	_ =	sdelay $0x4  }
0x1a6: {  	[tilespmem:v13+s26+$0x0] =	vst.idx.msk $0xffff, v12  }
0x1a7: {  	v13 =	vadd.s32 v4, v8;
	v12 =	vld [tilespmem:s2+$0x0];
	_ =	sdelay $0x4  }
0x1a8: {  	[tilespmem:v13+s26+$0x0] =	vst.idx.msk $0xffff, v12  }
0x1a9: {  	v13 =	vadd.s32 v5, v8;
	v12 =	vld [tilespmem:s2+$0x10];
	_ =	sdelay $0x4  }
0x1aa: {  	[tilespmem:v13+s26+$0x0] =	vst.idx.msk $0xffff, v12  }
0x1ab: {  	v13 =	vadd.s32 v4, v9;
	v12 =	vld [tilespmem:s2+$0x20];
	_ =	sdelay $0x4  }
0x1ac: {  	[tilespmem:v13+s26+$0x0] =	vst.idx.msk $0xffff, v12  }
0x1ad: {  	v13 =	vadd.s32 v5, v9;
	v12 =	vld [tilespmem:s2+$0x30];
	_ =	sdelay $0x4  }
0x1ae: {  	[tilespmem:v13+s26+$0x0] =	vst.idx.msk $0xffff, v12  }
0x1af: {  	v13 =	vadd.s32 v4, v10;
	v12 =	vld [tilespmem:s2+$0x40];
	_ =	sdelay $0x4  }
0x1b0: {  	[tilespmem:v13+s26+$0x0] =	vst.idx.msk $0xffff, v12  }
0x1b1: {  	v13 =	vadd.s32 v5, v10;
	v12 =	vld [tilespmem:s2+$0x50];
	_ =	sdelay $0x4  }
0x1b2: {  	[tilespmem:v13+s26+$0x0] =	vst.idx.msk $0xffff, v12  }
0x1b3: {  	v13 =	vadd.s32 v4, v11;
	v12 =	vld [tilespmem:s2+$0x60];
	_ =	sdelay $0x4  }
0x1b4: {  	[tilespmem:v13+s26+$0x0] =	vst.idx.msk $0xffff, v12  }
0x1b5: {  	v13 =	vadd.s32 v5, v11;
	v12 =	vld [tilespmem:s2+$0x70];
	_ =	sdelay $0x4  }
0x1b6: {  	[tilespmem:v13+s26+$0x0] =	vst.idx.msk $0xffff, v12  }
0x1b7: {  	v13 =	vadd.s32 v6, v8;
	v12 =	vld [tilespmem:s2+$0x1000];
	_ =	sdelay $0x4  }
0x1b8: {  	[tilespmem:v13+s26+$0x0] =	vst.idx.msk $0xffff, v12  }
0x1b9: {  	v8 =	vadd.s32 v7, v8;
	v12 =	vld [tilespmem:s2+$0x1010];
	_ =	sdelay $0x4  }
0x1ba: {  	[tilespmem:v8+s26+$0x0] =	vst.idx.msk $0xffff, v12  }
0x1bb: {  	v12 =	vadd.s32 v6, v9;
	v8 =	vld [tilespmem:s2+$0x1020];
	_ =	sdelay $0x4  }
0x1bc: {  	[tilespmem:v12+s26+$0x0] =	vst.idx.msk $0xffff, v8  }
0x1bd: {  	v9 =	vadd.s32 v7, v9;
	v8 =	vld [tilespmem:s2+$0x1030];
	_ =	sdelay $0x4  }
0x1be: {  	[tilespmem:v9+s26+$0x0] =	vst.idx.msk $0xffff, v8  }
0x1bf: {  	v9 =	vadd.s32 v6, v10;
	v8 =	vld [tilespmem:s2+$0x1040];
	_ =	sdelay $0x4  }
0x1c0: {  	[tilespmem:v9+s26+$0x0] =	vst.idx.msk $0xffff, v8  }
0x1c1: {  	v9 =	vadd.s32 v7, v10;
	v8 =	vld [tilespmem:s2+$0x1050];
	_ =	sdelay $0x4  }
0x1c2: {  	[tilespmem:v9+s26+$0x0] =	vst.idx.msk $0xffff, v8  }
0x1c3: {  	v9 =	vadd.s32 v6, v11;
	v8 =	vld [tilespmem:s2+$0x1060];
	_ =	sdelay $0x4  }
0x1c4: {  	[tilespmem:v9+s26+$0x0] =	vst.idx.msk $0xffff, v8  }
.Ltmp5:
0x1c5: {  	v10 =	vadd.s32 v7, v11;
	v9 =	vld [tilespmem:s2+$0x1070];
	(pc) =	sbr.rel @p0 .LBB2_12-.Ltmp5, $2  }
0x1c6: {  	_ =	sdelay $0x2  }
0x1c7: {  	s1 =	sadd.s32 $0x4, s1;
	v8 =	vmov s5  }
0x1c8: {  	_ =	sdelay $0x3  }
0x1c9: {  	v8 =	vand.u32 $0x7C, v8;
	[tilespmem:v10+s26+$0x0] =	vst.idx.msk $0xffff, v9;
	s1 =	sadd.s32 $0x80, s2  }
0x1ca: {  	v9 =	vld [tilespmem:s1+$0xFFFFE000];
	v34 =	vadd.s32 v0, v8;
	_ =	sdelay $0x4  }
0x1cb: {  	[tilespmem:v34+s26+$0x0] =	vst.idx.msk $0xffff, v9  }
0x1cc: {  	v35 =	vadd.s32 v1, v8;
	v9 =	vld [tilespmem:s1+$0xFFFFE010];
	_ =	sdelay $0x2  }
0x1cd: {  	s12 =	sadd.s32 $0x1, s5  }
0x1ce: {  	v11 =	vmov s12  }
0x1cf: {  	v36 =	vand.u32 $0x7D, v11;
	[tilespmem:v35+s26+$0x0] =	vst.idx.msk $0xffff, v9  }
0x1d0: {  	v11 =	vadd.s32 v0, v36;
	v10 =	vld [tilespmem:s1+$0xFFFFE020];
	_ =	sdelay $0x4  }
0x1d1: {  	[tilespmem:v11+s26+$0x0] =	vst.idx.msk $0xffff, v10  }
0x1d2: {  	v37 =	vadd.s32 v1, v36;
	v10 =	vld [tilespmem:s1+$0xFFFFE030];
	_ =	sdelay $0x2  }
0x1d3: {  	s29 =	sadd.s32 $0x2, s5  }
0x1d4: {  	v12 =	vmov s29  }
0x1d5: {  	v38 =	vand.u32 $0x7E, v12;
	[tilespmem:v37+s26+$0x0] =	vst.idx.msk $0xffff, v10  }
0x1d6: {  	v12 =	vadd.s32 v0, v38;
	v11 =	vld [tilespmem:s1+$0xFFFFE040];
	_ =	sdelay $0x4  }
0x1d7: {  	[tilespmem:v12+s26+$0x0] =	vst.idx.msk $0xffff, v11  }
0x1d8: {  	v39 =	vadd.s32 v1, v38;
	v11 =	vld [tilespmem:s1+$0xFFFFE050];
	_ =	sdelay $0x2  }
0x1d9: {  	s31 =	sadd.s32 $0x3, s5  }
0x1da: {  	v13 =	vmov s31  }
0x1db: {  	v40 =	vand.u32 $0x7F, v13;
	[tilespmem:v39+s26+$0x0] =	vst.idx.msk $0xffff, v11  }
0x1dc: {  	v13 =	vadd.s32 v0, v40;
	v12 =	vld [tilespmem:s1+$0xFFFFE060];
	_ =	sdelay $0x4  }
0x1dd: {  	[tilespmem:v13+s26+$0x0] =	vst.idx.msk $0xffff, v12  }
0x1de: {  	v41 =	vadd.s32 v1, v40;
	v12 =	vld [tilespmem:s1+$0xFFFFE070];
	_ =	sdelay $0x4  }
0x1df: {  	[tilespmem:v41+s26+$0x0] =	vst.idx.msk $0xffff, v12  }
0x1e0: {  	v42 =	vadd.s32 v2, v8;
	v12 =	vld [tilespmem:s1+$0xFFFFF000];
	_ =	sdelay $0x4  }
0x1e1: {  	[tilespmem:v42+s26+$0x0] =	vst.idx.msk $0xffff, v12  }
0x1e2: {  	v43 =	vadd.s32 v3, v8;
	v12 =	vld [tilespmem:s1+$0xFFFFF010];
	_ =	sdelay $0x4  }
0x1e3: {  	[tilespmem:v43+s26+$0x0] =	vst.idx.msk $0xffff, v12  }
0x1e4: {  	v44 =	vadd.s32 v2, v36;
	v12 =	vld [tilespmem:s1+$0xFFFFF020];
	_ =	sdelay $0x4  }
0x1e5: {  	[tilespmem:v44+s26+$0x0] =	vst.idx.msk $0xffff, v12  }
0x1e6: {  	v45 =	vadd.s32 v3, v36;
	v12 =	vld [tilespmem:s1+$0xFFFFF030];
	_ =	sdelay $0x4  }
0x1e7: {  	[tilespmem:v45+s26+$0x0] =	vst.idx.msk $0xffff, v12  }
0x1e8: {  	v46 =	vadd.s32 v2, v38;
	v12 =	vld [tilespmem:s1+$0xFFFFF040];
	_ =	sdelay $0x4  }
0x1e9: {  	[tilespmem:v46+s26+$0x0] =	vst.idx.msk $0xffff, v12  }
0x1ea: {  	v47 =	vadd.s32 v3, v38;
	v12 =	vld [tilespmem:s1+$0xFFFFF050];
	_ =	sdelay $0x4  }
0x1eb: {  	[tilespmem:v47+s26+$0x0] =	vst.idx.msk $0xffff, v12  }
0x1ec: {  	v48 =	vadd.s32 v2, v40;
	v12 =	vld [tilespmem:s1+$0xFFFFF060];
	_ =	sdelay $0x4  }
0x1ed: {  	[tilespmem:v48+s26+$0x0] =	vst.idx.msk $0xffff, v12  }
0x1ee: {  	v49 =	vadd.s32 v3, v40;
	v12 =	vld [tilespmem:s1+$0xFFFFF070];
	_ =	sdelay $0x4  }
0x1ef: {  	[tilespmem:v49+s26+$0x0] =	vst.idx.msk $0xffff, v12  }
0x1f0: {  	v50 =	vadd.s32 v4, v8;
	v12 =	vld [tilespmem:s1+$0x0];
	_ =	sdelay $0x4  }
0x1f1: {  	[tilespmem:v50+s26+$0x0] =	vst.idx.msk $0xffff, v12  }
0x1f2: {  	v51 =	vadd.s32 v5, v8;
	v12 =	vld [tilespmem:s1+$0x10];
	_ =	sdelay $0x4  }
0x1f3: {  	[tilespmem:v51+s26+$0x0] =	vst.idx.msk $0xffff, v12  }
0x1f4: {  	v52 =	vadd.s32 v4, v36;
	v12 =	vld [tilespmem:s1+$0x20];
	_ =	sdelay $0x4  }
0x1f5: {  	[tilespmem:v52+s26+$0x0] =	vst.idx.msk $0xffff, v12  }
0x1f6: {  	v53 =	vadd.s32 v5, v36;
	v12 =	vld [tilespmem:s1+$0x30];
	_ =	sdelay $0x4  }
0x1f7: {  	[tilespmem:v53+s26+$0x0] =	vst.idx.msk $0xffff, v12  }
0x1f8: {  	v54 =	vadd.s32 v4, v38;
	v12 =	vld [tilespmem:s1+$0x40];
	_ =	sdelay $0x4  }
0x1f9: {  	[tilespmem:v54+s26+$0x0] =	vst.idx.msk $0xffff, v12  }
0x1fa: {  	v55 =	vadd.s32 v5, v38;
	v12 =	vld [tilespmem:s1+$0x50];
	_ =	sdelay $0x4  }
0x1fb: {  	[tilespmem:v55+s26+$0x0] =	vst.idx.msk $0xffff, v12  }
0x1fc: {  	v56 =	vadd.s32 v4, v40;
	v12 =	vld [tilespmem:s1+$0x60];
	_ =	sdelay $0x4  }
0x1fd: {  	[tilespmem:v56+s26+$0x0] =	vst.idx.msk $0xffff, v12  }
0x1fe: {  	v57 =	vadd.s32 v5, v40;
	v12 =	vld [tilespmem:s1+$0x70];
	_ =	sdelay $0x4  }
0x1ff: {  	[tilespmem:v57+s26+$0x0] =	vst.idx.msk $0xffff, v12  }
0x200: {  	v58 =	vadd.s32 v6, v8;
	v12 =	vld [tilespmem:s1+$0x1000];
	_ =	sdelay $0x4  }
0x201: {  	[tilespmem:v58+s26+$0x0] =	vst.idx.msk $0xffff, v12  }
0x202: {  	v8 =	vadd.s32 v7, v8;
	v12 =	vld [tilespmem:s1+$0x1010];
	_ =	sdelay $0x4  }
0x203: {  	[tilespmem:v8+s26+$0x0] =	vst.idx.msk $0xffff, v12  }
0x204: {  	v59 =	vadd.s32 v6, v36;
	v8 =	vld [tilespmem:s1+$0x1020];
	_ =	sdelay $0x4  }
0x205: {  	[tilespmem:v59+s26+$0x0] =	vst.idx.msk $0xffff, v8  }
0x206: {  	v9 =	vadd.s32 v7, v36;
	v8 =	vld [tilespmem:s1+$0x1030];
	_ =	sdelay $0x4  }
0x207: {  	[tilespmem:v9+s26+$0x0] =	vst.idx.msk $0xffff, v8  }
0x208: {  	v60 =	vadd.s32 v6, v38;
	v8 =	vld [tilespmem:s1+$0x1040];
	_ =	sdelay $0x4  }
0x209: {  	[tilespmem:v60+s26+$0x0] =	vst.idx.msk $0xffff, v8  }
0x20a: {  	v61 =	vadd.s32 v7, v38;
	v8 =	vld [tilespmem:s1+$0x1050];
	_ =	sdelay $0x4  }
0x20b: {  	[tilespmem:v61+s26+$0x0] =	vst.idx.msk $0xffff, v8  }
0x20c: {  	v62 =	vadd.s32 v6, v40;
	v8 =	vld [tilespmem:s1+$0x1060];
	_ =	sdelay $0x4  }
0x20d: {  	[tilespmem:v62+s26+$0x0] =	vst.idx.msk $0xffff, v8  }
0x20e: {  	v63 =	vadd.s32 v7, v40;
	v8 =	vld [tilespmem:s1+$0x1070];
	_ =	sdelay $0x3  }
0x20f: {  	s2 =	simm.s32 $0x10  }
0x210: {  	s6 =	sadd.s32 $0x0, s14;
	s5 =	simm.s32 $0x12888;
	s1 =	simm.s32 $0x12800;
	[tilespmem:v63+s26+$0x0] =	vst.idx.msk $0xffff, v8  }
.LBB2_14:
0x211: {  	[hbm4b:s6+s3] =	stream.linear.scatter [tilespmem:s1], [sflag:$0x4], $0x80, $0x38;
	[tilespmem:$0x16C00] =	vst v63  }
0x212: {  	s6 =	smov.u32 s2;
	s1 =	smov.u32 s5;
	p0 =	sne.s32 s2, $0x1F0  }
.Ltmp6:
0x213: {  	s2 =	sadd.s32 $0x10, s2;
	(pc) =	sbr.rel @p0 .LBB2_14-.Ltmp6, $2  }
0x214: {  	_ =	sdelay $0x2  }
0x215: {  	s5 =	sadd.s32 $0x88, s5;
	s6 =	sadd.s32 s6, s14  }
0x216: {  	[hbm4b:s6+s3] =	stream.linear.scatter [tilespmem:s1], [sflag:$0x4], $0x80, $0x38;
	[tilespmem:$0x16C00] =	vst v63  }
0x217: {  	s1 =	simm.s32 $0x13900  }
0x218: {  	s2 =	simm.s32 $0x10;
	s6 =	sadd.s32 $0x0, s15;
	s5 =	simm.s32 $0x13988  }
.LBB2_16:
0x219: {  	[hbm4b:s6+s3] =	stream.linear.scatter [tilespmem:s1], [sflag:$0x4], $0x80, $0x38;
	[tilespmem:$0x16C00] =	vst v63  }
0x21a: {  	s6 =	smov.u32 s2;
	s1 =	smov.u32 s5;
	p0 =	sne.s32 s2, $0x1F0  }
.Ltmp7:
0x21b: {  	s2 =	sadd.s32 $0x10, s2;
	(pc) =	sbr.rel @p0 .LBB2_16-.Ltmp7, $2  }
0x21c: {  	_ =	sdelay $0x2  }
0x21d: {  	s5 =	sadd.s32 $0x88, s5;
	s6 =	sadd.s32 s6, s15  }
0x21e: {  	[hbm4b:s6+s3] =	stream.linear.scatter [tilespmem:s1], [sflag:$0x4], $0x80, $0x38;
	[tilespmem:$0x16C00] =	vst v63  }
0x21f: {  	s1 =	simm.s32 $0x14A00  }
0x220: {  	s2 =	simm.s32 $0x10;
	s6 =	sadd.s32 $0x0, s16;
	s5 =	simm.s32 $0x14A88  }
.LBB2_18:
0x221: {  	[hbm4b:s6+s3] =	stream.linear.scatter [tilespmem:s1], [sflag:$0x4], $0x80, $0x38;
	[tilespmem:$0x16C00] =	vst v63  }
0x222: {  	s6 =	smov.u32 s2;
	s1 =	smov.u32 s5;
	p0 =	sne.s32 s2, $0x1F0  }
.Ltmp8:
0x223: {  	s2 =	sadd.s32 $0x10, s2;
	(pc) =	sbr.rel @p0 .LBB2_18-.Ltmp8, $2  }
0x224: {  	_ =	sdelay $0x2  }
0x225: {  	s5 =	sadd.s32 $0x88, s5;
	s6 =	sadd.s32 s6, s16  }
0x226: {  	[hbm4b:s6+s3] =	stream.linear.scatter [tilespmem:s1], [sflag:$0x4], $0x80, $0x38;
	[tilespmem:$0x16C00] =	vst v63  }
0x227: {  	s1 =	simm.s32 $0x15B00  }
0x228: {  	s2 =	simm.s32 $0x10;
	s6 =	sadd.s32 $0x0, s17;
	s5 =	simm.s32 $0x15B88  }
.LBB2_20:
0x229: {  	[hbm4b:s6+s3] =	stream.linear.scatter [tilespmem:s1], [sflag:$0x4], $0x80, $0x38;
	[tilespmem:$0x16C00] =	vst v63  }
0x22a: {  	s6 =	smov.u32 s2;
	s1 =	smov.u32 s5;
	p0 =	sne.s32 s2, $0x1F0  }
.Ltmp9:
0x22b: {  	s2 =	sadd.s32 $0x10, s2;
	(pc) =	sbr.rel @p0 .LBB2_20-.Ltmp9, $2  }
0x22c: {  	_ =	sdelay $0x2  }
0x22d: {  	s5 =	sadd.s32 $0x88, s5;
	s6 =	sadd.s32 s6, s17  }
0x22e: {  	[hbm4b:s6+s3] =	stream.linear.scatter [tilespmem:s1], [sflag:$0x4], $0x80, $0x38;
	[tilespmem:$0x16C00] =	vst v63  }
0x22f: {  	s29 =	simm.s32 $0x200  }
0x230: {  	s2 =	simm.s32 $0xA400;
	s5 =	simm.s32 $0x600;
	s31 =	simm.s32 $0x1  }
0x231: {  	[tilespmem:s2], [sflag:$0x2] =	stream.indirect.gather [hbm4b:s4+s29], $0x20, s5, s29, $0xb8;
	[tilespmem:$0x16C00] =	vst v63  }
.LBB2_22:
0x232: {  	s1 =	simm.s32 $0x1  }
0x233: {  	_ =	swait.ge [sflag:s1], $0x4000  }
0x234: {  	[sflag:s1] =	ssyncset.done $0x0  }
0x235: {  	[sflag:s1] =	ssyncadd.s32 $0xFFFFC000  }
0x236: {  	_ =	swait.ge [sflag:s28], $0x1000  }
0x237: {  	[sflag:s28] =	ssyncset.done $0x0  }
0x238: {  	[sflag:s28] =	ssyncadd.s32 $0xFFFFF000  }
0x239: {  	_ =	swait.ge [sflag:s28], $0x1000  }
0x23a: {  	[sflag:s28] =	ssyncset.done $0x0  }
0x23b: {  	[sflag:s28] =	ssyncadd.s32 $0xFFFFF000  }
0x23c: {  	_ =	swait.ge [sflag:s28], $0x1000  }
0x23d: {  	[sflag:s28] =	ssyncset.done $0x0  }
0x23e: {  	[sflag:s28] =	ssyncadd.s32 $0xFFFFF000  }
0x23f: {  	s6 =	simm.s32 $0x0;
	_ =	swait.ge [sflag:s28], $0x1000  }
0x240: {  	v8 =	vmov s6;
	[sflag:s28] =	ssyncset.done $0x0  }
0x241: {  	s2 =	simm.s32 $0x8400;
	v8 =	vand.u32 $0x7C, v8;
	[sflag:s28] =	ssyncadd.s32 $0xFFFFF000  }
0x242: {  	v10 =	vadd.s32 v0, v8;
	v9 =	vld [tilespmem:s2+$0xFFFFE000];
	_ =	sdelay $0x4  }
0x243: {  	[tilespmem:v10+s0+$0x0] =	vst.idx.msk $0xffff, v9  }
0x244: {  	v10 =	vadd.s32 v1, v8;
	v9 =	vld [tilespmem:s2+$0xFFFFE010];
	_ =	sdelay $0x2  }
0x245: {  	s8 =	simm.s32 $0x1  }
0x246: {  	v11 =	vmov s8  }
0x247: {  	[tilespmem:v10+s0+$0x0] =	vst.idx.msk $0xffff, v9;
	v9 =	vand.u32 $0x7D, v11  }
0x248: {  	v10 =	vld [tilespmem:s2+$0xFFFFE020];
	v11 =	vadd.s32 v0, v9;
	_ =	sdelay $0x4  }
0x249: {  	[tilespmem:v11+s0+$0x0] =	vst.idx.msk $0xffff, v10  }
0x24a: {  	v11 =	vadd.s32 v1, v9;
	v10 =	vld [tilespmem:s2+$0xFFFFE030];
	_ =	sdelay $0x2  }
0x24b: {  	s12 =	simm.s32 $0x2  }
0x24c: {  	v12 =	vmov s12  }
0x24d: {  	[tilespmem:v11+s0+$0x0] =	vst.idx.msk $0xffff, v10;
	v10 =	vand.u32 $0x7E, v12  }
0x24e: {  	v11 =	vld [tilespmem:s2+$0xFFFFE040];
	v12 =	vadd.s32 v0, v10;
	_ =	sdelay $0x4  }
0x24f: {  	[tilespmem:v12+s0+$0x0] =	vst.idx.msk $0xffff, v11  }
0x250: {  	v44 =	vadd.s32 v1, v10;
	v11 =	vld [tilespmem:s2+$0xFFFFE050];
	_ =	sdelay $0x2  }
0x251: {  	s29 =	simm.s32 $0x3  }
0x252: {  	v13 =	vmov s29  }
0x253: {  	[tilespmem:v44+s0+$0x0] =	vst.idx.msk $0xffff, v11;
	v11 =	vand.u32 $0x7F, v13  }
0x254: {  	v12 =	vld [tilespmem:s2+$0xFFFFE060];
	v13 =	vadd.s32 v0, v11;
	_ =	sdelay $0x4  }
0x255: {  	[tilespmem:v13+s0+$0x0] =	vst.idx.msk $0xffff, v12  }
0x256: {  	v45 =	vadd.s32 v1, v11;
	v12 =	vld [tilespmem:s2+$0xFFFFE070];
	_ =	sdelay $0x4  }
0x257: {  	[tilespmem:v45+s0+$0x0] =	vst.idx.msk $0xffff, v12  }
0x258: {  	v46 =	vadd.s32 v2, v8;
	v12 =	vld [tilespmem:s2+$0xFFFFF000];
	_ =	sdelay $0x4  }
0x259: {  	[tilespmem:v46+s0+$0x0] =	vst.idx.msk $0xffff, v12  }
0x25a: {  	v47 =	vadd.s32 v3, v8;
	v12 =	vld [tilespmem:s2+$0xFFFFF010];
	_ =	sdelay $0x4  }
0x25b: {  	[tilespmem:v47+s0+$0x0] =	vst.idx.msk $0xffff, v12  }
0x25c: {  	v48 =	vadd.s32 v2, v9;
	v12 =	vld [tilespmem:s2+$0xFFFFF020];
	_ =	sdelay $0x4  }
0x25d: {  	[tilespmem:v48+s0+$0x0] =	vst.idx.msk $0xffff, v12  }
0x25e: {  	v49 =	vadd.s32 v3, v9;
	v12 =	vld [tilespmem:s2+$0xFFFFF030];
	_ =	sdelay $0x4  }
0x25f: {  	[tilespmem:v49+s0+$0x0] =	vst.idx.msk $0xffff, v12  }
0x260: {  	v50 =	vadd.s32 v2, v10;
	v12 =	vld [tilespmem:s2+$0xFFFFF040];
	_ =	sdelay $0x4  }
0x261: {  	[tilespmem:v50+s0+$0x0] =	vst.idx.msk $0xffff, v12  }
0x262: {  	v51 =	vadd.s32 v3, v10;
	v12 =	vld [tilespmem:s2+$0xFFFFF050];
	_ =	sdelay $0x4  }
0x263: {  	[tilespmem:v51+s0+$0x0] =	vst.idx.msk $0xffff, v12  }
0x264: {  	v52 =	vadd.s32 v2, v11;
	v12 =	vld [tilespmem:s2+$0xFFFFF060];
	_ =	sdelay $0x4  }
0x265: {  	[tilespmem:v52+s0+$0x0] =	vst.idx.msk $0xffff, v12  }
0x266: {  	v53 =	vadd.s32 v3, v11;
	v12 =	vld [tilespmem:s2+$0xFFFFF070];
	_ =	sdelay $0x4  }
0x267: {  	[tilespmem:v53+s0+$0x0] =	vst.idx.msk $0xffff, v12  }
0x268: {  	v54 =	vadd.s32 v4, v8;
	v12 =	vld [tilespmem:s2+$0x0];
	_ =	sdelay $0x4  }
0x269: {  	[tilespmem:v54+s0+$0x0] =	vst.idx.msk $0xffff, v12  }
0x26a: {  	v55 =	vadd.s32 v5, v8;
	v12 =	vld [tilespmem:s2+$0x10];
	_ =	sdelay $0x4  }
0x26b: {  	[tilespmem:v55+s0+$0x0] =	vst.idx.msk $0xffff, v12  }
0x26c: {  	v56 =	vadd.s32 v4, v9;
	v12 =	vld [tilespmem:s2+$0x20];
	_ =	sdelay $0x4  }
0x26d: {  	[tilespmem:v56+s0+$0x0] =	vst.idx.msk $0xffff, v12  }
0x26e: {  	v57 =	vadd.s32 v5, v9;
	v12 =	vld [tilespmem:s2+$0x30];
	_ =	sdelay $0x4  }
0x26f: {  	[tilespmem:v57+s0+$0x0] =	vst.idx.msk $0xffff, v12  }
0x270: {  	v58 =	vadd.s32 v4, v10;
	v12 =	vld [tilespmem:s2+$0x40];
	_ =	sdelay $0x4  }
0x271: {  	[tilespmem:v58+s0+$0x0] =	vst.idx.msk $0xffff, v12  }
0x272: {  	v59 =	vadd.s32 v5, v10;
	v12 =	vld [tilespmem:s2+$0x50];
	_ =	sdelay $0x4  }
0x273: {  	[tilespmem:v59+s0+$0x0] =	vst.idx.msk $0xffff, v12  }
0x274: {  	v60 =	vadd.s32 v4, v11;
	v12 =	vld [tilespmem:s2+$0x60];
	_ =	sdelay $0x4  }
0x275: {  	[tilespmem:v60+s0+$0x0] =	vst.idx.msk $0xffff, v12  }
0x276: {  	v61 =	vadd.s32 v5, v11;
	v12 =	vld [tilespmem:s2+$0x70];
	_ =	sdelay $0x4  }
0x277: {  	[tilespmem:v61+s0+$0x0] =	vst.idx.msk $0xffff, v12  }
0x278: {  	v62 =	vadd.s32 v6, v8;
	v12 =	vld [tilespmem:s2+$0x1000];
	_ =	sdelay $0x4  }
0x279: {  	[tilespmem:v62+s0+$0x0] =	vst.idx.msk $0xffff, v12  }
0x27a: {  	v8 =	vadd.s32 v7, v8;
	v12 =	vld [tilespmem:s2+$0x1010];
	_ =	sdelay $0x4  }
0x27b: {  	[tilespmem:v8+s0+$0x0] =	vst.idx.msk $0xffff, v12  }
0x27c: {  	v63 =	vadd.s32 v6, v9;
	v8 =	vld [tilespmem:s2+$0x1020];
	_ =	sdelay $0x4  }
0x27d: {  	[tilespmem:v63+s0+$0x0] =	vst.idx.msk $0xffff, v8  }
0x27e: {  	v9 =	vadd.s32 v7, v9;
	v8 =	vld [tilespmem:s2+$0x1030];
	_ =	sdelay $0x4  }
0x27f: {  	[tilespmem:v9+s0+$0x0] =	vst.idx.msk $0xffff, v8  }
0x280: {  	v9 =	vadd.s32 v6, v10;
	v8 =	vld [tilespmem:s2+$0x1040];
	_ =	sdelay $0x4  }
0x281: {  	[tilespmem:v9+s0+$0x0] =	vst.idx.msk $0xffff, v8  }
0x282: {  	v9 =	vadd.s32 v7, v10;
	v8 =	vld [tilespmem:s2+$0x1050];
	_ =	sdelay $0x4  }
0x283: {  	[tilespmem:v9+s0+$0x0] =	vst.idx.msk $0xffff, v8  }
0x284: {  	v9 =	vadd.s32 v6, v11;
	v8 =	vld [tilespmem:s2+$0x1060];
	_ =	sdelay $0x4  }
0x285: {  	[tilespmem:v9+s0+$0x0] =	vst.idx.msk $0xffff, v8  }
0x286: {  	v10 =	vadd.s32 v7, v11;
	v9 =	vld [tilespmem:s2+$0x1070];
	_ =	sdelay $0x2  }
0x287: {  	s5 =	simm.s32 $0x4  }
0x288: {  	s1 =	simm.s32 $0x8;
	v8 =	vmov s5  }
.LBB2_23:
0x289: {  	p0 =	sne.s32 s1, $0x7C;
	v8 =	vand.u32 $0x7C, v8;
	[tilespmem:v10+s0+$0x0] =	vst.idx.msk $0xffff, v9;
	s2 =	sadd.s32 $0x80, s2  }
0x28a: {  	v9 =	vld [tilespmem:s2+$0xFFFFE000];
	v10 =	vadd.s32 v0, v8;
	_ =	sdelay $0x4  }
0x28b: {  	[tilespmem:v10+s0+$0x0] =	vst.idx.msk $0xffff, v9  }
0x28c: {  	v10 =	vadd.s32 v1, v8;
	v9 =	vld [tilespmem:s2+$0xFFFFE010];
	_ =	sdelay $0x2  }
0x28d: {  	s6 =	sadd.s32 $0x1, s5  }
0x28e: {  	v11 =	vmov s6  }
0x28f: {  	[tilespmem:v10+s0+$0x0] =	vst.idx.msk $0xffff, v9;
	v9 =	vand.u32 $0x7D, v11  }
0x290: {  	v10 =	vld [tilespmem:s2+$0xFFFFE020];
	v11 =	vadd.s32 v0, v9;
	_ =	sdelay $0x4  }
0x291: {  	[tilespmem:v11+s0+$0x0] =	vst.idx.msk $0xffff, v10  }
0x292: {  	v11 =	vadd.s32 v1, v9;
	v10 =	vld [tilespmem:s2+$0xFFFFE030];
	_ =	sdelay $0x2  }
0x293: {  	s6 =	sadd.s32 $0x2, s5  }
0x294: {  	v12 =	vmov s6  }
0x295: {  	[tilespmem:v11+s0+$0x0] =	vst.idx.msk $0xffff, v10;
	v10 =	vand.u32 $0x7E, v12  }
0x296: {  	v11 =	vld [tilespmem:s2+$0xFFFFE040];
	v12 =	vadd.s32 v0, v10;
	_ =	sdelay $0x4  }
0x297: {  	[tilespmem:v12+s0+$0x0] =	vst.idx.msk $0xffff, v11  }
0x298: {  	v12 =	vadd.s32 v1, v10;
	v11 =	vld [tilespmem:s2+$0xFFFFE050];
	_ =	sdelay $0x2  }
0x299: {  	s6 =	sadd.s32 $0x3, s5;
	s5 =	smov.u32 s1  }
0x29a: {  	v13 =	vmov s6  }
0x29b: {  	[tilespmem:v12+s0+$0x0] =	vst.idx.msk $0xffff, v11;
	v11 =	vand.u32 $0x7F, v13  }
0x29c: {  	v12 =	vld [tilespmem:s2+$0xFFFFE060];
	v13 =	vadd.s32 v0, v11;
	_ =	sdelay $0x4  }
0x29d: {  	[tilespmem:v13+s0+$0x0] =	vst.idx.msk $0xffff, v12  }
0x29e: {  	v13 =	vadd.s32 v1, v11;
	v12 =	vld [tilespmem:s2+$0xFFFFE070];
	_ =	sdelay $0x4  }
0x29f: {  	[tilespmem:v13+s0+$0x0] =	vst.idx.msk $0xffff, v12  }
0x2a0: {  	v13 =	vadd.s32 v2, v8;
	v12 =	vld [tilespmem:s2+$0xFFFFF000];
	_ =	sdelay $0x4  }
0x2a1: {  	[tilespmem:v13+s0+$0x0] =	vst.idx.msk $0xffff, v12  }
0x2a2: {  	v13 =	vadd.s32 v3, v8;
	v12 =	vld [tilespmem:s2+$0xFFFFF010];
	_ =	sdelay $0x4  }
0x2a3: {  	[tilespmem:v13+s0+$0x0] =	vst.idx.msk $0xffff, v12  }
0x2a4: {  	v13 =	vadd.s32 v2, v9;
	v12 =	vld [tilespmem:s2+$0xFFFFF020];
	_ =	sdelay $0x4  }
0x2a5: {  	[tilespmem:v13+s0+$0x0] =	vst.idx.msk $0xffff, v12  }
0x2a6: {  	v13 =	vadd.s32 v3, v9;
	v12 =	vld [tilespmem:s2+$0xFFFFF030];
	_ =	sdelay $0x4  }
0x2a7: {  	[tilespmem:v13+s0+$0x0] =	vst.idx.msk $0xffff, v12  }
0x2a8: {  	v13 =	vadd.s32 v2, v10;
	v12 =	vld [tilespmem:s2+$0xFFFFF040];
	_ =	sdelay $0x4  }
0x2a9: {  	[tilespmem:v13+s0+$0x0] =	vst.idx.msk $0xffff, v12  }
0x2aa: {  	v13 =	vadd.s32 v3, v10;
	v12 =	vld [tilespmem:s2+$0xFFFFF050];
	_ =	sdelay $0x4  }
0x2ab: {  	[tilespmem:v13+s0+$0x0] =	vst.idx.msk $0xffff, v12  }
0x2ac: {  	v13 =	vadd.s32 v2, v11;
	v12 =	vld [tilespmem:s2+$0xFFFFF060];
	_ =	sdelay $0x4  }
0x2ad: {  	[tilespmem:v13+s0+$0x0] =	vst.idx.msk $0xffff, v12  }
0x2ae: {  	v13 =	vadd.s32 v3, v11;
	v12 =	vld [tilespmem:s2+$0xFFFFF070];
	_ =	sdelay $0x4  }
0x2af: {  	[tilespmem:v13+s0+$0x0] =	vst.idx.msk $0xffff, v12  }
0x2b0: {  	v13 =	vadd.s32 v4, v8;
	v12 =	vld [tilespmem:s2+$0x0];
	_ =	sdelay $0x4  }
0x2b1: {  	[tilespmem:v13+s0+$0x0] =	vst.idx.msk $0xffff, v12  }
0x2b2: {  	v13 =	vadd.s32 v5, v8;
	v12 =	vld [tilespmem:s2+$0x10];
	_ =	sdelay $0x4  }
0x2b3: {  	[tilespmem:v13+s0+$0x0] =	vst.idx.msk $0xffff, v12  }
0x2b4: {  	v13 =	vadd.s32 v4, v9;
	v12 =	vld [tilespmem:s2+$0x20];
	_ =	sdelay $0x4  }
0x2b5: {  	[tilespmem:v13+s0+$0x0] =	vst.idx.msk $0xffff, v12  }
0x2b6: {  	v13 =	vadd.s32 v5, v9;
	v12 =	vld [tilespmem:s2+$0x30];
	_ =	sdelay $0x4  }
0x2b7: {  	[tilespmem:v13+s0+$0x0] =	vst.idx.msk $0xffff, v12  }
0x2b8: {  	v13 =	vadd.s32 v4, v10;
	v12 =	vld [tilespmem:s2+$0x40];
	_ =	sdelay $0x4  }
0x2b9: {  	[tilespmem:v13+s0+$0x0] =	vst.idx.msk $0xffff, v12  }
0x2ba: {  	v13 =	vadd.s32 v5, v10;
	v12 =	vld [tilespmem:s2+$0x50];
	_ =	sdelay $0x4  }
0x2bb: {  	[tilespmem:v13+s0+$0x0] =	vst.idx.msk $0xffff, v12  }
0x2bc: {  	v13 =	vadd.s32 v4, v11;
	v12 =	vld [tilespmem:s2+$0x60];
	_ =	sdelay $0x4  }
0x2bd: {  	[tilespmem:v13+s0+$0x0] =	vst.idx.msk $0xffff, v12  }
0x2be: {  	v13 =	vadd.s32 v5, v11;
	v12 =	vld [tilespmem:s2+$0x70];
	_ =	sdelay $0x4  }
0x2bf: {  	[tilespmem:v13+s0+$0x0] =	vst.idx.msk $0xffff, v12  }
0x2c0: {  	v13 =	vadd.s32 v6, v8;
	v12 =	vld [tilespmem:s2+$0x1000];
	_ =	sdelay $0x4  }
0x2c1: {  	[tilespmem:v13+s0+$0x0] =	vst.idx.msk $0xffff, v12  }
0x2c2: {  	v8 =	vadd.s32 v7, v8;
	v12 =	vld [tilespmem:s2+$0x1010];
	_ =	sdelay $0x4  }
0x2c3: {  	[tilespmem:v8+s0+$0x0] =	vst.idx.msk $0xffff, v12  }
0x2c4: {  	v12 =	vadd.s32 v6, v9;
	v8 =	vld [tilespmem:s2+$0x1020];
	_ =	sdelay $0x4  }
0x2c5: {  	[tilespmem:v12+s0+$0x0] =	vst.idx.msk $0xffff, v8  }
0x2c6: {  	v9 =	vadd.s32 v7, v9;
	v8 =	vld [tilespmem:s2+$0x1030];
	_ =	sdelay $0x4  }
0x2c7: {  	[tilespmem:v9+s0+$0x0] =	vst.idx.msk $0xffff, v8  }
0x2c8: {  	v9 =	vadd.s32 v6, v10;
	v8 =	vld [tilespmem:s2+$0x1040];
	_ =	sdelay $0x4  }
0x2c9: {  	[tilespmem:v9+s0+$0x0] =	vst.idx.msk $0xffff, v8  }
0x2ca: {  	v9 =	vadd.s32 v7, v10;
	v8 =	vld [tilespmem:s2+$0x1050];
	_ =	sdelay $0x4  }
0x2cb: {  	[tilespmem:v9+s0+$0x0] =	vst.idx.msk $0xffff, v8  }
0x2cc: {  	v9 =	vadd.s32 v6, v11;
	v8 =	vld [tilespmem:s2+$0x1060];
	_ =	sdelay $0x4  }
0x2cd: {  	[tilespmem:v9+s0+$0x0] =	vst.idx.msk $0xffff, v8  }
.Ltmp10:
0x2ce: {  	v10 =	vadd.s32 v7, v11;
	v9 =	vld [tilespmem:s2+$0x1070];
	(pc) =	sbr.rel @p0 .LBB2_23-.Ltmp10, $2  }
0x2cf: {  	_ =	sdelay $0x2  }
0x2d0: {  	s1 =	sadd.s32 $0x4, s1;
	v8 =	vmov s5  }
0x2d1: {  	_ =	sdelay $0x3  }
0x2d2: {  	v8 =	vand.u32 $0x7C, v8;
	[tilespmem:v10+s0+$0x0] =	vst.idx.msk $0xffff, v9;
	s1 =	sadd.s32 $0x80, s2  }
0x2d3: {  	v9 =	vld [tilespmem:s1+$0xFFFFE000];
	v34 =	vadd.s32 v0, v8;
	_ =	sdelay $0x4  }
0x2d4: {  	[tilespmem:v34+s0+$0x0] =	vst.idx.msk $0xffff, v9  }
0x2d5: {  	v35 =	vadd.s32 v1, v8;
	v9 =	vld [tilespmem:s1+$0xFFFFE010];
	_ =	sdelay $0x2  }
0x2d6: {  	s8 =	sadd.s32 $0x1, s5  }
0x2d7: {  	v11 =	vmov s8  }
0x2d8: {  	v36 =	vand.u32 $0x7D, v11;
	[tilespmem:v35+s0+$0x0] =	vst.idx.msk $0xffff, v9  }
0x2d9: {  	v11 =	vadd.s32 v0, v36;
	v10 =	vld [tilespmem:s1+$0xFFFFE020];
	_ =	sdelay $0x4  }
0x2da: {  	[tilespmem:v11+s0+$0x0] =	vst.idx.msk $0xffff, v10  }
0x2db: {  	v37 =	vadd.s32 v1, v36;
	v10 =	vld [tilespmem:s1+$0xFFFFE030];
	_ =	sdelay $0x2  }
0x2dc: {  	s12 =	sadd.s32 $0x2, s5  }
0x2dd: {  	v12 =	vmov s12  }
0x2de: {  	v38 =	vand.u32 $0x7E, v12;
	[tilespmem:v37+s0+$0x0] =	vst.idx.msk $0xffff, v10  }
0x2df: {  	v12 =	vadd.s32 v0, v38;
	v11 =	vld [tilespmem:s1+$0xFFFFE040];
	_ =	sdelay $0x4  }
0x2e0: {  	[tilespmem:v12+s0+$0x0] =	vst.idx.msk $0xffff, v11  }
0x2e1: {  	v39 =	vadd.s32 v1, v38;
	v11 =	vld [tilespmem:s1+$0xFFFFE050];
	_ =	sdelay $0x2  }
0x2e2: {  	s5 =	sadd.s32 $0x3, s5  }
0x2e3: {  	v13 =	vmov s5  }
0x2e4: {  	v40 =	vand.u32 $0x7F, v13;
	[tilespmem:v39+s0+$0x0] =	vst.idx.msk $0xffff, v11  }
0x2e5: {  	v13 =	vadd.s32 v0, v40;
	v12 =	vld [tilespmem:s1+$0xFFFFE060];
	_ =	sdelay $0x4  }
0x2e6: {  	[tilespmem:v13+s0+$0x0] =	vst.idx.msk $0xffff, v12  }
0x2e7: {  	v41 =	vadd.s32 v1, v40;
	v12 =	vld [tilespmem:s1+$0xFFFFE070];
	_ =	sdelay $0x4  }
0x2e8: {  	[tilespmem:v41+s0+$0x0] =	vst.idx.msk $0xffff, v12  }
0x2e9: {  	v42 =	vadd.s32 v2, v8;
	v12 =	vld [tilespmem:s1+$0xFFFFF000];
	_ =	sdelay $0x4  }
0x2ea: {  	[tilespmem:v42+s0+$0x0] =	vst.idx.msk $0xffff, v12  }
0x2eb: {  	v43 =	vadd.s32 v3, v8;
	v12 =	vld [tilespmem:s1+$0xFFFFF010];
	_ =	sdelay $0x4  }
0x2ec: {  	[tilespmem:v43+s0+$0x0] =	vst.idx.msk $0xffff, v12  }
0x2ed: {  	v44 =	vadd.s32 v2, v36;
	v12 =	vld [tilespmem:s1+$0xFFFFF020];
	_ =	sdelay $0x4  }
0x2ee: {  	[tilespmem:v44+s0+$0x0] =	vst.idx.msk $0xffff, v12  }
0x2ef: {  	v45 =	vadd.s32 v3, v36;
	v12 =	vld [tilespmem:s1+$0xFFFFF030];
	_ =	sdelay $0x4  }
0x2f0: {  	[tilespmem:v45+s0+$0x0] =	vst.idx.msk $0xffff, v12  }
0x2f1: {  	v46 =	vadd.s32 v2, v38;
	v12 =	vld [tilespmem:s1+$0xFFFFF040];
	_ =	sdelay $0x4  }
0x2f2: {  	[tilespmem:v46+s0+$0x0] =	vst.idx.msk $0xffff, v12  }
0x2f3: {  	v47 =	vadd.s32 v3, v38;
	v12 =	vld [tilespmem:s1+$0xFFFFF050];
	_ =	sdelay $0x4  }
0x2f4: {  	[tilespmem:v47+s0+$0x0] =	vst.idx.msk $0xffff, v12  }
0x2f5: {  	v48 =	vadd.s32 v2, v40;
	v12 =	vld [tilespmem:s1+$0xFFFFF060];
	_ =	sdelay $0x4  }
0x2f6: {  	[tilespmem:v48+s0+$0x0] =	vst.idx.msk $0xffff, v12  }
0x2f7: {  	v49 =	vadd.s32 v3, v40;
	v12 =	vld [tilespmem:s1+$0xFFFFF070];
	_ =	sdelay $0x4  }
0x2f8: {  	[tilespmem:v49+s0+$0x0] =	vst.idx.msk $0xffff, v12  }
0x2f9: {  	v50 =	vadd.s32 v4, v8;
	v12 =	vld [tilespmem:s1+$0x0];
	_ =	sdelay $0x4  }
0x2fa: {  	[tilespmem:v50+s0+$0x0] =	vst.idx.msk $0xffff, v12  }
0x2fb: {  	v51 =	vadd.s32 v5, v8;
	v12 =	vld [tilespmem:s1+$0x10];
	_ =	sdelay $0x4  }
0x2fc: {  	[tilespmem:v51+s0+$0x0] =	vst.idx.msk $0xffff, v12  }
0x2fd: {  	v52 =	vadd.s32 v4, v36;
	v12 =	vld [tilespmem:s1+$0x20];
	_ =	sdelay $0x4  }
0x2fe: {  	[tilespmem:v52+s0+$0x0] =	vst.idx.msk $0xffff, v12  }
0x2ff: {  	v53 =	vadd.s32 v5, v36;
	v12 =	vld [tilespmem:s1+$0x30];
	_ =	sdelay $0x4  }
0x300: {  	[tilespmem:v53+s0+$0x0] =	vst.idx.msk $0xffff, v12  }
0x301: {  	v54 =	vadd.s32 v4, v38;
	v12 =	vld [tilespmem:s1+$0x40];
	_ =	sdelay $0x4  }
0x302: {  	[tilespmem:v54+s0+$0x0] =	vst.idx.msk $0xffff, v12  }
0x303: {  	v55 =	vadd.s32 v5, v38;
	v12 =	vld [tilespmem:s1+$0x50];
	_ =	sdelay $0x4  }
0x304: {  	[tilespmem:v55+s0+$0x0] =	vst.idx.msk $0xffff, v12  }
0x305: {  	v56 =	vadd.s32 v4, v40;
	v12 =	vld [tilespmem:s1+$0x60];
	_ =	sdelay $0x4  }
0x306: {  	[tilespmem:v56+s0+$0x0] =	vst.idx.msk $0xffff, v12  }
0x307: {  	v57 =	vadd.s32 v5, v40;
	v12 =	vld [tilespmem:s1+$0x70];
	_ =	sdelay $0x4  }
0x308: {  	[tilespmem:v57+s0+$0x0] =	vst.idx.msk $0xffff, v12  }
0x309: {  	v58 =	vadd.s32 v6, v8;
	v12 =	vld [tilespmem:s1+$0x1000];
	_ =	sdelay $0x4  }
0x30a: {  	[tilespmem:v58+s0+$0x0] =	vst.idx.msk $0xffff, v12  }
0x30b: {  	v8 =	vadd.s32 v7, v8;
	v12 =	vld [tilespmem:s1+$0x1010];
	_ =	sdelay $0x4  }
0x30c: {  	[tilespmem:v8+s0+$0x0] =	vst.idx.msk $0xffff, v12  }
0x30d: {  	v59 =	vadd.s32 v6, v36;
	v8 =	vld [tilespmem:s1+$0x1020];
	_ =	sdelay $0x4  }
0x30e: {  	[tilespmem:v59+s0+$0x0] =	vst.idx.msk $0xffff, v8  }
0x30f: {  	v9 =	vadd.s32 v7, v36;
	v8 =	vld [tilespmem:s1+$0x1030];
	_ =	sdelay $0x4  }
0x310: {  	[tilespmem:v9+s0+$0x0] =	vst.idx.msk $0xffff, v8  }
0x311: {  	v60 =	vadd.s32 v6, v38;
	v8 =	vld [tilespmem:s1+$0x1040];
	_ =	sdelay $0x4  }
0x312: {  	[tilespmem:v60+s0+$0x0] =	vst.idx.msk $0xffff, v8  }
0x313: {  	v61 =	vadd.s32 v7, v38;
	v8 =	vld [tilespmem:s1+$0x1050];
	_ =	sdelay $0x4  }
0x314: {  	[tilespmem:v61+s0+$0x0] =	vst.idx.msk $0xffff, v8  }
0x315: {  	v62 =	vadd.s32 v6, v40;
	v8 =	vld [tilespmem:s1+$0x1060];
	_ =	sdelay $0x3  }
0x316: {  	s6 =	sshll.u32 s31, $0x1;
	s8 =	rddreg [dreg:$0x3]  }
0x317: {  	s2 =	sadd.s32 s8, s6;
	[tilespmem:v62+s0+$0x0] =	vst.idx.msk $0xffff, v8  }
0x318: {  	v63 =	vadd.s32 v7, v40;
	s12 =	sshll.u32 s2, $0xC;
	s2 =	sshll.u32 s2, $0xE;
	v8 =	vld [tilespmem:s1+$0x1070]  }
0x319: {  	s2 =	sand.u32 $0x7FF80000, s2;
	s1 =	sand.u32 $0x1E000, s12  }
0x31a: {  	s1 =	sor.u32 s1, s2  }
0x31b: {  	s2 =	sshrl.u32 s1, $0x3  }
0x31c: {  	s29 =	simm.s32 $0xE488;
	s1 =	sadd.s32 s10, s2  }
0x31d: {  	s5 =	simm.s32 $0xE400;
	s6 =	simm.s32 $0x10;
	s8 =	sadd.s32 $0x0, s1;
	[tilespmem:v63+s0+$0x0] =	vst.idx.msk $0xffff, v8  }
.LBB2_25:
0x31e: {  	[hbm4b:s8+s3] =	stream.linear.scatter [tilespmem:s5], [sflag:$0x3], $0x80, $0x38;
	[tilespmem:$0x16C00] =	vst v63  }
0x31f: {  	s8 =	smov.u32 s6;
	s5 =	smov.u32 s29;
	p0 =	sne.s32 s6, $0x1F0  }
.Ltmp11:
0x320: {  	s6 =	sadd.s32 $0x10, s6;
	(pc) =	sbr.rel @p0 .LBB2_25-.Ltmp11, $2  }
0x321: {  	_ =	sdelay $0x2  }
0x322: {  	s29 =	sadd.s32 $0x88, s29;
	s8 =	sadd.s32 s8, s1  }
0x323: {  	[hbm4b:s8+s3] =	stream.linear.scatter [tilespmem:s5], [sflag:$0x3], $0x80, $0x38;
	[tilespmem:$0x16C00] =	vst v63  }
0x324: {  	s1 =	rddreg [dreg:$0x5]  }
0x325: {  	s5 =	simm.s32 $0xF500;
	s1 =	sadd.s32 s2, s1  }
0x326: {  	s6 =	simm.s32 $0x10;
	s29 =	simm.s32 $0xF588;
	s8 =	sadd.s32 $0x0, s1  }
.LBB2_27:
0x327: {  	[hbm4b:s8+s3] =	stream.linear.scatter [tilespmem:s5], [sflag:$0x3], $0x80, $0x38;
	[tilespmem:$0x16C00] =	vst v63  }
0x328: {  	s8 =	smov.u32 s6;
	s5 =	smov.u32 s29;
	p0 =	sne.s32 s6, $0x1F0  }
.Ltmp12:
0x329: {  	s6 =	sadd.s32 $0x10, s6;
	(pc) =	sbr.rel @p0 .LBB2_27-.Ltmp12, $2  }
0x32a: {  	_ =	sdelay $0x2  }
0x32b: {  	s29 =	sadd.s32 $0x88, s29;
	s8 =	sadd.s32 s8, s1  }
0x32c: {  	[hbm4b:s8+s3] =	stream.linear.scatter [tilespmem:s5], [sflag:$0x3], $0x80, $0x38;
	[tilespmem:$0x16C00] =	vst v63  }
0x32d: {  	s1 =	rddreg [dreg:$0x6]  }
0x32e: {  	s5 =	simm.s32 $0x10600;
	s1 =	sadd.s32 s2, s1  }
0x32f: {  	s6 =	simm.s32 $0x10;
	s29 =	simm.s32 $0x10688;
	s8 =	sadd.s32 $0x0, s1  }
.LBB2_29:
0x330: {  	[hbm4b:s8+s3] =	stream.linear.scatter [tilespmem:s5], [sflag:$0x3], $0x80, $0x38;
	[tilespmem:$0x16C00] =	vst v63  }
0x331: {  	s8 =	smov.u32 s6;
	s5 =	smov.u32 s29;
	p0 =	sne.s32 s6, $0x1F0  }
.Ltmp13:
0x332: {  	s6 =	sadd.s32 $0x10, s6;
	(pc) =	sbr.rel @p0 .LBB2_29-.Ltmp13, $2  }
0x333: {  	_ =	sdelay $0x2  }
0x334: {  	s29 =	sadd.s32 $0x88, s29;
	s8 =	sadd.s32 s8, s1  }
0x335: {  	[hbm4b:s8+s3] =	stream.linear.scatter [tilespmem:s5], [sflag:$0x3], $0x80, $0x38;
	[tilespmem:$0x16C00] =	vst v63  }
0x336: {  	s1 =	rddreg [dreg:$0x7]  }
0x337: {  	s5 =	simm.s32 $0x11700;
	s1 =	sadd.s32 s2, s1  }
0x338: {  	s6 =	simm.s32 $0x10;
	s29 =	simm.s32 $0x11788;
	s8 =	sadd.s32 $0x0, s1  }
.LBB2_31:
0x339: {  	[hbm4b:s8+s3] =	stream.linear.scatter [tilespmem:s5], [sflag:$0x3], $0x80, $0x38;
	[tilespmem:$0x16C00] =	vst v63  }
0x33a: {  	s8 =	smov.u32 s6;
	s5 =	smov.u32 s29;
	p0 =	sne.s32 s6, $0x1F0  }
.Ltmp14:
0x33b: {  	s6 =	sadd.s32 $0x10, s6;
	(pc) =	sbr.rel @p0 .LBB2_31-.Ltmp14, $2  }
0x33c: {  	_ =	sdelay $0x2  }
0x33d: {  	s29 =	sadd.s32 $0x88, s29;
	s8 =	sadd.s32 s8, s1  }
0x33e: {  	[hbm4b:s8+s3] =	stream.linear.scatter [tilespmem:s5], [sflag:$0x3], $0x80, $0x38;
	[tilespmem:$0x16C00] =	vst v63  }
0x33f: {  	s1 =	sshll.u32 s31, $0xC  }
0x340: {  	s6 =	simm.s32 $0x200;
	s5 =	sshra.s32 s1, $0x2  }
0x341: {  	s12 =	simm.s32 $0x6400;
	s8 =	simm.s32 $0x2;
	s1 =	sadd.s32 $0x400, s5  }
0x342: {  	[tilespmem:s12], [sflag:$0x1] =	stream.indirect.gather [hbm4b:s4+s6], $0x20, s1, s6, $0xb8;
	[tilespmem:$0x16C00] =	vst v63  }
0x343: {  	_ =	swait.ge [sflag:s8], $0x4000  }
0x344: {  	[sflag:s8] =	ssyncset.done $0x0  }
0x345: {  	[sflag:s8] =	ssyncadd.s32 $0xFFFFC000  }
0x346: {  	_ =	swait.ge [sflag:s30], $0x1000  }
0x347: {  	[sflag:s30] =	ssyncset.done $0x0  }
0x348: {  	[sflag:s30] =	ssyncadd.s32 $0xFFFFF000  }
0x349: {  	_ =	swait.ge [sflag:s30], $0x1000  }
0x34a: {  	[sflag:s30] =	ssyncset.done $0x0  }
0x34b: {  	[sflag:s30] =	ssyncadd.s32 $0xFFFFF000  }
0x34c: {  	_ =	swait.ge [sflag:s30], $0x1000  }
0x34d: {  	[sflag:s30] =	ssyncset.done $0x0  }
0x34e: {  	[sflag:s30] =	ssyncadd.s32 $0xFFFFF000  }
0x34f: {  	s12 =	simm.s32 $0x0;
	_ =	swait.ge [sflag:s30], $0x1000  }
0x350: {  	v8 =	vmov s12;
	[sflag:s30] =	ssyncset.done $0x0  }
0x351: {  	s29 =	simm.s32 $0xC400;
	v8 =	vand.u32 $0x7C, v8;
	[sflag:s30] =	ssyncadd.s32 $0xFFFFF000  }
0x352: {  	v10 =	vadd.s32 v0, v8;
	v9 =	vld [tilespmem:s29+$0xFFFFE000];
	_ =	sdelay $0x4  }
0x353: {  	[tilespmem:v10+s26+$0x0] =	vst.idx.msk $0xffff, v9  }
0x354: {  	v10 =	vadd.s32 v1, v8;
	v9 =	vld [tilespmem:s29+$0xFFFFE010];
	_ =	sdelay $0x2  }
0x355: {  	s6 =	simm.s32 $0x1  }
0x356: {  	v11 =	vmov s6  }
0x357: {  	[tilespmem:v10+s26+$0x0] =	vst.idx.msk $0xffff, v9;
	v9 =	vand.u32 $0x7D, v11  }
0x358: {  	v10 =	vld [tilespmem:s29+$0xFFFFE020];
	v11 =	vadd.s32 v0, v9;
	_ =	sdelay $0x4  }
0x359: {  	[tilespmem:v11+s26+$0x0] =	vst.idx.msk $0xffff, v10  }
0x35a: {  	v11 =	vadd.s32 v1, v9;
	v10 =	vld [tilespmem:s29+$0xFFFFE030];
	_ =	sdelay $0x2  }
0x35b: {  	s8 =	simm.s32 $0x2  }
0x35c: {  	v12 =	vmov s8  }
0x35d: {  	[tilespmem:v11+s26+$0x0] =	vst.idx.msk $0xffff, v10;
	v10 =	vand.u32 $0x7E, v12  }
0x35e: {  	v11 =	vld [tilespmem:s29+$0xFFFFE040];
	v12 =	vadd.s32 v0, v10;
	_ =	sdelay $0x4  }
0x35f: {  	[tilespmem:v12+s26+$0x0] =	vst.idx.msk $0xffff, v11  }
0x360: {  	v44 =	vadd.s32 v1, v10;
	v11 =	vld [tilespmem:s29+$0xFFFFE050];
	_ =	sdelay $0x2  }
0x361: {  	s12 =	simm.s32 $0x3  }
0x362: {  	v13 =	vmov s12  }
0x363: {  	[tilespmem:v44+s26+$0x0] =	vst.idx.msk $0xffff, v11;
	v11 =	vand.u32 $0x7F, v13  }
0x364: {  	v12 =	vld [tilespmem:s29+$0xFFFFE060];
	v13 =	vadd.s32 v0, v11;
	_ =	sdelay $0x4  }
0x365: {  	[tilespmem:v13+s26+$0x0] =	vst.idx.msk $0xffff, v12  }
0x366: {  	v45 =	vadd.s32 v1, v11;
	v12 =	vld [tilespmem:s29+$0xFFFFE070];
	_ =	sdelay $0x4  }
0x367: {  	[tilespmem:v45+s26+$0x0] =	vst.idx.msk $0xffff, v12  }
0x368: {  	v46 =	vadd.s32 v2, v8;
	v12 =	vld [tilespmem:s29+$0xFFFFF000];
	_ =	sdelay $0x4  }
0x369: {  	[tilespmem:v46+s26+$0x0] =	vst.idx.msk $0xffff, v12  }
0x36a: {  	v47 =	vadd.s32 v3, v8;
	v12 =	vld [tilespmem:s29+$0xFFFFF010];
	_ =	sdelay $0x4  }
0x36b: {  	[tilespmem:v47+s26+$0x0] =	vst.idx.msk $0xffff, v12  }
0x36c: {  	v48 =	vadd.s32 v2, v9;
	v12 =	vld [tilespmem:s29+$0xFFFFF020];
	_ =	sdelay $0x4  }
0x36d: {  	[tilespmem:v48+s26+$0x0] =	vst.idx.msk $0xffff, v12  }
0x36e: {  	v49 =	vadd.s32 v3, v9;
	v12 =	vld [tilespmem:s29+$0xFFFFF030];
	_ =	sdelay $0x4  }
0x36f: {  	[tilespmem:v49+s26+$0x0] =	vst.idx.msk $0xffff, v12  }
0x370: {  	v50 =	vadd.s32 v2, v10;
	v12 =	vld [tilespmem:s29+$0xFFFFF040];
	_ =	sdelay $0x4  }
0x371: {  	[tilespmem:v50+s26+$0x0] =	vst.idx.msk $0xffff, v12  }
0x372: {  	v51 =	vadd.s32 v3, v10;
	v12 =	vld [tilespmem:s29+$0xFFFFF050];
	_ =	sdelay $0x4  }
0x373: {  	[tilespmem:v51+s26+$0x0] =	vst.idx.msk $0xffff, v12  }
0x374: {  	v52 =	vadd.s32 v2, v11;
	v12 =	vld [tilespmem:s29+$0xFFFFF060];
	_ =	sdelay $0x4  }
0x375: {  	[tilespmem:v52+s26+$0x0] =	vst.idx.msk $0xffff, v12  }
0x376: {  	v53 =	vadd.s32 v3, v11;
	v12 =	vld [tilespmem:s29+$0xFFFFF070];
	_ =	sdelay $0x4  }
0x377: {  	[tilespmem:v53+s26+$0x0] =	vst.idx.msk $0xffff, v12  }
0x378: {  	v54 =	vadd.s32 v4, v8;
	v12 =	vld [tilespmem:s29+$0x0];
	_ =	sdelay $0x4  }
0x379: {  	[tilespmem:v54+s26+$0x0] =	vst.idx.msk $0xffff, v12  }
0x37a: {  	v55 =	vadd.s32 v5, v8;
	v12 =	vld [tilespmem:s29+$0x10];
	_ =	sdelay $0x4  }
0x37b: {  	[tilespmem:v55+s26+$0x0] =	vst.idx.msk $0xffff, v12  }
0x37c: {  	v56 =	vadd.s32 v4, v9;
	v12 =	vld [tilespmem:s29+$0x20];
	_ =	sdelay $0x4  }
0x37d: {  	[tilespmem:v56+s26+$0x0] =	vst.idx.msk $0xffff, v12  }
0x37e: {  	v57 =	vadd.s32 v5, v9;
	v12 =	vld [tilespmem:s29+$0x30];
	_ =	sdelay $0x4  }
0x37f: {  	[tilespmem:v57+s26+$0x0] =	vst.idx.msk $0xffff, v12  }
0x380: {  	v58 =	vadd.s32 v4, v10;
	v12 =	vld [tilespmem:s29+$0x40];
	_ =	sdelay $0x4  }
0x381: {  	[tilespmem:v58+s26+$0x0] =	vst.idx.msk $0xffff, v12  }
0x382: {  	v59 =	vadd.s32 v5, v10;
	v12 =	vld [tilespmem:s29+$0x50];
	_ =	sdelay $0x4  }
0x383: {  	[tilespmem:v59+s26+$0x0] =	vst.idx.msk $0xffff, v12  }
0x384: {  	v60 =	vadd.s32 v4, v11;
	v12 =	vld [tilespmem:s29+$0x60];
	_ =	sdelay $0x4  }
0x385: {  	[tilespmem:v60+s26+$0x0] =	vst.idx.msk $0xffff, v12  }
0x386: {  	v61 =	vadd.s32 v5, v11;
	v12 =	vld [tilespmem:s29+$0x70];
	_ =	sdelay $0x4  }
0x387: {  	[tilespmem:v61+s26+$0x0] =	vst.idx.msk $0xffff, v12  }
0x388: {  	v62 =	vadd.s32 v6, v8;
	v12 =	vld [tilespmem:s29+$0x1000];
	_ =	sdelay $0x4  }
0x389: {  	[tilespmem:v62+s26+$0x0] =	vst.idx.msk $0xffff, v12  }
0x38a: {  	v8 =	vadd.s32 v7, v8;
	v12 =	vld [tilespmem:s29+$0x1010];
	_ =	sdelay $0x4  }
0x38b: {  	[tilespmem:v8+s26+$0x0] =	vst.idx.msk $0xffff, v12  }
0x38c: {  	v63 =	vadd.s32 v6, v9;
	v8 =	vld [tilespmem:s29+$0x1020];
	_ =	sdelay $0x4  }
0x38d: {  	[tilespmem:v63+s26+$0x0] =	vst.idx.msk $0xffff, v8  }
0x38e: {  	v9 =	vadd.s32 v7, v9;
	v8 =	vld [tilespmem:s29+$0x1030];
	_ =	sdelay $0x4  }
0x38f: {  	[tilespmem:v9+s26+$0x0] =	vst.idx.msk $0xffff, v8  }
0x390: {  	v9 =	vadd.s32 v6, v10;
	v8 =	vld [tilespmem:s29+$0x1040];
	_ =	sdelay $0x4  }
0x391: {  	[tilespmem:v9+s26+$0x0] =	vst.idx.msk $0xffff, v8  }
0x392: {  	v9 =	vadd.s32 v7, v10;
	v8 =	vld [tilespmem:s29+$0x1050];
	_ =	sdelay $0x4  }
0x393: {  	[tilespmem:v9+s26+$0x0] =	vst.idx.msk $0xffff, v8  }
0x394: {  	v9 =	vadd.s32 v6, v11;
	v8 =	vld [tilespmem:s29+$0x1060];
	_ =	sdelay $0x4  }
0x395: {  	[tilespmem:v9+s26+$0x0] =	vst.idx.msk $0xffff, v8  }
0x396: {  	v10 =	vadd.s32 v7, v11;
	v9 =	vld [tilespmem:s29+$0x1070];
	_ =	sdelay $0x2  }
0x397: {  	s1 =	simm.s32 $0x4  }
0x398: {  	s6 =	simm.s32 $0x8;
	v8 =	vmov s1  }
.LBB2_33:
0x399: {  	p0 =	sne.s32 s6, $0x7C;
	v8 =	vand.u32 $0x7C, v8;
	[tilespmem:v10+s26+$0x0] =	vst.idx.msk $0xffff, v9;
	s29 =	sadd.s32 $0x80, s29  }
0x39a: {  	v9 =	vld [tilespmem:s29+$0xFFFFE000];
	v10 =	vadd.s32 v0, v8;
	_ =	sdelay $0x4  }
0x39b: {  	[tilespmem:v10+s26+$0x0] =	vst.idx.msk $0xffff, v9  }
0x39c: {  	v10 =	vadd.s32 v1, v8;
	v9 =	vld [tilespmem:s29+$0xFFFFE010];
	_ =	sdelay $0x2  }
0x39d: {  	s8 =	sadd.s32 $0x1, s1  }
0x39e: {  	v11 =	vmov s8  }
0x39f: {  	[tilespmem:v10+s26+$0x0] =	vst.idx.msk $0xffff, v9;
	v9 =	vand.u32 $0x7D, v11  }
0x3a0: {  	v10 =	vld [tilespmem:s29+$0xFFFFE020];
	v11 =	vadd.s32 v0, v9;
	_ =	sdelay $0x4  }
0x3a1: {  	[tilespmem:v11+s26+$0x0] =	vst.idx.msk $0xffff, v10  }
0x3a2: {  	v11 =	vadd.s32 v1, v9;
	v10 =	vld [tilespmem:s29+$0xFFFFE030];
	_ =	sdelay $0x2  }
0x3a3: {  	s8 =	sadd.s32 $0x2, s1  }
0x3a4: {  	v12 =	vmov s8  }
0x3a5: {  	[tilespmem:v11+s26+$0x0] =	vst.idx.msk $0xffff, v10;
	v10 =	vand.u32 $0x7E, v12  }
0x3a6: {  	v11 =	vld [tilespmem:s29+$0xFFFFE040];
	v12 =	vadd.s32 v0, v10;
	_ =	sdelay $0x4  }
0x3a7: {  	[tilespmem:v12+s26+$0x0] =	vst.idx.msk $0xffff, v11  }
0x3a8: {  	v12 =	vadd.s32 v1, v10;
	v11 =	vld [tilespmem:s29+$0xFFFFE050];
	_ =	sdelay $0x2  }
0x3a9: {  	s8 =	sadd.s32 $0x3, s1;
	s1 =	smov.u32 s6  }
0x3aa: {  	v13 =	vmov s8  }
0x3ab: {  	[tilespmem:v12+s26+$0x0] =	vst.idx.msk $0xffff, v11;
	v11 =	vand.u32 $0x7F, v13  }
0x3ac: {  	v12 =	vld [tilespmem:s29+$0xFFFFE060];
	v13 =	vadd.s32 v0, v11;
	_ =	sdelay $0x4  }
0x3ad: {  	[tilespmem:v13+s26+$0x0] =	vst.idx.msk $0xffff, v12  }
0x3ae: {  	v13 =	vadd.s32 v1, v11;
	v12 =	vld [tilespmem:s29+$0xFFFFE070];
	_ =	sdelay $0x4  }
0x3af: {  	[tilespmem:v13+s26+$0x0] =	vst.idx.msk $0xffff, v12  }
0x3b0: {  	v13 =	vadd.s32 v2, v8;
	v12 =	vld [tilespmem:s29+$0xFFFFF000];
	_ =	sdelay $0x4  }
0x3b1: {  	[tilespmem:v13+s26+$0x0] =	vst.idx.msk $0xffff, v12  }
0x3b2: {  	v13 =	vadd.s32 v3, v8;
	v12 =	vld [tilespmem:s29+$0xFFFFF010];
	_ =	sdelay $0x4  }
0x3b3: {  	[tilespmem:v13+s26+$0x0] =	vst.idx.msk $0xffff, v12  }
0x3b4: {  	v13 =	vadd.s32 v2, v9;
	v12 =	vld [tilespmem:s29+$0xFFFFF020];
	_ =	sdelay $0x4  }
0x3b5: {  	[tilespmem:v13+s26+$0x0] =	vst.idx.msk $0xffff, v12  }
0x3b6: {  	v13 =	vadd.s32 v3, v9;
	v12 =	vld [tilespmem:s29+$0xFFFFF030];
	_ =	sdelay $0x4  }
0x3b7: {  	[tilespmem:v13+s26+$0x0] =	vst.idx.msk $0xffff, v12  }
0x3b8: {  	v13 =	vadd.s32 v2, v10;
	v12 =	vld [tilespmem:s29+$0xFFFFF040];
	_ =	sdelay $0x4  }
0x3b9: {  	[tilespmem:v13+s26+$0x0] =	vst.idx.msk $0xffff, v12  }
0x3ba: {  	v13 =	vadd.s32 v3, v10;
	v12 =	vld [tilespmem:s29+$0xFFFFF050];
	_ =	sdelay $0x4  }
0x3bb: {  	[tilespmem:v13+s26+$0x0] =	vst.idx.msk $0xffff, v12  }
0x3bc: {  	v13 =	vadd.s32 v2, v11;
	v12 =	vld [tilespmem:s29+$0xFFFFF060];
	_ =	sdelay $0x4  }
0x3bd: {  	[tilespmem:v13+s26+$0x0] =	vst.idx.msk $0xffff, v12  }
0x3be: {  	v13 =	vadd.s32 v3, v11;
	v12 =	vld [tilespmem:s29+$0xFFFFF070];
	_ =	sdelay $0x4  }
0x3bf: {  	[tilespmem:v13+s26+$0x0] =	vst.idx.msk $0xffff, v12  }
0x3c0: {  	v13 =	vadd.s32 v4, v8;
	v12 =	vld [tilespmem:s29+$0x0];
	_ =	sdelay $0x4  }
0x3c1: {  	[tilespmem:v13+s26+$0x0] =	vst.idx.msk $0xffff, v12  }
0x3c2: {  	v13 =	vadd.s32 v5, v8;
	v12 =	vld [tilespmem:s29+$0x10];
	_ =	sdelay $0x4  }
0x3c3: {  	[tilespmem:v13+s26+$0x0] =	vst.idx.msk $0xffff, v12  }
0x3c4: {  	v13 =	vadd.s32 v4, v9;
	v12 =	vld [tilespmem:s29+$0x20];
	_ =	sdelay $0x4  }
0x3c5: {  	[tilespmem:v13+s26+$0x0] =	vst.idx.msk $0xffff, v12  }
0x3c6: {  	v13 =	vadd.s32 v5, v9;
	v12 =	vld [tilespmem:s29+$0x30];
	_ =	sdelay $0x4  }
0x3c7: {  	[tilespmem:v13+s26+$0x0] =	vst.idx.msk $0xffff, v12  }
0x3c8: {  	v13 =	vadd.s32 v4, v10;
	v12 =	vld [tilespmem:s29+$0x40];
	_ =	sdelay $0x4  }
0x3c9: {  	[tilespmem:v13+s26+$0x0] =	vst.idx.msk $0xffff, v12  }
0x3ca: {  	v13 =	vadd.s32 v5, v10;
	v12 =	vld [tilespmem:s29+$0x50];
	_ =	sdelay $0x4  }
0x3cb: {  	[tilespmem:v13+s26+$0x0] =	vst.idx.msk $0xffff, v12  }
0x3cc: {  	v13 =	vadd.s32 v4, v11;
	v12 =	vld [tilespmem:s29+$0x60];
	_ =	sdelay $0x4  }
0x3cd: {  	[tilespmem:v13+s26+$0x0] =	vst.idx.msk $0xffff, v12  }
0x3ce: {  	v13 =	vadd.s32 v5, v11;
	v12 =	vld [tilespmem:s29+$0x70];
	_ =	sdelay $0x4  }
0x3cf: {  	[tilespmem:v13+s26+$0x0] =	vst.idx.msk $0xffff, v12  }
0x3d0: {  	v13 =	vadd.s32 v6, v8;
	v12 =	vld [tilespmem:s29+$0x1000];
	_ =	sdelay $0x4  }
0x3d1: {  	[tilespmem:v13+s26+$0x0] =	vst.idx.msk $0xffff, v12  }
0x3d2: {  	v8 =	vadd.s32 v7, v8;
	v12 =	vld [tilespmem:s29+$0x1010];
	_ =	sdelay $0x4  }
0x3d3: {  	[tilespmem:v8+s26+$0x0] =	vst.idx.msk $0xffff, v12  }
0x3d4: {  	v12 =	vadd.s32 v6, v9;
	v8 =	vld [tilespmem:s29+$0x1020];
	_ =	sdelay $0x4  }
0x3d5: {  	[tilespmem:v12+s26+$0x0] =	vst.idx.msk $0xffff, v8  }
0x3d6: {  	v9 =	vadd.s32 v7, v9;
	v8 =	vld [tilespmem:s29+$0x1030];
	_ =	sdelay $0x4  }
0x3d7: {  	[tilespmem:v9+s26+$0x0] =	vst.idx.msk $0xffff, v8  }
0x3d8: {  	v9 =	vadd.s32 v6, v10;
	v8 =	vld [tilespmem:s29+$0x1040];
	_ =	sdelay $0x4  }
0x3d9: {  	[tilespmem:v9+s26+$0x0] =	vst.idx.msk $0xffff, v8  }
0x3da: {  	v9 =	vadd.s32 v7, v10;
	v8 =	vld [tilespmem:s29+$0x1050];
	_ =	sdelay $0x4  }
0x3db: {  	[tilespmem:v9+s26+$0x0] =	vst.idx.msk $0xffff, v8  }
0x3dc: {  	v9 =	vadd.s32 v6, v11;
	v8 =	vld [tilespmem:s29+$0x1060];
	_ =	sdelay $0x4  }
0x3dd: {  	[tilespmem:v9+s26+$0x0] =	vst.idx.msk $0xffff, v8  }
.Ltmp15:
0x3de: {  	v10 =	vadd.s32 v7, v11;
	v9 =	vld [tilespmem:s29+$0x1070];
	(pc) =	sbr.rel @p0 .LBB2_33-.Ltmp15, $2  }
0x3df: {  	_ =	sdelay $0x2  }
0x3e0: {  	s6 =	sadd.s32 $0x4, s6;
	v8 =	vmov s1  }
0x3e1: {  	_ =	sdelay $0x3  }
0x3e2: {  	v8 =	vand.u32 $0x7C, v8;
	[tilespmem:v10+s26+$0x0] =	vst.idx.msk $0xffff, v9;
	s6 =	sadd.s32 $0x80, s29  }
0x3e3: {  	v9 =	vld [tilespmem:s6+$0xFFFFE000];
	v34 =	vadd.s32 v0, v8;
	_ =	sdelay $0x4  }
0x3e4: {  	[tilespmem:v34+s26+$0x0] =	vst.idx.msk $0xffff, v9  }
0x3e5: {  	v35 =	vadd.s32 v1, v8;
	v9 =	vld [tilespmem:s6+$0xFFFFE010];
	_ =	sdelay $0x2  }
0x3e6: {  	s8 =	sadd.s32 $0x1, s1  }
0x3e7: {  	v11 =	vmov s8  }
0x3e8: {  	v36 =	vand.u32 $0x7D, v11;
	[tilespmem:v35+s26+$0x0] =	vst.idx.msk $0xffff, v9  }
0x3e9: {  	v11 =	vadd.s32 v0, v36;
	v10 =	vld [tilespmem:s6+$0xFFFFE020];
	_ =	sdelay $0x4  }
0x3ea: {  	[tilespmem:v11+s26+$0x0] =	vst.idx.msk $0xffff, v10  }
0x3eb: {  	v37 =	vadd.s32 v1, v36;
	v10 =	vld [tilespmem:s6+$0xFFFFE030];
	_ =	sdelay $0x2  }
0x3ec: {  	s12 =	sadd.s32 $0x2, s1  }
0x3ed: {  	v12 =	vmov s12  }
0x3ee: {  	v38 =	vand.u32 $0x7E, v12;
	[tilespmem:v37+s26+$0x0] =	vst.idx.msk $0xffff, v10  }
0x3ef: {  	v12 =	vadd.s32 v0, v38;
	v11 =	vld [tilespmem:s6+$0xFFFFE040];
	_ =	sdelay $0x4  }
0x3f0: {  	[tilespmem:v12+s26+$0x0] =	vst.idx.msk $0xffff, v11  }
0x3f1: {  	v39 =	vadd.s32 v1, v38;
	v11 =	vld [tilespmem:s6+$0xFFFFE050];
	_ =	sdelay $0x2  }
0x3f2: {  	s12 =	sadd.s32 $0x3, s1  }
0x3f3: {  	v13 =	vmov s12  }
0x3f4: {  	v40 =	vand.u32 $0x7F, v13;
	[tilespmem:v39+s26+$0x0] =	vst.idx.msk $0xffff, v11  }
0x3f5: {  	v13 =	vadd.s32 v0, v40;
	v12 =	vld [tilespmem:s6+$0xFFFFE060];
	_ =	sdelay $0x4  }
0x3f6: {  	[tilespmem:v13+s26+$0x0] =	vst.idx.msk $0xffff, v12  }
0x3f7: {  	v41 =	vadd.s32 v1, v40;
	v12 =	vld [tilespmem:s6+$0xFFFFE070];
	_ =	sdelay $0x4  }
0x3f8: {  	[tilespmem:v41+s26+$0x0] =	vst.idx.msk $0xffff, v12  }
0x3f9: {  	v42 =	vadd.s32 v2, v8;
	v12 =	vld [tilespmem:s6+$0xFFFFF000];
	_ =	sdelay $0x4  }
0x3fa: {  	[tilespmem:v42+s26+$0x0] =	vst.idx.msk $0xffff, v12  }
0x3fb: {  	v43 =	vadd.s32 v3, v8;
	v12 =	vld [tilespmem:s6+$0xFFFFF010];
	_ =	sdelay $0x4  }
0x3fc: {  	[tilespmem:v43+s26+$0x0] =	vst.idx.msk $0xffff, v12  }
0x3fd: {  	v44 =	vadd.s32 v2, v36;
	v12 =	vld [tilespmem:s6+$0xFFFFF020];
	_ =	sdelay $0x4  }
0x3fe: {  	[tilespmem:v44+s26+$0x0] =	vst.idx.msk $0xffff, v12  }
0x3ff: {  	v45 =	vadd.s32 v3, v36;
	v12 =	vld [tilespmem:s6+$0xFFFFF030];
	_ =	sdelay $0x4  }
0x400: {  	[tilespmem:v45+s26+$0x0] =	vst.idx.msk $0xffff, v12  }
0x401: {  	v46 =	vadd.s32 v2, v38;
	v12 =	vld [tilespmem:s6+$0xFFFFF040];
	_ =	sdelay $0x4  }
0x402: {  	[tilespmem:v46+s26+$0x0] =	vst.idx.msk $0xffff, v12  }
0x403: {  	v47 =	vadd.s32 v3, v38;
	v12 =	vld [tilespmem:s6+$0xFFFFF050];
	_ =	sdelay $0x4  }
0x404: {  	[tilespmem:v47+s26+$0x0] =	vst.idx.msk $0xffff, v12  }
0x405: {  	v48 =	vadd.s32 v2, v40;
	v12 =	vld [tilespmem:s6+$0xFFFFF060];
	_ =	sdelay $0x4  }
0x406: {  	[tilespmem:v48+s26+$0x0] =	vst.idx.msk $0xffff, v12  }
0x407: {  	v49 =	vadd.s32 v3, v40;
	v12 =	vld [tilespmem:s6+$0xFFFFF070];
	_ =	sdelay $0x4  }
0x408: {  	[tilespmem:v49+s26+$0x0] =	vst.idx.msk $0xffff, v12  }
0x409: {  	v50 =	vadd.s32 v4, v8;
	v12 =	vld [tilespmem:s6+$0x0];
	_ =	sdelay $0x4  }
0x40a: {  	[tilespmem:v50+s26+$0x0] =	vst.idx.msk $0xffff, v12  }
0x40b: {  	v51 =	vadd.s32 v5, v8;
	v12 =	vld [tilespmem:s6+$0x10];
	_ =	sdelay $0x4  }
0x40c: {  	[tilespmem:v51+s26+$0x0] =	vst.idx.msk $0xffff, v12  }
0x40d: {  	v52 =	vadd.s32 v4, v36;
	v12 =	vld [tilespmem:s6+$0x20];
	_ =	sdelay $0x4  }
0x40e: {  	[tilespmem:v52+s26+$0x0] =	vst.idx.msk $0xffff, v12  }
0x40f: {  	v53 =	vadd.s32 v5, v36;
	v12 =	vld [tilespmem:s6+$0x30];
	_ =	sdelay $0x4  }
0x410: {  	[tilespmem:v53+s26+$0x0] =	vst.idx.msk $0xffff, v12  }
0x411: {  	v54 =	vadd.s32 v4, v38;
	v12 =	vld [tilespmem:s6+$0x40];
	_ =	sdelay $0x4  }
0x412: {  	[tilespmem:v54+s26+$0x0] =	vst.idx.msk $0xffff, v12  }
0x413: {  	v55 =	vadd.s32 v5, v38;
	v12 =	vld [tilespmem:s6+$0x50];
	_ =	sdelay $0x4  }
0x414: {  	[tilespmem:v55+s26+$0x0] =	vst.idx.msk $0xffff, v12  }
0x415: {  	v56 =	vadd.s32 v4, v40;
	v12 =	vld [tilespmem:s6+$0x60];
	_ =	sdelay $0x4  }
0x416: {  	[tilespmem:v56+s26+$0x0] =	vst.idx.msk $0xffff, v12  }
0x417: {  	v57 =	vadd.s32 v5, v40;
	v12 =	vld [tilespmem:s6+$0x70];
	_ =	sdelay $0x4  }
0x418: {  	[tilespmem:v57+s26+$0x0] =	vst.idx.msk $0xffff, v12  }
0x419: {  	v58 =	vadd.s32 v6, v8;
	v12 =	vld [tilespmem:s6+$0x1000];
	_ =	sdelay $0x4  }
0x41a: {  	[tilespmem:v58+s26+$0x0] =	vst.idx.msk $0xffff, v12  }
0x41b: {  	v8 =	vadd.s32 v7, v8;
	v12 =	vld [tilespmem:s6+$0x1010];
	_ =	sdelay $0x4  }
0x41c: {  	[tilespmem:v8+s26+$0x0] =	vst.idx.msk $0xffff, v12  }
0x41d: {  	v59 =	vadd.s32 v6, v36;
	v8 =	vld [tilespmem:s6+$0x1020];
	_ =	sdelay $0x4  }
0x41e: {  	[tilespmem:v59+s26+$0x0] =	vst.idx.msk $0xffff, v8  }
0x41f: {  	v9 =	vadd.s32 v7, v36;
	v8 =	vld [tilespmem:s6+$0x1030];
	_ =	sdelay $0x4  }
0x420: {  	[tilespmem:v9+s26+$0x0] =	vst.idx.msk $0xffff, v8  }
0x421: {  	v60 =	vadd.s32 v6, v38;
	v8 =	vld [tilespmem:s6+$0x1040];
	_ =	sdelay $0x4  }
0x422: {  	[tilespmem:v60+s26+$0x0] =	vst.idx.msk $0xffff, v8  }
0x423: {  	v61 =	vadd.s32 v7, v38;
	v8 =	vld [tilespmem:s6+$0x1050];
	_ =	sdelay $0x4  }
0x424: {  	[tilespmem:v61+s26+$0x0] =	vst.idx.msk $0xffff, v8  }
0x425: {  	v62 =	vadd.s32 v6, v40;
	v8 =	vld [tilespmem:s6+$0x1060];
	_ =	sdelay $0x4  }
0x426: {  	[tilespmem:v62+s26+$0x0] =	vst.idx.msk $0xffff, v8  }
0x427: {  	v63 =	vadd.s32 v7, v40;
	v8 =	vld [tilespmem:s6+$0x1070];
	_ =	sdelay $0x2  }
0x428: {  	s1 =	sor.u32 $0x200, s2  }
0x429: {  	s29 =	simm.s32 $0x10;
	s8 =	simm.s32 $0x12888;
	s2 =	sadd.s32 s10, s1  }
0x42a: {  	s12 =	smov.u32 s10;
	s10 =	sadd.s32 $0x0, s2;
	s6 =	simm.s32 $0x12800;
	[tilespmem:v63+s26+$0x0] =	vst.idx.msk $0xffff, v8  }
.LBB2_35:
0x42b: {  	[hbm4b:s10+s3] =	stream.linear.scatter [tilespmem:s6], [sflag:$0x4], $0x80, $0x38;
	[tilespmem:$0x16C00] =	vst v63  }
0x42c: {  	s10 =	smov.u32 s29;
	s6 =	smov.u32 s8;
	p0 =	sne.s32 s29, $0x1F0  }
.Ltmp16:
0x42d: {  	s29 =	sadd.s32 $0x10, s29;
	(pc) =	sbr.rel @p0 .LBB2_35-.Ltmp16, $2  }
0x42e: {  	_ =	sdelay $0x2  }
0x42f: {  	s8 =	sadd.s32 $0x88, s8;
	s10 =	sadd.s32 s10, s2  }
0x430: {  	[hbm4b:s10+s3] =	stream.linear.scatter [tilespmem:s6], [sflag:$0x4], $0x80, $0x38;
	[tilespmem:$0x16C00] =	vst v63  }
0x431: {  	s2 =	rddreg [dreg:$0x5]  }
0x432: {  	s6 =	simm.s32 $0x13900;
	s2 =	sadd.s32 s1, s2  }
0x433: {  	s29 =	simm.s32 $0x10;
	s8 =	simm.s32 $0x13988;
	s10 =	sadd.s32 $0x0, s2  }
.LBB2_37:
0x434: {  	[hbm4b:s10+s3] =	stream.linear.scatter [tilespmem:s6], [sflag:$0x4], $0x80, $0x38;
	[tilespmem:$0x16C00] =	vst v63  }
0x435: {  	s10 =	smov.u32 s29;
	s6 =	smov.u32 s8;
	p0 =	sne.s32 s29, $0x1F0  }
.Ltmp17:
0x436: {  	s29 =	sadd.s32 $0x10, s29;
	(pc) =	sbr.rel @p0 .LBB2_37-.Ltmp17, $2  }
0x437: {  	_ =	sdelay $0x2  }
0x438: {  	s8 =	sadd.s32 $0x88, s8;
	s10 =	sadd.s32 s10, s2  }
0x439: {  	[hbm4b:s10+s3] =	stream.linear.scatter [tilespmem:s6], [sflag:$0x4], $0x80, $0x38;
	[tilespmem:$0x16C00] =	vst v63  }
0x43a: {  	s2 =	rddreg [dreg:$0x6]  }
0x43b: {  	s6 =	simm.s32 $0x14A00;
	s2 =	sadd.s32 s1, s2  }
0x43c: {  	s29 =	simm.s32 $0x10;
	s8 =	simm.s32 $0x14A88;
	s10 =	sadd.s32 $0x0, s2  }
.LBB2_39:
0x43d: {  	[hbm4b:s10+s3] =	stream.linear.scatter [tilespmem:s6], [sflag:$0x4], $0x80, $0x38;
	[tilespmem:$0x16C00] =	vst v63  }
0x43e: {  	s10 =	smov.u32 s29;
	s6 =	smov.u32 s8;
	p0 =	sne.s32 s29, $0x1F0  }
.Ltmp18:
0x43f: {  	s29 =	sadd.s32 $0x10, s29;
	(pc) =	sbr.rel @p0 .LBB2_39-.Ltmp18, $2  }
0x440: {  	_ =	sdelay $0x2  }
0x441: {  	s8 =	sadd.s32 $0x88, s8;
	s10 =	sadd.s32 s10, s2  }
0x442: {  	[hbm4b:s10+s3] =	stream.linear.scatter [tilespmem:s6], [sflag:$0x4], $0x80, $0x38;
	[tilespmem:$0x16C00] =	vst v63  }
0x443: {  	s2 =	rddreg [dreg:$0x7]  }
0x444: {  	s6 =	simm.s32 $0x10;
	s1 =	sadd.s32 s1, s2  }
0x445: {  	s8 =	simm.s32 $0x15B88;
	s2 =	simm.s32 $0x15B00;
	s10 =	sadd.s32 $0x0, s1  }
.LBB2_41:
0x446: {  	[hbm4b:s10+s3] =	stream.linear.scatter [tilespmem:s2], [sflag:$0x4], $0x80, $0x38;
	[tilespmem:$0x16C00] =	vst v63  }
0x447: {  	s10 =	smov.u32 s6;
	s2 =	smov.u32 s8;
	p0 =	sne.s32 s6, $0x1F0  }
.Ltmp19:
0x448: {  	s6 =	sadd.s32 $0x10, s6;
	(pc) =	sbr.rel @p0 .LBB2_41-.Ltmp19, $2  }
0x449: {  	_ =	sdelay $0x2  }
0x44a: {  	s8 =	sadd.s32 $0x88, s8;
	s10 =	sadd.s32 s10, s1  }
0x44b: {  	s31 =	sadd.s32 $0x1, s31  }
0x44c: {  	p0 =	sne.s32 s31, $0x18  }
.Ltmp20:
0x44d: {  	_ = 	snop;
	(pc) =	sbr.rel @p0 .LBB2_22-.Ltmp20, $4  }
0x44e: {  	[hbm4b:s10+s3] =	stream.linear.scatter [tilespmem:s2], [sflag:$0x4], $0x80, $0x38;
	[tilespmem:$0x16C00] =	vst v63  }
0x44f: {  	s1 =	sadd.s32 $0x600, s5;
	s10 =	simm.s32 $0x200;
	s29 =	simm.s32 $0xA400  }
0x450: {  	[tilespmem:s29], [sflag:$0x2] =	stream.indirect.gather [hbm4b:s4+s10], $0x20, s1, s10, $0xb8;
	[tilespmem:$0x16C00] =	vst v63  }
0x451: {  	s10 =	smov.u32 s12  }
0x452: {  	s1 =	simm.s32 $0x1  }
0x453: {  	_ =	swait.ge [sflag:s1], $0x4000  }
0x454: {  	[sflag:s1] =	ssyncset.done $0x0  }
0x455: {  	[sflag:s1] =	ssyncadd.s32 $0xFFFFC000  }
0x456: {  	_ =	swait.ge [sflag:s28], $0x1000  }
0x457: {  	[sflag:s28] =	ssyncset.done $0x0  }
0x458: {  	[sflag:s28] =	ssyncadd.s32 $0xFFFFF000  }
0x459: {  	_ =	swait.ge [sflag:s28], $0x1000  }
0x45a: {  	[sflag:s28] =	ssyncset.done $0x0  }
0x45b: {  	[sflag:s28] =	ssyncadd.s32 $0xFFFFF000  }
0x45c: {  	_ =	swait.ge [sflag:s28], $0x1000  }
0x45d: {  	[sflag:s28] =	ssyncset.done $0x0  }
0x45e: {  	[sflag:s28] =	ssyncadd.s32 $0xFFFFF000  }
0x45f: {  	s8 =	simm.s32 $0x0;
	_ =	swait.ge [sflag:s28], $0x1000  }
0x460: {  	v8 =	vmov s8;
	[sflag:s28] =	ssyncset.done $0x0  }
0x461: {  	s2 =	simm.s32 $0x8400;
	v8 =	vand.u32 $0x7C, v8;
	[sflag:s28] =	ssyncadd.s32 $0xFFFFF000  }
0x462: {  	v10 =	vadd.s32 v0, v8;
	v9 =	vld [tilespmem:s2+$0xFFFFE000];
	_ =	sdelay $0x4  }
0x463: {  	[tilespmem:v10+s0+$0x0] =	vst.idx.msk $0xffff, v9  }
0x464: {  	v10 =	vadd.s32 v1, v8;
	v9 =	vld [tilespmem:s2+$0xFFFFE010];
	_ =	sdelay $0x2  }
0x465: {  	s12 =	simm.s32 $0x1  }
0x466: {  	v11 =	vmov s12  }
0x467: {  	[tilespmem:v10+s0+$0x0] =	vst.idx.msk $0xffff, v9;
	v9 =	vand.u32 $0x7D, v11  }
0x468: {  	v10 =	vld [tilespmem:s2+$0xFFFFE020];
	v11 =	vadd.s32 v0, v9;
	_ =	sdelay $0x4  }
0x469: {  	[tilespmem:v11+s0+$0x0] =	vst.idx.msk $0xffff, v10  }
0x46a: {  	v11 =	vadd.s32 v1, v9;
	v10 =	vld [tilespmem:s2+$0xFFFFE030];
	_ =	sdelay $0x2  }
0x46b: {  	s29 =	simm.s32 $0x2  }
0x46c: {  	v12 =	vmov s29  }
0x46d: {  	[tilespmem:v11+s0+$0x0] =	vst.idx.msk $0xffff, v10;
	v10 =	vand.u32 $0x7E, v12  }
0x46e: {  	v11 =	vld [tilespmem:s2+$0xFFFFE040];
	v12 =	vadd.s32 v0, v10;
	_ =	sdelay $0x4  }
0x46f: {  	[tilespmem:v12+s0+$0x0] =	vst.idx.msk $0xffff, v11  }
0x470: {  	v44 =	vadd.s32 v1, v10;
	v11 =	vld [tilespmem:s2+$0xFFFFE050];
	_ =	sdelay $0x2  }
0x471: {  	s31 =	simm.s32 $0x3  }
0x472: {  	v13 =	vmov s31  }
0x473: {  	[tilespmem:v44+s0+$0x0] =	vst.idx.msk $0xffff, v11;
	v11 =	vand.u32 $0x7F, v13  }
0x474: {  	v12 =	vld [tilespmem:s2+$0xFFFFE060];
	v13 =	vadd.s32 v0, v11;
	_ =	sdelay $0x4  }
0x475: {  	[tilespmem:v13+s0+$0x0] =	vst.idx.msk $0xffff, v12  }
0x476: {  	v45 =	vadd.s32 v1, v11;
	v12 =	vld [tilespmem:s2+$0xFFFFE070];
	_ =	sdelay $0x4  }
0x477: {  	[tilespmem:v45+s0+$0x0] =	vst.idx.msk $0xffff, v12  }
0x478: {  	v46 =	vadd.s32 v2, v8;
	v12 =	vld [tilespmem:s2+$0xFFFFF000];
	_ =	sdelay $0x4  }
0x479: {  	[tilespmem:v46+s0+$0x0] =	vst.idx.msk $0xffff, v12  }
0x47a: {  	v47 =	vadd.s32 v3, v8;
	v12 =	vld [tilespmem:s2+$0xFFFFF010];
	_ =	sdelay $0x4  }
0x47b: {  	[tilespmem:v47+s0+$0x0] =	vst.idx.msk $0xffff, v12  }
0x47c: {  	v48 =	vadd.s32 v2, v9;
	v12 =	vld [tilespmem:s2+$0xFFFFF020];
	_ =	sdelay $0x4  }
0x47d: {  	[tilespmem:v48+s0+$0x0] =	vst.idx.msk $0xffff, v12  }
0x47e: {  	v49 =	vadd.s32 v3, v9;
	v12 =	vld [tilespmem:s2+$0xFFFFF030];
	_ =	sdelay $0x4  }
0x47f: {  	[tilespmem:v49+s0+$0x0] =	vst.idx.msk $0xffff, v12  }
0x480: {  	v50 =	vadd.s32 v2, v10;
	v12 =	vld [tilespmem:s2+$0xFFFFF040];
	_ =	sdelay $0x4  }
0x481: {  	[tilespmem:v50+s0+$0x0] =	vst.idx.msk $0xffff, v12  }
0x482: {  	v51 =	vadd.s32 v3, v10;
	v12 =	vld [tilespmem:s2+$0xFFFFF050];
	_ =	sdelay $0x4  }
0x483: {  	[tilespmem:v51+s0+$0x0] =	vst.idx.msk $0xffff, v12  }
0x484: {  	v52 =	vadd.s32 v2, v11;
	v12 =	vld [tilespmem:s2+$0xFFFFF060];
	_ =	sdelay $0x4  }
0x485: {  	[tilespmem:v52+s0+$0x0] =	vst.idx.msk $0xffff, v12  }
0x486: {  	v53 =	vadd.s32 v3, v11;
	v12 =	vld [tilespmem:s2+$0xFFFFF070];
	_ =	sdelay $0x4  }
0x487: {  	[tilespmem:v53+s0+$0x0] =	vst.idx.msk $0xffff, v12  }
0x488: {  	v54 =	vadd.s32 v4, v8;
	v12 =	vld [tilespmem:s2+$0x0];
	_ =	sdelay $0x4  }
0x489: {  	[tilespmem:v54+s0+$0x0] =	vst.idx.msk $0xffff, v12  }
0x48a: {  	v55 =	vadd.s32 v5, v8;
	v12 =	vld [tilespmem:s2+$0x10];
	_ =	sdelay $0x4  }
0x48b: {  	[tilespmem:v55+s0+$0x0] =	vst.idx.msk $0xffff, v12  }
0x48c: {  	v56 =	vadd.s32 v4, v9;
	v12 =	vld [tilespmem:s2+$0x20];
	_ =	sdelay $0x4  }
0x48d: {  	[tilespmem:v56+s0+$0x0] =	vst.idx.msk $0xffff, v12  }
0x48e: {  	v57 =	vadd.s32 v5, v9;
	v12 =	vld [tilespmem:s2+$0x30];
	_ =	sdelay $0x4  }
0x48f: {  	[tilespmem:v57+s0+$0x0] =	vst.idx.msk $0xffff, v12  }
0x490: {  	v58 =	vadd.s32 v4, v10;
	v12 =	vld [tilespmem:s2+$0x40];
	_ =	sdelay $0x4  }
0x491: {  	[tilespmem:v58+s0+$0x0] =	vst.idx.msk $0xffff, v12  }
0x492: {  	v59 =	vadd.s32 v5, v10;
	v12 =	vld [tilespmem:s2+$0x50];
	_ =	sdelay $0x4  }
0x493: {  	[tilespmem:v59+s0+$0x0] =	vst.idx.msk $0xffff, v12  }
0x494: {  	v60 =	vadd.s32 v4, v11;
	v12 =	vld [tilespmem:s2+$0x60];
	_ =	sdelay $0x4  }
0x495: {  	[tilespmem:v60+s0+$0x0] =	vst.idx.msk $0xffff, v12  }
0x496: {  	v61 =	vadd.s32 v5, v11;
	v12 =	vld [tilespmem:s2+$0x70];
	_ =	sdelay $0x4  }
0x497: {  	[tilespmem:v61+s0+$0x0] =	vst.idx.msk $0xffff, v12  }
0x498: {  	v62 =	vadd.s32 v6, v8;
	v12 =	vld [tilespmem:s2+$0x1000];
	_ =	sdelay $0x4  }
0x499: {  	[tilespmem:v62+s0+$0x0] =	vst.idx.msk $0xffff, v12  }
0x49a: {  	v8 =	vadd.s32 v7, v8;
	v12 =	vld [tilespmem:s2+$0x1010];
	_ =	sdelay $0x4  }
0x49b: {  	[tilespmem:v8+s0+$0x0] =	vst.idx.msk $0xffff, v12  }
0x49c: {  	v63 =	vadd.s32 v6, v9;
	v8 =	vld [tilespmem:s2+$0x1020];
	_ =	sdelay $0x4  }
0x49d: {  	[tilespmem:v63+s0+$0x0] =	vst.idx.msk $0xffff, v8  }
0x49e: {  	v9 =	vadd.s32 v7, v9;
	v8 =	vld [tilespmem:s2+$0x1030];
	_ =	sdelay $0x4  }
0x49f: {  	[tilespmem:v9+s0+$0x0] =	vst.idx.msk $0xffff, v8  }
0x4a0: {  	v9 =	vadd.s32 v6, v10;
	v8 =	vld [tilespmem:s2+$0x1040];
	_ =	sdelay $0x4  }
0x4a1: {  	[tilespmem:v9+s0+$0x0] =	vst.idx.msk $0xffff, v8  }
0x4a2: {  	v9 =	vadd.s32 v7, v10;
	v8 =	vld [tilespmem:s2+$0x1050];
	_ =	sdelay $0x4  }
0x4a3: {  	[tilespmem:v9+s0+$0x0] =	vst.idx.msk $0xffff, v8  }
0x4a4: {  	v9 =	vadd.s32 v6, v11;
	v8 =	vld [tilespmem:s2+$0x1060];
	_ =	sdelay $0x4  }
0x4a5: {  	[tilespmem:v9+s0+$0x0] =	vst.idx.msk $0xffff, v8  }
0x4a6: {  	v10 =	vadd.s32 v7, v11;
	v9 =	vld [tilespmem:s2+$0x1070];
	_ =	sdelay $0x2  }
0x4a7: {  	s1 =	simm.s32 $0x4  }
0x4a8: {  	s5 =	simm.s32 $0x8;
	v8 =	vmov s1  }
.LBB2_44:
0x4a9: {  	p0 =	sne.s32 s5, $0x7C;
	v8 =	vand.u32 $0x7C, v8;
	[tilespmem:v10+s0+$0x0] =	vst.idx.msk $0xffff, v9;
	s2 =	sadd.s32 $0x80, s2  }
0x4aa: {  	v9 =	vld [tilespmem:s2+$0xFFFFE000];
	v10 =	vadd.s32 v0, v8;
	_ =	sdelay $0x4  }
0x4ab: {  	[tilespmem:v10+s0+$0x0] =	vst.idx.msk $0xffff, v9  }
0x4ac: {  	v10 =	vadd.s32 v1, v8;
	v9 =	vld [tilespmem:s2+$0xFFFFE010];
	_ =	sdelay $0x2  }
0x4ad: {  	s6 =	sadd.s32 $0x1, s1  }
0x4ae: {  	v11 =	vmov s6  }
0x4af: {  	[tilespmem:v10+s0+$0x0] =	vst.idx.msk $0xffff, v9;
	v9 =	vand.u32 $0x7D, v11  }
0x4b0: {  	v10 =	vld [tilespmem:s2+$0xFFFFE020];
	v11 =	vadd.s32 v0, v9;
	_ =	sdelay $0x4  }
0x4b1: {  	[tilespmem:v11+s0+$0x0] =	vst.idx.msk $0xffff, v10  }
0x4b2: {  	v11 =	vadd.s32 v1, v9;
	v10 =	vld [tilespmem:s2+$0xFFFFE030];
	_ =	sdelay $0x2  }
0x4b3: {  	s6 =	sadd.s32 $0x2, s1  }
0x4b4: {  	v12 =	vmov s6  }
0x4b5: {  	[tilespmem:v11+s0+$0x0] =	vst.idx.msk $0xffff, v10;
	v10 =	vand.u32 $0x7E, v12  }
0x4b6: {  	v11 =	vld [tilespmem:s2+$0xFFFFE040];
	v12 =	vadd.s32 v0, v10;
	_ =	sdelay $0x4  }
0x4b7: {  	[tilespmem:v12+s0+$0x0] =	vst.idx.msk $0xffff, v11  }
0x4b8: {  	v12 =	vadd.s32 v1, v10;
	v11 =	vld [tilespmem:s2+$0xFFFFE050];
	_ =	sdelay $0x2  }
0x4b9: {  	s6 =	sadd.s32 $0x3, s1;
	s1 =	smov.u32 s5  }
0x4ba: {  	v13 =	vmov s6  }
0x4bb: {  	[tilespmem:v12+s0+$0x0] =	vst.idx.msk $0xffff, v11;
	v11 =	vand.u32 $0x7F, v13  }
0x4bc: {  	v12 =	vld [tilespmem:s2+$0xFFFFE060];
	v13 =	vadd.s32 v0, v11;
	_ =	sdelay $0x4  }
0x4bd: {  	[tilespmem:v13+s0+$0x0] =	vst.idx.msk $0xffff, v12  }
0x4be: {  	v13 =	vadd.s32 v1, v11;
	v12 =	vld [tilespmem:s2+$0xFFFFE070];
	_ =	sdelay $0x4  }
0x4bf: {  	[tilespmem:v13+s0+$0x0] =	vst.idx.msk $0xffff, v12  }
0x4c0: {  	v13 =	vadd.s32 v2, v8;
	v12 =	vld [tilespmem:s2+$0xFFFFF000];
	_ =	sdelay $0x4  }
0x4c1: {  	[tilespmem:v13+s0+$0x0] =	vst.idx.msk $0xffff, v12  }
0x4c2: {  	v13 =	vadd.s32 v3, v8;
	v12 =	vld [tilespmem:s2+$0xFFFFF010];
	_ =	sdelay $0x4  }
0x4c3: {  	[tilespmem:v13+s0+$0x0] =	vst.idx.msk $0xffff, v12  }
0x4c4: {  	v13 =	vadd.s32 v2, v9;
	v12 =	vld [tilespmem:s2+$0xFFFFF020];
	_ =	sdelay $0x4  }
0x4c5: {  	[tilespmem:v13+s0+$0x0] =	vst.idx.msk $0xffff, v12  }
0x4c6: {  	v13 =	vadd.s32 v3, v9;
	v12 =	vld [tilespmem:s2+$0xFFFFF030];
	_ =	sdelay $0x4  }
0x4c7: {  	[tilespmem:v13+s0+$0x0] =	vst.idx.msk $0xffff, v12  }
0x4c8: {  	v13 =	vadd.s32 v2, v10;
	v12 =	vld [tilespmem:s2+$0xFFFFF040];
	_ =	sdelay $0x4  }
0x4c9: {  	[tilespmem:v13+s0+$0x0] =	vst.idx.msk $0xffff, v12  }
0x4ca: {  	v13 =	vadd.s32 v3, v10;
	v12 =	vld [tilespmem:s2+$0xFFFFF050];
	_ =	sdelay $0x4  }
0x4cb: {  	[tilespmem:v13+s0+$0x0] =	vst.idx.msk $0xffff, v12  }
0x4cc: {  	v13 =	vadd.s32 v2, v11;
	v12 =	vld [tilespmem:s2+$0xFFFFF060];
	_ =	sdelay $0x4  }
0x4cd: {  	[tilespmem:v13+s0+$0x0] =	vst.idx.msk $0xffff, v12  }
0x4ce: {  	v13 =	vadd.s32 v3, v11;
	v12 =	vld [tilespmem:s2+$0xFFFFF070];
	_ =	sdelay $0x4  }
0x4cf: {  	[tilespmem:v13+s0+$0x0] =	vst.idx.msk $0xffff, v12  }
0x4d0: {  	v13 =	vadd.s32 v4, v8;
	v12 =	vld [tilespmem:s2+$0x0];
	_ =	sdelay $0x4  }
0x4d1: {  	[tilespmem:v13+s0+$0x0] =	vst.idx.msk $0xffff, v12  }
0x4d2: {  	v13 =	vadd.s32 v5, v8;
	v12 =	vld [tilespmem:s2+$0x10];
	_ =	sdelay $0x4  }
0x4d3: {  	[tilespmem:v13+s0+$0x0] =	vst.idx.msk $0xffff, v12  }
0x4d4: {  	v13 =	vadd.s32 v4, v9;
	v12 =	vld [tilespmem:s2+$0x20];
	_ =	sdelay $0x4  }
0x4d5: {  	[tilespmem:v13+s0+$0x0] =	vst.idx.msk $0xffff, v12  }
0x4d6: {  	v13 =	vadd.s32 v5, v9;
	v12 =	vld [tilespmem:s2+$0x30];
	_ =	sdelay $0x4  }
0x4d7: {  	[tilespmem:v13+s0+$0x0] =	vst.idx.msk $0xffff, v12  }
0x4d8: {  	v13 =	vadd.s32 v4, v10;
	v12 =	vld [tilespmem:s2+$0x40];
	_ =	sdelay $0x4  }
0x4d9: {  	[tilespmem:v13+s0+$0x0] =	vst.idx.msk $0xffff, v12  }
0x4da: {  	v13 =	vadd.s32 v5, v10;
	v12 =	vld [tilespmem:s2+$0x50];
	_ =	sdelay $0x4  }
0x4db: {  	[tilespmem:v13+s0+$0x0] =	vst.idx.msk $0xffff, v12  }
0x4dc: {  	v13 =	vadd.s32 v4, v11;
	v12 =	vld [tilespmem:s2+$0x60];
	_ =	sdelay $0x4  }
0x4dd: {  	[tilespmem:v13+s0+$0x0] =	vst.idx.msk $0xffff, v12  }
0x4de: {  	v13 =	vadd.s32 v5, v11;
	v12 =	vld [tilespmem:s2+$0x70];
	_ =	sdelay $0x4  }
0x4df: {  	[tilespmem:v13+s0+$0x0] =	vst.idx.msk $0xffff, v12  }
0x4e0: {  	v13 =	vadd.s32 v6, v8;
	v12 =	vld [tilespmem:s2+$0x1000];
	_ =	sdelay $0x4  }
0x4e1: {  	[tilespmem:v13+s0+$0x0] =	vst.idx.msk $0xffff, v12  }
0x4e2: {  	v8 =	vadd.s32 v7, v8;
	v12 =	vld [tilespmem:s2+$0x1010];
	_ =	sdelay $0x4  }
0x4e3: {  	[tilespmem:v8+s0+$0x0] =	vst.idx.msk $0xffff, v12  }
0x4e4: {  	v12 =	vadd.s32 v6, v9;
	v8 =	vld [tilespmem:s2+$0x1020];
	_ =	sdelay $0x4  }
0x4e5: {  	[tilespmem:v12+s0+$0x0] =	vst.idx.msk $0xffff, v8  }
0x4e6: {  	v9 =	vadd.s32 v7, v9;
	v8 =	vld [tilespmem:s2+$0x1030];
	_ =	sdelay $0x4  }
0x4e7: {  	[tilespmem:v9+s0+$0x0] =	vst.idx.msk $0xffff, v8  }
0x4e8: {  	v9 =	vadd.s32 v6, v10;
	v8 =	vld [tilespmem:s2+$0x1040];
	_ =	sdelay $0x4  }
0x4e9: {  	[tilespmem:v9+s0+$0x0] =	vst.idx.msk $0xffff, v8  }
0x4ea: {  	v9 =	vadd.s32 v7, v10;
	v8 =	vld [tilespmem:s2+$0x1050];
	_ =	sdelay $0x4  }
0x4eb: {  	[tilespmem:v9+s0+$0x0] =	vst.idx.msk $0xffff, v8  }
0x4ec: {  	v9 =	vadd.s32 v6, v11;
	v8 =	vld [tilespmem:s2+$0x1060];
	_ =	sdelay $0x4  }
0x4ed: {  	[tilespmem:v9+s0+$0x0] =	vst.idx.msk $0xffff, v8  }
.Ltmp21:
0x4ee: {  	v10 =	vadd.s32 v7, v11;
	v9 =	vld [tilespmem:s2+$0x1070];
	(pc) =	sbr.rel @p0 .LBB2_44-.Ltmp21, $2  }
0x4ef: {  	_ =	sdelay $0x2  }
0x4f0: {  	s5 =	sadd.s32 $0x4, s5;
	v8 =	vmov s1  }
0x4f1: {  	_ =	sdelay $0x3  }
0x4f2: {  	v8 =	vand.u32 $0x7C, v8;
	[tilespmem:v10+s0+$0x0] =	vst.idx.msk $0xffff, v9;
	s2 =	sadd.s32 $0x80, s2  }
0x4f3: {  	v9 =	vld [tilespmem:s2+$0xFFFFE000];
	v34 =	vadd.s32 v0, v8;
	_ =	sdelay $0x4  }
0x4f4: {  	[tilespmem:v34+s0+$0x0] =	vst.idx.msk $0xffff, v9  }
0x4f5: {  	v35 =	vadd.s32 v1, v8;
	v9 =	vld [tilespmem:s2+$0xFFFFE010];
	_ =	sdelay $0x2  }
0x4f6: {  	s5 =	sadd.s32 $0x1, s1  }
0x4f7: {  	v11 =	vmov s5  }
0x4f8: {  	v36 =	vand.u32 $0x7D, v11;
	[tilespmem:v35+s0+$0x0] =	vst.idx.msk $0xffff, v9  }
0x4f9: {  	v11 =	vadd.s32 v0, v36;
	v10 =	vld [tilespmem:s2+$0xFFFFE020];
	_ =	sdelay $0x4  }
0x4fa: {  	[tilespmem:v11+s0+$0x0] =	vst.idx.msk $0xffff, v10  }
0x4fb: {  	v37 =	vadd.s32 v1, v36;
	v10 =	vld [tilespmem:s2+$0xFFFFE030];
	_ =	sdelay $0x2  }
0x4fc: {  	s29 =	sadd.s32 $0x2, s1  }
0x4fd: {  	v12 =	vmov s29  }
0x4fe: {  	v38 =	vand.u32 $0x7E, v12;
	[tilespmem:v37+s0+$0x0] =	vst.idx.msk $0xffff, v10  }
0x4ff: {  	v12 =	vadd.s32 v0, v38;
	v11 =	vld [tilespmem:s2+$0xFFFFE040];
	_ =	sdelay $0x4  }
0x500: {  	[tilespmem:v12+s0+$0x0] =	vst.idx.msk $0xffff, v11  }
0x501: {  	v39 =	vadd.s32 v1, v38;
	v11 =	vld [tilespmem:s2+$0xFFFFE050];
	_ =	sdelay $0x2  }
0x502: {  	s31 =	sadd.s32 $0x3, s1  }
0x503: {  	v13 =	vmov s31  }
0x504: {  	v40 =	vand.u32 $0x7F, v13;
	[tilespmem:v39+s0+$0x0] =	vst.idx.msk $0xffff, v11  }
0x505: {  	v13 =	vadd.s32 v0, v40;
	v12 =	vld [tilespmem:s2+$0xFFFFE060];
	_ =	sdelay $0x4  }
0x506: {  	[tilespmem:v13+s0+$0x0] =	vst.idx.msk $0xffff, v12  }
0x507: {  	v41 =	vadd.s32 v1, v40;
	v12 =	vld [tilespmem:s2+$0xFFFFE070];
	_ =	sdelay $0x4  }
0x508: {  	[tilespmem:v41+s0+$0x0] =	vst.idx.msk $0xffff, v12  }
0x509: {  	v42 =	vadd.s32 v2, v8;
	v12 =	vld [tilespmem:s2+$0xFFFFF000];
	_ =	sdelay $0x4  }
0x50a: {  	[tilespmem:v42+s0+$0x0] =	vst.idx.msk $0xffff, v12  }
0x50b: {  	v43 =	vadd.s32 v3, v8;
	v12 =	vld [tilespmem:s2+$0xFFFFF010];
	_ =	sdelay $0x4  }
0x50c: {  	[tilespmem:v43+s0+$0x0] =	vst.idx.msk $0xffff, v12  }
0x50d: {  	v44 =	vadd.s32 v2, v36;
	v12 =	vld [tilespmem:s2+$0xFFFFF020];
	_ =	sdelay $0x4  }
0x50e: {  	[tilespmem:v44+s0+$0x0] =	vst.idx.msk $0xffff, v12  }
0x50f: {  	v45 =	vadd.s32 v3, v36;
	v12 =	vld [tilespmem:s2+$0xFFFFF030];
	_ =	sdelay $0x4  }
0x510: {  	[tilespmem:v45+s0+$0x0] =	vst.idx.msk $0xffff, v12  }
0x511: {  	v46 =	vadd.s32 v2, v38;
	v12 =	vld [tilespmem:s2+$0xFFFFF040];
	_ =	sdelay $0x4  }
0x512: {  	[tilespmem:v46+s0+$0x0] =	vst.idx.msk $0xffff, v12  }
0x513: {  	v47 =	vadd.s32 v3, v38;
	v12 =	vld [tilespmem:s2+$0xFFFFF050];
	_ =	sdelay $0x4  }
0x514: {  	[tilespmem:v47+s0+$0x0] =	vst.idx.msk $0xffff, v12  }
0x515: {  	v48 =	vadd.s32 v2, v40;
	v12 =	vld [tilespmem:s2+$0xFFFFF060];
	_ =	sdelay $0x4  }
0x516: {  	[tilespmem:v48+s0+$0x0] =	vst.idx.msk $0xffff, v12  }
0x517: {  	v49 =	vadd.s32 v3, v40;
	v12 =	vld [tilespmem:s2+$0xFFFFF070];
	_ =	sdelay $0x4  }
0x518: {  	[tilespmem:v49+s0+$0x0] =	vst.idx.msk $0xffff, v12  }
0x519: {  	v50 =	vadd.s32 v4, v8;
	v12 =	vld [tilespmem:s2+$0x0];
	_ =	sdelay $0x4  }
0x51a: {  	[tilespmem:v50+s0+$0x0] =	vst.idx.msk $0xffff, v12  }
0x51b: {  	v51 =	vadd.s32 v5, v8;
	v12 =	vld [tilespmem:s2+$0x10];
	_ =	sdelay $0x4  }
0x51c: {  	[tilespmem:v51+s0+$0x0] =	vst.idx.msk $0xffff, v12  }
0x51d: {  	v52 =	vadd.s32 v4, v36;
	v12 =	vld [tilespmem:s2+$0x20];
	_ =	sdelay $0x4  }
0x51e: {  	[tilespmem:v52+s0+$0x0] =	vst.idx.msk $0xffff, v12  }
0x51f: {  	v53 =	vadd.s32 v5, v36;
	v12 =	vld [tilespmem:s2+$0x30];
	_ =	sdelay $0x4  }
0x520: {  	[tilespmem:v53+s0+$0x0] =	vst.idx.msk $0xffff, v12  }
0x521: {  	v54 =	vadd.s32 v4, v38;
	v12 =	vld [tilespmem:s2+$0x40];
	_ =	sdelay $0x4  }
0x522: {  	[tilespmem:v54+s0+$0x0] =	vst.idx.msk $0xffff, v12  }
0x523: {  	v55 =	vadd.s32 v5, v38;
	v12 =	vld [tilespmem:s2+$0x50];
	_ =	sdelay $0x4  }
0x524: {  	[tilespmem:v55+s0+$0x0] =	vst.idx.msk $0xffff, v12  }
0x525: {  	v56 =	vadd.s32 v4, v40;
	v12 =	vld [tilespmem:s2+$0x60];
	_ =	sdelay $0x4  }
0x526: {  	[tilespmem:v56+s0+$0x0] =	vst.idx.msk $0xffff, v12  }
0x527: {  	v57 =	vadd.s32 v5, v40;
	v12 =	vld [tilespmem:s2+$0x70];
	_ =	sdelay $0x4  }
0x528: {  	[tilespmem:v57+s0+$0x0] =	vst.idx.msk $0xffff, v12  }
0x529: {  	v58 =	vadd.s32 v6, v8;
	v12 =	vld [tilespmem:s2+$0x1000];
	_ =	sdelay $0x4  }
0x52a: {  	[tilespmem:v58+s0+$0x0] =	vst.idx.msk $0xffff, v12  }
0x52b: {  	v8 =	vadd.s32 v7, v8;
	v12 =	vld [tilespmem:s2+$0x1010];
	_ =	sdelay $0x4  }
0x52c: {  	[tilespmem:v8+s0+$0x0] =	vst.idx.msk $0xffff, v12  }
0x52d: {  	v59 =	vadd.s32 v6, v36;
	v8 =	vld [tilespmem:s2+$0x1020];
	_ =	sdelay $0x4  }
0x52e: {  	[tilespmem:v59+s0+$0x0] =	vst.idx.msk $0xffff, v8  }
0x52f: {  	v9 =	vadd.s32 v7, v36;
	v8 =	vld [tilespmem:s2+$0x1030];
	_ =	sdelay $0x4  }
0x530: {  	[tilespmem:v9+s0+$0x0] =	vst.idx.msk $0xffff, v8  }
0x531: {  	v60 =	vadd.s32 v6, v38;
	v8 =	vld [tilespmem:s2+$0x1040];
	_ =	sdelay $0x4  }
0x532: {  	[tilespmem:v60+s0+$0x0] =	vst.idx.msk $0xffff, v8  }
0x533: {  	v61 =	vadd.s32 v7, v38;
	v8 =	vld [tilespmem:s2+$0x1050];
	_ =	sdelay $0x4  }
0x534: {  	[tilespmem:v61+s0+$0x0] =	vst.idx.msk $0xffff, v8  }
0x535: {  	v62 =	vadd.s32 v6, v40;
	v8 =	vld [tilespmem:s2+$0x1060];
	_ =	sdelay $0x4  }
0x536: {  	[tilespmem:v62+s0+$0x0] =	vst.idx.msk $0xffff, v8  }
0x537: {  	v63 =	vadd.s32 v7, v40;
	v8 =	vld [tilespmem:s2+$0x1070];
	_ =	sdelay $0x3  }
0x538: {  	s1 =	simm.s32 $0xE400  }
0x539: {  	s6 =	sadd.s32 $0x0, s18;
	s5 =	simm.s32 $0xE488;
	s2 =	simm.s32 $0x10;
	[tilespmem:v63+s0+$0x0] =	vst.idx.msk $0xffff, v8  }
.LBB2_46:
0x53a: {  	[hbm4b:s6+s3] =	stream.linear.scatter [tilespmem:s1], [sflag:$0x3], $0x80, $0x38;
	[tilespmem:$0x16C00] =	vst v63  }
0x53b: {  	s6 =	smov.u32 s2;
	s1 =	smov.u32 s5;
	p0 =	sne.s32 s2, $0x1F0  }
.Ltmp22:
0x53c: {  	s2 =	sadd.s32 $0x10, s2;
	(pc) =	sbr.rel @p0 .LBB2_46-.Ltmp22, $2  }
0x53d: {  	_ =	sdelay $0x2  }
0x53e: {  	s5 =	sadd.s32 $0x88, s5;
	s6 =	sadd.s32 s6, s18  }
0x53f: {  	[hbm4b:s6+s3] =	stream.linear.scatter [tilespmem:s1], [sflag:$0x3], $0x80, $0x38;
	[tilespmem:$0x16C00] =	vst v63  }
0x540: {  	s1 =	simm.s32 $0xF500  }
0x541: {  	s2 =	simm.s32 $0x10;
	s6 =	sadd.s32 $0x0, s19;
	s5 =	simm.s32 $0xF588  }
.LBB2_48:
0x542: {  	[hbm4b:s6+s3] =	stream.linear.scatter [tilespmem:s1], [sflag:$0x3], $0x80, $0x38;
	[tilespmem:$0x16C00] =	vst v63  }
0x543: {  	s6 =	smov.u32 s2;
	s1 =	smov.u32 s5;
	p0 =	sne.s32 s2, $0x1F0  }
.Ltmp23:
0x544: {  	s2 =	sadd.s32 $0x10, s2;
	(pc) =	sbr.rel @p0 .LBB2_48-.Ltmp23, $2  }
0x545: {  	_ =	sdelay $0x2  }
0x546: {  	s5 =	sadd.s32 $0x88, s5;
	s6 =	sadd.s32 s6, s19  }
0x547: {  	[hbm4b:s6+s3] =	stream.linear.scatter [tilespmem:s1], [sflag:$0x3], $0x80, $0x38;
	[tilespmem:$0x16C00] =	vst v63  }
0x548: {  	s1 =	simm.s32 $0x10600  }
0x549: {  	s2 =	simm.s32 $0x10;
	s6 =	sadd.s32 $0x0, s20;
	s5 =	simm.s32 $0x10688  }
.LBB2_50:
0x54a: {  	[hbm4b:s6+s3] =	stream.linear.scatter [tilespmem:s1], [sflag:$0x3], $0x80, $0x38;
	[tilespmem:$0x16C00] =	vst v63  }
0x54b: {  	s6 =	smov.u32 s2;
	s1 =	smov.u32 s5;
	p0 =	sne.s32 s2, $0x1F0  }
.Ltmp24:
0x54c: {  	s2 =	sadd.s32 $0x10, s2;
	(pc) =	sbr.rel @p0 .LBB2_50-.Ltmp24, $2  }
0x54d: {  	_ =	sdelay $0x2  }
0x54e: {  	s5 =	sadd.s32 $0x88, s5;
	s6 =	sadd.s32 s6, s20  }
0x54f: {  	[hbm4b:s6+s3] =	stream.linear.scatter [tilespmem:s1], [sflag:$0x3], $0x80, $0x38;
	[tilespmem:$0x16C00] =	vst v63  }
0x550: {  	s1 =	simm.s32 $0x11700  }
0x551: {  	s2 =	simm.s32 $0x10;
	s6 =	sadd.s32 $0x0, s21;
	s5 =	simm.s32 $0x11788  }
.LBB2_52:
0x552: {  	[hbm4b:s6+s3] =	stream.linear.scatter [tilespmem:s1], [sflag:$0x3], $0x80, $0x38;
	[tilespmem:$0x16C00] =	vst v63  }
0x553: {  	s6 =	smov.u32 s2;
	s1 =	smov.u32 s5;
	p0 =	sne.s32 s2, $0x1F0  }
.Ltmp25:
0x554: {  	s2 =	sadd.s32 $0x10, s2;
	(pc) =	sbr.rel @p0 .LBB2_52-.Ltmp25, $2  }
0x555: {  	_ =	sdelay $0x2  }
0x556: {  	s5 =	sadd.s32 $0x88, s5;
	s6 =	sadd.s32 s6, s21  }
0x557: {  	[hbm4b:s6+s3] =	stream.linear.scatter [tilespmem:s1], [sflag:$0x3], $0x80, $0x38;
	[tilespmem:$0x16C00] =	vst v63  }
0x558: {  	s6 =	simm.s32 $0x2  }
0x559: {  	_ =	swait.ge [sflag:s6], $0x4000  }
0x55a: {  	[sflag:s6] =	ssyncset.done $0x0  }
0x55b: {  	[sflag:s6] =	ssyncadd.s32 $0xFFFFC000  }
0x55c: {  	_ =	swait.ge [sflag:s30], $0x1000  }
0x55d: {  	[sflag:s30] =	ssyncset.done $0x0  }
0x55e: {  	[sflag:s30] =	ssyncadd.s32 $0xFFFFF000  }
0x55f: {  	_ =	swait.ge [sflag:s30], $0x1000  }
0x560: {  	[sflag:s30] =	ssyncset.done $0x0  }
0x561: {  	[sflag:s30] =	ssyncadd.s32 $0xFFFFF000  }
0x562: {  	_ =	swait.ge [sflag:s30], $0x1000  }
0x563: {  	[sflag:s30] =	ssyncset.done $0x0  }
0x564: {  	[sflag:s30] =	ssyncadd.s32 $0xFFFFF000  }
0x565: {  	s8 =	simm.s32 $0x0;
	_ =	swait.ge [sflag:s30], $0x1000  }
0x566: {  	v8 =	vmov s8;
	[sflag:s30] =	ssyncset.done $0x0  }
0x567: {  	s2 =	simm.s32 $0xC400;
	v8 =	vand.u32 $0x7C, v8;
	[sflag:s30] =	ssyncadd.s32 $0xFFFFF000  }
0x568: {  	v10 =	vadd.s32 v0, v8;
	v9 =	vld [tilespmem:s2+$0xFFFFE000];
	_ =	sdelay $0x4  }
0x569: {  	[tilespmem:v10+s26+$0x0] =	vst.idx.msk $0xffff, v9  }
0x56a: {  	v10 =	vadd.s32 v1, v8;
	v9 =	vld [tilespmem:s2+$0xFFFFE010];
	_ =	sdelay $0x2  }
0x56b: {  	s12 =	simm.s32 $0x1  }
0x56c: {  	v11 =	vmov s12  }
0x56d: {  	[tilespmem:v10+s26+$0x0] =	vst.idx.msk $0xffff, v9;
	v9 =	vand.u32 $0x7D, v11  }
0x56e: {  	v10 =	vld [tilespmem:s2+$0xFFFFE020];
	v11 =	vadd.s32 v0, v9;
	_ =	sdelay $0x4  }
0x56f: {  	[tilespmem:v11+s26+$0x0] =	vst.idx.msk $0xffff, v10  }
0x570: {  	v11 =	vadd.s32 v1, v9;
	v10 =	vld [tilespmem:s2+$0xFFFFE030];
	_ =	sdelay $0x2  }
0x571: {  	s29 =	simm.s32 $0x2  }
0x572: {  	v12 =	vmov s29  }
0x573: {  	[tilespmem:v11+s26+$0x0] =	vst.idx.msk $0xffff, v10;
	v10 =	vand.u32 $0x7E, v12  }
0x574: {  	v11 =	vld [tilespmem:s2+$0xFFFFE040];
	v12 =	vadd.s32 v0, v10;
	_ =	sdelay $0x4  }
0x575: {  	[tilespmem:v12+s26+$0x0] =	vst.idx.msk $0xffff, v11  }
0x576: {  	v44 =	vadd.s32 v1, v10;
	v11 =	vld [tilespmem:s2+$0xFFFFE050];
	_ =	sdelay $0x2  }
0x577: {  	s31 =	simm.s32 $0x3  }
0x578: {  	v13 =	vmov s31  }
0x579: {  	[tilespmem:v44+s26+$0x0] =	vst.idx.msk $0xffff, v11;
	v11 =	vand.u32 $0x7F, v13  }
0x57a: {  	v12 =	vld [tilespmem:s2+$0xFFFFE060];
	v13 =	vadd.s32 v0, v11;
	_ =	sdelay $0x4  }
0x57b: {  	[tilespmem:v13+s26+$0x0] =	vst.idx.msk $0xffff, v12  }
0x57c: {  	v45 =	vadd.s32 v1, v11;
	v12 =	vld [tilespmem:s2+$0xFFFFE070];
	_ =	sdelay $0x4  }
0x57d: {  	[tilespmem:v45+s26+$0x0] =	vst.idx.msk $0xffff, v12  }
0x57e: {  	v46 =	vadd.s32 v2, v8;
	v12 =	vld [tilespmem:s2+$0xFFFFF000];
	_ =	sdelay $0x4  }
0x57f: {  	[tilespmem:v46+s26+$0x0] =	vst.idx.msk $0xffff, v12  }
0x580: {  	v47 =	vadd.s32 v3, v8;
	v12 =	vld [tilespmem:s2+$0xFFFFF010];
	_ =	sdelay $0x4  }
0x581: {  	[tilespmem:v47+s26+$0x0] =	vst.idx.msk $0xffff, v12  }
0x582: {  	v48 =	vadd.s32 v2, v9;
	v12 =	vld [tilespmem:s2+$0xFFFFF020];
	_ =	sdelay $0x4  }
0x583: {  	[tilespmem:v48+s26+$0x0] =	vst.idx.msk $0xffff, v12  }
0x584: {  	v49 =	vadd.s32 v3, v9;
	v12 =	vld [tilespmem:s2+$0xFFFFF030];
	_ =	sdelay $0x4  }
0x585: {  	[tilespmem:v49+s26+$0x0] =	vst.idx.msk $0xffff, v12  }
0x586: {  	v50 =	vadd.s32 v2, v10;
	v12 =	vld [tilespmem:s2+$0xFFFFF040];
	_ =	sdelay $0x4  }
0x587: {  	[tilespmem:v50+s26+$0x0] =	vst.idx.msk $0xffff, v12  }
0x588: {  	v51 =	vadd.s32 v3, v10;
	v12 =	vld [tilespmem:s2+$0xFFFFF050];
	_ =	sdelay $0x4  }
0x589: {  	[tilespmem:v51+s26+$0x0] =	vst.idx.msk $0xffff, v12  }
0x58a: {  	v52 =	vadd.s32 v2, v11;
	v12 =	vld [tilespmem:s2+$0xFFFFF060];
	_ =	sdelay $0x4  }
0x58b: {  	[tilespmem:v52+s26+$0x0] =	vst.idx.msk $0xffff, v12  }
0x58c: {  	v53 =	vadd.s32 v3, v11;
	v12 =	vld [tilespmem:s2+$0xFFFFF070];
	_ =	sdelay $0x4  }
0x58d: {  	[tilespmem:v53+s26+$0x0] =	vst.idx.msk $0xffff, v12  }
0x58e: {  	v54 =	vadd.s32 v4, v8;
	v12 =	vld [tilespmem:s2+$0x0];
	_ =	sdelay $0x4  }
0x58f: {  	[tilespmem:v54+s26+$0x0] =	vst.idx.msk $0xffff, v12  }
0x590: {  	v55 =	vadd.s32 v5, v8;
	v12 =	vld [tilespmem:s2+$0x10];
	_ =	sdelay $0x4  }
0x591: {  	[tilespmem:v55+s26+$0x0] =	vst.idx.msk $0xffff, v12  }
0x592: {  	v56 =	vadd.s32 v4, v9;
	v12 =	vld [tilespmem:s2+$0x20];
	_ =	sdelay $0x4  }
0x593: {  	[tilespmem:v56+s26+$0x0] =	vst.idx.msk $0xffff, v12  }
0x594: {  	v57 =	vadd.s32 v5, v9;
	v12 =	vld [tilespmem:s2+$0x30];
	_ =	sdelay $0x4  }
0x595: {  	[tilespmem:v57+s26+$0x0] =	vst.idx.msk $0xffff, v12  }
0x596: {  	v58 =	vadd.s32 v4, v10;
	v12 =	vld [tilespmem:s2+$0x40];
	_ =	sdelay $0x4  }
0x597: {  	[tilespmem:v58+s26+$0x0] =	vst.idx.msk $0xffff, v12  }
0x598: {  	v59 =	vadd.s32 v5, v10;
	v12 =	vld [tilespmem:s2+$0x50];
	_ =	sdelay $0x4  }
0x599: {  	[tilespmem:v59+s26+$0x0] =	vst.idx.msk $0xffff, v12  }
0x59a: {  	v60 =	vadd.s32 v4, v11;
	v12 =	vld [tilespmem:s2+$0x60];
	_ =	sdelay $0x4  }
0x59b: {  	[tilespmem:v60+s26+$0x0] =	vst.idx.msk $0xffff, v12  }
0x59c: {  	v61 =	vadd.s32 v5, v11;
	v12 =	vld [tilespmem:s2+$0x70];
	_ =	sdelay $0x4  }
0x59d: {  	[tilespmem:v61+s26+$0x0] =	vst.idx.msk $0xffff, v12  }
0x59e: {  	v62 =	vadd.s32 v6, v8;
	v12 =	vld [tilespmem:s2+$0x1000];
	_ =	sdelay $0x4  }
0x59f: {  	[tilespmem:v62+s26+$0x0] =	vst.idx.msk $0xffff, v12  }
0x5a0: {  	v8 =	vadd.s32 v7, v8;
	v12 =	vld [tilespmem:s2+$0x1010];
	_ =	sdelay $0x4  }
0x5a1: {  	[tilespmem:v8+s26+$0x0] =	vst.idx.msk $0xffff, v12  }
0x5a2: {  	v63 =	vadd.s32 v6, v9;
	v8 =	vld [tilespmem:s2+$0x1020];
	_ =	sdelay $0x4  }
0x5a3: {  	[tilespmem:v63+s26+$0x0] =	vst.idx.msk $0xffff, v8  }
0x5a4: {  	v9 =	vadd.s32 v7, v9;
	v8 =	vld [tilespmem:s2+$0x1030];
	_ =	sdelay $0x4  }
0x5a5: {  	[tilespmem:v9+s26+$0x0] =	vst.idx.msk $0xffff, v8  }
0x5a6: {  	v9 =	vadd.s32 v6, v10;
	v8 =	vld [tilespmem:s2+$0x1040];
	_ =	sdelay $0x4  }
0x5a7: {  	[tilespmem:v9+s26+$0x0] =	vst.idx.msk $0xffff, v8  }
0x5a8: {  	v9 =	vadd.s32 v7, v10;
	v8 =	vld [tilespmem:s2+$0x1050];
	_ =	sdelay $0x4  }
0x5a9: {  	[tilespmem:v9+s26+$0x0] =	vst.idx.msk $0xffff, v8  }
0x5aa: {  	v9 =	vadd.s32 v6, v11;
	v8 =	vld [tilespmem:s2+$0x1060];
	_ =	sdelay $0x4  }
0x5ab: {  	[tilespmem:v9+s26+$0x0] =	vst.idx.msk $0xffff, v8  }
0x5ac: {  	v10 =	vadd.s32 v7, v11;
	v9 =	vld [tilespmem:s2+$0x1070];
	_ =	sdelay $0x2  }
0x5ad: {  	s1 =	simm.s32 $0x4  }
0x5ae: {  	s5 =	simm.s32 $0x8;
	v8 =	vmov s1  }
.LBB2_54:
0x5af: {  	p0 =	sne.s32 s5, $0x7C;
	v8 =	vand.u32 $0x7C, v8;
	[tilespmem:v10+s26+$0x0] =	vst.idx.msk $0xffff, v9;
	s2 =	sadd.s32 $0x80, s2  }
0x5b0: {  	v9 =	vld [tilespmem:s2+$0xFFFFE000];
	v10 =	vadd.s32 v0, v8;
	_ =	sdelay $0x4  }
0x5b1: {  	[tilespmem:v10+s26+$0x0] =	vst.idx.msk $0xffff, v9  }
0x5b2: {  	v10 =	vadd.s32 v1, v8;
	v9 =	vld [tilespmem:s2+$0xFFFFE010];
	_ =	sdelay $0x2  }
0x5b3: {  	s6 =	sadd.s32 $0x1, s1  }
0x5b4: {  	v11 =	vmov s6  }
0x5b5: {  	[tilespmem:v10+s26+$0x0] =	vst.idx.msk $0xffff, v9;
	v9 =	vand.u32 $0x7D, v11  }
0x5b6: {  	v10 =	vld [tilespmem:s2+$0xFFFFE020];
	v11 =	vadd.s32 v0, v9;
	_ =	sdelay $0x4  }
0x5b7: {  	[tilespmem:v11+s26+$0x0] =	vst.idx.msk $0xffff, v10  }
0x5b8: {  	v11 =	vadd.s32 v1, v9;
	v10 =	vld [tilespmem:s2+$0xFFFFE030];
	_ =	sdelay $0x2  }
0x5b9: {  	s6 =	sadd.s32 $0x2, s1  }
0x5ba: {  	v12 =	vmov s6  }
0x5bb: {  	[tilespmem:v11+s26+$0x0] =	vst.idx.msk $0xffff, v10;
	v10 =	vand.u32 $0x7E, v12  }
0x5bc: {  	v11 =	vld [tilespmem:s2+$0xFFFFE040];
	v12 =	vadd.s32 v0, v10;
	_ =	sdelay $0x4  }
0x5bd: {  	[tilespmem:v12+s26+$0x0] =	vst.idx.msk $0xffff, v11  }
0x5be: {  	v12 =	vadd.s32 v1, v10;
	v11 =	vld [tilespmem:s2+$0xFFFFE050];
	_ =	sdelay $0x2  }
0x5bf: {  	s6 =	sadd.s32 $0x3, s1;
	s1 =	smov.u32 s5  }
0x5c0: {  	v13 =	vmov s6  }
0x5c1: {  	[tilespmem:v12+s26+$0x0] =	vst.idx.msk $0xffff, v11;
	v11 =	vand.u32 $0x7F, v13  }
0x5c2: {  	v12 =	vld [tilespmem:s2+$0xFFFFE060];
	v13 =	vadd.s32 v0, v11;
	_ =	sdelay $0x4  }
0x5c3: {  	[tilespmem:v13+s26+$0x0] =	vst.idx.msk $0xffff, v12  }
0x5c4: {  	v13 =	vadd.s32 v1, v11;
	v12 =	vld [tilespmem:s2+$0xFFFFE070];
	_ =	sdelay $0x4  }
0x5c5: {  	[tilespmem:v13+s26+$0x0] =	vst.idx.msk $0xffff, v12  }
0x5c6: {  	v13 =	vadd.s32 v2, v8;
	v12 =	vld [tilespmem:s2+$0xFFFFF000];
	_ =	sdelay $0x4  }
0x5c7: {  	[tilespmem:v13+s26+$0x0] =	vst.idx.msk $0xffff, v12  }
0x5c8: {  	v13 =	vadd.s32 v3, v8;
	v12 =	vld [tilespmem:s2+$0xFFFFF010];
	_ =	sdelay $0x4  }
0x5c9: {  	[tilespmem:v13+s26+$0x0] =	vst.idx.msk $0xffff, v12  }
0x5ca: {  	v13 =	vadd.s32 v2, v9;
	v12 =	vld [tilespmem:s2+$0xFFFFF020];
	_ =	sdelay $0x4  }
0x5cb: {  	[tilespmem:v13+s26+$0x0] =	vst.idx.msk $0xffff, v12  }
0x5cc: {  	v13 =	vadd.s32 v3, v9;
	v12 =	vld [tilespmem:s2+$0xFFFFF030];
	_ =	sdelay $0x4  }
0x5cd: {  	[tilespmem:v13+s26+$0x0] =	vst.idx.msk $0xffff, v12  }
0x5ce: {  	v13 =	vadd.s32 v2, v10;
	v12 =	vld [tilespmem:s2+$0xFFFFF040];
	_ =	sdelay $0x4  }
0x5cf: {  	[tilespmem:v13+s26+$0x0] =	vst.idx.msk $0xffff, v12  }
0x5d0: {  	v13 =	vadd.s32 v3, v10;
	v12 =	vld [tilespmem:s2+$0xFFFFF050];
	_ =	sdelay $0x4  }
0x5d1: {  	[tilespmem:v13+s26+$0x0] =	vst.idx.msk $0xffff, v12  }
0x5d2: {  	v13 =	vadd.s32 v2, v11;
	v12 =	vld [tilespmem:s2+$0xFFFFF060];
	_ =	sdelay $0x4  }
0x5d3: {  	[tilespmem:v13+s26+$0x0] =	vst.idx.msk $0xffff, v12  }
0x5d4: {  	v13 =	vadd.s32 v3, v11;
	v12 =	vld [tilespmem:s2+$0xFFFFF070];
	_ =	sdelay $0x4  }
0x5d5: {  	[tilespmem:v13+s26+$0x0] =	vst.idx.msk $0xffff, v12  }
0x5d6: {  	v13 =	vadd.s32 v4, v8;
	v12 =	vld [tilespmem:s2+$0x0];
	_ =	sdelay $0x4  }
0x5d7: {  	[tilespmem:v13+s26+$0x0] =	vst.idx.msk $0xffff, v12  }
0x5d8: {  	v13 =	vadd.s32 v5, v8;
	v12 =	vld [tilespmem:s2+$0x10];
	_ =	sdelay $0x4  }
0x5d9: {  	[tilespmem:v13+s26+$0x0] =	vst.idx.msk $0xffff, v12  }
0x5da: {  	v13 =	vadd.s32 v4, v9;
	v12 =	vld [tilespmem:s2+$0x20];
	_ =	sdelay $0x4  }
0x5db: {  	[tilespmem:v13+s26+$0x0] =	vst.idx.msk $0xffff, v12  }
0x5dc: {  	v13 =	vadd.s32 v5, v9;
	v12 =	vld [tilespmem:s2+$0x30];
	_ =	sdelay $0x4  }
0x5dd: {  	[tilespmem:v13+s26+$0x0] =	vst.idx.msk $0xffff, v12  }
0x5de: {  	v13 =	vadd.s32 v4, v10;
	v12 =	vld [tilespmem:s2+$0x40];
	_ =	sdelay $0x4  }
0x5df: {  	[tilespmem:v13+s26+$0x0] =	vst.idx.msk $0xffff, v12  }
0x5e0: {  	v13 =	vadd.s32 v5, v10;
	v12 =	vld [tilespmem:s2+$0x50];
	_ =	sdelay $0x4  }
0x5e1: {  	[tilespmem:v13+s26+$0x0] =	vst.idx.msk $0xffff, v12  }
0x5e2: {  	v13 =	vadd.s32 v4, v11;
	v12 =	vld [tilespmem:s2+$0x60];
	_ =	sdelay $0x4  }
0x5e3: {  	[tilespmem:v13+s26+$0x0] =	vst.idx.msk $0xffff, v12  }
0x5e4: {  	v13 =	vadd.s32 v5, v11;
	v12 =	vld [tilespmem:s2+$0x70];
	_ =	sdelay $0x4  }
0x5e5: {  	[tilespmem:v13+s26+$0x0] =	vst.idx.msk $0xffff, v12  }
0x5e6: {  	v13 =	vadd.s32 v6, v8;
	v12 =	vld [tilespmem:s2+$0x1000];
	_ =	sdelay $0x4  }
0x5e7: {  	[tilespmem:v13+s26+$0x0] =	vst.idx.msk $0xffff, v12  }
0x5e8: {  	v8 =	vadd.s32 v7, v8;
	v12 =	vld [tilespmem:s2+$0x1010];
	_ =	sdelay $0x4  }
0x5e9: {  	[tilespmem:v8+s26+$0x0] =	vst.idx.msk $0xffff, v12  }
0x5ea: {  	v12 =	vadd.s32 v6, v9;
	v8 =	vld [tilespmem:s2+$0x1020];
	_ =	sdelay $0x4  }
0x5eb: {  	[tilespmem:v12+s26+$0x0] =	vst.idx.msk $0xffff, v8  }
0x5ec: {  	v9 =	vadd.s32 v7, v9;
	v8 =	vld [tilespmem:s2+$0x1030];
	_ =	sdelay $0x4  }
0x5ed: {  	[tilespmem:v9+s26+$0x0] =	vst.idx.msk $0xffff, v8  }
0x5ee: {  	v9 =	vadd.s32 v6, v10;
	v8 =	vld [tilespmem:s2+$0x1040];
	_ =	sdelay $0x4  }
0x5ef: {  	[tilespmem:v9+s26+$0x0] =	vst.idx.msk $0xffff, v8  }
0x5f0: {  	v9 =	vadd.s32 v7, v10;
	v8 =	vld [tilespmem:s2+$0x1050];
	_ =	sdelay $0x4  }
0x5f1: {  	[tilespmem:v9+s26+$0x0] =	vst.idx.msk $0xffff, v8  }
0x5f2: {  	v9 =	vadd.s32 v6, v11;
	v8 =	vld [tilespmem:s2+$0x1060];
	_ =	sdelay $0x4  }
0x5f3: {  	[tilespmem:v9+s26+$0x0] =	vst.idx.msk $0xffff, v8  }
.Ltmp26:
0x5f4: {  	v10 =	vadd.s32 v7, v11;
	v9 =	vld [tilespmem:s2+$0x1070];
	(pc) =	sbr.rel @p0 .LBB2_54-.Ltmp26, $2  }
0x5f5: {  	_ =	sdelay $0x2  }
0x5f6: {  	s5 =	sadd.s32 $0x4, s5;
	v8 =	vmov s1  }
0x5f7: {  	_ =	sdelay $0x3  }
0x5f8: {  	v8 =	vand.u32 $0x7C, v8;
	[tilespmem:v10+s26+$0x0] =	vst.idx.msk $0xffff, v9;
	s2 =	sadd.s32 $0x80, s2  }
0x5f9: {  	v9 =	vld [tilespmem:s2+$0xFFFFE000];
	v34 =	vadd.s32 v0, v8;
	_ =	sdelay $0x4  }
0x5fa: {  	[tilespmem:v34+s26+$0x0] =	vst.idx.msk $0xffff, v9  }
0x5fb: {  	v35 =	vadd.s32 v1, v8;
	v9 =	vld [tilespmem:s2+$0xFFFFE010];
	_ =	sdelay $0x2  }
0x5fc: {  	s5 =	sadd.s32 $0x1, s1  }
0x5fd: {  	v11 =	vmov s5  }
0x5fe: {  	v36 =	vand.u32 $0x7D, v11;
	[tilespmem:v35+s26+$0x0] =	vst.idx.msk $0xffff, v9  }
0x5ff: {  	v11 =	vadd.s32 v0, v36;
	v10 =	vld [tilespmem:s2+$0xFFFFE020];
	_ =	sdelay $0x4  }
0x600: {  	[tilespmem:v11+s26+$0x0] =	vst.idx.msk $0xffff, v10  }
0x601: {  	v37 =	vadd.s32 v1, v36;
	v10 =	vld [tilespmem:s2+$0xFFFFE030];
	_ =	sdelay $0x2  }
0x602: {  	s29 =	sadd.s32 $0x2, s1  }
0x603: {  	v12 =	vmov s29  }
0x604: {  	v38 =	vand.u32 $0x7E, v12;
	[tilespmem:v37+s26+$0x0] =	vst.idx.msk $0xffff, v10  }
0x605: {  	v12 =	vadd.s32 v0, v38;
	v11 =	vld [tilespmem:s2+$0xFFFFE040];
	_ =	sdelay $0x4  }
0x606: {  	[tilespmem:v12+s26+$0x0] =	vst.idx.msk $0xffff, v11  }
0x607: {  	v39 =	vadd.s32 v1, v38;
	v11 =	vld [tilespmem:s2+$0xFFFFE050];
	_ =	sdelay $0x2  }
0x608: {  	s31 =	sadd.s32 $0x3, s1  }
0x609: {  	v13 =	vmov s31  }
0x60a: {  	v40 =	vand.u32 $0x7F, v13;
	[tilespmem:v39+s26+$0x0] =	vst.idx.msk $0xffff, v11  }
0x60b: {  	v13 =	vadd.s32 v0, v40;
	v12 =	vld [tilespmem:s2+$0xFFFFE060];
	_ =	sdelay $0x4  }
0x60c: {  	[tilespmem:v13+s26+$0x0] =	vst.idx.msk $0xffff, v12  }
0x60d: {  	v41 =	vadd.s32 v1, v40;
	v12 =	vld [tilespmem:s2+$0xFFFFE070];
	_ =	sdelay $0x4  }
0x60e: {  	[tilespmem:v41+s26+$0x0] =	vst.idx.msk $0xffff, v12  }
0x60f: {  	v42 =	vadd.s32 v2, v8;
	v12 =	vld [tilespmem:s2+$0xFFFFF000];
	_ =	sdelay $0x4  }
0x610: {  	[tilespmem:v42+s26+$0x0] =	vst.idx.msk $0xffff, v12  }
0x611: {  	v43 =	vadd.s32 v3, v8;
	v12 =	vld [tilespmem:s2+$0xFFFFF010];
	_ =	sdelay $0x4  }
0x612: {  	[tilespmem:v43+s26+$0x0] =	vst.idx.msk $0xffff, v12  }
0x613: {  	v44 =	vadd.s32 v2, v36;
	v12 =	vld [tilespmem:s2+$0xFFFFF020];
	_ =	sdelay $0x4  }
0x614: {  	[tilespmem:v44+s26+$0x0] =	vst.idx.msk $0xffff, v12  }
0x615: {  	v45 =	vadd.s32 v3, v36;
	v12 =	vld [tilespmem:s2+$0xFFFFF030];
	_ =	sdelay $0x4  }
0x616: {  	[tilespmem:v45+s26+$0x0] =	vst.idx.msk $0xffff, v12  }
0x617: {  	v46 =	vadd.s32 v2, v38;
	v12 =	vld [tilespmem:s2+$0xFFFFF040];
	_ =	sdelay $0x4  }
0x618: {  	[tilespmem:v46+s26+$0x0] =	vst.idx.msk $0xffff, v12  }
0x619: {  	v47 =	vadd.s32 v3, v38;
	v12 =	vld [tilespmem:s2+$0xFFFFF050];
	_ =	sdelay $0x4  }
0x61a: {  	[tilespmem:v47+s26+$0x0] =	vst.idx.msk $0xffff, v12  }
0x61b: {  	v48 =	vadd.s32 v2, v40;
	v12 =	vld [tilespmem:s2+$0xFFFFF060];
	_ =	sdelay $0x4  }
0x61c: {  	[tilespmem:v48+s26+$0x0] =	vst.idx.msk $0xffff, v12  }
0x61d: {  	v49 =	vadd.s32 v3, v40;
	v12 =	vld [tilespmem:s2+$0xFFFFF070];
	_ =	sdelay $0x4  }
0x61e: {  	[tilespmem:v49+s26+$0x0] =	vst.idx.msk $0xffff, v12  }
0x61f: {  	v50 =	vadd.s32 v4, v8;
	v12 =	vld [tilespmem:s2+$0x0];
	_ =	sdelay $0x4  }
0x620: {  	[tilespmem:v50+s26+$0x0] =	vst.idx.msk $0xffff, v12  }
0x621: {  	v51 =	vadd.s32 v5, v8;
	v12 =	vld [tilespmem:s2+$0x10];
	_ =	sdelay $0x4  }
0x622: {  	[tilespmem:v51+s26+$0x0] =	vst.idx.msk $0xffff, v12  }
0x623: {  	v52 =	vadd.s32 v4, v36;
	v12 =	vld [tilespmem:s2+$0x20];
	_ =	sdelay $0x4  }
0x624: {  	[tilespmem:v52+s26+$0x0] =	vst.idx.msk $0xffff, v12  }
0x625: {  	v53 =	vadd.s32 v5, v36;
	v12 =	vld [tilespmem:s2+$0x30];
	_ =	sdelay $0x4  }
0x626: {  	[tilespmem:v53+s26+$0x0] =	vst.idx.msk $0xffff, v12  }
0x627: {  	v54 =	vadd.s32 v4, v38;
	v12 =	vld [tilespmem:s2+$0x40];
	_ =	sdelay $0x4  }
0x628: {  	[tilespmem:v54+s26+$0x0] =	vst.idx.msk $0xffff, v12  }
0x629: {  	v55 =	vadd.s32 v5, v38;
	v12 =	vld [tilespmem:s2+$0x50];
	_ =	sdelay $0x4  }
0x62a: {  	[tilespmem:v55+s26+$0x0] =	vst.idx.msk $0xffff, v12  }
0x62b: {  	v56 =	vadd.s32 v4, v40;
	v12 =	vld [tilespmem:s2+$0x60];
	_ =	sdelay $0x4  }
0x62c: {  	[tilespmem:v56+s26+$0x0] =	vst.idx.msk $0xffff, v12  }
0x62d: {  	v57 =	vadd.s32 v5, v40;
	v12 =	vld [tilespmem:s2+$0x70];
	_ =	sdelay $0x4  }
0x62e: {  	[tilespmem:v57+s26+$0x0] =	vst.idx.msk $0xffff, v12  }
0x62f: {  	v58 =	vadd.s32 v6, v8;
	v12 =	vld [tilespmem:s2+$0x1000];
	_ =	sdelay $0x4  }
0x630: {  	[tilespmem:v58+s26+$0x0] =	vst.idx.msk $0xffff, v12  }
0x631: {  	v8 =	vadd.s32 v7, v8;
	v12 =	vld [tilespmem:s2+$0x1010];
	_ =	sdelay $0x4  }
0x632: {  	[tilespmem:v8+s26+$0x0] =	vst.idx.msk $0xffff, v12  }
0x633: {  	v59 =	vadd.s32 v6, v36;
	v8 =	vld [tilespmem:s2+$0x1020];
	_ =	sdelay $0x4  }
0x634: {  	[tilespmem:v59+s26+$0x0] =	vst.idx.msk $0xffff, v8  }
0x635: {  	v9 =	vadd.s32 v7, v36;
	v8 =	vld [tilespmem:s2+$0x1030];
	_ =	sdelay $0x4  }
0x636: {  	[tilespmem:v9+s26+$0x0] =	vst.idx.msk $0xffff, v8  }
0x637: {  	v60 =	vadd.s32 v6, v38;
	v8 =	vld [tilespmem:s2+$0x1040];
	_ =	sdelay $0x4  }
0x638: {  	[tilespmem:v60+s26+$0x0] =	vst.idx.msk $0xffff, v8  }
0x639: {  	v61 =	vadd.s32 v7, v38;
	v8 =	vld [tilespmem:s2+$0x1050];
	_ =	sdelay $0x4  }
0x63a: {  	[tilespmem:v61+s26+$0x0] =	vst.idx.msk $0xffff, v8  }
0x63b: {  	v62 =	vadd.s32 v6, v40;
	v8 =	vld [tilespmem:s2+$0x1060];
	_ =	sdelay $0x4  }
0x63c: {  	[tilespmem:v62+s26+$0x0] =	vst.idx.msk $0xffff, v8  }
0x63d: {  	v63 =	vadd.s32 v7, v40;
	v8 =	vld [tilespmem:s2+$0x1070];
	_ =	sdelay $0x3  }
0x63e: {  	s1 =	simm.s32 $0x12800  }
0x63f: {  	s6 =	sadd.s32 $0x0, s22;
	s5 =	simm.s32 $0x12888;
	s2 =	simm.s32 $0x10;
	[tilespmem:v63+s26+$0x0] =	vst.idx.msk $0xffff, v8  }
.LBB2_56:
0x640: {  	[hbm4b:s6+s3] =	stream.linear.scatter [tilespmem:s1], [sflag:$0x4], $0x80, $0x38;
	[tilespmem:$0x16C00] =	vst v63  }
0x641: {  	s6 =	smov.u32 s2;
	s1 =	smov.u32 s5;
	p0 =	sne.s32 s2, $0x1F0  }
.Ltmp27:
0x642: {  	s2 =	sadd.s32 $0x10, s2;
	(pc) =	sbr.rel @p0 .LBB2_56-.Ltmp27, $2  }
0x643: {  	_ =	sdelay $0x2  }
0x644: {  	s5 =	sadd.s32 $0x88, s5;
	s6 =	sadd.s32 s6, s22  }
0x645: {  	[hbm4b:s6+s3] =	stream.linear.scatter [tilespmem:s1], [sflag:$0x4], $0x80, $0x38;
	[tilespmem:$0x16C00] =	vst v63  }
0x646: {  	s1 =	simm.s32 $0x13900  }
0x647: {  	s2 =	simm.s32 $0x10;
	s6 =	sadd.s32 $0x0, s23;
	s5 =	simm.s32 $0x13988  }
.LBB2_58:
0x648: {  	[hbm4b:s6+s3] =	stream.linear.scatter [tilespmem:s1], [sflag:$0x4], $0x80, $0x38;
	[tilespmem:$0x16C00] =	vst v63  }
0x649: {  	s6 =	smov.u32 s2;
	s1 =	smov.u32 s5;
	p0 =	sne.s32 s2, $0x1F0  }
.Ltmp28:
0x64a: {  	s2 =	sadd.s32 $0x10, s2;
	(pc) =	sbr.rel @p0 .LBB2_58-.Ltmp28, $2  }
0x64b: {  	_ =	sdelay $0x2  }
0x64c: {  	s5 =	sadd.s32 $0x88, s5;
	s6 =	sadd.s32 s6, s23  }
0x64d: {  	[hbm4b:s6+s3] =	stream.linear.scatter [tilespmem:s1], [sflag:$0x4], $0x80, $0x38;
	[tilespmem:$0x16C00] =	vst v63  }
0x64e: {  	s1 =	simm.s32 $0x14A00  }
0x64f: {  	s2 =	simm.s32 $0x10;
	s6 =	sadd.s32 $0x0, s24;
	s5 =	simm.s32 $0x14A88  }
.LBB2_60:
0x650: {  	[hbm4b:s6+s3] =	stream.linear.scatter [tilespmem:s1], [sflag:$0x4], $0x80, $0x38;
	[tilespmem:$0x16C00] =	vst v63  }
0x651: {  	s6 =	smov.u32 s2;
	s1 =	smov.u32 s5;
	p0 =	sne.s32 s2, $0x1F0  }
.Ltmp29:
0x652: {  	s2 =	sadd.s32 $0x10, s2;
	(pc) =	sbr.rel @p0 .LBB2_60-.Ltmp29, $2  }
0x653: {  	_ =	sdelay $0x2  }
0x654: {  	s5 =	sadd.s32 $0x88, s5;
	s6 =	sadd.s32 s6, s24  }
0x655: {  	[hbm4b:s6+s3] =	stream.linear.scatter [tilespmem:s1], [sflag:$0x4], $0x80, $0x38;
	[tilespmem:$0x16C00] =	vst v63  }
0x656: {  	s1 =	simm.s32 $0x15B00  }
0x657: {  	s2 =	simm.s32 $0x10;
	s6 =	sadd.s32 $0x0, s25;
	s5 =	simm.s32 $0x15B88  }
.LBB2_62:
0x658: {  	[hbm4b:s6+s3] =	stream.linear.scatter [tilespmem:s1], [sflag:$0x4], $0x80, $0x38;
	[tilespmem:$0x16C00] =	vst v63  }
0x659: {  	s6 =	smov.u32 s2;
	s1 =	smov.u32 s5;
	p0 =	sne.s32 s2, $0x1F0  }
.Ltmp30:
0x65a: {  	s2 =	sadd.s32 $0x10, s2;
	(pc) =	sbr.rel @p0 .LBB2_62-.Ltmp30, $2  }
0x65b: {  	_ =	sdelay $0x2  }
0x65c: {  	s5 =	sadd.s32 $0x88, s5;
	s6 =	sadd.s32 s6, s25  }
0x65d: {  	[hbm4b:s6+s3] =	stream.linear.scatter [tilespmem:s1], [sflag:$0x4], $0x80, $0x38;
	[tilespmem:$0x16C00] =	vst v63  }
0x65e: {  	_ =	swait.ge [sflag:s28], $0x1000  }
0x65f: {  	[sflag:s28] =	ssyncset.done $0x0  }
0x660: {  	[sflag:s28] =	ssyncadd.s32 $0xFFFFF000  }
0x661: {  	_ =	swait.ge [sflag:s28], $0x1000  }
0x662: {  	[sflag:s28] =	ssyncset.done $0x0  }
0x663: {  	[sflag:s28] =	ssyncadd.s32 $0xFFFFF000  }
0x664: {  	_ =	swait.ge [sflag:s28], $0x1000  }
0x665: {  	[sflag:s28] =	ssyncset.done $0x0  }
0x666: {  	[sflag:s28] =	ssyncadd.s32 $0xFFFFF000  }
0x667: {  	_ =	swait.ge [sflag:s28], $0x1000  }
0x668: {  	[sflag:s28] =	ssyncset.done $0x0  }
0x669: {  	[sflag:s28] =	ssyncadd.s32 $0xFFFFF000  }
0x66a: {  	_ =	swait.ge [sflag:s30], $0x1000  }
0x66b: {  	[sflag:s30] =	ssyncset.done $0x0  }
0x66c: {  	[sflag:s30] =	ssyncadd.s32 $0xFFFFF000  }
0x66d: {  	_ =	swait.ge [sflag:s30], $0x1000  }
0x66e: {  	[sflag:s30] =	ssyncset.done $0x0  }
0x66f: {  	[sflag:s30] =	ssyncadd.s32 $0xFFFFF000  }
0x670: {  	_ =	swait.ge [sflag:s30], $0x1000  }
0x671: {  	[sflag:s30] =	ssyncset.done $0x0  }
0x672: {  	[sflag:s30] =	ssyncadd.s32 $0xFFFFF000  }
0x673: {  	_ =	swait.ge [sflag:s30], $0x1000  }
0x674: {  	s2 =	rddreg [dreg:$0x9]  }
0x675: {  	s31 =	rddreg [dreg:$0x8];
	s2 =	sadd.s32 $0x1, s2  }
0x676: {  	p0 =	sne.s32 s2, s31  }
.Ltmp31:
0x677: {  	_ = 	snop;
	(pc) =	sbr.rel @p0 .LBB2_1-.Ltmp31, $3  }
0x678: {  	_ =	sdelay $0x1  }
0x679: {  	[sflag:s30] =	ssyncset.done $0x0  }
0x67a: {  	[sflag:s30] =	ssyncadd.s32 $0xFFFFF000  }
0x67b: {  	_ =	sfence.sel $0x180000  }
0x67c: {  	[bflag:$0x0] =	sbarrier.arrive $0xFFFF  }
0x67d: {  	_ =	strace $0x90000047  }
0x67e: {  	s0 =	stileid.u32;
	[bflag:$0x2] =	sbarrier.arrive $0xFFFF  }
0x67f: {  	p0 =	sne.s32 s0, $0x0;
	s0 =	rddreg [dreg:$0x2]  }
0x680: {  	s0 =	sadd.s32 @!p0 $0x100000, s0  }
0x681: {  	[sflag:s0] =	ssyncadd.tile.s32 @!p0 $0x1;
	_ =	shalt  }
.Lfunc_end2:
_tile_overlayer_lowered:
.L_overlay_start_2:
0x682: {  	(tag) =	ssettag $0x2  }
0x683: {  	s0 =	rddreg [dreg:$0x0];
	s2 =	stileid.u32  }
0x684: {  	s1 =	rddreg [dreg:$0x1];
	p0 =	sne.s32 s2, $0x0  }
0x685: {  	s3 =	rddreg [dreg:$0x2];
	[bflag:$0x3] =	sbarrier.arrive $0xFFFF;
	s2 =	simm.s32 @!p0 $0x1C05  }
0x686: {  	[timem:s3], [sflag:s2] =	dma.local @!p0 [hbm:s0], s1  }
0x687: {  	s0 =	simm.s32 @!p0 $0x5  }
0x688: {  	_ =	swait.ge @!p0 [sflag:s0], s1  }
0x689: {  	s1 =	ssub.s32 @!p0 $0x0, s1;
	[sflag:s0] =	ssyncset.done @!p0 $0x0  }
0x68a: {  	[sflag:s0] =	ssyncadd.s32 @!p0 s1  }
0x68b: {  	[bflag:$0x3] =	sbarrier.arrive $0xFFFF  }
0x68c: {  	_ =	shalt  }

</sc_bundles>
